<compile_context>
chip_gen: v7x
topology: tpu7x:2x2x1
jax: 0.10.2.dev20260603
libtpu: 0.0.44.dev20260713+nightly
codegen_flags: <defaults>
</compile_context>

<pallas_src>
import functools

import jax
import jax.numpy as jnp
from jax import lax
from jax.experimental import pallas as pl
from jax.experimental.pallas import tpu as pltpu
from jax.experimental.pallas import tpu_sc as plsc

HIDDEN = 128
INT_EMB = 64
NSPH = 7
NRAD = 6
CUTOFF = 5.0
N_GRAPHS = 16

TILE = 512
CH = 128


def _sc_gather(table, idx, D):
    B = idx.shape[0]
    info = plsc.get_sparse_core_info()
    NC, NS = info.num_cores, info.num_subcores
    NW = NC * NS
    per_w = B // NW
    nch = per_w // CH
    mesh = plsc.VectorSubcoreMesh(core_axis_name="c", subcore_axis_name="s")

    @functools.partial(
        pl.kernel,
        mesh=mesh,
        compiler_params=pltpu.CompilerParams(use_tc_tiling_on_sc=False,
                                             skip_device_barrier=True),
        out_type=jax.ShapeDtypeStruct((B, D), jnp.float32),
        scratch_types=[
            pltpu.VMEM((CH,), jnp.int32),
            pltpu.VMEM((CH,), jnp.int32),
            pltpu.VMEM((CH, D), jnp.float32),
            pltpu.VMEM((CH, D), jnp.float32),
            pltpu.SemaphoreType.DMA,
            pltpu.SemaphoreType.DMA,
            pltpu.SemaphoreType.DMA,
            pltpu.SemaphoreType.DMA,
            pltpu.SemaphoreType.DMA,
            pltpu.SemaphoreType.DMA,
        ],
    )
    def k(table_hbm, idx_hbm, out_hbm, iv0, iv1, rv0, rv1,
          si0, si1, sg0, sg1, so0, so1):
        wid = lax.axis_index("s") * NC + lax.axis_index("c")
        base = wid * per_w
        bufs = ((iv0, rv0, si0, sg0, so0), (iv1, rv1, si1, sg1, so1))

        pltpu.async_copy(idx_hbm.at[pl.ds(base, CH)], iv0, si0)
        pltpu.async_copy(idx_hbm.at[pl.ds(base + CH, CH)], iv1, si1)

        def step(g, carry):
            for p, (iv, rv, si, sg, so) in enumerate(bufs):
                c = 2 * g + p
                off = base + c * CH

                @pl.when(g > 0)
                def _():
                    pltpu.make_async_copy(
                        rv, out_hbm.at[pl.ds(off - 2 * CH, CH)], so).wait()

                pltpu.make_async_copy(
                    idx_hbm.at[pl.ds(off, CH)], iv, si).wait()
                pltpu.async_copy(table_hbm.at[iv], rv, sg).wait()
                pltpu.async_copy(rv, out_hbm.at[pl.ds(off, CH)], so)

                @pl.when(c + 2 < nch)
                def _():
                    pltpu.async_copy(
                        idx_hbm.at[pl.ds(off + 2 * CH, CH)], iv, si)

            return carry

        lax.fori_loop(0, nch // 2, step, 0)
        for p, (iv, rv, si, sg, so) in enumerate(bufs):
            off = base + (nch - 2 + p) * CH
            pltpu.make_async_copy(rv, out_hbm.at[pl.ds(off, CH)], so).wait()

    return k(table, idx)


def _silu(x):
    return x * lax.logistic(x)


def _full(shape):
    return pl.BlockSpec(shape, lambda i: (0,) * len(shape))


def _tiled(cols):
    return pl.BlockSpec((TILE, cols), lambda i: (i, 0))


_CP = pltpu.CompilerParams(dimension_semantics=("arbitrary",),
                           skip_device_barrier=True)


def _node_emb_body(x_ref, w_ref, o_ref):
    o_ref[...] = jnp.dot(x_ref[...], w_ref[...],
                         preferred_element_type=jnp.float32)


def _node_emb(xp, w):
    g = xp.shape[0] // TILE
    return pl.pallas_call(
        _node_emb_body,
        grid=(g,),
        in_specs=[_tiled(xp.shape[1]), _full(w.shape)],
        out_specs=_tiled(HIDDEN),
        out_shape=jax.ShapeDtypeStruct((xp.shape[0], HIDDEN), jnp.float32),
        compiler_params=_CP,
    )(xp, w)


def _rbf(dist):
    xd = jnp.clip(dist * (1.0 / CUTOFF), 0.05, 1.0)
    x2 = xd * xd
    x4 = x2 * x2
    x5 = x4 * xd
    env = 1.0 / xd + x5 * (-28.0 + xd * (48.0 - 21.0 * xd))
    freqs = (lax.broadcasted_iota(jnp.int32, (1, NRAD), 1).astype(jnp.float32)
             + 1.0) * jnp.pi
    return env * jnp.sin(xd * freqs)


def _cheb(c):
    cols = [jnp.ones_like(c), c]
    for _ in range(NSPH - 2):
        cols.append(2.0 * c * cols[-1] - cols[-2])
    return cols


def _geom_body(pi_ref, pj_ref, pk_ref, wr_ref, ws_ref, wt_ref,
               rb_ref, sb_ref, tb_ref):
    pi = pi_ref[...][:, :3]
    pj = pj_ref[...][:, :3]
    pk = pk_ref[...][:, :3]
    v1 = pi - pj
    v2 = pk - pj
    d1 = jnp.sqrt(jnp.sum(v1 * v1, axis=1, keepdims=True) + 1e-12)
    d2 = jnp.sqrt(jnp.sum(v2 * v2, axis=1, keepdims=True) + 1e-12)
    rbf = _rbf(d1)
    rad = _rbf(d2)
    cx = v1[:, 1:2] * v2[:, 2:3] - v1[:, 2:3] * v2[:, 1:2]
    cy = v1[:, 2:3] * v2[:, 0:1] - v1[:, 0:1] * v2[:, 2:3]
    cz = v1[:, 0:1] * v2[:, 1:2] - v1[:, 1:2] * v2[:, 0:1]
    crsq = cx * cx + cy * cy + cz * cz + 1e-12
    dot = jnp.sum(v1 * v2, axis=1, keepdims=True)
    c_ang = dot * lax.rsqrt(dot * dot + crsq)
    czs = cz + 1e-6
    c_tor = czs * lax.rsqrt(cx * cx + czs * czs + 1e-30)
    ang = _cheb(c_ang)
    tor = _cheb(c_tor)
    angm = jnp.concatenate(ang, axis=1)
    torm = jnp.concatenate(tor, axis=1)
    ap = jnp.concatenate([a * torm for a in ang], axis=1)
    sbfp = jnp.concatenate([rad[:, r:r + 1] * angm for r in range(NRAD)], axis=1)
    tbfp = jnp.concatenate([rad[:, r:r + 1] * ap for r in range(NRAD)], axis=1)
    rb_ref[...] = jnp.dot(rbf, wr_ref[...], preferred_element_type=jnp.float32)
    sb_ref[...] = jnp.dot(sbfp, ws_ref[...], preferred_element_type=jnp.float32)
    tb_ref[...] = jnp.dot(tbfp, wt_ref[...], preferred_element_type=jnp.float32)


def _geom(pg_i, pg_j, pg_k, wr, ws, wt):
    pe = pg_i.shape[0]
    g = pe // TILE
    nb = wr.shape[1]
    return pl.pallas_call(
        _geom_body,
        grid=(g,),
        in_specs=[_tiled(16), _tiled(16), _tiled(16),
                  _full(wr.shape), _full(ws.shape), _full(wt.shape)],
        out_specs=[_tiled(nb), _tiled(nb), _tiled(nb)],
        out_shape=[jax.ShapeDtypeStruct((pe, nb), jnp.float32)] * 3,
        compiler_params=_CP,
    )(pg_i, pg_j, pg_k, wr, ws, wt)


def _norm(hin, acc_ref, gam_ref, bet_ref, inv_n):
    mu = acc_ref[0:1, :] * inv_n
    var = acc_ref[1:2, :] * inv_n - mu * mu
    s = lax.rsqrt(var + 1e-5) * gam_ref[...]
    return (hin - mu) * s + bet_ref[...]


def _pass_a_body(c0, inv_n, hin_ref, acc_ref, gam_ref, bet_ref, rb_ref,
                 wkj_ref, bkj_ref, wr2_ref, wdn_ref, xkd_ref):
    h = _norm(hin_ref[...], acc_ref, gam_ref, bet_ref, inv_n)
    xkj = _silu(jnp.dot(h, wkj_ref[...], preferred_element_type=jnp.float32)
                + bkj_ref[...])
    rbe = jnp.dot(rb_ref[...][:, c0:c0 + 8], wr2_ref[...],
                  preferred_element_type=jnp.float32)
    xkj = xkj * rbe
    xkd_ref[...] = _silu(jnp.dot(xkj, wdn_ref[...],
                                 preferred_element_type=jnp.float32))


def _pass_a(blk, n_e, hin, acc, gam, bet, rb1, wkj, bkj, wr2, wdn):
    pe = hin.shape[0]
    g = pe // TILE
    nb = rb1.shape[1]
    return pl.pallas_call(
        functools.partial(_pass_a_body, 8 * blk, 1.0 / n_e),
        grid=(g,),
        in_specs=[_tiled(HIDDEN), _full((2, HIDDEN)),
                  _full((1, HIDDEN)), _full((1, HIDDEN)), _tiled(nb),
                  _full(wkj.shape), _full((1, HIDDEN)), _full(wr2.shape),
                  _full(wdn.shape)],
        out_specs=_tiled(INT_EMB),
        out_shape=jax.ShapeDtypeStruct((pe, INT_EMB), jnp.float32),
        compiler_params=_CP,
    )(hin, acc, gam, bet, rb1, wkj, bkj, wr2, wdn)


def _pass_b_body(c0, inv_n, hin_ref, accin_ref, gam_ref, bet_ref, g_ref,
                 sb_ref, tb_ref, val_ref, em_ref, ws2_ref, wt2_ref, wup_ref,
                 wji_ref, bji_ref, wlin_ref, blin_ref, wout_ref, bout_ref,
                 o_ref, acc_ref):
    h = _norm(hin_ref[...], accin_ref, gam_ref, bet_ref, inv_n)
    sbe = jnp.dot(sb_ref[...][:, c0:c0 + 8], ws2_ref[...],
                  preferred_element_type=jnp.float32)
    tbe = jnp.dot(tb_ref[...][:, c0:c0 + 8], wt2_ref[...],
                  preferred_element_type=jnp.float32)
    xk = g_ref[...] * sbe * tbe * val_ref[...]
    xup = _silu(jnp.dot(xk, wup_ref[...], preferred_element_type=jnp.float32))
    xji = _silu(jnp.dot(h, wji_ref[...], preferred_element_type=jnp.float32)
                + bji_ref[...])
    hh = xji + xup
    hh = _silu(jnp.dot(hh, wlin_ref[...], preferred_element_type=jnp.float32)
               + blin_ref[...]) + h
    o = _silu(jnp.dot(hh, wout_ref[...], preferred_element_type=jnp.float32)
              + bout_ref[...])
    o_ref[...] = o
    om = o * em_ref[...]
    s = jnp.concatenate([jnp.sum(om, axis=0, keepdims=True),
                         jnp.sum(om * om, axis=0, keepdims=True)], axis=0)

    @pl.when(pl.program_id(0) == 0)
    def _():
        acc_ref[...] = s

    @pl.when(pl.program_id(0) != 0)
    def _():
        acc_ref[...] += s


def _pass_b(blk, n_e, hin, acc, gam, bet, gth, sb1, tb1, val, em,
            ws2, wt2, wup, wji, bji, wlin, blin, wout, bout):
    pe = hin.shape[0]
    g = pe // TILE
    nb = sb1.shape[1]
    return pl.pallas_call(
        functools.partial(_pass_b_body, 8 * blk, 1.0 / n_e),
        grid=(g,),
        in_specs=[_tiled(HIDDEN), _full((2, HIDDEN)),
                  _full((1, HIDDEN)), _full((1, HIDDEN)), _tiled(INT_EMB),
                  _tiled(nb), _tiled(nb), _tiled(1), _tiled(1),
                  _full(ws2.shape), _full(wt2.shape), _full(wup.shape),
                  _full(wji.shape), _full((1, HIDDEN)), _full(wlin.shape),
                  _full((1, HIDDEN)), _full(wout.shape), _full((1, HIDDEN))],
        out_specs=[_tiled(HIDDEN),
                   pl.BlockSpec((2, HIDDEN), lambda i: (0, 0))],
        out_shape=[jax.ShapeDtypeStruct((pe, HIDDEN), jnp.float32),
                   jax.ShapeDtypeStruct((2, HIDDEN), jnp.float32)],
        compiler_params=_CP,
    )(hin, acc, gam, bet, gth, sb1, tb1, val, em,
      ws2, wt2, wup, wji, bji, wlin, blin, wout, bout)


def _final_body(inv_n, o_ref, accin_ref, gam_ref, bet_ref, gid_ref, out_ref):
    h = _norm(o_ref[...], accin_ref, gam_ref, bet_ref, inv_n)
    gid = gid_ref[...]
    iota = lax.broadcasted_iota(jnp.int32, (TILE, N_GRAPHS), 1)
    oh = (gid == iota).astype(jnp.float32)
    acc = lax.dot_general(oh, h, (((0,), (0,)), ((), ())),
                          preferred_element_type=jnp.float32)

    @pl.when(pl.program_id(0) == 0)
    def _():
        out_ref[...] = acc

    @pl.when(pl.program_id(0) != 0)
    def _():
        out_ref[...] += acc


def _final(n_e, o, acc, gam, bet, gid):
    pe = o.shape[0]
    g = pe // TILE
    return pl.pallas_call(
        functools.partial(_final_body, 1.0 / n_e),
        grid=(g,),
        in_specs=[_tiled(HIDDEN), _full((2, HIDDEN)),
                  _full((1, HIDDEN)), _full((1, HIDDEN)),
                  pl.BlockSpec((TILE, 1), lambda i: (i, 0))],
        out_specs=pl.BlockSpec((N_GRAPHS, HIDDEN), lambda i: (0, 0)),
        out_shape=jax.ShapeDtypeStruct((N_GRAPHS, HIDDEN), jnp.float32),
        compiler_params=_CP,
    )(o, acc, gam, bet, gid)




def kernel(x, pos, params, batch, edge_index, idx_kj, idx_ji):
    E = edge_index.shape[1]
    N = x.shape[0]
    PE = ((E + 32 * CH - 1) // (32 * CH)) * (32 * CH)
    if PE % TILE:
        PE = ((PE + TILE - 1) // TILE) * TILE

    j, i = edge_index[0], edge_index[1]
    f32 = jnp.float32

    pad_e = PE - E
    i_pad = jnp.pad(i, (0, pad_e))
    j_pad = jnp.pad(j, (0, pad_e))
    k_node = j[idx_kj]
    kw = dict(unique_indices=True, indices_are_sorted=True)
    ksrc = jnp.zeros((PE,), jnp.int32).at[idx_ji].set(k_node, **kw)
    src = jnp.zeros((PE,), jnp.int32).at[idx_ji].set(idx_kj, **kw)
    val = jnp.zeros((PE, 1), f32).at[idx_ji, 0].set(1.0, **kw)
    em = (jnp.arange(PE) < E).astype(f32)[:, None]
    gid = jnp.where(jnp.arange(PE) < E,
                    jnp.pad(batch[i], (0, pad_e)),
                    N_GRAPHS).astype(jnp.int32)[:, None]

    blocks = params['blocks']
    nblk = len(blocks)
    wr1 = jnp.concatenate([b['W_rbf1'] for b in blocks], axis=1)
    ws1 = jnp.concatenate(
        [b['W_sbf1'].reshape(NSPH, NRAD, -1).transpose(1, 0, 2)
         .reshape(NSPH * NRAD, -1) for b in blocks], axis=1)
    wt1 = jnp.concatenate(
        [b['W_t1'].reshape(NSPH, NSPH, NRAD, -1).transpose(2, 0, 1, 3)
         .reshape(NSPH * NSPH * NRAD, -1) for b in blocks], axis=1)

    pos16 = jnp.pad(pos, ((0, 0), (0, 13)))
    idx_pos = jnp.concatenate([i_pad, j_pad, ksrc])
    pg = _sc_gather(pos16, idx_pos, 16)
    pg_i, pg_j, pg_k = pg[:PE], pg[PE:2 * PE], pg[2 * PE:]

    rb1, sb1, tb1 = _geom(pg_i, pg_j, pg_k, wr1, ws1, wt1)

    xpad = jnp.pad(x, ((0, (-N) % TILE), (0, 0)))
    xw = _node_emb(xpad, params['W_node'])
    h = _sc_gather(xw, i_pad, HIDDEN)

    n_e = float(E)
    acc = jnp.concatenate(
        [jnp.zeros((1, HIDDEN), f32),
         jnp.full((1, HIDDEN), n_e * (1.0 - 1e-5), f32)], axis=0)
    one = jnp.ones((1, HIDDEN), f32)
    gam, bet = one, jnp.zeros((1, HIDDEN), f32)

    for blk, bp in enumerate(blocks):
        xkd = _pass_a(blk, n_e, h, acc, gam, bet, rb1,
                      bp['W_kj'], bp['b_kj'][None, :], bp['W_rbf2'],
                      bp['W_down'])
        gth = _sc_gather(xkd, src, INT_EMB)
        o, acc = _pass_b(blk, n_e, h, acc, gam, bet, gth, sb1, tb1, val, em,
                         bp['W_sbf2'], bp['W_t2'], bp['W_up'],
                         bp['W_ji'], bp['b_ji'][None, :],
                         bp['W_lin'], bp['b_lin'][None, :],
                         bp['W_out'], bp['b_out'][None, :])
        gam, bet = bp['gamma'][None, :], bp['beta'][None, :]
        h = o

    return _final(n_e, h, acc, gam, bet, gid)

# --- scband reference (transcript-rebuilt; emitter-appended) ---
"""Pipeline reference for scband-td-com-net-5952824672733 (READ-ONLY COPY).

The authoritative reference and input builder live on the scoring server;
editing this copy changes nothing except your own understanding.
"""

import jax, jax.numpy as jnp
import numpy as np

HIDDEN = 128
INT_EMB = 64
BASIS = 8
NSPH = 7
NRAD = 6
CUTOFF = 5.0
PEXP = 6  # envelope_exponent + 1
N_NODES = 10000
N_EDGES = 160000
N_GRAPHS = 16
NBLOCKS = 3


def _glorot(rng, shape):
    lim = np.sqrt(6.0 / (shape[0] + shape[1]))
    return jnp.asarray(rng.uniform(-lim, lim, size=shape), dtype=jnp.float32)


def _make_params(rng):
    blocks = []
    for _ in range(NBLOCKS):
        blocks.append({
            'W_rbf1': _glorot(rng, (NRAD, BASIS)),
            'W_rbf2': _glorot(rng, (BASIS, HIDDEN)),
            'W_sbf1': _glorot(rng, (NSPH * NRAD, BASIS)),
            'W_sbf2': _glorot(rng, (BASIS, INT_EMB)),
            'W_t1': _glorot(rng, (NSPH * NSPH * NRAD, BASIS)),
            'W_t2': _glorot(rng, (BASIS, INT_EMB)),
            'W_kj': _glorot(rng, (HIDDEN, HIDDEN)), 'b_kj': jnp.zeros((HIDDEN,), jnp.float32),
            'W_ji': _glorot(rng, (HIDDEN, HIDDEN)), 'b_ji': jnp.zeros((HIDDEN,), jnp.float32),
            'W_down': _glorot(rng, (HIDDEN, INT_EMB)),
            'W_up': _glorot(rng, (INT_EMB, HIDDEN)),
            'W_lin': _glorot(rng, (HIDDEN, HIDDEN)), 'b_lin': jnp.zeros((HIDDEN,), jnp.float32),
            'W_out': _glorot(rng, (HIDDEN, HIDDEN)), 'b_out': jnp.zeros((HIDDEN,), jnp.float32),
            'gamma': jnp.ones((HIDDEN,), jnp.float32), 'beta': jnp.zeros((HIDDEN,), jnp.float32),
        })
    return {'W_node': _glorot(rng, (48, HIDDEN)), 'blocks': blocks}


def setup_inputs() -> dict:
    rng = np.random.default_rng(0)
    x = jnp.asarray(rng.normal(size=(N_NODES, 48)), dtype=jnp.float32)
    pos = jnp.asarray(rng.normal(scale=1.5, size=(N_NODES, 3)), dtype=jnp.float32)
    batch = jnp.asarray(np.sort(rng.integers(0, N_GRAPHS, size=N_NODES)), dtype=jnp.int32)
    ei = rng.integers(0, N_NODES, size=(2, N_EDGES))
    # build 1 triplet (k->j->i) per edge (j->i): pick one incoming edge of source j
    targets = ei[1]
    order = np.argsort(targets, kind='stable')
    st = targets[order]
    first = np.searchsorted(st, np.arange(N_NODES), side='left')
    cnt = np.searchsorted(st, np.arange(N_NODES), side='right') - first
    src = ei[0]
    has = cnt[src] > 0
    cand = order[np.minimum(first[src], N_EDGES - 1)]
    mask = has & (cand != np.arange(N_EDGES))
    idx_ji = np.arange(N_EDGES)[mask]
    idx_kj = cand[mask]
    params = _make_params(rng)
    return {
        'x': x, 'pos': pos, 'params': params, 'batch': batch,
        'edge_index': jnp.asarray(ei, dtype=jnp.int32),
        'idx_kj': jnp.asarray(idx_kj, dtype=jnp.int32),
        'idx_ji': jnp.asarray(idx_ji, dtype=jnp.int32),
    }


def _forward(x, pos, params, batch, edge_index, idx_kj, idx_ji):
    act = jax.nn.silu
    j, i = edge_index[0], edge_index[1]
    rel = pos[i] - pos[j]
    dist = jnp.sqrt(jnp.sum(rel * rel, axis=1) + 1e-12)
    # triplet geometry
    i_t = i[idx_ji]
    j_t = j[idx_ji]
    k_t = j[idx_kj]
    v1 = pos[i_t] - pos[j_t]
    v2 = pos[k_t] - pos[j_t]
    cr = jnp.cross(v1, v2)
    cr_n = jnp.sqrt(jnp.sum(cr * cr, axis=1) + 1e-12)
    angle = jnp.arctan2(cr_n, jnp.sum(v1 * v2, axis=1))
    torsion = jnp.arctan2(cr[:, 0], cr[:, 2] + 1e-6)
    # radial basis (Bessel-style with polynomial envelope)
    xd = jnp.clip(dist / CUTOFF, 0.05, 1.0)
    p = PEXP
    a = -(p + 1) * (p + 2) / 2.0
    b = p * (p + 2) * 1.0
    c = -p * (p + 1) / 2.0
    env = 1.0 / xd + a * xd ** (p - 1) + b * xd ** p + c * xd ** (p + 1)
    freqs = (jnp.arange(NRAD, dtype=jnp.float32) + 1.0) * jnp.pi
    rbf = env[:, None] * jnp.sin(freqs[None, :] * xd[:, None])  # [E, NRAD]
    rad = rbf[idx_kj]  # [T, NRAD]
    ls = jnp.arange(NSPH, dtype=jnp.float32)
    ang = jnp.cos(ls[None, :] * angle[:, None])  # [T, NSPH]
    T = ang.shape[0]
    sbf = (ang[:, :, None] * rad[:, None, :]).reshape(T, NSPH * NRAD)
    tor = jnp.cos(ls[None, :] * torsion[:, None])  # [T, NSPH]
    tbf = (ang[:, :, None, None] * tor[:, None, :, None] * rad[:, None, None, :]).reshape(T, NSPH * NSPH * NRAD)
    # node embedding, gathered onto edges
    h = x @ params['W_node']
    h = h[i]  # [E, HIDDEN]
    E = h.shape[0]
    for bp in params['blocks']:
        x_ji = act(h @ bp['W_ji'] + bp['b_ji'])
        x_kj = act(h @ bp['W_kj'] + bp['b_kj'])
        rbf_e = (rbf @ bp['W_rbf1']) @ bp['W_rbf2']
        x_kj = x_kj * rbf_e
        x_kj = act(x_kj @ bp['W_down'])
        sbf_e = (sbf @ bp['W_sbf1']) @ bp['W_sbf2']
        x_kj = x_kj[idx_kj] * sbf_e
        t_e = (tbf @ bp['W_t1']) @ bp['W_t2']
        x_kj = x_kj * t_e
        x_kj = jax.ops.segment_sum(x_kj, idx_ji, num_segments=E)
        x_kj = act(x_kj @ bp['W_up'])
        hh = x_ji + x_kj
        hh = act(hh @ bp['W_lin'] + bp['b_lin']) + h
        # lin_out: Linear -> (Dropout eval: identity) -> SiLU -> BatchNorm1d (batch stats)
        o = hh @ bp['W_out'] + bp['b_out']
        o = act(o)
        mu = jnp.mean(o, axis=0)
        var = jnp.var(o, axis=0)
        h = (o - mu) / jnp.sqrt(var + 1e-5) * bp['gamma'] + bp['beta']
    node_out = jax.ops.segment_sum(h, i, num_segments=x.shape[0])
    out = jax.ops.segment_sum(node_out, batch, num_segments=N_GRAPHS)
    return out


def reference(x, pos, params, batch, edge_index, idx_kj, idx_ji):
    return _forward(x, pos, params, batch, edge_index, idx_kj, idx_ji)

if __name__ == "__main__":
    import jax
    _d = setup_inputs()
    print(jax.jit(kernel)(*tuple(_d.values())))

</pallas_src>

<mosaic_0001>
#map = affine_map<(d0, d1) -> (0, 0)>
#map1 = affine_map<(d0, d1) -> (0)>
module attributes {stable_mosaic.version = 14 : i64} {
  func.func @k(%arg0: i32, %arg1: i32, %arg2: memref<10240x128xf32, #tpu.memory_space<hbm>>, %arg3: memref<163840xi32, #tpu.memory_space<hbm>>, %arg4: memref<163840x128xf32, #tpu.memory_space<hbm>>, %arg5: memref<128xi32, #tpu.memory_space<vmem>>, %arg6: memref<128xi32, #tpu.memory_space<vmem>>, %arg7: memref<128x128xf32, #tpu.memory_space<vmem>>, %arg8: memref<128x128xf32, #tpu.memory_space<vmem>>, %arg9: memref<!tpu.dma_semaphore, #tpu.memory_space<semaphore_mem>>, %arg10: memref<!tpu.dma_semaphore, #tpu.memory_space<semaphore_mem>>, %arg11: memref<!tpu.dma_semaphore, #tpu.memory_space<semaphore_mem>>, %arg12: memref<!tpu.dma_semaphore, #tpu.memory_space<semaphore_mem>>, %arg13: memref<!tpu.dma_semaphore, #tpu.memory_space<semaphore_mem>>, %arg14: memref<!tpu.dma_semaphore, #tpu.memory_space<semaphore_mem>>) attributes {dimension_semantics = [#tpu.dimension_semantics<core_parallel>, #tpu.dimension_semantics<subcore_parallel>], iteration_bounds = array<i64: 2, 16>, scalar_prefetch = 0 : i64, scratch_operands = 10 : i64, tpu.core_type = #tpu.core_type<sc_vector_subcore>, window_params = [{transform_indices = #map}, {transform_indices = #map1}, {transform_indices = #map}]} {
    %mul3A = arith.constant 2 : i32
    %mul3A_0 = arith.muli %arg1, %mul3A : i32
    %add3A = arith.addi %mul3A_0, %arg0 : i32
    %mul3A_1 = arith.constant 5120 : i32
    %mul3A_2 = arith.muli %add3A, %mul3A_1 : i32
    %dma_start3A = tpu.memref_slice %arg3[%mul3A_2] : memref<163840xi32, #tpu.memory_space<hbm>> -> memref<128xi32, #tpu.memory_space<hbm>>
    %dma_start3A_3 = tpu.memref_slice %arg3[%mul3A_2] : memref<163840xi32, #tpu.memory_space<hbm>> -> memref<128xi32, #tpu.memory_space<hbm>>
    tpu.enqueue_dma source(%dma_start3A_3 : memref<128xi32, #tpu.memory_space<hbm>>) target(%arg5 : memref<128xi32, #tpu.memory_space<vmem>>) target_semaphore(%arg9 : memref<!tpu.dma_semaphore, #tpu.memory_space<semaphore_mem>>)
    %add3A_4 = arith.constant 128 : i32
    %add3A_5 = arith.addi %mul3A_2, %add3A_4 : i32
    %dma_start3A_6 = tpu.memref_slice %arg3[%add3A_5] : memref<163840xi32, #tpu.memory_space<hbm>> -> memref<128xi32, #tpu.memory_space<hbm>>
    %dma_start3A_7 = tpu.memref_slice %arg3[%add3A_5] : memref<163840xi32, #tpu.memory_space<hbm>> -> memref<128xi32, #tpu.memory_space<hbm>>
    tpu.enqueue_dma source(%dma_start3A_7 : memref<128xi32, #tpu.memory_space<hbm>>) target(%arg6 : memref<128xi32, #tpu.memory_space<vmem>>) target_semaphore(%arg10 : memref<!tpu.dma_semaphore, #tpu.memory_space<semaphore_mem>>)
    %scan3A = arith.constant 0 : i32
    %scan3A_8 = arith.constant 0 : i32
    %scan3A_9 = arith.constant 20 : i32
    %scan3A_10 = arith.addi %scan3A_8, %scan3A_9 : i32
    %scan3A_11 = arith.constant 1 : i32
    scf.for %scan3A_24 = %scan3A_8 to %scan3A_10 step %scan3A_11  : i32 {
      %mul3A_25 = arith.constant 2 : i32
      %mul3A_26 = arith.muli %mul3A_25, %scan3A_24 : i32
      %add3A_27 = arith.constant 0 : i32
      %add3A_28 = arith.addi %mul3A_26, %add3A_27 : i32
      %mul3A_29 = arith.constant 128 : i32
      %mul3A_30 = arith.muli %add3A_28, %mul3A_29 : i32
      %add3A_31 = arith.addi %mul3A_2, %mul3A_30 : i32
      %gt3A = arith.constant 0 : i32
      %gt3A_32 = arith.cmpi sgt, %scan3A_24, %gt3A : i32
      %convert_element_type3A = arith.extui %gt3A_32 : i1 to i32
      %cond3A = arith.constant 0 : i32
      %cond3A_33 = arith.cmpi ne, %convert_element_type3A, %cond3A : i32
      scf.if %cond3A_33 {
        %sub3A = arith.constant 256 : i32
        %sub3A_83 = arith.subi %add3A_31, %sub3A : i32
        %dma_wait3A_84 = arith.constant 0 : i32
        %dma_wait3A_85 = tpu.memref_slice %arg4[%sub3A_83, %dma_wait3A_84] : memref<163840x128xf32, #tpu.memory_space<hbm>> -> memref<128x128xf32, #tpu.memory_space<hbm>>
        %dma_wait3A_86 = arith.constant 0 : i32
        %dma_wait3A_87 = tpu.memref_slice %arg4[%sub3A_83, %dma_wait3A_86] : memref<163840x128xf32, #tpu.memory_space<hbm>> -> memref<128x128xf32, #tpu.memory_space<hbm>>
        tpu.wait_dma2 semaphore(%arg13 : memref<!tpu.dma_semaphore, #tpu.memory_space<semaphore_mem>>) src(%arg7 : memref<128x128xf32, #tpu.memory_space<vmem>>) dst(%dma_wait3A_87 : memref<128x128xf32, #tpu.memory_space<hbm>>)
      } else {
      }
      %dma_wait3A_34 = tpu.memref_slice %arg3[%add3A_31] : memref<163840xi32, #tpu.memory_space<hbm>> -> memref<128xi32, #tpu.memory_space<hbm>>
      %dma_wait3A_35 = tpu.memref_slice %arg3[%add3A_31] : memref<163840xi32, #tpu.memory_space<hbm>> -> memref<128xi32, #tpu.memory_space<hbm>>
      tpu.wait_dma2 semaphore(%arg9 : memref<!tpu.dma_semaphore, #tpu.memory_space<semaphore_mem>>) src(%dma_wait3A_35 : memref<128xi32, #tpu.memory_space<hbm>>) dst(%arg5 : memref<128xi32, #tpu.memory_space<vmem>>)
      %dma_start3A_36 = arith.constant 0 : i32
      %dma_start3A_37 = arith.constant 0 : i32
      %dma_start3A_38 = tpu.memref_slice %arg2[%dma_start3A_36, %dma_start3A_37] : memref<10240x128xf32, #tpu.memory_space<hbm>> -> memref<10240x128xf32, #tpu.memory_space<hbm>>
      tpu.enqueue_indirect_dma source(%dma_start3A_38 : memref<10240x128xf32, #tpu.memory_space<hbm>>) target(%arg7 : memref<128x128xf32, #tpu.memory_space<vmem>>) offsets(%arg5 : memref<128xi32, #tpu.memory_space<vmem>>) semaphore(%arg11 : memref<!tpu.dma_semaphore, #tpu.memory_space<semaphore_mem>>)
      %dma_wait3A_39 = arith.constant 0 : i32
      %dma_wait3A_40 = arith.constant 0 : i32
      %dma_wait3A_41 = tpu.memref_slice %arg2[%dma_wait3A_39, %dma_wait3A_40] : memref<10240x128xf32, #tpu.memory_space<hbm>> -> memref<10240x128xf32, #tpu.memory_space<hbm>>
      tpu.wait_indirect_dma semaphore(%arg11 : memref<!tpu.dma_semaphore, #tpu.memory_space<semaphore_mem>>) src(%dma_wait3A_41 : memref<10240x128xf32, #tpu.memory_space<hbm>>) dst(%arg7 : memref<128x128xf32, #tpu.memory_space<vmem>>)
      %dma_start3A_42 = arith.constant 0 : i32
      %dma_start3A_43 = tpu.memref_slice %arg4[%add3A_31, %dma_start3A_42] : memref<163840x128xf32, #tpu.memory_space<hbm>> -> memref<128x128xf32, #tpu.memory_space<hbm>>
      %dma_start3A_44 = arith.constant 0 : i32
      %dma_start3A_45 = tpu.memref_slice %arg4[%add3A_31, %dma_start3A_44] : memref<163840x128xf32, #tpu.memory_space<hbm>> -> memref<128x128xf32, #tpu.memory_space<hbm>>
      tpu.enqueue_dma source(%arg7 : memref<128x128xf32, #tpu.memory_space<vmem>>) target(%dma_start3A_45 : memref<128x128xf32, #tpu.memory_space<hbm>>) target_semaphore(%arg13 : memref<!tpu.dma_semaphore, #tpu.memory_space<semaphore_mem>>)
      %add3A_46 = arith.constant 2 : i32
      %add3A_47 = arith.addi %add3A_28, %add3A_46 : i32
      %lt3A = arith.constant 40 : i32
      %lt3A_48 = arith.cmpi slt, %add3A_47, %lt3A : i32
      %convert_element_type3A_49 = arith.extui %lt3A_48 : i1 to i32
      %cond3A_50 = arith.constant 0 : i32
      %cond3A_51 = arith.cmpi ne, %convert_element_type3A_49, %cond3A_50 : i32
      scf.if %cond3A_51 {
        %add3A_83 = arith.constant 256 : i32
        %add3A_84 = arith.addi %add3A_31, %add3A_83 : i32
        %dma_start3A_85 = tpu.memref_slice %arg3[%add3A_84] : memref<163840xi32, #tpu.memory_space<hbm>> -> memref<128xi32, #tpu.memory_space<hbm>>
        %dma_start3A_86 = tpu.memref_slice %arg3[%add3A_84] : memref<163840xi32, #tpu.memory_space<hbm>> -> memref<128xi32, #tpu.memory_space<hbm>>
        tpu.enqueue_dma source(%dma_start3A_86 : memref<128xi32, #tpu.memory_space<hbm>>) target(%arg5 : memref<128xi32, #tpu.memory_space<vmem>>) target_semaphore(%arg9 : memref<!tpu.dma_semaphore, #tpu.memory_space<semaphore_mem>>)
      } else {
      }
      %mul3A_52 = arith.constant 2 : i32
      %mul3A_53 = arith.muli %mul3A_52, %scan3A_24 : i32
      %add3A_54 = arith.constant 1 : i32
      %add3A_55 = arith.addi %mul3A_53, %add3A_54 : i32
      %mul3A_56 = arith.constant 128 : i32
      %mul3A_57 = arith.muli %add3A_55, %mul3A_56 : i32
      %add3A_58 = arith.addi %mul3A_2, %mul3A_57 : i32
      %gt3A_59 = arith.constant 0 : i32
      %gt3A_60 = arith.cmpi sgt, %scan3A_24, %gt3A_59 : i32
      %convert_element_type3A_61 = arith.extui %gt3A_60 : i1 to i32
      %cond3A_62 = arith.constant 0 : i32
      %cond3A_63 = arith.cmpi ne, %convert_element_type3A_61, %cond3A_62 : i32
      scf.if %cond3A_63 {
        %sub3A = arith.constant 256 : i32
        %sub3A_83 = arith.subi %add3A_58, %sub3A : i32
        %dma_wait3A_84 = arith.constant 0 : i32
        %dma_wait3A_85 = tpu.memref_slice %arg4[%sub3A_83, %dma_wait3A_84] : memref<163840x128xf32, #tpu.memory_space<hbm>> -> memref<128x128xf32, #tpu.memory_space<hbm>>
        %dma_wait3A_86 = arith.constant 0 : i32
        %dma_wait3A_87 = tpu.memref_slice %arg4[%sub3A_83, %dma_wait3A_86] : memref<163840x128xf32, #tpu.memory_space<hbm>> -> memref<128x128xf32, #tpu.memory_space<hbm>>
        tpu.wait_dma2 semaphore(%arg14 : memref<!tpu.dma_semaphore, #tpu.memory_space<semaphore_mem>>) src(%arg8 : memref<128x128xf32, #tpu.memory_space<vmem>>) dst(%dma_wait3A_87 : memref<128x128xf32, #tpu.memory_space<hbm>>)
      } else {
      }
      %dma_wait3A_64 = tpu.memref_slice %arg3[%add3A_58] : memref<163840xi32, #tpu.memory_space<hbm>> -> memref<128xi32, #tpu.memory_space<hbm>>
      %dma_wait3A_65 = tpu.memref_slice %arg3[%add3A_58] : memref<163840xi32, #tpu.memory_space<hbm>> -> memref<128xi32, #tpu.memory_space<hbm>>
      tpu.wait_dma2 semaphore(%arg10 : memref<!tpu.dma_semaphore, #tpu.memory_space<semaphore_mem>>) src(%dma_wait3A_65 : memref<128xi32, #tpu.memory_space<hbm>>) dst(%arg6 : memref<128xi32, #tpu.memory_space<vmem>>)
      %dma_start3A_66 = arith.constant 0 : i32
      %dma_start3A_67 = arith.constant 0 : i32
      %dma_start3A_68 = tpu.memref_slice %arg2[%dma_start3A_66, %dma_start3A_67] : memref<10240x128xf32, #tpu.memory_space<hbm>> -> memref<10240x128xf32, #tpu.memory_space<hbm>>
      tpu.enqueue_indirect_dma source(%dma_start3A_68 : memref<10240x128xf32, #tpu.memory_space<hbm>>) target(%arg8 : memref<128x128xf32, #tpu.memory_space<vmem>>) offsets(%arg6 : memref<128xi32, #tpu.memory_space<vmem>>) semaphore(%arg12 : memref<!tpu.dma_semaphore, #tpu.memory_space<semaphore_mem>>)
      %dma_wait3A_69 = arith.constant 0 : i32
      %dma_wait3A_70 = arith.constant 0 : i32
      %dma_wait3A_71 = tpu.memref_slice %arg2[%dma_wait3A_69, %dma_wait3A_70] : memref<10240x128xf32, #tpu.memory_space<hbm>> -> memref<10240x128xf32, #tpu.memory_space<hbm>>
      tpu.wait_indirect_dma semaphore(%arg12 : memref<!tpu.dma_semaphore, #tpu.memory_space<semaphore_mem>>) src(%dma_wait3A_71 : memref<10240x128xf32, #tpu.memory_space<hbm>>) dst(%arg8 : memref<128x128xf32, #tpu.memory_space<vmem>>)
      %dma_start3A_72 = arith.constant 0 : i32
      %dma_start3A_73 = tpu.memref_slice %arg4[%add3A_58, %dma_start3A_72] : memref<163840x128xf32, #tpu.memory_space<hbm>> -> memref<128x128xf32, #tpu.memory_space<hbm>>
      %dma_start3A_74 = arith.constant 0 : i32
      %dma_start3A_75 = tpu.memref_slice %arg4[%add3A_58, %dma_start3A_74] : memref<163840x128xf32, #tpu.memory_space<hbm>> -> memref<128x128xf32, #tpu.memory_space<hbm>>
      tpu.enqueue_dma source(%arg8 : memref<128x128xf32, #tpu.memory_space<vmem>>) target(%dma_start3A_75 : memref<128x128xf32, #tpu.memory_space<hbm>>) target_semaphore(%arg14 : memref<!tpu.dma_semaphore, #tpu.memory_space<semaphore_mem>>)
      %add3A_76 = arith.constant 2 : i32
      %add3A_77 = arith.addi %add3A_55, %add3A_76 : i32
      %lt3A_78 = arith.constant 40 : i32
      %lt3A_79 = arith.cmpi slt, %add3A_77, %lt3A_78 : i32
      %convert_element_type3A_80 = arith.extui %lt3A_79 : i1 to i32
      %cond3A_81 = arith.constant 0 : i32
      %cond3A_82 = arith.cmpi ne, %convert_element_type3A_80, %cond3A_81 : i32
      scf.if %cond3A_82 {
        %add3A_83 = arith.constant 256 : i32
        %add3A_84 = arith.addi %add3A_58, %add3A_83 : i32
        %dma_start3A_85 = tpu.memref_slice %arg3[%add3A_84] : memref<163840xi32, #tpu.memory_space<hbm>> -> memref<128xi32, #tpu.memory_space<hbm>>
        %dma_start3A_86 = tpu.memref_slice %arg3[%add3A_84] : memref<163840xi32, #tpu.memory_space<hbm>> -> memref<128xi32, #tpu.memory_space<hbm>>
        tpu.enqueue_dma source(%dma_start3A_86 : memref<128xi32, #tpu.memory_space<hbm>>) target(%arg6 : memref<128xi32, #tpu.memory_space<vmem>>) target_semaphore(%arg10 : memref<!tpu.dma_semaphore, #tpu.memory_space<semaphore_mem>>)
      } else {
      }
    }
    %scan3A_12 = arith.constant 20 : i32
    %add3A_13 = arith.constant 4864 : i32
    %add3A_14 = arith.addi %mul3A_2, %add3A_13 : i32
    %dma_wait3A = arith.constant 0 : i32
    %dma_wait3A_15 = tpu.memref_slice %arg4[%add3A_14, %dma_wait3A] : memref<163840x128xf32, #tpu.memory_space<hbm>> -> memref<128x128xf32, #tpu.memory_space<hbm>>
    %dma_wait3A_16 = arith.constant 0 : i32
    %dma_wait3A_17 = tpu.memref_slice %arg4[%add3A_14, %dma_wait3A_16] : memref<163840x128xf32, #tpu.memory_space<hbm>> -> memref<128x128xf32, #tpu.memory_space<hbm>>
    tpu.wait_dma2 semaphore(%arg13 : memref<!tpu.dma_semaphore, #tpu.memory_space<semaphore_mem>>) src(%arg7 : memref<128x128xf32, #tpu.memory_space<vmem>>) dst(%dma_wait3A_17 : memref<128x128xf32, #tpu.memory_space<hbm>>)
    %add3A_18 = arith.constant 4992 : i32
    %add3A_19 = arith.addi %mul3A_2, %add3A_18 : i32
    %dma_wait3A_20 = arith.constant 0 : i32
    %dma_wait3A_21 = tpu.memref_slice %arg4[%add3A_19, %dma_wait3A_20] : memref<163840x128xf32, #tpu.memory_space<hbm>> -> memref<128x128xf32, #tpu.memory_space<hbm>>
    %dma_wait3A_22 = arith.constant 0 : i32
    %dma_wait3A_23 = tpu.memref_slice %arg4[%add3A_19, %dma_wait3A_22] : memref<163840x128xf32, #tpu.memory_space<hbm>> -> memref<128x128xf32, #tpu.memory_space<hbm>>
    tpu.wait_dma2 semaphore(%arg14 : memref<!tpu.dma_semaphore, #tpu.memory_space<semaphore_mem>>) src(%arg8 : memref<128x128xf32, #tpu.memory_space<vmem>>) dst(%dma_wait3A_23 : memref<128x128xf32, #tpu.memory_space<hbm>>)
    return
  }
}

#map = affine_map<(d0, d1) -> (0, 0)>
#map1 = affine_map<(d0, d1) -> (0)>
module attributes {stable_mosaic.version = 14 : i64} {
  func.func @k(%arg0: i32, %arg1: i32, %arg2: memref<10000x16xf32, #tpu.memory_space<hbm>>, %arg3: memref<491520xi32, #tpu.memory_space<hbm>>, %arg4: memref<491520x16xf32, #tpu.memory_space<hbm>>, %arg5: memref<128xi32, #tpu.memory_space<vmem>>, %arg6: memref<128xi32, #tpu.memory_space<vmem>>, %arg7: memref<128x16xf32, #tpu.memory_space<vmem>>, %arg8: memref<128x16xf32, #tpu.memory_space<vmem>>, %arg9: memref<!tpu.dma_semaphore, #tpu.memory_space<semaphore_mem>>, %arg10: memref<!tpu.dma_semaphore, #tpu.memory_space<semaphore_mem>>, %arg11: memref<!tpu.dma_semaphore, #tpu.memory_space<semaphore_mem>>, %arg12: memref<!tpu.dma_semaphore, #tpu.memory_space<semaphore_mem>>, %arg13: memref<!tpu.dma_semaphore, #tpu.memory_space<semaphore_mem>>, %arg14: memref<!tpu.dma_semaphore, #tpu.memory_space<semaphore_mem>>) attributes {dimension_semantics = [#tpu.dimension_semantics<core_parallel>, #tpu.dimension_semantics<subcore_parallel>], iteration_bounds = array<i64: 2, 16>, scalar_prefetch = 0 : i64, scratch_operands = 10 : i64, tpu.core_type = #tpu.core_type<sc_vector_subcore>, window_params = [{transform_indices = #map}, {transform_indices = #map1}, {transform_indices = #map}]} {
    %mul3A = arith.constant 2 : i32
    %mul3A_0 = arith.muli %arg1, %mul3A : i32
    %add3A = arith.addi %mul3A_0, %arg0 : i32
    %mul3A_1 = arith.constant 15360 : i32
    %mul3A_2 = arith.muli %add3A, %mul3A_1 : i32
    %dma_start3A = tpu.memref_slice %arg3[%mul3A_2] : memref<491520xi32, #tpu.memory_space<hbm>> -> memref<128xi32, #tpu.memory_space<hbm>>
    %dma_start3A_3 = tpu.memref_slice %arg3[%mul3A_2] : memref<491520xi32, #tpu.memory_space<hbm>> -> memref<128xi32, #tpu.memory_space<hbm>>
    tpu.enqueue_dma source(%dma_start3A_3 : memref<128xi32, #tpu.memory_space<hbm>>) target(%arg5 : memref<128xi32, #tpu.memory_space<vmem>>) target_semaphore(%arg9 : memref<!tpu.dma_semaphore, #tpu.memory_space<semaphore_mem>>)
    %add3A_4 = arith.constant 128 : i32
    %add3A_5 = arith.addi %mul3A_2, %add3A_4 : i32
    %dma_start3A_6 = tpu.memref_slice %arg3[%add3A_5] : memref<491520xi32, #tpu.memory_space<hbm>> -> memref<128xi32, #tpu.memory_space<hbm>>
    %dma_start3A_7 = tpu.memref_slice %arg3[%add3A_5] : memref<491520xi32, #tpu.memory_space<hbm>> -> memref<128xi32, #tpu.memory_space<hbm>>
    tpu.enqueue_dma source(%dma_start3A_7 : memref<128xi32, #tpu.memory_space<hbm>>) target(%arg6 : memref<128xi32, #tpu.memory_space<vmem>>) target_semaphore(%arg10 : memref<!tpu.dma_semaphore, #tpu.memory_space<semaphore_mem>>)
    %scan3A = arith.constant 0 : i32
    %scan3A_8 = arith.constant 0 : i32
    %scan3A_9 = arith.constant 60 : i32
    %scan3A_10 = arith.addi %scan3A_8, %scan3A_9 : i32
    %scan3A_11 = arith.constant 1 : i32
    scf.for %scan3A_24 = %scan3A_8 to %scan3A_10 step %scan3A_11  : i32 {
      %mul3A_25 = arith.constant 2 : i32
      %mul3A_26 = arith.muli %mul3A_25, %scan3A_24 : i32
      %add3A_27 = arith.constant 0 : i32
      %add3A_28 = arith.addi %mul3A_26, %add3A_27 : i32
      %mul3A_29 = arith.constant 128 : i32
      %mul3A_30 = arith.muli %add3A_28, %mul3A_29 : i32
      %add3A_31 = arith.addi %mul3A_2, %mul3A_30 : i32
      %gt3A = arith.constant 0 : i32
      %gt3A_32 = arith.cmpi sgt, %scan3A_24, %gt3A : i32
      %convert_element_type3A = arith.extui %gt3A_32 : i1 to i32
      %cond3A = arith.constant 0 : i32
      %cond3A_33 = arith.cmpi ne, %convert_element_type3A, %cond3A : i32
      scf.if %cond3A_33 {
        %sub3A = arith.constant 256 : i32
        %sub3A_83 = arith.subi %add3A_31, %sub3A : i32
        %dma_wait3A_84 = arith.constant 0 : i32
        %dma_wait3A_85 = tpu.memref_slice %arg4[%sub3A_83, %dma_wait3A_84] : memref<491520x16xf32, #tpu.memory_space<hbm>> -> memref<128x16xf32, #tpu.memory_space<hbm>>
        %dma_wait3A_86 = arith.constant 0 : i32
        %dma_wait3A_87 = tpu.memref_slice %arg4[%sub3A_83, %dma_wait3A_86] : memref<491520x16xf32, #tpu.memory_space<hbm>> -> memref<128x16xf32, #tpu.memory_space<hbm>>
        tpu.wait_dma2 semaphore(%arg13 : memref<!tpu.dma_semaphore, #tpu.memory_space<semaphore_mem>>) src(%arg7 : memref<128x16xf32, #tpu.memory_space<vmem>>) dst(%dma_wait3A_87 : memref<128x16xf32, #tpu.memory_space<hbm>>)
      } else {
      }
      %dma_wait3A_34 = tpu.memref_slice %arg3[%add3A_31] : memref<491520xi32, #tpu.memory_space<hbm>> -> memref<128xi32, #tpu.memory_space<hbm>>
      %dma_wait3A_35 = tpu.memref_slice %arg3[%add3A_31] : memref<491520xi32, #tpu.memory_space<hbm>> -> memref<128xi32, #tpu.memory_space<hbm>>
      tpu.wait_dma2 semaphore(%arg9 : memref<!tpu.dma_semaphore, #tpu.memory_space<semaphore_mem>>) src(%dma_wait3A_35 : memref<128xi32, #tpu.memory_space<hbm>>) dst(%arg5 : memref<128xi32, #tpu.memory_space<vmem>>)
      %dma_start3A_36 = arith.constant 0 : i32
      %dma_start3A_37 = arith.constant 0 : i32
      %dma_start3A_38 = tpu.memref_slice %arg2[%dma_start3A_36, %dma_start3A_37] : memref<10000x16xf32, #tpu.memory_space<hbm>> -> memref<10000x16xf32, #tpu.memory_space<hbm>>
      tpu.enqueue_indirect_dma source(%dma_start3A_38 : memref<10000x16xf32, #tpu.memory_space<hbm>>) target(%arg7 : memref<128x16xf32, #tpu.memory_space<vmem>>) offsets(%arg5 : memref<128xi32, #tpu.memory_space<vmem>>) semaphore(%arg11 : memref<!tpu.dma_semaphore, #tpu.memory_space<semaphore_mem>>)
      %dma_wait3A_39 = arith.constant 0 : i32
      %dma_wait3A_40 = arith.constant 0 : i32
      %dma_wait3A_41 = tpu.memref_slice %arg2[%dma_wait3A_39, %dma_wait3A_40] : memref<10000x16xf32, #tpu.memory_space<hbm>> -> memref<10000x16xf32, #tpu.memory_space<hbm>>
      tpu.wait_indirect_dma semaphore(%arg11 : memref<!tpu.dma_semaphore, #tpu.memory_space<semaphore_mem>>) src(%dma_wait3A_41 : memref<10000x16xf32, #tpu.memory_space<hbm>>) dst(%arg7 : memref<128x16xf32, #tpu.memory_space<vmem>>)
      %dma_start3A_42 = arith.constant 0 : i32
      %dma_start3A_43 = tpu.memref_slice %arg4[%add3A_31, %dma_start3A_42] : memref<491520x16xf32, #tpu.memory_space<hbm>> -> memref<128x16xf32, #tpu.memory_space<hbm>>
      %dma_start3A_44 = arith.constant 0 : i32
      %dma_start3A_45 = tpu.memref_slice %arg4[%add3A_31, %dma_start3A_44] : memref<491520x16xf32, #tpu.memory_space<hbm>> -> memref<128x16xf32, #tpu.memory_space<hbm>>
      tpu.enqueue_dma source(%arg7 : memref<128x16xf32, #tpu.memory_space<vmem>>) target(%dma_start3A_45 : memref<128x16xf32, #tpu.memory_space<hbm>>) target_semaphore(%arg13 : memref<!tpu.dma_semaphore, #tpu.memory_space<semaphore_mem>>)
      %add3A_46 = arith.constant 2 : i32
      %add3A_47 = arith.addi %add3A_28, %add3A_46 : i32
      %lt3A = arith.constant 120 : i32
      %lt3A_48 = arith.cmpi slt, %add3A_47, %lt3A : i32
      %convert_element_type3A_49 = arith.extui %lt3A_48 : i1 to i32
      %cond3A_50 = arith.constant 0 : i32
      %cond3A_51 = arith.cmpi ne, %convert_element_type3A_49, %cond3A_50 : i32
      scf.if %cond3A_51 {
        %add3A_83 = arith.constant 256 : i32
        %add3A_84 = arith.addi %add3A_31, %add3A_83 : i32
        %dma_start3A_85 = tpu.memref_slice %arg3[%add3A_84] : memref<491520xi32, #tpu.memory_space<hbm>> -> memref<128xi32, #tpu.memory_space<hbm>>
        %dma_start3A_86 = tpu.memref_slice %arg3[%add3A_84] : memref<491520xi32, #tpu.memory_space<hbm>> -> memref<128xi32, #tpu.memory_space<hbm>>
        tpu.enqueue_dma source(%dma_start3A_86 : memref<128xi32, #tpu.memory_space<hbm>>) target(%arg5 : memref<128xi32, #tpu.memory_space<vmem>>) target_semaphore(%arg9 : memref<!tpu.dma_semaphore, #tpu.memory_space<semaphore_mem>>)
      } else {
      }
      %mul3A_52 = arith.constant 2 : i32
      %mul3A_53 = arith.muli %mul3A_52, %scan3A_24 : i32
      %add3A_54 = arith.constant 1 : i32
      %add3A_55 = arith.addi %mul3A_53, %add3A_54 : i32
      %mul3A_56 = arith.constant 128 : i32
      %mul3A_57 = arith.muli %add3A_55, %mul3A_56 : i32
      %add3A_58 = arith.addi %mul3A_2, %mul3A_57 : i32
      %gt3A_59 = arith.constant 0 : i32
      %gt3A_60 = arith.cmpi sgt, %scan3A_24, %gt3A_59 : i32
      %convert_element_type3A_61 = arith.extui %gt3A_60 : i1 to i32
      %cond3A_62 = arith.constant 0 : i32
      %cond3A_63 = arith.cmpi ne, %convert_element_type3A_61, %cond3A_62 : i32
      scf.if %cond3A_63 {
        %sub3A = arith.constant 256 : i32
        %sub3A_83 = arith.subi %add3A_58, %sub3A : i32
        %dma_wait3A_84 = arith.constant 0 : i32
        %dma_wait3A_85 = tpu.memref_slice %arg4[%sub3A_83, %dma_wait3A_84] : memref<491520x16xf32, #tpu.memory_space<hbm>> -> memref<128x16xf32, #tpu.memory_space<hbm>>
        %dma_wait3A_86 = arith.constant 0 : i32
        %dma_wait3A_87 = tpu.memref_slice %arg4[%sub3A_83, %dma_wait3A_86] : memref<491520x16xf32, #tpu.memory_space<hbm>> -> memref<128x16xf32, #tpu.memory_space<hbm>>
        tpu.wait_dma2 semaphore(%arg14 : memref<!tpu.dma_semaphore, #tpu.memory_space<semaphore_mem>>) src(%arg8 : memref<128x16xf32, #tpu.memory_space<vmem>>) dst(%dma_wait3A_87 : memref<128x16xf32, #tpu.memory_space<hbm>>)
      } else {
      }
      %dma_wait3A_64 = tpu.memref_slice %arg3[%add3A_58] : memref<491520xi32, #tpu.memory_space<hbm>> -> memref<128xi32, #tpu.memory_space<hbm>>
      %dma_wait3A_65 = tpu.memref_slice %arg3[%add3A_58] : memref<491520xi32, #tpu.memory_space<hbm>> -> memref<128xi32, #tpu.memory_space<hbm>>
      tpu.wait_dma2 semaphore(%arg10 : memref<!tpu.dma_semaphore, #tpu.memory_space<semaphore_mem>>) src(%dma_wait3A_65 : memref<128xi32, #tpu.memory_space<hbm>>) dst(%arg6 : memref<128xi32, #tpu.memory_space<vmem>>)
      %dma_start3A_66 = arith.constant 0 : i32
      %dma_start3A_67 = arith.constant 0 : i32
      %dma_start3A_68 = tpu.memref_slice %arg2[%dma_start3A_66, %dma_start3A_67] : memref<10000x16xf32, #tpu.memory_space<hbm>> -> memref<10000x16xf32, #tpu.memory_space<hbm>>
      tpu.enqueue_indirect_dma source(%dma_start3A_68 : memref<10000x16xf32, #tpu.memory_space<hbm>>) target(%arg8 : memref<128x16xf32, #tpu.memory_space<vmem>>) offsets(%arg6 : memref<128xi32, #tpu.memory_space<vmem>>) semaphore(%arg12 : memref<!tpu.dma_semaphore, #tpu.memory_space<semaphore_mem>>)
      %dma_wait3A_69 = arith.constant 0 : i32
      %dma_wait3A_70 = arith.constant 0 : i32
      %dma_wait3A_71 = tpu.memref_slice %arg2[%dma_wait3A_69, %dma_wait3A_70] : memref<10000x16xf32, #tpu.memory_space<hbm>> -> memref<10000x16xf32, #tpu.memory_space<hbm>>
      tpu.wait_indirect_dma semaphore(%arg12 : memref<!tpu.dma_semaphore, #tpu.memory_space<semaphore_mem>>) src(%dma_wait3A_71 : memref<10000x16xf32, #tpu.memory_space<hbm>>) dst(%arg8 : memref<128x16xf32, #tpu.memory_space<vmem>>)
      %dma_start3A_72 = arith.constant 0 : i32
      %dma_start3A_73 = tpu.memref_slice %arg4[%add3A_58, %dma_start3A_72] : memref<491520x16xf32, #tpu.memory_space<hbm>> -> memref<128x16xf32, #tpu.memory_space<hbm>>
      %dma_start3A_74 = arith.constant 0 : i32
      %dma_start3A_75 = tpu.memref_slice %arg4[%add3A_58, %dma_start3A_74] : memref<491520x16xf32, #tpu.memory_space<hbm>> -> memref<128x16xf32, #tpu.memory_space<hbm>>
      tpu.enqueue_dma source(%arg8 : memref<128x16xf32, #tpu.memory_space<vmem>>) target(%dma_start3A_75 : memref<128x16xf32, #tpu.memory_space<hbm>>) target_semaphore(%arg14 : memref<!tpu.dma_semaphore, #tpu.memory_space<semaphore_mem>>)
      %add3A_76 = arith.constant 2 : i32
      %add3A_77 = arith.addi %add3A_55, %add3A_76 : i32
      %lt3A_78 = arith.constant 120 : i32
      %lt3A_79 = arith.cmpi slt, %add3A_77, %lt3A_78 : i32
      %convert_element_type3A_80 = arith.extui %lt3A_79 : i1 to i32
      %cond3A_81 = arith.constant 0 : i32
      %cond3A_82 = arith.cmpi ne, %convert_element_type3A_80, %cond3A_81 : i32
      scf.if %cond3A_82 {
        %add3A_83 = arith.constant 256 : i32
        %add3A_84 = arith.addi %add3A_58, %add3A_83 : i32
        %dma_start3A_85 = tpu.memref_slice %arg3[%add3A_84] : memref<491520xi32, #tpu.memory_space<hbm>> -> memref<128xi32, #tpu.memory_space<hbm>>
        %dma_start3A_86 = tpu.memref_slice %arg3[%add3A_84] : memref<491520xi32, #tpu.memory_space<hbm>> -> memref<128xi32, #tpu.memory_space<hbm>>
        tpu.enqueue_dma source(%dma_start3A_86 : memref<128xi32, #tpu.memory_space<hbm>>) target(%arg6 : memref<128xi32, #tpu.memory_space<vmem>>) target_semaphore(%arg10 : memref<!tpu.dma_semaphore, #tpu.memory_space<semaphore_mem>>)
      } else {
      }
    }
    %scan3A_12 = arith.constant 60 : i32
    %add3A_13 = arith.constant 15104 : i32
    %add3A_14 = arith.addi %mul3A_2, %add3A_13 : i32
    %dma_wait3A = arith.constant 0 : i32
    %dma_wait3A_15 = tpu.memref_slice %arg4[%add3A_14, %dma_wait3A] : memref<491520x16xf32, #tpu.memory_space<hbm>> -> memref<128x16xf32, #tpu.memory_space<hbm>>
    %dma_wait3A_16 = arith.constant 0 : i32
    %dma_wait3A_17 = tpu.memref_slice %arg4[%add3A_14, %dma_wait3A_16] : memref<491520x16xf32, #tpu.memory_space<hbm>> -> memref<128x16xf32, #tpu.memory_space<hbm>>
    tpu.wait_dma2 semaphore(%arg13 : memref<!tpu.dma_semaphore, #tpu.memory_space<semaphore_mem>>) src(%arg7 : memref<128x16xf32, #tpu.memory_space<vmem>>) dst(%dma_wait3A_17 : memref<128x16xf32, #tpu.memory_space<hbm>>)
    %add3A_18 = arith.constant 15232 : i32
    %add3A_19 = arith.addi %mul3A_2, %add3A_18 : i32
    %dma_wait3A_20 = arith.constant 0 : i32
    %dma_wait3A_21 = tpu.memref_slice %arg4[%add3A_19, %dma_wait3A_20] : memref<491520x16xf32, #tpu.memory_space<hbm>> -> memref<128x16xf32, #tpu.memory_space<hbm>>
    %dma_wait3A_22 = arith.constant 0 : i32
    %dma_wait3A_23 = tpu.memref_slice %arg4[%add3A_19, %dma_wait3A_22] : memref<491520x16xf32, #tpu.memory_space<hbm>> -> memref<128x16xf32, #tpu.memory_space<hbm>>
    tpu.wait_dma2 semaphore(%arg14 : memref<!tpu.dma_semaphore, #tpu.memory_space<semaphore_mem>>) src(%arg8 : memref<128x16xf32, #tpu.memory_space<vmem>>) dst(%dma_wait3A_23 : memref<128x16xf32, #tpu.memory_space<hbm>>)
    return
  }
}

#map = affine_map<(d0, d1) -> (0, 0)>
#map1 = affine_map<(d0, d1) -> (0)>
module attributes {stable_mosaic.version = 14 : i64} {
  func.func @k(%arg0: i32, %arg1: i32, %arg2: memref<163840x64xf32, #tpu.memory_space<hbm>>, %arg3: memref<163840xi32, #tpu.memory_space<hbm>>, %arg4: memref<163840x64xf32, #tpu.memory_space<hbm>>, %arg5: memref<128xi32, #tpu.memory_space<vmem>>, %arg6: memref<128xi32, #tpu.memory_space<vmem>>, %arg7: memref<128x64xf32, #tpu.memory_space<vmem>>, %arg8: memref<128x64xf32, #tpu.memory_space<vmem>>, %arg9: memref<!tpu.dma_semaphore, #tpu.memory_space<semaphore_mem>>, %arg10: memref<!tpu.dma_semaphore, #tpu.memory_space<semaphore_mem>>, %arg11: memref<!tpu.dma_semaphore, #tpu.memory_space<semaphore_mem>>, %arg12: memref<!tpu.dma_semaphore, #tpu.memory_space<semaphore_mem>>, %arg13: memref<!tpu.dma_semaphore, #tpu.memory_space<semaphore_mem>>, %arg14: memref<!tpu.dma_semaphore, #tpu.memory_space<semaphore_mem>>) attributes {dimension_semantics = [#tpu.dimension_semantics<core_parallel>, #tpu.dimension_semantics<subcore_parallel>], iteration_bounds = array<i64: 2, 16>, scalar_prefetch = 0 : i64, scratch_operands = 10 : i64, tpu.core_type = #tpu.core_type<sc_vector_subcore>, window_params = [{transform_indices = #map}, {transform_indices = #map1}, {transform_indices = #map}]} {
    %mul3A = arith.constant 2 : i32
    %mul3A_0 = arith.muli %arg1, %mul3A : i32
    %add3A = arith.addi %mul3A_0, %arg0 : i32
    %mul3A_1 = arith.constant 5120 : i32
    %mul3A_2 = arith.muli %add3A, %mul3A_1 : i32
    %dma_start3A = tpu.memref_slice %arg3[%mul3A_2] : memref<163840xi32, #tpu.memory_space<hbm>> -> memref<128xi32, #tpu.memory_space<hbm>>
    %dma_start3A_3 = tpu.memref_slice %arg3[%mul3A_2] : memref<163840xi32, #tpu.memory_space<hbm>> -> memref<128xi32, #tpu.memory_space<hbm>>
    tpu.enqueue_dma source(%dma_start3A_3 : memref<128xi32, #tpu.memory_space<hbm>>) target(%arg5 : memref<128xi32, #tpu.memory_space<vmem>>) target_semaphore(%arg9 : memref<!tpu.dma_semaphore, #tpu.memory_space<semaphore_mem>>)
    %add3A_4 = arith.constant 128 : i32
    %add3A_5 = arith.addi %mul3A_2, %add3A_4 : i32
    %dma_start3A_6 = tpu.memref_slice %arg3[%add3A_5] : memref<163840xi32, #tpu.memory_space<hbm>> -> memref<128xi32, #tpu.memory_space<hbm>>
    %dma_start3A_7 = tpu.memref_slice %arg3[%add3A_5] : memref<163840xi32, #tpu.memory_space<hbm>> -> memref<128xi32, #tpu.memory_space<hbm>>
    tpu.enqueue_dma source(%dma_start3A_7 : memref<128xi32, #tpu.memory_space<hbm>>) target(%arg6 : memref<128xi32, #tpu.memory_space<vmem>>) target_semaphore(%arg10 : memref<!tpu.dma_semaphore, #tpu.memory_space<semaphore_mem>>)
    %scan3A = arith.constant 0 : i32
    %scan3A_8 = arith.constant 0 : i32
    %scan3A_9 = arith.constant 20 : i32
    %scan3A_10 = arith.addi %scan3A_8, %scan3A_9 : i32
    %scan3A_11 = arith.constant 1 : i32
    scf.for %scan3A_24 = %scan3A_8 to %scan3A_10 step %scan3A_11  : i32 {
      %mul3A_25 = arith.constant 2 : i32
      %mul3A_26 = arith.muli %mul3A_25, %scan3A_24 : i32
      %add3A_27 = arith.constant 0 : i32
      %add3A_28 = arith.addi %mul3A_26, %add3A_27 : i32
      %mul3A_29 = arith.constant 128 : i32
      %mul3A_30 = arith.muli %add3A_28, %mul3A_29 : i32
      %add3A_31 = arith.addi %mul3A_2, %mul3A_30 : i32
      %gt3A = arith.constant 0 : i32
      %gt3A_32 = arith.cmpi sgt, %scan3A_24, %gt3A : i32
      %convert_element_type3A = arith.extui %gt3A_32 : i1 to i32
      %cond3A = arith.constant 0 : i32
      %cond3A_33 = arith.cmpi ne, %convert_element_type3A, %cond3A : i32
      scf.if %cond3A_33 {
        %sub3A = arith.constant 256 : i32
        %sub3A_83 = arith.subi %add3A_31, %sub3A : i32
        %dma_wait3A_84 = arith.constant 0 : i32
        %dma_wait3A_85 = tpu.memref_slice %arg4[%sub3A_83, %dma_wait3A_84] : memref<163840x64xf32, #tpu.memory_space<hbm>> -> memref<128x64xf32, #tpu.memory_space<hbm>>
        %dma_wait3A_86 = arith.constant 0 : i32
        %dma_wait3A_87 = tpu.memref_slice %arg4[%sub3A_83, %dma_wait3A_86] : memref<163840x64xf32, #tpu.memory_space<hbm>> -> memref<128x64xf32, #tpu.memory_space<hbm>>
        tpu.wait_dma2 semaphore(%arg13 : memref<!tpu.dma_semaphore, #tpu.memory_space<semaphore_mem>>) src(%arg7 : memref<128x64xf32, #tpu.memory_space<vmem>>) dst(%dma_wait3A_87 : memref<128x64xf32, #tpu.memory_space<hbm>>)
      } else {
      }
      %dma_wait3A_34 = tpu.memref_slice %arg3[%add3A_31] : memref<163840xi32, #tpu.memory_space<hbm>> -> memref<128xi32, #tpu.memory_space<hbm>>
      %dma_wait3A_35 = tpu.memref_slice %arg3[%add3A_31] : memref<163840xi32, #tpu.memory_space<hbm>> -> memref<128xi32, #tpu.memory_space<hbm>>
      tpu.wait_dma2 semaphore(%arg9 : memref<!tpu.dma_semaphore, #tpu.memory_space<semaphore_mem>>) src(%dma_wait3A_35 : memref<128xi32, #tpu.memory_space<hbm>>) dst(%arg5 : memref<128xi32, #tpu.memory_space<vmem>>)
      %dma_start3A_36 = arith.constant 0 : i32
      %dma_start3A_37 = arith.constant 0 : i32
      %dma_start3A_38 = tpu.memref_slice %arg2[%dma_start3A_36, %dma_start3A_37] : memref<163840x64xf32, #tpu.memory_space<hbm>> -> memref<163840x64xf32, #tpu.memory_space<hbm>>
      tpu.enqueue_indirect_dma source(%dma_start3A_38 : memref<163840x64xf32, #tpu.memory_space<hbm>>) target(%arg7 : memref<128x64xf32, #tpu.memory_space<vmem>>) offsets(%arg5 : memref<128xi32, #tpu.memory_space<vmem>>) semaphore(%arg11 : memref<!tpu.dma_semaphore, #tpu.memory_space<semaphore_mem>>)
      %dma_wait3A_39 = arith.constant 0 : i32
      %dma_wait3A_40 = arith.constant 0 : i32
      %dma_wait3A_41 = tpu.memref_slice %arg2[%dma_wait3A_39, %dma_wait3A_40] : memref<163840x64xf32, #tpu.memory_space<hbm>> -> memref<163840x64xf32, #tpu.memory_space<hbm>>
      tpu.wait_indirect_dma semaphore(%arg11 : memref<!tpu.dma_semaphore, #tpu.memory_space<semaphore_mem>>) src(%dma_wait3A_41 : memref<163840x64xf32, #tpu.memory_space<hbm>>) dst(%arg7 : memref<128x64xf32, #tpu.memory_space<vmem>>)
      %dma_start3A_42 = arith.constant 0 : i32
      %dma_start3A_43 = tpu.memref_slice %arg4[%add3A_31, %dma_start3A_42] : memref<163840x64xf32, #tpu.memory_space<hbm>> -> memref<128x64xf32, #tpu.memory_space<hbm>>
      %dma_start3A_44 = arith.constant 0 : i32
      %dma_start3A_45 = tpu.memref_slice %arg4[%add3A_31, %dma_start3A_44] : memref<163840x64xf32, #tpu.memory_space<hbm>> -> memref<128x64xf32, #tpu.memory_space<hbm>>
      tpu.enqueue_dma source(%arg7 : memref<128x64xf32, #tpu.memory_space<vmem>>) target(%dma_start3A_45 : memref<128x64xf32, #tpu.memory_space<hbm>>) target_semaphore(%arg13 : memref<!tpu.dma_semaphore, #tpu.memory_space<semaphore_mem>>)
      %add3A_46 = arith.constant 2 : i32
      %add3A_47 = arith.addi %add3A_28, %add3A_46 : i32
      %lt3A = arith.constant 40 : i32
      %lt3A_48 = arith.cmpi slt, %add3A_47, %lt3A : i32
      %convert_element_type3A_49 = arith.extui %lt3A_48 : i1 to i32
      %cond3A_50 = arith.constant 0 : i32
      %cond3A_51 = arith.cmpi ne, %convert_element_type3A_49, %cond3A_50 : i32
      scf.if %cond3A_51 {
        %add3A_83 = arith.constant 256 : i32
        %add3A_84 = arith.addi %add3A_31, %add3A_83 : i32
        %dma_start3A_85 = tpu.memref_slice %arg3[%add3A_84] : memref<163840xi32, #tpu.memory_space<hbm>> -> memref<128xi32, #tpu.memory_space<hbm>>
        %dma_start3A_86 = tpu.memref_slice %arg3[%add3A_84] : memref<163840xi32, #tpu.memory_space<hbm>> -> memref<128xi32, #tpu.memory_space<hbm>>
        tpu.enqueue_dma source(%dma_start3A_86 : memref<128xi32, #tpu.memory_space<hbm>>) target(%arg5 : memref<128xi32, #tpu.memory_space<vmem>>) target_semaphore(%arg9 : memref<!tpu.dma_semaphore, #tpu.memory_space<semaphore_mem>>)
      } else {
      }
      %mul3A_52 = arith.constant 2 : i32
      %mul3A_53 = arith.muli %mul3A_52, %scan3A_24 : i32
      %add3A_54 = arith.constant 1 : i32
      %add3A_55 = arith.addi %mul3A_53, %add3A_54 : i32
      %mul3A_56 = arith.constant 128 : i32
      %mul3A_57 = arith.muli %add3A_55, %mul3A_56 : i32
      %add3A_58 = arith.addi %mul3A_2, %mul3A_57 : i32
      %gt3A_59 = arith.constant 0 : i32
      %gt3A_60 = arith.cmpi sgt, %scan3A_24, %gt3A_59 : i32
      %convert_element_type3A_61 = arith.extui %gt3A_60 : i1 to i32
      %cond3A_62 = arith.constant 0 : i32
      %cond3A_63 = arith.cmpi ne, %convert_element_type3A_61, %cond3A_62 : i32
      scf.if %cond3A_63 {
        %sub3A = arith.constant 256 : i32
        %sub3A_83 = arith.subi %add3A_58, %sub3A : i32
        %dma_wait3A_84 = arith.constant 0 : i32
        %dma_wait3A_85 = tpu.memref_slice %arg4[%sub3A_83, %dma_wait3A_84] : memref<163840x64xf32, #tpu.memory_space<hbm>> -> memref<128x64xf32, #tpu.memory_space<hbm>>
        %dma_wait3A_86 = arith.constant 0 : i32
        %dma_wait3A_87 = tpu.memref_slice %arg4[%sub3A_83, %dma_wait3A_86] : memref<163840x64xf32, #tpu.memory_space<hbm>> -> memref<128x64xf32, #tpu.memory_space<hbm>>
        tpu.wait_dma2 semaphore(%arg14 : memref<!tpu.dma_semaphore, #tpu.memory_space<semaphore_mem>>) src(%arg8 : memref<128x64xf32, #tpu.memory_space<vmem>>) dst(%dma_wait3A_87 : memref<128x64xf32, #tpu.memory_space<hbm>>)
      } else {
      }
      %dma_wait3A_64 = tpu.memref_slice %arg3[%add3A_58] : memref<163840xi32, #tpu.memory_space<hbm>> -> memref<128xi32, #tpu.memory_space<hbm>>
      %dma_wait3A_65 = tpu.memref_slice %arg3[%add3A_58] : memref<163840xi32, #tpu.memory_space<hbm>> -> memref<128xi32, #tpu.memory_space<hbm>>
      tpu.wait_dma2 semaphore(%arg10 : memref<!tpu.dma_semaphore, #tpu.memory_space<semaphore_mem>>) src(%dma_wait3A_65 : memref<128xi32, #tpu.memory_space<hbm>>) dst(%arg6 : memref<128xi32, #tpu.memory_space<vmem>>)
      %dma_start3A_66 = arith.constant 0 : i32
      %dma_start3A_67 = arith.constant 0 : i32
      %dma_start3A_68 = tpu.memref_slice %arg2[%dma_start3A_66, %dma_start3A_67] : memref<163840x64xf32, #tpu.memory_space<hbm>> -> memref<163840x64xf32, #tpu.memory_space<hbm>>
      tpu.enqueue_indirect_dma source(%dma_start3A_68 : memref<163840x64xf32, #tpu.memory_space<hbm>>) target(%arg8 : memref<128x64xf32, #tpu.memory_space<vmem>>) offsets(%arg6 : memref<128xi32, #tpu.memory_space<vmem>>) semaphore(%arg12 : memref<!tpu.dma_semaphore, #tpu.memory_space<semaphore_mem>>)
      %dma_wait3A_69 = arith.constant 0 : i32
      %dma_wait3A_70 = arith.constant 0 : i32
      %dma_wait3A_71 = tpu.memref_slice %arg2[%dma_wait3A_69, %dma_wait3A_70] : memref<163840x64xf32, #tpu.memory_space<hbm>> -> memref<163840x64xf32, #tpu.memory_space<hbm>>
      tpu.wait_indirect_dma semaphore(%arg12 : memref<!tpu.dma_semaphore, #tpu.memory_space<semaphore_mem>>) src(%dma_wait3A_71 : memref<163840x64xf32, #tpu.memory_space<hbm>>) dst(%arg8 : memref<128x64xf32, #tpu.memory_space<vmem>>)
      %dma_start3A_72 = arith.constant 0 : i32
      %dma_start3A_73 = tpu.memref_slice %arg4[%add3A_58, %dma_start3A_72] : memref<163840x64xf32, #tpu.memory_space<hbm>> -> memref<128x64xf32, #tpu.memory_space<hbm>>
      %dma_start3A_74 = arith.constant 0 : i32
      %dma_start3A_75 = tpu.memref_slice %arg4[%add3A_58, %dma_start3A_74] : memref<163840x64xf32, #tpu.memory_space<hbm>> -> memref<128x64xf32, #tpu.memory_space<hbm>>
      tpu.enqueue_dma source(%arg8 : memref<128x64xf32, #tpu.memory_space<vmem>>) target(%dma_start3A_75 : memref<128x64xf32, #tpu.memory_space<hbm>>) target_semaphore(%arg14 : memref<!tpu.dma_semaphore, #tpu.memory_space<semaphore_mem>>)
      %add3A_76 = arith.constant 2 : i32
      %add3A_77 = arith.addi %add3A_55, %add3A_76 : i32
      %lt3A_78 = arith.constant 40 : i32
      %lt3A_79 = arith.cmpi slt, %add3A_77, %lt3A_78 : i32
      %convert_element_type3A_80 = arith.extui %lt3A_79 : i1 to i32
      %cond3A_81 = arith.constant 0 : i32
      %cond3A_82 = arith.cmpi ne, %convert_element_type3A_80, %cond3A_81 : i32
      scf.if %cond3A_82 {
        %add3A_83 = arith.constant 256 : i32
        %add3A_84 = arith.addi %add3A_58, %add3A_83 : i32
        %dma_start3A_85 = tpu.memref_slice %arg3[%add3A_84] : memref<163840xi32, #tpu.memory_space<hbm>> -> memref<128xi32, #tpu.memory_space<hbm>>
        %dma_start3A_86 = tpu.memref_slice %arg3[%add3A_84] : memref<163840xi32, #tpu.memory_space<hbm>> -> memref<128xi32, #tpu.memory_space<hbm>>
        tpu.enqueue_dma source(%dma_start3A_86 : memref<128xi32, #tpu.memory_space<hbm>>) target(%arg6 : memref<128xi32, #tpu.memory_space<vmem>>) target_semaphore(%arg10 : memref<!tpu.dma_semaphore, #tpu.memory_space<semaphore_mem>>)
      } else {
      }
    }
    %scan3A_12 = arith.constant 20 : i32
    %add3A_13 = arith.constant 4864 : i32
    %add3A_14 = arith.addi %mul3A_2, %add3A_13 : i32
    %dma_wait3A = arith.constant 0 : i32
    %dma_wait3A_15 = tpu.memref_slice %arg4[%add3A_14, %dma_wait3A] : memref<163840x64xf32, #tpu.memory_space<hbm>> -> memref<128x64xf32, #tpu.memory_space<hbm>>
    %dma_wait3A_16 = arith.constant 0 : i32
    %dma_wait3A_17 = tpu.memref_slice %arg4[%add3A_14, %dma_wait3A_16] : memref<163840x64xf32, #tpu.memory_space<hbm>> -> memref<128x64xf32, #tpu.memory_space<hbm>>
    tpu.wait_dma2 semaphore(%arg13 : memref<!tpu.dma_semaphore, #tpu.memory_space<semaphore_mem>>) src(%arg7 : memref<128x64xf32, #tpu.memory_space<vmem>>) dst(%dma_wait3A_17 : memref<128x64xf32, #tpu.memory_space<hbm>>)
    %add3A_18 = arith.constant 4992 : i32
    %add3A_19 = arith.addi %mul3A_2, %add3A_18 : i32
    %dma_wait3A_20 = arith.constant 0 : i32
    %dma_wait3A_21 = tpu.memref_slice %arg4[%add3A_19, %dma_wait3A_20] : memref<163840x64xf32, #tpu.memory_space<hbm>> -> memref<128x64xf32, #tpu.memory_space<hbm>>
    %dma_wait3A_22 = arith.constant 0 : i32
    %dma_wait3A_23 = tpu.memref_slice %arg4[%add3A_19, %dma_wait3A_22] : memref<163840x64xf32, #tpu.memory_space<hbm>> -> memref<128x64xf32, #tpu.memory_space<hbm>>
    tpu.wait_dma2 semaphore(%arg14 : memref<!tpu.dma_semaphore, #tpu.memory_space<semaphore_mem>>) src(%arg8 : memref<128x64xf32, #tpu.memory_space<vmem>>) dst(%dma_wait3A_23 : memref<128x64xf32, #tpu.memory_space<hbm>>)
    return
  }
}

#map = affine_map<(d0, d1) -> (0, 0)>
#map1 = affine_map<(d0, d1) -> (0)>
module attributes {stable_mosaic.version = 14 : i64} {
  func.func @k(%arg0: i32, %arg1: i32, %arg2: memref<163840x64xf32, #tpu.memory_space<hbm>>, %arg3: memref<163840xi32, #tpu.memory_space<hbm>>, %arg4: memref<163840x64xf32, #tpu.memory_space<hbm>>, %arg5: memref<128xi32, #tpu.memory_space<vmem>>, %arg6: memref<128xi32, #tpu.memory_space<vmem>>, %arg7: memref<128x64xf32, #tpu.memory_space<vmem>>, %arg8: memref<128x64xf32, #tpu.memory_space<vmem>>, %arg9: memref<!tpu.dma_semaphore, #tpu.memory_space<semaphore_mem>>, %arg10: memref<!tpu.dma_semaphore, #tpu.memory_space<semaphore_mem>>, %arg11: memref<!tpu.dma_semaphore, #tpu.memory_space<semaphore_mem>>, %arg12: memref<!tpu.dma_semaphore, #tpu.memory_space<semaphore_mem>>, %arg13: memref<!tpu.dma_semaphore, #tpu.memory_space<semaphore_mem>>, %arg14: memref<!tpu.dma_semaphore, #tpu.memory_space<semaphore_mem>>) attributes {dimension_semantics = [#tpu.dimension_semantics<core_parallel>, #tpu.dimension_semantics<subcore_parallel>], iteration_bounds = array<i64: 2, 16>, scalar_prefetch = 0 : i64, scratch_operands = 10 : i64, tpu.core_type = #tpu.core_type<sc_vector_subcore>, window_params = [{transform_indices = #map}, {transform_indices = #map1}, {transform_indices = #map}]} {
    %mul3A = arith.constant 2 : i32
    %mul3A_0 = arith.muli %arg1, %mul3A : i32
    %add3A = arith.addi %mul3A_0, %arg0 : i32
    %mul3A_1 = arith.constant 5120 : i32
    %mul3A_2 = arith.muli %add3A, %mul3A_1 : i32
    %dma_start3A = tpu.memref_slice %arg3[%mul3A_2] : memref<163840xi32, #tpu.memory_space<hbm>> -> memref<128xi32, #tpu.memory_space<hbm>>
    %dma_start3A_3 = tpu.memref_slice %arg3[%mul3A_2] : memref<163840xi32, #tpu.memory_space<hbm>> -> memref<128xi32, #tpu.memory_space<hbm>>
    tpu.enqueue_dma source(%dma_start3A_3 : memref<128xi32, #tpu.memory_space<hbm>>) target(%arg5 : memref<128xi32, #tpu.memory_space<vmem>>) target_semaphore(%arg9 : memref<!tpu.dma_semaphore, #tpu.memory_space<semaphore_mem>>)
    %add3A_4 = arith.constant 128 : i32
    %add3A_5 = arith.addi %mul3A_2, %add3A_4 : i32
    %dma_start3A_6 = tpu.memref_slice %arg3[%add3A_5] : memref<163840xi32, #tpu.memory_space<hbm>> -> memref<128xi32, #tpu.memory_space<hbm>>
    %dma_start3A_7 = tpu.memref_slice %arg3[%add3A_5] : memref<163840xi32, #tpu.memory_space<hbm>> -> memref<128xi32, #tpu.memory_space<hbm>>
    tpu.enqueue_dma source(%dma_start3A_7 : memref<128xi32, #tpu.memory_space<hbm>>) target(%arg6 : memref<128xi32, #tpu.memory_space<vmem>>) target_semaphore(%arg10 : memref<!tpu.dma_semaphore, #tpu.memory_space<semaphore_mem>>)
    %scan3A = arith.constant 0 : i32
    %scan3A_8 = arith.constant 0 : i32
    %scan3A_9 = arith.constant 20 : i32
    %scan3A_10 = arith.addi %scan3A_8, %scan3A_9 : i32
    %scan3A_11 = arith.constant 1 : i32
    scf.for %scan3A_24 = %scan3A_8 to %scan3A_10 step %scan3A_11  : i32 {
      %mul3A_25 = arith.constant 2 : i32
      %mul3A_26 = arith.muli %mul3A_25, %scan3A_24 : i32
      %add3A_27 = arith.constant 0 : i32
      %add3A_28 = arith.addi %mul3A_26, %add3A_27 : i32
      %mul3A_29 = arith.constant 128 : i32
      %mul3A_30 = arith.muli %add3A_28, %mul3A_29 : i32
      %add3A_31 = arith.addi %mul3A_2, %mul3A_30 : i32
      %gt3A = arith.constant 0 : i32
      %gt3A_32 = arith.cmpi sgt, %scan3A_24, %gt3A : i32
      %convert_element_type3A = arith.extui %gt3A_32 : i1 to i32
      %cond3A = arith.constant 0 : i32
      %cond3A_33 = arith.cmpi ne, %convert_element_type3A, %cond3A : i32
      scf.if %cond3A_33 {
        %sub3A = arith.constant 256 : i32
        %sub3A_83 = arith.subi %add3A_31, %sub3A : i32
        %dma_wait3A_84 = arith.constant 0 : i32
        %dma_wait3A_85 = tpu.memref_slice %arg4[%sub3A_83, %dma_wait3A_84] : memref<163840x64xf32, #tpu.memory_space<hbm>> -> memref<128x64xf32, #tpu.memory_space<hbm>>
        %dma_wait3A_86 = arith.constant 0 : i32
        %dma_wait3A_87 = tpu.memref_slice %arg4[%sub3A_83, %dma_wait3A_86] : memref<163840x64xf32, #tpu.memory_space<hbm>> -> memref<128x64xf32, #tpu.memory_space<hbm>>
        tpu.wait_dma2 semaphore(%arg13 : memref<!tpu.dma_semaphore, #tpu.memory_space<semaphore_mem>>) src(%arg7 : memref<128x64xf32, #tpu.memory_space<vmem>>) dst(%dma_wait3A_87 : memref<128x64xf32, #tpu.memory_space<hbm>>)
      } else {
      }
      %dma_wait3A_34 = tpu.memref_slice %arg3[%add3A_31] : memref<163840xi32, #tpu.memory_space<hbm>> -> memref<128xi32, #tpu.memory_space<hbm>>
      %dma_wait3A_35 = tpu.memref_slice %arg3[%add3A_31] : memref<163840xi32, #tpu.memory_space<hbm>> -> memref<128xi32, #tpu.memory_space<hbm>>
      tpu.wait_dma2 semaphore(%arg9 : memref<!tpu.dma_semaphore, #tpu.memory_space<semaphore_mem>>) src(%dma_wait3A_35 : memref<128xi32, #tpu.memory_space<hbm>>) dst(%arg5 : memref<128xi32, #tpu.memory_space<vmem>>)
      %dma_start3A_36 = arith.constant 0 : i32
      %dma_start3A_37 = arith.constant 0 : i32
      %dma_start3A_38 = tpu.memref_slice %arg2[%dma_start3A_36, %dma_start3A_37] : memref<163840x64xf32, #tpu.memory_space<hbm>> -> memref<163840x64xf32, #tpu.memory_space<hbm>>
      tpu.enqueue_indirect_dma source(%dma_start3A_38 : memref<163840x64xf32, #tpu.memory_space<hbm>>) target(%arg7 : memref<128x64xf32, #tpu.memory_space<vmem>>) offsets(%arg5 : memref<128xi32, #tpu.memory_space<vmem>>) semaphore(%arg11 : memref<!tpu.dma_semaphore, #tpu.memory_space<semaphore_mem>>)
      %dma_wait3A_39 = arith.constant 0 : i32
      %dma_wait3A_40 = arith.constant 0 : i32
      %dma_wait3A_41 = tpu.memref_slice %arg2[%dma_wait3A_39, %dma_wait3A_40] : memref<163840x64xf32, #tpu.memory_space<hbm>> -> memref<163840x64xf32, #tpu.memory_space<hbm>>
      tpu.wait_indirect_dma semaphore(%arg11 : memref<!tpu.dma_semaphore, #tpu.memory_space<semaphore_mem>>) src(%dma_wait3A_41 : memref<163840x64xf32, #tpu.memory_space<hbm>>) dst(%arg7 : memref<128x64xf32, #tpu.memory_space<vmem>>)
      %dma_start3A_42 = arith.constant 0 : i32
      %dma_start3A_43 = tpu.memref_slice %arg4[%add3A_31, %dma_start3A_42] : memref<163840x64xf32, #tpu.memory_space<hbm>> -> memref<128x64xf32, #tpu.memory_space<hbm>>
      %dma_start3A_44 = arith.constant 0 : i32
      %dma_start3A_45 = tpu.memref_slice %arg4[%add3A_31, %dma_start3A_44] : memref<163840x64xf32, #tpu.memory_space<hbm>> -> memref<128x64xf32, #tpu.memory_space<hbm>>
      tpu.enqueue_dma source(%arg7 : memref<128x64xf32, #tpu.memory_space<vmem>>) target(%dma_start3A_45 : memref<128x64xf32, #tpu.memory_space<hbm>>) target_semaphore(%arg13 : memref<!tpu.dma_semaphore, #tpu.memory_space<semaphore_mem>>)
      %add3A_46 = arith.constant 2 : i32
      %add3A_47 = arith.addi %add3A_28, %add3A_46 : i32
      %lt3A = arith.constant 40 : i32
      %lt3A_48 = arith.cmpi slt, %add3A_47, %lt3A : i32
      %convert_element_type3A_49 = arith.extui %lt3A_48 : i1 to i32
      %cond3A_50 = arith.constant 0 : i32
      %cond3A_51 = arith.cmpi ne, %convert_element_type3A_49, %cond3A_50 : i32
      scf.if %cond3A_51 {
        %add3A_83 = arith.constant 256 : i32
        %add3A_84 = arith.addi %add3A_31, %add3A_83 : i32
        %dma_start3A_85 = tpu.memref_slice %arg3[%add3A_84] : memref<163840xi32, #tpu.memory_space<hbm>> -> memref<128xi32, #tpu.memory_space<hbm>>
        %dma_start3A_86 = tpu.memref_slice %arg3[%add3A_84] : memref<163840xi32, #tpu.memory_space<hbm>> -> memref<128xi32, #tpu.memory_space<hbm>>
        tpu.enqueue_dma source(%dma_start3A_86 : memref<128xi32, #tpu.memory_space<hbm>>) target(%arg5 : memref<128xi32, #tpu.memory_space<vmem>>) target_semaphore(%arg9 : memref<!tpu.dma_semaphore, #tpu.memory_space<semaphore_mem>>)
      } else {
      }
      %mul3A_52 = arith.constant 2 : i32
      %mul3A_53 = arith.muli %mul3A_52, %scan3A_24 : i32
      %add3A_54 = arith.constant 1 : i32
      %add3A_55 = arith.addi %mul3A_53, %add3A_54 : i32
      %mul3A_56 = arith.constant 128 : i32
      %mul3A_57 = arith.muli %add3A_55, %mul3A_56 : i32
      %add3A_58 = arith.addi %mul3A_2, %mul3A_57 : i32
      %gt3A_59 = arith.constant 0 : i32
      %gt3A_60 = arith.cmpi sgt, %scan3A_24, %gt3A_59 : i32
      %convert_element_type3A_61 = arith.extui %gt3A_60 : i1 to i32
      %cond3A_62 = arith.constant 0 : i32
      %cond3A_63 = arith.cmpi ne, %convert_element_type3A_61, %cond3A_62 : i32
      scf.if %cond3A_63 {
        %sub3A = arith.constant 256 : i32
        %sub3A_83 = arith.subi %add3A_58, %sub3A : i32
        %dma_wait3A_84 = arith.constant 0 : i32
        %dma_wait3A_85 = tpu.memref_slice %arg4[%sub3A_83, %dma_wait3A_84] : memref<163840x64xf32, #tpu.memory_space<hbm>> -> memref<128x64xf32, #tpu.memory_space<hbm>>
        %dma_wait3A_86 = arith.constant 0 : i32
        %dma_wait3A_87 = tpu.memref_slice %arg4[%sub3A_83, %dma_wait3A_86] : memref<163840x64xf32, #tpu.memory_space<hbm>> -> memref<128x64xf32, #tpu.memory_space<hbm>>
        tpu.wait_dma2 semaphore(%arg14 : memref<!tpu.dma_semaphore, #tpu.memory_space<semaphore_mem>>) src(%arg8 : memref<128x64xf32, #tpu.memory_space<vmem>>) dst(%dma_wait3A_87 : memref<128x64xf32, #tpu.memory_space<hbm>>)
      } else {
      }
      %dma_wait3A_64 = tpu.memref_slice %arg3[%add3A_58] : memref<163840xi32, #tpu.memory_space<hbm>> -> memref<128xi32, #tpu.memory_space<hbm>>
      %dma_wait3A_65 = tpu.memref_slice %arg3[%add3A_58] : memref<163840xi32, #tpu.memory_space<hbm>> -> memref<128xi32, #tpu.memory_space<hbm>>
      tpu.wait_dma2 semaphore(%arg10 : memref<!tpu.dma_semaphore, #tpu.memory_space<semaphore_mem>>) src(%dma_wait3A_65 : memref<128xi32, #tpu.memory_space<hbm>>) dst(%arg6 : memref<128xi32, #tpu.memory_space<vmem>>)
      %dma_start3A_66 = arith.constant 0 : i32
      %dma_start3A_67 = arith.constant 0 : i32
      %dma_start3A_68 = tpu.memref_slice %arg2[%dma_start3A_66, %dma_start3A_67] : memref<163840x64xf32, #tpu.memory_space<hbm>> -> memref<163840x64xf32, #tpu.memory_space<hbm>>
      tpu.enqueue_indirect_dma source(%dma_start3A_68 : memref<163840x64xf32, #tpu.memory_space<hbm>>) target(%arg8 : memref<128x64xf32, #tpu.memory_space<vmem>>) offsets(%arg6 : memref<128xi32, #tpu.memory_space<vmem>>) semaphore(%arg12 : memref<!tpu.dma_semaphore, #tpu.memory_space<semaphore_mem>>)
      %dma_wait3A_69 = arith.constant 0 : i32
      %dma_wait3A_70 = arith.constant 0 : i32
      %dma_wait3A_71 = tpu.memref_slice %arg2[%dma_wait3A_69, %dma_wait3A_70] : memref<163840x64xf32, #tpu.memory_space<hbm>> -> memref<163840x64xf32, #tpu.memory_space<hbm>>
      tpu.wait_indirect_dma semaphore(%arg12 : memref<!tpu.dma_semaphore, #tpu.memory_space<semaphore_mem>>) src(%dma_wait3A_71 : memref<163840x64xf32, #tpu.memory_space<hbm>>) dst(%arg8 : memref<128x64xf32, #tpu.memory_space<vmem>>)
      %dma_start3A_72 = arith.constant 0 : i32
      %dma_start3A_73 = tpu.memref_slice %arg4[%add3A_58, %dma_start3A_72] : memref<163840x64xf32, #tpu.memory_space<hbm>> -> memref<128x64xf32, #tpu.memory_space<hbm>>
      %dma_start3A_74 = arith.constant 0 : i32
      %dma_start3A_75 = tpu.memref_slice %arg4[%add3A_58, %dma_start3A_74] : memref<163840x64xf32, #tpu.memory_space<hbm>> -> memref<128x64xf32, #tpu.memory_space<hbm>>
      tpu.enqueue_dma source(%arg8 : memref<128x64xf32, #tpu.memory_space<vmem>>) target(%dma_start3A_75 : memref<128x64xf32, #tpu.memory_space<hbm>>) target_semaphore(%arg14 : memref<!tpu.dma_semaphore, #tpu.memory_space<semaphore_mem>>)
      %add3A_76 = arith.constant 2 : i32
      %add3A_77 = arith.addi %add3A_55, %add3A_76 : i32
      %lt3A_78 = arith.constant 40 : i32
      %lt3A_79 = arith.cmpi slt, %add3A_77, %lt3A_78 : i32
      %convert_element_type3A_80 = arith.extui %lt3A_79 : i1 to i32
      %cond3A_81 = arith.constant 0 : i32
      %cond3A_82 = arith.cmpi ne, %convert_element_type3A_80, %cond3A_81 : i32
      scf.if %cond3A_82 {
        %add3A_83 = arith.constant 256 : i32
        %add3A_84 = arith.addi %add3A_58, %add3A_83 : i32
        %dma_start3A_85 = tpu.memref_slice %arg3[%add3A_84] : memref<163840xi32, #tpu.memory_space<hbm>> -> memref<128xi32, #tpu.memory_space<hbm>>
        %dma_start3A_86 = tpu.memref_slice %arg3[%add3A_84] : memref<163840xi32, #tpu.memory_space<hbm>> -> memref<128xi32, #tpu.memory_space<hbm>>
        tpu.enqueue_dma source(%dma_start3A_86 : memref<128xi32, #tpu.memory_space<hbm>>) target(%arg6 : memref<128xi32, #tpu.memory_space<vmem>>) target_semaphore(%arg10 : memref<!tpu.dma_semaphore, #tpu.memory_space<semaphore_mem>>)
      } else {
      }
    }
    %scan3A_12 = arith.constant 20 : i32
    %add3A_13 = arith.constant 4864 : i32
    %add3A_14 = arith.addi %mul3A_2, %add3A_13 : i32
    %dma_wait3A = arith.constant 0 : i32
    %dma_wait3A_15 = tpu.memref_slice %arg4[%add3A_14, %dma_wait3A] : memref<163840x64xf32, #tpu.memory_space<hbm>> -> memref<128x64xf32, #tpu.memory_space<hbm>>
    %dma_wait3A_16 = arith.constant 0 : i32
    %dma_wait3A_17 = tpu.memref_slice %arg4[%add3A_14, %dma_wait3A_16] : memref<163840x64xf32, #tpu.memory_space<hbm>> -> memref<128x64xf32, #tpu.memory_space<hbm>>
    tpu.wait_dma2 semaphore(%arg13 : memref<!tpu.dma_semaphore, #tpu.memory_space<semaphore_mem>>) src(%arg7 : memref<128x64xf32, #tpu.memory_space<vmem>>) dst(%dma_wait3A_17 : memref<128x64xf32, #tpu.memory_space<hbm>>)
    %add3A_18 = arith.constant 4992 : i32
    %add3A_19 = arith.addi %mul3A_2, %add3A_18 : i32
    %dma_wait3A_20 = arith.constant 0 : i32
    %dma_wait3A_21 = tpu.memref_slice %arg4[%add3A_19, %dma_wait3A_20] : memref<163840x64xf32, #tpu.memory_space<hbm>> -> memref<128x64xf32, #tpu.memory_space<hbm>>
    %dma_wait3A_22 = arith.constant 0 : i32
    %dma_wait3A_23 = tpu.memref_slice %arg4[%add3A_19, %dma_wait3A_22] : memref<163840x64xf32, #tpu.memory_space<hbm>> -> memref<128x64xf32, #tpu.memory_space<hbm>>
    tpu.wait_dma2 semaphore(%arg14 : memref<!tpu.dma_semaphore, #tpu.memory_space<semaphore_mem>>) src(%arg8 : memref<128x64xf32, #tpu.memory_space<vmem>>) dst(%dma_wait3A_23 : memref<128x64xf32, #tpu.memory_space<hbm>>)
    return
  }
}

#map = affine_map<(d0, d1) -> (0, 0)>
#map1 = affine_map<(d0, d1) -> (0)>
module attributes {stable_mosaic.version = 14 : i64} {
  func.func @k(%arg0: i32, %arg1: i32, %arg2: memref<163840x64xf32, #tpu.memory_space<hbm>>, %arg3: memref<163840xi32, #tpu.memory_space<hbm>>, %arg4: memref<163840x64xf32, #tpu.memory_space<hbm>>, %arg5: memref<128xi32, #tpu.memory_space<vmem>>, %arg6: memref<128xi32, #tpu.memory_space<vmem>>, %arg7: memref<128x64xf32, #tpu.memory_space<vmem>>, %arg8: memref<128x64xf32, #tpu.memory_space<vmem>>, %arg9: memref<!tpu.dma_semaphore, #tpu.memory_space<semaphore_mem>>, %arg10: memref<!tpu.dma_semaphore, #tpu.memory_space<semaphore_mem>>, %arg11: memref<!tpu.dma_semaphore, #tpu.memory_space<semaphore_mem>>, %arg12: memref<!tpu.dma_semaphore, #tpu.memory_space<semaphore_mem>>, %arg13: memref<!tpu.dma_semaphore, #tpu.memory_space<semaphore_mem>>, %arg14: memref<!tpu.dma_semaphore, #tpu.memory_space<semaphore_mem>>) attributes {dimension_semantics = [#tpu.dimension_semantics<core_parallel>, #tpu.dimension_semantics<subcore_parallel>], iteration_bounds = array<i64: 2, 16>, scalar_prefetch = 0 : i64, scratch_operands = 10 : i64, tpu.core_type = #tpu.core_type<sc_vector_subcore>, window_params = [{transform_indices = #map}, {transform_indices = #map1}, {transform_indices = #map}]} {
    %mul3A = arith.constant 2 : i32
    %mul3A_0 = arith.muli %arg1, %mul3A : i32
    %add3A = arith.addi %mul3A_0, %arg0 : i32
    %mul3A_1 = arith.constant 5120 : i32
    %mul3A_2 = arith.muli %add3A, %mul3A_1 : i32
    %dma_start3A = tpu.memref_slice %arg3[%mul3A_2] : memref<163840xi32, #tpu.memory_space<hbm>> -> memref<128xi32, #tpu.memory_space<hbm>>
    %dma_start3A_3 = tpu.memref_slice %arg3[%mul3A_2] : memref<163840xi32, #tpu.memory_space<hbm>> -> memref<128xi32, #tpu.memory_space<hbm>>
    tpu.enqueue_dma source(%dma_start3A_3 : memref<128xi32, #tpu.memory_space<hbm>>) target(%arg5 : memref<128xi32, #tpu.memory_space<vmem>>) target_semaphore(%arg9 : memref<!tpu.dma_semaphore, #tpu.memory_space<semaphore_mem>>)
    %add3A_4 = arith.constant 128 : i32
    %add3A_5 = arith.addi %mul3A_2, %add3A_4 : i32
    %dma_start3A_6 = tpu.memref_slice %arg3[%add3A_5] : memref<163840xi32, #tpu.memory_space<hbm>> -> memref<128xi32, #tpu.memory_space<hbm>>
    %dma_start3A_7 = tpu.memref_slice %arg3[%add3A_5] : memref<163840xi32, #tpu.memory_space<hbm>> -> memref<128xi32, #tpu.memory_space<hbm>>
    tpu.enqueue_dma source(%dma_start3A_7 : memref<128xi32, #tpu.memory_space<hbm>>) target(%arg6 : memref<128xi32, #tpu.memory_space<vmem>>) target_semaphore(%arg10 : memref<!tpu.dma_semaphore, #tpu.memory_space<semaphore_mem>>)
    %scan3A = arith.constant 0 : i32
    %scan3A_8 = arith.constant 0 : i32
    %scan3A_9 = arith.constant 20 : i32
    %scan3A_10 = arith.addi %scan3A_8, %scan3A_9 : i32
    %scan3A_11 = arith.constant 1 : i32
    scf.for %scan3A_24 = %scan3A_8 to %scan3A_10 step %scan3A_11  : i32 {
      %mul3A_25 = arith.constant 2 : i32
      %mul3A_26 = arith.muli %mul3A_25, %scan3A_24 : i32
      %add3A_27 = arith.constant 0 : i32
      %add3A_28 = arith.addi %mul3A_26, %add3A_27 : i32
      %mul3A_29 = arith.constant 128 : i32
      %mul3A_30 = arith.muli %add3A_28, %mul3A_29 : i32
      %add3A_31 = arith.addi %mul3A_2, %mul3A_30 : i32
      %gt3A = arith.constant 0 : i32
      %gt3A_32 = arith.cmpi sgt, %scan3A_24, %gt3A : i32
      %convert_element_type3A = arith.extui %gt3A_32 : i1 to i32
      %cond3A = arith.constant 0 : i32
      %cond3A_33 = arith.cmpi ne, %convert_element_type3A, %cond3A : i32
      scf.if %cond3A_33 {
        %sub3A = arith.constant 256 : i32
        %sub3A_83 = arith.subi %add3A_31, %sub3A : i32
        %dma_wait3A_84 = arith.constant 0 : i32
        %dma_wait3A_85 = tpu.memref_slice %arg4[%sub3A_83, %dma_wait3A_84] : memref<163840x64xf32, #tpu.memory_space<hbm>> -> memref<128x64xf32, #tpu.memory_space<hbm>>
        %dma_wait3A_86 = arith.constant 0 : i32
        %dma_wait3A_87 = tpu.memref_slice %arg4[%sub3A_83, %dma_wait3A_86] : memref<163840x64xf32, #tpu.memory_space<hbm>> -> memref<128x64xf32, #tpu.memory_space<hbm>>
        tpu.wait_dma2 semaphore(%arg13 : memref<!tpu.dma_semaphore, #tpu.memory_space<semaphore_mem>>) src(%arg7 : memref<128x64xf32, #tpu.memory_space<vmem>>) dst(%dma_wait3A_87 : memref<128x64xf32, #tpu.memory_space<hbm>>)
      } else {
      }
      %dma_wait3A_34 = tpu.memref_slice %arg3[%add3A_31] : memref<163840xi32, #tpu.memory_space<hbm>> -> memref<128xi32, #tpu.memory_space<hbm>>
      %dma_wait3A_35 = tpu.memref_slice %arg3[%add3A_31] : memref<163840xi32, #tpu.memory_space<hbm>> -> memref<128xi32, #tpu.memory_space<hbm>>
      tpu.wait_dma2 semaphore(%arg9 : memref<!tpu.dma_semaphore, #tpu.memory_space<semaphore_mem>>) src(%dma_wait3A_35 : memref<128xi32, #tpu.memory_space<hbm>>) dst(%arg5 : memref<128xi32, #tpu.memory_space<vmem>>)
      %dma_start3A_36 = arith.constant 0 : i32
      %dma_start3A_37 = arith.constant 0 : i32
      %dma_start3A_38 = tpu.memref_slice %arg2[%dma_start3A_36, %dma_start3A_37] : memref<163840x64xf32, #tpu.memory_space<hbm>> -> memref<163840x64xf32, #tpu.memory_space<hbm>>
      tpu.enqueue_indirect_dma source(%dma_start3A_38 : memref<163840x64xf32, #tpu.memory_space<hbm>>) target(%arg7 : memref<128x64xf32, #tpu.memory_space<vmem>>) offsets(%arg5 : memref<128xi32, #tpu.memory_space<vmem>>) semaphore(%arg11 : memref<!tpu.dma_semaphore, #tpu.memory_space<semaphore_mem>>)
      %dma_wait3A_39 = arith.constant 0 : i32
      %dma_wait3A_40 = arith.constant 0 : i32
      %dma_wait3A_41 = tpu.memref_slice %arg2[%dma_wait3A_39, %dma_wait3A_40] : memref<163840x64xf32, #tpu.memory_space<hbm>> -> memref<163840x64xf32, #tpu.memory_space<hbm>>
      tpu.wait_indirect_dma semaphore(%arg11 : memref<!tpu.dma_semaphore, #tpu.memory_space<semaphore_mem>>) src(%dma_wait3A_41 : memref<163840x64xf32, #tpu.memory_space<hbm>>) dst(%arg7 : memref<128x64xf32, #tpu.memory_space<vmem>>)
      %dma_start3A_42 = arith.constant 0 : i32
      %dma_start3A_43 = tpu.memref_slice %arg4[%add3A_31, %dma_start3A_42] : memref<163840x64xf32, #tpu.memory_space<hbm>> -> memref<128x64xf32, #tpu.memory_space<hbm>>
      %dma_start3A_44 = arith.constant 0 : i32
      %dma_start3A_45 = tpu.memref_slice %arg4[%add3A_31, %dma_start3A_44] : memref<163840x64xf32, #tpu.memory_space<hbm>> -> memref<128x64xf32, #tpu.memory_space<hbm>>
      tpu.enqueue_dma source(%arg7 : memref<128x64xf32, #tpu.memory_space<vmem>>) target(%dma_start3A_45 : memref<128x64xf32, #tpu.memory_space<hbm>>) target_semaphore(%arg13 : memref<!tpu.dma_semaphore, #tpu.memory_space<semaphore_mem>>)
      %add3A_46 = arith.constant 2 : i32
      %add3A_47 = arith.addi %add3A_28, %add3A_46 : i32
      %lt3A = arith.constant 40 : i32
      %lt3A_48 = arith.cmpi slt, %add3A_47, %lt3A : i32
      %convert_element_type3A_49 = arith.extui %lt3A_48 : i1 to i32
      %cond3A_50 = arith.constant 0 : i32
      %cond3A_51 = arith.cmpi ne, %convert_element_type3A_49, %cond3A_50 : i32
      scf.if %cond3A_51 {
        %add3A_83 = arith.constant 256 : i32
        %add3A_84 = arith.addi %add3A_31, %add3A_83 : i32
        %dma_start3A_85 = tpu.memref_slice %arg3[%add3A_84] : memref<163840xi32, #tpu.memory_space<hbm>> -> memref<128xi32, #tpu.memory_space<hbm>>
        %dma_start3A_86 = tpu.memref_slice %arg3[%add3A_84] : memref<163840xi32, #tpu.memory_space<hbm>> -> memref<128xi32, #tpu.memory_space<hbm>>
        tpu.enqueue_dma source(%dma_start3A_86 : memref<128xi32, #tpu.memory_space<hbm>>) target(%arg5 : memref<128xi32, #tpu.memory_space<vmem>>) target_semaphore(%arg9 : memref<!tpu.dma_semaphore, #tpu.memory_space<semaphore_mem>>)
      } else {
      }
      %mul3A_52 = arith.constant 2 : i32
      %mul3A_53 = arith.muli %mul3A_52, %scan3A_24 : i32
      %add3A_54 = arith.constant 1 : i32
      %add3A_55 = arith.addi %mul3A_53, %add3A_54 : i32
      %mul3A_56 = arith.constant 128 : i32
      %mul3A_57 = arith.muli %add3A_55, %mul3A_56 : i32
      %add3A_58 = arith.addi %mul3A_2, %mul3A_57 : i32
      %gt3A_59 = arith.constant 0 : i32
      %gt3A_60 = arith.cmpi sgt, %scan3A_24, %gt3A_59 : i32
      %convert_element_type3A_61 = arith.extui %gt3A_60 : i1 to i32
      %cond3A_62 = arith.constant 0 : i32
      %cond3A_63 = arith.cmpi ne, %convert_element_type3A_61, %cond3A_62 : i32
      scf.if %cond3A_63 {
        %sub3A = arith.constant 256 : i32
        %sub3A_83 = arith.subi %add3A_58, %sub3A : i32
        %dma_wait3A_84 = arith.constant 0 : i32
        %dma_wait3A_85 = tpu.memref_slice %arg4[%sub3A_83, %dma_wait3A_84] : memref<163840x64xf32, #tpu.memory_space<hbm>> -> memref<128x64xf32, #tpu.memory_space<hbm>>
        %dma_wait3A_86 = arith.constant 0 : i32
        %dma_wait3A_87 = tpu.memref_slice %arg4[%sub3A_83, %dma_wait3A_86] : memref<163840x64xf32, #tpu.memory_space<hbm>> -> memref<128x64xf32, #tpu.memory_space<hbm>>
        tpu.wait_dma2 semaphore(%arg14 : memref<!tpu.dma_semaphore, #tpu.memory_space<semaphore_mem>>) src(%arg8 : memref<128x64xf32, #tpu.memory_space<vmem>>) dst(%dma_wait3A_87 : memref<128x64xf32, #tpu.memory_space<hbm>>)
      } else {
      }
      %dma_wait3A_64 = tpu.memref_slice %arg3[%add3A_58] : memref<163840xi32, #tpu.memory_space<hbm>> -> memref<128xi32, #tpu.memory_space<hbm>>
      %dma_wait3A_65 = tpu.memref_slice %arg3[%add3A_58] : memref<163840xi32, #tpu.memory_space<hbm>> -> memref<128xi32, #tpu.memory_space<hbm>>
      tpu.wait_dma2 semaphore(%arg10 : memref<!tpu.dma_semaphore, #tpu.memory_space<semaphore_mem>>) src(%dma_wait3A_65 : memref<128xi32, #tpu.memory_space<hbm>>) dst(%arg6 : memref<128xi32, #tpu.memory_space<vmem>>)
      %dma_start3A_66 = arith.constant 0 : i32
      %dma_start3A_67 = arith.constant 0 : i32
      %dma_start3A_68 = tpu.memref_slice %arg2[%dma_start3A_66, %dma_start3A_67] : memref<163840x64xf32, #tpu.memory_space<hbm>> -> memref<163840x64xf32, #tpu.memory_space<hbm>>
      tpu.enqueue_indirect_dma source(%dma_start3A_68 : memref<163840x64xf32, #tpu.memory_space<hbm>>) target(%arg8 : memref<128x64xf32, #tpu.memory_space<vmem>>) offsets(%arg6 : memref<128xi32, #tpu.memory_space<vmem>>) semaphore(%arg12 : memref<!tpu.dma_semaphore, #tpu.memory_space<semaphore_mem>>)
      %dma_wait3A_69 = arith.constant 0 : i32
      %dma_wait3A_70 = arith.constant 0 : i32
      %dma_wait3A_71 = tpu.memref_slice %arg2[%dma_wait3A_69, %dma_wait3A_70] : memref<163840x64xf32, #tpu.memory_space<hbm>> -> memref<163840x64xf32, #tpu.memory_space<hbm>>
      tpu.wait_indirect_dma semaphore(%arg12 : memref<!tpu.dma_semaphore, #tpu.memory_space<semaphore_mem>>) src(%dma_wait3A_71 : memref<163840x64xf32, #tpu.memory_space<hbm>>) dst(%arg8 : memref<128x64xf32, #tpu.memory_space<vmem>>)
      %dma_start3A_72 = arith.constant 0 : i32
      %dma_start3A_73 = tpu.memref_slice %arg4[%add3A_58, %dma_start3A_72] : memref<163840x64xf32, #tpu.memory_space<hbm>> -> memref<128x64xf32, #tpu.memory_space<hbm>>
      %dma_start3A_74 = arith.constant 0 : i32
      %dma_start3A_75 = tpu.memref_slice %arg4[%add3A_58, %dma_start3A_74] : memref<163840x64xf32, #tpu.memory_space<hbm>> -> memref<128x64xf32, #tpu.memory_space<hbm>>
      tpu.enqueue_dma source(%arg8 : memref<128x64xf32, #tpu.memory_space<vmem>>) target(%dma_start3A_75 : memref<128x64xf32, #tpu.memory_space<hbm>>) target_semaphore(%arg14 : memref<!tpu.dma_semaphore, #tpu.memory_space<semaphore_mem>>)
      %add3A_76 = arith.constant 2 : i32
      %add3A_77 = arith.addi %add3A_55, %add3A_76 : i32
      %lt3A_78 = arith.constant 40 : i32
      %lt3A_79 = arith.cmpi slt, %add3A_77, %lt3A_78 : i32
      %convert_element_type3A_80 = arith.extui %lt3A_79 : i1 to i32
      %cond3A_81 = arith.constant 0 : i32
      %cond3A_82 = arith.cmpi ne, %convert_element_type3A_80, %cond3A_81 : i32
      scf.if %cond3A_82 {
        %add3A_83 = arith.constant 256 : i32
        %add3A_84 = arith.addi %add3A_58, %add3A_83 : i32
        %dma_start3A_85 = tpu.memref_slice %arg3[%add3A_84] : memref<163840xi32, #tpu.memory_space<hbm>> -> memref<128xi32, #tpu.memory_space<hbm>>
        %dma_start3A_86 = tpu.memref_slice %arg3[%add3A_84] : memref<163840xi32, #tpu.memory_space<hbm>> -> memref<128xi32, #tpu.memory_space<hbm>>
        tpu.enqueue_dma source(%dma_start3A_86 : memref<128xi32, #tpu.memory_space<hbm>>) target(%arg6 : memref<128xi32, #tpu.memory_space<vmem>>) target_semaphore(%arg10 : memref<!tpu.dma_semaphore, #tpu.memory_space<semaphore_mem>>)
      } else {
      }
    }
    %scan3A_12 = arith.constant 20 : i32
    %add3A_13 = arith.constant 4864 : i32
    %add3A_14 = arith.addi %mul3A_2, %add3A_13 : i32
    %dma_wait3A = arith.constant 0 : i32
    %dma_wait3A_15 = tpu.memref_slice %arg4[%add3A_14, %dma_wait3A] : memref<163840x64xf32, #tpu.memory_space<hbm>> -> memref<128x64xf32, #tpu.memory_space<hbm>>
    %dma_wait3A_16 = arith.constant 0 : i32
    %dma_wait3A_17 = tpu.memref_slice %arg4[%add3A_14, %dma_wait3A_16] : memref<163840x64xf32, #tpu.memory_space<hbm>> -> memref<128x64xf32, #tpu.memory_space<hbm>>
    tpu.wait_dma2 semaphore(%arg13 : memref<!tpu.dma_semaphore, #tpu.memory_space<semaphore_mem>>) src(%arg7 : memref<128x64xf32, #tpu.memory_space<vmem>>) dst(%dma_wait3A_17 : memref<128x64xf32, #tpu.memory_space<hbm>>)
    %add3A_18 = arith.constant 4992 : i32
    %add3A_19 = arith.addi %mul3A_2, %add3A_18 : i32
    %dma_wait3A_20 = arith.constant 0 : i32
    %dma_wait3A_21 = tpu.memref_slice %arg4[%add3A_19, %dma_wait3A_20] : memref<163840x64xf32, #tpu.memory_space<hbm>> -> memref<128x64xf32, #tpu.memory_space<hbm>>
    %dma_wait3A_22 = arith.constant 0 : i32
    %dma_wait3A_23 = tpu.memref_slice %arg4[%add3A_19, %dma_wait3A_22] : memref<163840x64xf32, #tpu.memory_space<hbm>> -> memref<128x64xf32, #tpu.memory_space<hbm>>
    tpu.wait_dma2 semaphore(%arg14 : memref<!tpu.dma_semaphore, #tpu.memory_space<semaphore_mem>>) src(%arg8 : memref<128x64xf32, #tpu.memory_space<vmem>>) dst(%dma_wait3A_23 : memref<128x64xf32, #tpu.memory_space<hbm>>)
    return
  }
}

module attributes {stable_mosaic.version = 14 : i64} {
  func.func @_node_emb_body(%arg0: i32, %arg1: memref<512x48xf32, #tpu.memory_space<vmem>>, %arg2: memref<48x128xf32, #tpu.memory_space<vmem>>, %arg3: memref<512x128xf32, #tpu.memory_space<vmem>>) attributes {dimension_semantics = [#tpu.dimension_semantics<arbitrary>], iteration_bounds = array<i64: 20>, scalar_prefetch = 0 : i64, scratch_operands = 0 : i64, tpu.core_type = #tpu.core_type<tc>, window_params = [{transform_indices = @transform_0, window_bounds = array<i64: 512, 48>}, {pipeline_mode = #tpu.pipeline_mode<synchronous>, transform_indices = @transform_1, window_bounds = array<i64: 48, 128>}, {transform_indices = @transform_2, window_bounds = array<i64: 512, 128>}]} {
    %get3A = arith.constant 0 : index
    %get3A_0 = arith.constant 0 : index
    %get3A_1 = vector.load %arg1[%get3A, %get3A_0] : memref<512x48xf32, #tpu.memory_space<vmem>>, vector<512x48xf32>
    %get3A_2 = arith.constant 0 : index
    %get3A_3 = arith.constant 0 : index
    %get3A_4 = vector.load %arg2[%get3A_2, %get3A_3] : memref<48x128xf32, #tpu.memory_space<vmem>>, vector<48x128xf32>
    %dot_general3A = arith.constant dense<0.000000e+00> : vector<512x128xf32>
    %dot_general3A_5 = tpu.matmul %get3A_1, %get3A_4, %dot_general3A {dimension_numbers = #tpu.dot_dimension_numbers<[1], [0], [0], [1], [0, 0, 1, 1], [], []>, transpose_lhs_hint = false} : vector<512x48xf32>, vector<48x128xf32>, vector<512x128xf32> -> vector<512x128xf32>
    %swap3A = arith.constant 0 : index
    %swap3A_6 = arith.constant 0 : index
    %swap3A_7 = vector.load %arg3[%swap3A, %swap3A_6] : memref<512x128xf32, #tpu.memory_space<vmem>>, vector<512x128xf32>
    tpu.vector_store %arg3[%swap3A, %swap3A_6], %dot_general3A_5 {strides = array<i32>} : memref<512x128xf32, #tpu.memory_space<vmem>>, vector<512x128xf32>,
    return
  }
  func.func @transform_0(%arg0: i32) -> (i32, i32) {
    %c0_i32 = arith.constant 0 : i32
    %c0_i32_0 = arith.constant 0 : i32
    return %arg0, %c0_i32 : i32, i32
  }
  func.func @transform_1(%arg0: i32) -> (i32, i32) {
    %c0_i32 = arith.constant 0 : i32
    %c0_i32_0 = arith.constant 0 : i32
    %c0_i32_1 = arith.constant 0 : i32
    return %c0_i32, %c0_i32_0 : i32, i32
  }
  func.func @transform_2(%arg0: i32) -> (i32, i32) {
    %c0_i32 = arith.constant 0 : i32
    %c0_i32_0 = arith.constant 0 : i32
    return %arg0, %c0_i32 : i32, i32
  }
}

module attributes {stable_mosaic.version = 14 : i64} {
  func.func @_geom_body(%arg0: i32, %arg1: memref<512x16xf32, #tpu.memory_space<vmem>>, %arg2: memref<512x16xf32, #tpu.memory_space<vmem>>, %arg3: memref<512x16xf32, #tpu.memory_space<vmem>>, %arg4: memref<6x24xf32, #tpu.memory_space<vmem>>, %arg5: memref<42x24xf32, #tpu.memory_space<vmem>>, %arg6: memref<294x24xf32, #tpu.memory_space<vmem>>, %arg7: memref<512x24xf32, #tpu.memory_space<vmem>>, %arg8: memref<512x24xf32, #tpu.memory_space<vmem>>, %arg9: memref<512x24xf32, #tpu.memory_space<vmem>>) attributes {dimension_semantics = [#tpu.dimension_semantics<arbitrary>], iteration_bounds = array<i64: 320>, scalar_prefetch = 0 : i64, scratch_operands = 0 : i64, tpu.core_type = #tpu.core_type<tc>, window_params = [{transform_indices = @transform_0, window_bounds = array<i64: 512, 16>}, {transform_indices = @transform_1, window_bounds = array<i64: 512, 16>}, {transform_indices = @transform_2, window_bounds = array<i64: 512, 16>}, {pipeline_mode = #tpu.pipeline_mode<synchronous>, transform_indices = @transform_3, window_bounds = array<i64: 6, 24>}, {pipeline_mode = #tpu.pipeline_mode<synchronous>, transform_indices = @transform_4, window_bounds = array<i64: 42, 24>}, {pipeline_mode = #tpu.pipeline_mode<synchronous>, transform_indices = @transform_5, window_bounds = array<i64: 294, 24>}, {transform_indices = @transform_6, window_bounds = array<i64: 512, 24>}, {transform_indices = @transform_7, window_bounds = array<i64: 512, 24>}, {transform_indices = @transform_8, window_bounds = array<i64: 512, 24>}]} {
    %get3A = arith.constant 0 : index
    %get3A_0 = arith.constant 0 : index
    %get3A_1 = vector.load %arg1[%get3A, %get3A_0] : memref<512x16xf32, #tpu.memory_space<vmem>>, vector<512x16xf32>
    %slice3A = vector.extract_strided_slice %get3A_1 {offsets = [0, 0], sizes = [512, 3], strides = [1, 1]} : vector<512x16xf32> to vector<512x3xf32>
    %get3A_2 = arith.constant 0 : index
    %get3A_3 = arith.constant 0 : index
    %get3A_4 = vector.load %arg2[%get3A_2, %get3A_3] : memref<512x16xf32, #tpu.memory_space<vmem>>, vector<512x16xf32>
    %slice3A_5 = vector.extract_strided_slice %get3A_4 {offsets = [0, 0], sizes = [512, 3], strides = [1, 1]} : vector<512x16xf32> to vector<512x3xf32>
    %get3A_6 = arith.constant 0 : index
    %get3A_7 = arith.constant 0 : index
    %get3A_8 = vector.load %arg3[%get3A_6, %get3A_7] : memref<512x16xf32, #tpu.memory_space<vmem>>, vector<512x16xf32>
    %slice3A_9 = vector.extract_strided_slice %get3A_8 {offsets = [0, 0], sizes = [512, 3], strides = [1, 1]} : vector<512x16xf32> to vector<512x3xf32>
    %sub3A = arith.subf %slice3A, %slice3A_5 : vector<512x3xf32>
    %sub3A_10 = arith.subf %slice3A_9, %slice3A_5 : vector<512x3xf32>
    %mul3A = arith.mulf %sub3A, %sub3A : vector<512x3xf32>
    %reduce_sum3A = arith.constant dense<0.000000e+00> : vector<512xf32>
    %reduce_sum3A_11 = vector.multi_reduction <add>, %mul3A, %reduce_sum3A [1] : vector<512x3xf32> to vector<512xf32>
    %broadcast_in_dim3A = vector.shape_cast %reduce_sum3A_11 : vector<512xf32> to vector<512x1xf32>
    %add3A = arith.constant 9.99999996E-13 : f32
    %add3A_12 = vector.broadcast %add3A : f32 to vector<512x1xf32>
    %add3A_13 = arith.addf %broadcast_in_dim3A, %add3A_12 : vector<512x1xf32>
    %sqrt3A = math.sqrt %add3A_13 : vector<512x1xf32>
    %mul3A_14 = arith.mulf %sub3A_10, %sub3A_10 : vector<512x3xf32>
    %reduce_sum3A_15 = arith.constant dense<0.000000e+00> : vector<512xf32>
    %reduce_sum3A_16 = vector.multi_reduction <add>, %mul3A_14, %reduce_sum3A_15 [1] : vector<512x3xf32> to vector<512xf32>
    %broadcast_in_dim3A_17 = vector.shape_cast %reduce_sum3A_16 : vector<512xf32> to vector<512x1xf32>
    %add3A_18 = arith.constant 9.99999996E-13 : f32
    %add3A_19 = vector.broadcast %add3A_18 : f32 to vector<512x1xf32>
    %add3A_20 = arith.addf %broadcast_in_dim3A_17, %add3A_19 : vector<512x1xf32>
    %sqrt3A_21 = math.sqrt %add3A_20 : vector<512x1xf32>
    %mul3A_22 = arith.constant 2.000000e-01 : f32
    %mul3A_23 = vector.broadcast %mul3A_22 : f32 to vector<512x1xf32>
    %mul3A_24 = arith.mulf %sqrt3A, %mul3A_23 : vector<512x1xf32>
    %jit3A = arith.constant 5.000000e-02 : f32
    %jit3A_25 = arith.constant 1.000000e+00 : f32
    %max3A = vector.broadcast %jit3A : f32 to vector<512x1xf32>
    %max3A_26 = arith.maximumf %max3A, %mul3A_24 : vector<512x1xf32>
    %min3A = vector.broadcast %jit3A_25 : f32 to vector<512x1xf32>
    %min3A_27 = arith.minimumf %min3A, %max3A_26 : vector<512x1xf32>
    %mul3A_28 = arith.mulf %min3A_27, %min3A_27 : vector<512x1xf32>
    %mul3A_29 = arith.mulf %mul3A_28, %mul3A_28 : vector<512x1xf32>
    %mul3A_30 = arith.mulf %mul3A_29, %min3A_27 : vector<512x1xf32>
    %div3A = arith.constant 1.000000e+00 : f32
    %div3A_31 = vector.broadcast %div3A : f32 to vector<512x1xf32>
    %div3A_32 = arith.divf %div3A_31, %min3A_27 : vector<512x1xf32>
    %mul3A_33 = arith.constant 2.100000e+01 : f32
    %mul3A_34 = vector.broadcast %mul3A_33 : f32 to vector<512x1xf32>
    %mul3A_35 = arith.mulf %mul3A_34, %min3A_27 : vector<512x1xf32>
    %sub3A_36 = arith.constant 4.800000e+01 : f32
    %sub3A_37 = vector.broadcast %sub3A_36 : f32 to vector<512x1xf32>
    %sub3A_38 = arith.subf %sub3A_37, %mul3A_35 : vector<512x1xf32>
    %mul3A_39 = arith.mulf %min3A_27, %sub3A_38 : vector<512x1xf32>
    %add3A_40 = arith.constant -2.800000e+01 : f32
    %add3A_41 = vector.broadcast %add3A_40 : f32 to vector<512x1xf32>
    %add3A_42 = arith.addf %add3A_41, %mul3A_39 : vector<512x1xf32>
    %mul3A_43 = arith.mulf %mul3A_30, %add3A_42 : vector<512x1xf32>
    %add3A_44 = arith.addf %div3A_32, %mul3A_43 : vector<512x1xf32>
    %iota3A = tpu.iota {dimensions = array<i32: 1>} : vector<1x6xi32>
    %convert_element_type3A = arith.sitofp %iota3A : vector<1x6xi32> to vector<1x6xf32>
    %add3A_45 = arith.constant 1.000000e+00 : f32
    %add3A_46 = vector.broadcast %add3A_45 : f32 to vector<1x6xf32>
    %add3A_47 = arith.addf %convert_element_type3A, %add3A_46 : vector<1x6xf32>
    %mul3A_48 = arith.constant 3.14159274 : f32
    %mul3A_49 = vector.broadcast %mul3A_48 : f32 to vector<1x6xf32>
    %mul3A_50 = arith.mulf %add3A_47, %mul3A_49 : vector<1x6xf32>
    %mul3A_51 = vector.broadcast %min3A_27 : vector<512x1xf32> to vector<512x6xf32>
    %mul3A_52 = vector.broadcast %mul3A_50 : vector<1x6xf32> to vector<512x6xf32>
    %mul3A_53 = arith.mulf %mul3A_51, %mul3A_52 : vector<512x6xf32>
    %sin3A = math.sin %mul3A_53 : vector<512x6xf32>
    %mul3A_54 = vector.broadcast %add3A_44 : vector<512x1xf32> to vector<512x6xf32>
    %mul3A_55 = arith.mulf %mul3A_54, %sin3A : vector<512x6xf32>
    %mul3A_56 = arith.constant 2.000000e-01 : f32
    %mul3A_57 = vector.broadcast %mul3A_56 : f32 to vector<512x1xf32>
    %mul3A_58 = arith.mulf %sqrt3A_21, %mul3A_57 : vector<512x1xf32>
    %jit3A_59 = arith.constant 5.000000e-02 : f32
    %jit3A_60 = arith.constant 1.000000e+00 : f32
    %max3A_61 = vector.broadcast %jit3A_59 : f32 to vector<512x1xf32>
    %max3A_62 = arith.maximumf %max3A_61, %mul3A_58 : vector<512x1xf32>
    %min3A_63 = vector.broadcast %jit3A_60 : f32 to vector<512x1xf32>
    %min3A_64 = arith.minimumf %min3A_63, %max3A_62 : vector<512x1xf32>
    %mul3A_65 = arith.mulf %min3A_64, %min3A_64 : vector<512x1xf32>
    %mul3A_66 = arith.mulf %mul3A_65, %mul3A_65 : vector<512x1xf32>
    %mul3A_67 = arith.mulf %mul3A_66, %min3A_64 : vector<512x1xf32>
    %div3A_68 = arith.constant 1.000000e+00 : f32
    %div3A_69 = vector.broadcast %div3A_68 : f32 to vector<512x1xf32>
    %div3A_70 = arith.divf %div3A_69, %min3A_64 : vector<512x1xf32>
    %mul3A_71 = arith.constant 2.100000e+01 : f32
    %mul3A_72 = vector.broadcast %mul3A_71 : f32 to vector<512x1xf32>
    %mul3A_73 = arith.mulf %mul3A_72, %min3A_64 : vector<512x1xf32>
    %sub3A_74 = arith.constant 4.800000e+01 : f32
    %sub3A_75 = vector.broadcast %sub3A_74 : f32 to vector<512x1xf32>
    %sub3A_76 = arith.subf %sub3A_75, %mul3A_73 : vector<512x1xf32>
    %mul3A_77 = arith.mulf %min3A_64, %sub3A_76 : vector<512x1xf32>
    %add3A_78 = arith.constant -2.800000e+01 : f32
    %add3A_79 = vector.broadcast %add3A_78 : f32 to vector<512x1xf32>
    %add3A_80 = arith.addf %add3A_79, %mul3A_77 : vector<512x1xf32>
    %mul3A_81 = arith.mulf %mul3A_67, %add3A_80 : vector<512x1xf32>
    %add3A_82 = arith.addf %div3A_70, %mul3A_81 : vector<512x1xf32>
    %iota3A_83 = tpu.iota {dimensions = array<i32: 1>} : vector<1x6xi32>
    %convert_element_type3A_84 = arith.sitofp %iota3A_83 : vector<1x6xi32> to vector<1x6xf32>
    %add3A_85 = arith.constant 1.000000e+00 : f32
    %add3A_86 = vector.broadcast %add3A_85 : f32 to vector<1x6xf32>
    %add3A_87 = arith.addf %convert_element_type3A_84, %add3A_86 : vector<1x6xf32>
    %mul3A_88 = arith.constant 3.14159274 : f32
    %mul3A_89 = vector.broadcast %mul3A_88 : f32 to vector<1x6xf32>
    %mul3A_90 = arith.mulf %add3A_87, %mul3A_89 : vector<1x6xf32>
    %mul3A_91 = vector.broadcast %min3A_64 : vector<512x1xf32> to vector<512x6xf32>
    %mul3A_92 = vector.broadcast %mul3A_90 : vector<1x6xf32> to vector<512x6xf32>
    %mul3A_93 = arith.mulf %mul3A_91, %mul3A_92 : vector<512x6xf32>
    %sin3A_94 = math.sin %mul3A_93 : vector<512x6xf32>
    %mul3A_95 = vector.broadcast %add3A_82 : vector<512x1xf32> to vector<512x6xf32>
    %mul3A_96 = arith.mulf %mul3A_95, %sin3A_94 : vector<512x6xf32>
    %slice3A_97 = vector.extract_strided_slice %sub3A {offsets = [0, 1], sizes = [512, 1], strides = [1, 1]} : vector<512x3xf32> to vector<512x1xf32>
    %slice3A_98 = vector.extract_strided_slice %sub3A_10 {offsets = [0, 2], sizes = [512, 1], strides = [1, 1]} : vector<512x3xf32> to vector<512x1xf32>
    %mul3A_99 = arith.mulf %slice3A_97, %slice3A_98 : vector<512x1xf32>
    %slice3A_100 = vector.extract_strided_slice %sub3A {offsets = [0, 2], sizes = [512, 1], strides = [1, 1]} : vector<512x3xf32> to vector<512x1xf32>
    %slice3A_101 = vector.extract_strided_slice %sub3A_10 {offsets = [0, 1], sizes = [512, 1], strides = [1, 1]} : vector<512x3xf32> to vector<512x1xf32>
    %mul3A_102 = arith.mulf %slice3A_100, %slice3A_101 : vector<512x1xf32>
    %sub3A_103 = arith.subf %mul3A_99, %mul3A_102 : vector<512x1xf32>
    %slice3A_104 = vector.extract_strided_slice %sub3A {offsets = [0, 2], sizes = [512, 1], strides = [1, 1]} : vector<512x3xf32> to vector<512x1xf32>
    %slice3A_105 = vector.extract_strided_slice %sub3A_10 {offsets = [0, 0], sizes = [512, 1], strides = [1, 1]} : vector<512x3xf32> to vector<512x1xf32>
    %mul3A_106 = arith.mulf %slice3A_104, %slice3A_105 : vector<512x1xf32>
    %slice3A_107 = vector.extract_strided_slice %sub3A {offsets = [0, 0], sizes = [512, 1], strides = [1, 1]} : vector<512x3xf32> to vector<512x1xf32>
    %slice3A_108 = vector.extract_strided_slice %sub3A_10 {offsets = [0, 2], sizes = [512, 1], strides = [1, 1]} : vector<512x3xf32> to vector<512x1xf32>
    %mul3A_109 = arith.mulf %slice3A_107, %slice3A_108 : vector<512x1xf32>
    %sub3A_110 = arith.subf %mul3A_106, %mul3A_109 : vector<512x1xf32>
    %slice3A_111 = vector.extract_strided_slice %sub3A {offsets = [0, 0], sizes = [512, 1], strides = [1, 1]} : vector<512x3xf32> to vector<512x1xf32>
    %slice3A_112 = vector.extract_strided_slice %sub3A_10 {offsets = [0, 1], sizes = [512, 1], strides = [1, 1]} : vector<512x3xf32> to vector<512x1xf32>
    %mul3A_113 = arith.mulf %slice3A_111, %slice3A_112 : vector<512x1xf32>
    %slice3A_114 = vector.extract_strided_slice %sub3A {offsets = [0, 1], sizes = [512, 1], strides = [1, 1]} : vector<512x3xf32> to vector<512x1xf32>
    %slice3A_115 = vector.extract_strided_slice %sub3A_10 {offsets = [0, 0], sizes = [512, 1], strides = [1, 1]} : vector<512x3xf32> to vector<512x1xf32>
    %mul3A_116 = arith.mulf %slice3A_114, %slice3A_115 : vector<512x1xf32>
    %sub3A_117 = arith.subf %mul3A_113, %mul3A_116 : vector<512x1xf32>
    %mul3A_118 = arith.mulf %sub3A_103, %sub3A_103 : vector<512x1xf32>
    %mul3A_119 = arith.mulf %sub3A_110, %sub3A_110 : vector<512x1xf32>
    %add3A_120 = arith.addf %mul3A_118, %mul3A_119 : vector<512x1xf32>
    %mul3A_121 = arith.mulf %sub3A_117, %sub3A_117 : vector<512x1xf32>
    %add3A_122 = arith.addf %add3A_120, %mul3A_121 : vector<512x1xf32>
    %add3A_123 = arith.constant 9.99999996E-13 : f32
    %add3A_124 = vector.broadcast %add3A_123 : f32 to vector<512x1xf32>
    %add3A_125 = arith.addf %add3A_122, %add3A_124 : vector<512x1xf32>
    %mul3A_126 = arith.mulf %sub3A, %sub3A_10 : vector<512x3xf32>
    %reduce_sum3A_127 = arith.constant dense<0.000000e+00> : vector<512xf32>
    %reduce_sum3A_128 = vector.multi_reduction <add>, %mul3A_126, %reduce_sum3A_127 [1] : vector<512x3xf32> to vector<512xf32>
    %broadcast_in_dim3A_129 = vector.shape_cast %reduce_sum3A_128 : vector<512xf32> to vector<512x1xf32>
    %mul3A_130 = arith.mulf %broadcast_in_dim3A_129, %broadcast_in_dim3A_129 : vector<512x1xf32>
    %add3A_131 = arith.addf %mul3A_130, %add3A_125 : vector<512x1xf32>
    %rsqrt3A = math.rsqrt %add3A_131 : vector<512x1xf32>
    %mul3A_132 = arith.mulf %broadcast_in_dim3A_129, %rsqrt3A : vector<512x1xf32>
    %add3A_133 = arith.constant 9.99999997E-7 : f32
    %add3A_134 = vector.broadcast %add3A_133 : f32 to vector<512x1xf32>
    %add3A_135 = arith.addf %sub3A_117, %add3A_134 : vector<512x1xf32>
    %mul3A_136 = arith.mulf %sub3A_103, %sub3A_103 : vector<512x1xf32>
    %mul3A_137 = arith.mulf %add3A_135, %add3A_135 : vector<512x1xf32>
    %add3A_138 = arith.addf %mul3A_136, %mul3A_137 : vector<512x1xf32>
    %add3A_139 = arith.constant 1.000000e-30 : f32
    %add3A_140 = vector.broadcast %add3A_139 : f32 to vector<512x1xf32>
    %add3A_141 = arith.addf %add3A_138, %add3A_140 : vector<512x1xf32>
    %rsqrt3A_142 = math.rsqrt %add3A_141 : vector<512x1xf32>
    %mul3A_143 = arith.mulf %add3A_135, %rsqrt3A_142 : vector<512x1xf32>
    %broadcast_in_dim3A_144 = arith.constant 1.000000e+00 : f32
    %broadcast_in_dim3A_145 = vector.broadcast %broadcast_in_dim3A_144 : f32 to vector<512x1xf32>
    %mul3A_146 = arith.constant 2.000000e+00 : f32
    %mul3A_147 = vector.broadcast %mul3A_146 : f32 to vector<512x1xf32>
    %mul3A_148 = arith.mulf %mul3A_147, %mul3A_132 : vector<512x1xf32>
    %mul3A_149 = arith.mulf %mul3A_148, %mul3A_132 : vector<512x1xf32>
    %sub3A_150 = arith.subf %mul3A_149, %broadcast_in_dim3A_145 : vector<512x1xf32>
    %mul3A_151 = arith.constant 2.000000e+00 : f32
    %mul3A_152 = vector.broadcast %mul3A_151 : f32 to vector<512x1xf32>
    %mul3A_153 = arith.mulf %mul3A_152, %mul3A_132 : vector<512x1xf32>
    %mul3A_154 = arith.mulf %mul3A_153, %sub3A_150 : vector<512x1xf32>
    %sub3A_155 = arith.subf %mul3A_154, %mul3A_132 : vector<512x1xf32>
    %mul3A_156 = arith.constant 2.000000e+00 : f32
    %mul3A_157 = vector.broadcast %mul3A_156 : f32 to vector<512x1xf32>
    %mul3A_158 = arith.mulf %mul3A_157, %mul3A_132 : vector<512x1xf32>
    %mul3A_159 = arith.mulf %mul3A_158, %sub3A_155 : vector<512x1xf32>
    %sub3A_160 = arith.subf %mul3A_159, %sub3A_150 : vector<512x1xf32>
    %mul3A_161 = arith.constant 2.000000e+00 : f32
    %mul3A_162 = vector.broadcast %mul3A_161 : f32 to vector<512x1xf32>
    %mul3A_163 = arith.mulf %mul3A_162, %mul3A_132 : vector<512x1xf32>
    %mul3A_164 = arith.mulf %mul3A_163, %sub3A_160 : vector<512x1xf32>
    %sub3A_165 = arith.subf %mul3A_164, %sub3A_155 : vector<512x1xf32>
    %mul3A_166 = arith.constant 2.000000e+00 : f32
    %mul3A_167 = vector.broadcast %mul3A_166 : f32 to vector<512x1xf32>
    %mul3A_168 = arith.mulf %mul3A_167, %mul3A_132 : vector<512x1xf32>
    %mul3A_169 = arith.mulf %mul3A_168, %sub3A_165 : vector<512x1xf32>
    %sub3A_170 = arith.subf %mul3A_169, %sub3A_160 : vector<512x1xf32>
    %broadcast_in_dim3A_171 = arith.constant 1.000000e+00 : f32
    %broadcast_in_dim3A_172 = vector.broadcast %broadcast_in_dim3A_171 : f32 to vector<512x1xf32>
    %mul3A_173 = arith.constant 2.000000e+00 : f32
    %mul3A_174 = vector.broadcast %mul3A_173 : f32 to vector<512x1xf32>
    %mul3A_175 = arith.mulf %mul3A_174, %mul3A_143 : vector<512x1xf32>
    %mul3A_176 = arith.mulf %mul3A_175, %mul3A_143 : vector<512x1xf32>
    %sub3A_177 = arith.subf %mul3A_176, %broadcast_in_dim3A_172 : vector<512x1xf32>
    %mul3A_178 = arith.constant 2.000000e+00 : f32
    %mul3A_179 = vector.broadcast %mul3A_178 : f32 to vector<512x1xf32>
    %mul3A_180 = arith.mulf %mul3A_179, %mul3A_143 : vector<512x1xf32>
    %mul3A_181 = arith.mulf %mul3A_180, %sub3A_177 : vector<512x1xf32>
    %sub3A_182 = arith.subf %mul3A_181, %mul3A_143 : vector<512x1xf32>
    %mul3A_183 = arith.constant 2.000000e+00 : f32
    %mul3A_184 = vector.broadcast %mul3A_183 : f32 to vector<512x1xf32>
    %mul3A_185 = arith.mulf %mul3A_184, %mul3A_143 : vector<512x1xf32>
    %mul3A_186 = arith.mulf %mul3A_185, %sub3A_182 : vector<512x1xf32>
    %sub3A_187 = arith.subf %mul3A_186, %sub3A_177 : vector<512x1xf32>
    %mul3A_188 = arith.constant 2.000000e+00 : f32
    %mul3A_189 = vector.broadcast %mul3A_188 : f32 to vector<512x1xf32>
    %mul3A_190 = arith.mulf %mul3A_189, %mul3A_143 : vector<512x1xf32>
    %mul3A_191 = arith.mulf %mul3A_190, %sub3A_187 : vector<512x1xf32>
    %sub3A_192 = arith.subf %mul3A_191, %sub3A_182 : vector<512x1xf32>
    %mul3A_193 = arith.constant 2.000000e+00 : f32
    %mul3A_194 = vector.broadcast %mul3A_193 : f32 to vector<512x1xf32>
    %mul3A_195 = arith.mulf %mul3A_194, %mul3A_143 : vector<512x1xf32>
    %mul3A_196 = arith.mulf %mul3A_195, %sub3A_192 : vector<512x1xf32>
    %sub3A_197 = arith.subf %mul3A_196, %sub3A_187 : vector<512x1xf32>
    %concatenate3A = tpu.concatenate %broadcast_in_dim3A_145, %mul3A_132, %sub3A_150, %sub3A_155, %sub3A_160, %sub3A_165, %sub3A_170 in 1 : vector<512x1xf32>, vector<512x1xf32>, vector<512x1xf32>, vector<512x1xf32>, vector<512x1xf32>, vector<512x1xf32>, vector<512x1xf32> -> vector<512x7xf32>
    %concatenate3A_198 = tpu.concatenate %broadcast_in_dim3A_172, %mul3A_143, %sub3A_177, %sub3A_182, %sub3A_187, %sub3A_192, %sub3A_197 in 1 : vector<512x1xf32>, vector<512x1xf32>, vector<512x1xf32>, vector<512x1xf32>, vector<512x1xf32>, vector<512x1xf32>, vector<512x1xf32> -> vector<512x7xf32>
    %mul3A_199 = vector.broadcast %broadcast_in_dim3A_145 : vector<512x1xf32> to vector<512x7xf32>
    %mul3A_200 = arith.mulf %mul3A_199, %concatenate3A_198 : vector<512x7xf32>
    %mul3A_201 = vector.broadcast %mul3A_132 : vector<512x1xf32> to vector<512x7xf32>
    %mul3A_202 = arith.mulf %mul3A_201, %concatenate3A_198 : vector<512x7xf32>
    %mul3A_203 = vector.broadcast %sub3A_150 : vector<512x1xf32> to vector<512x7xf32>
    %mul3A_204 = arith.mulf %mul3A_203, %concatenate3A_198 : vector<512x7xf32>
    %mul3A_205 = vector.broadcast %sub3A_155 : vector<512x1xf32> to vector<512x7xf32>
    %mul3A_206 = arith.mulf %mul3A_205, %concatenate3A_198 : vector<512x7xf32>
    %mul3A_207 = vector.broadcast %sub3A_160 : vector<512x1xf32> to vector<512x7xf32>
    %mul3A_208 = arith.mulf %mul3A_207, %concatenate3A_198 : vector<512x7xf32>
    %mul3A_209 = vector.broadcast %sub3A_165 : vector<512x1xf32> to vector<512x7xf32>
    %mul3A_210 = arith.mulf %mul3A_209, %concatenate3A_198 : vector<512x7xf32>
    %mul3A_211 = vector.broadcast %sub3A_170 : vector<512x1xf32> to vector<512x7xf32>
    %mul3A_212 = arith.mulf %mul3A_211, %concatenate3A_198 : vector<512x7xf32>
    %concatenate3A_213 = tpu.concatenate %mul3A_200, %mul3A_202, %mul3A_204, %mul3A_206, %mul3A_208, %mul3A_210, %mul3A_212 in 1 : vector<512x7xf32>, vector<512x7xf32>, vector<512x7xf32>, vector<512x7xf32>, vector<512x7xf32>, vector<512x7xf32>, vector<512x7xf32> -> vector<512x49xf32>
    %slice3A_214 = vector.extract_strided_slice %mul3A_96 {offsets = [0, 0], sizes = [512, 1], strides = [1, 1]} : vector<512x6xf32> to vector<512x1xf32>
    %mul3A_215 = vector.broadcast %slice3A_214 : vector<512x1xf32> to vector<512x7xf32>
    %mul3A_216 = arith.mulf %mul3A_215, %concatenate3A : vector<512x7xf32>
    %slice3A_217 = vector.extract_strided_slice %mul3A_96 {offsets = [0, 1], sizes = [512, 1], strides = [1, 1]} : vector<512x6xf32> to vector<512x1xf32>
    %mul3A_218 = vector.broadcast %slice3A_217 : vector<512x1xf32> to vector<512x7xf32>
    %mul3A_219 = arith.mulf %mul3A_218, %concatenate3A : vector<512x7xf32>
    %slice3A_220 = vector.extract_strided_slice %mul3A_96 {offsets = [0, 2], sizes = [512, 1], strides = [1, 1]} : vector<512x6xf32> to vector<512x1xf32>
    %mul3A_221 = vector.broadcast %slice3A_220 : vector<512x1xf32> to vector<512x7xf32>
    %mul3A_222 = arith.mulf %mul3A_221, %concatenate3A : vector<512x7xf32>
    %slice3A_223 = vector.extract_strided_slice %mul3A_96 {offsets = [0, 3], sizes = [512, 1], strides = [1, 1]} : vector<512x6xf32> to vector<512x1xf32>
    %mul3A_224 = vector.broadcast %slice3A_223 : vector<512x1xf32> to vector<512x7xf32>
    %mul3A_225 = arith.mulf %mul3A_224, %concatenate3A : vector<512x7xf32>
    %slice3A_226 = vector.extract_strided_slice %mul3A_96 {offsets = [0, 4], sizes = [512, 1], strides = [1, 1]} : vector<512x6xf32> to vector<512x1xf32>
    %mul3A_227 = vector.broadcast %slice3A_226 : vector<512x1xf32> to vector<512x7xf32>
    %mul3A_228 = arith.mulf %mul3A_227, %concatenate3A : vector<512x7xf32>
    %slice3A_229 = vector.extract_strided_slice %mul3A_96 {offsets = [0, 5], sizes = [512, 1], strides = [1, 1]} : vector<512x6xf32> to vector<512x1xf32>
    %mul3A_230 = vector.broadcast %slice3A_229 : vector<512x1xf32> to vector<512x7xf32>
    %mul3A_231 = arith.mulf %mul3A_230, %concatenate3A : vector<512x7xf32>
    %concatenate3A_232 = tpu.concatenate %mul3A_216, %mul3A_219, %mul3A_222, %mul3A_225, %mul3A_228, %mul3A_231 in 1 : vector<512x7xf32>, vector<512x7xf32>, vector<512x7xf32>, vector<512x7xf32>, vector<512x7xf32>, vector<512x7xf32> -> vector<512x42xf32>
    %slice3A_233 = vector.extract_strided_slice %mul3A_96 {offsets = [0, 0], sizes = [512, 1], strides = [1, 1]} : vector<512x6xf32> to vector<512x1xf32>
    %mul3A_234 = vector.broadcast %slice3A_233 : vector<512x1xf32> to vector<512x49xf32>
    %mul3A_235 = arith.mulf %mul3A_234, %concatenate3A_213 : vector<512x49xf32>
    %slice3A_236 = vector.extract_strided_slice %mul3A_96 {offsets = [0, 1], sizes = [512, 1], strides = [1, 1]} : vector<512x6xf32> to vector<512x1xf32>
    %mul3A_237 = vector.broadcast %slice3A_236 : vector<512x1xf32> to vector<512x49xf32>
    %mul3A_238 = arith.mulf %mul3A_237, %concatenate3A_213 : vector<512x49xf32>
    %slice3A_239 = vector.extract_strided_slice %mul3A_96 {offsets = [0, 2], sizes = [512, 1], strides = [1, 1]} : vector<512x6xf32> to vector<512x1xf32>
    %mul3A_240 = vector.broadcast %slice3A_239 : vector<512x1xf32> to vector<512x49xf32>
    %mul3A_241 = arith.mulf %mul3A_240, %concatenate3A_213 : vector<512x49xf32>
    %slice3A_242 = vector.extract_strided_slice %mul3A_96 {offsets = [0, 3], sizes = [512, 1], strides = [1, 1]} : vector<512x6xf32> to vector<512x1xf32>
    %mul3A_243 = vector.broadcast %slice3A_242 : vector<512x1xf32> to vector<512x49xf32>
    %mul3A_244 = arith.mulf %mul3A_243, %concatenate3A_213 : vector<512x49xf32>
    %slice3A_245 = vector.extract_strided_slice %mul3A_96 {offsets = [0, 4], sizes = [512, 1], strides = [1, 1]} : vector<512x6xf32> to vector<512x1xf32>
    %mul3A_246 = vector.broadcast %slice3A_245 : vector<512x1xf32> to vector<512x49xf32>
    %mul3A_247 = arith.mulf %mul3A_246, %concatenate3A_213 : vector<512x49xf32>
    %slice3A_248 = vector.extract_strided_slice %mul3A_96 {offsets = [0, 5], sizes = [512, 1], strides = [1, 1]} : vector<512x6xf32> to vector<512x1xf32>
    %mul3A_249 = vector.broadcast %slice3A_248 : vector<512x1xf32> to vector<512x49xf32>
    %mul3A_250 = arith.mulf %mul3A_249, %concatenate3A_213 : vector<512x49xf32>
    %concatenate3A_251 = tpu.concatenate %mul3A_235, %mul3A_238, %mul3A_241, %mul3A_244, %mul3A_247, %mul3A_250 in 1 : vector<512x49xf32>, vector<512x49xf32>, vector<512x49xf32>, vector<512x49xf32>, vector<512x49xf32>, vector<512x49xf32> -> vector<512x294xf32>
    %get3A_252 = arith.constant 0 : index
    %get3A_253 = arith.constant 0 : index
    %get3A_254 = vector.load %arg4[%get3A_252, %get3A_253] : memref<6x24xf32, #tpu.memory_space<vmem>>, vector<6x24xf32>
    %dot_general3A = arith.constant dense<0.000000e+00> : vector<512x24xf32>
    %dot_general3A_255 = tpu.matmul %mul3A_55, %get3A_254, %dot_general3A {dimension_numbers = #tpu.dot_dimension_numbers<[1], [0], [0], [1], [0, 0, 1, 1], [], []>, transpose_lhs_hint = false} : vector<512x6xf32>, vector<6x24xf32>, vector<512x24xf32> -> vector<512x24xf32>
    %swap3A = arith.constant 0 : index
    %swap3A_256 = arith.constant 0 : index
    %swap3A_257 = vector.load %arg7[%swap3A, %swap3A_256] : memref<512x24xf32, #tpu.memory_space<vmem>>, vector<512x24xf32>
    tpu.vector_store %arg7[%swap3A, %swap3A_256], %dot_general3A_255 {strides = array<i32>} : memref<512x24xf32, #tpu.memory_space<vmem>>, vector<512x24xf32>,
    %get3A_258 = arith.constant 0 : index
    %get3A_259 = arith.constant 0 : index
    %get3A_260 = vector.load %arg5[%get3A_258, %get3A_259] : memref<42x24xf32, #tpu.memory_space<vmem>>, vector<42x24xf32>
    %dot_general3A_261 = arith.constant dense<0.000000e+00> : vector<512x24xf32>
    %dot_general3A_262 = tpu.matmul %concatenate3A_232, %get3A_260, %dot_general3A_261 {dimension_numbers = #tpu.dot_dimension_numbers<[1], [0], [0], [1], [0, 0, 1, 1], [], []>, transpose_lhs_hint = false} : vector<512x42xf32>, vector<42x24xf32>, vector<512x24xf32> -> vector<512x24xf32>
    %swap3A_263 = arith.constant 0 : index
    %swap3A_264 = arith.constant 0 : index
    %swap3A_265 = vector.load %arg8[%swap3A_263, %swap3A_264] : memref<512x24xf32, #tpu.memory_space<vmem>>, vector<512x24xf32>
    tpu.vector_store %arg8[%swap3A_263, %swap3A_264], %dot_general3A_262 {strides = array<i32>} : memref<512x24xf32, #tpu.memory_space<vmem>>, vector<512x24xf32>,
    %get3A_266 = arith.constant 0 : index
    %get3A_267 = arith.constant 0 : index
    %get3A_268 = vector.load %arg6[%get3A_266, %get3A_267] : memref<294x24xf32, #tpu.memory_space<vmem>>, vector<294x24xf32>
    %dot_general3A_269 = arith.constant dense<0.000000e+00> : vector<512x24xf32>
    %dot_general3A_270 = tpu.matmul %concatenate3A_251, %get3A_268, %dot_general3A_269 {dimension_numbers = #tpu.dot_dimension_numbers<[1], [0], [0], [1], [0, 0, 1, 1], [], []>, transpose_lhs_hint = false} : vector<512x294xf32>, vector<294x24xf32>, vector<512x24xf32> -> vector<512x24xf32>
    %swap3A_271 = arith.constant 0 : index
    %swap3A_272 = arith.constant 0 : index
    %swap3A_273 = vector.load %arg9[%swap3A_271, %swap3A_272] : memref<512x24xf32, #tpu.memory_space<vmem>>, vector<512x24xf32>
    tpu.vector_store %arg9[%swap3A_271, %swap3A_272], %dot_general3A_270 {strides = array<i32>} : memref<512x24xf32, #tpu.memory_space<vmem>>, vector<512x24xf32>,
    return
  }
  func.func @transform_0(%arg0: i32) -> (i32, i32) {
    %c0_i32 = arith.constant 0 : i32
    %c0_i32_0 = arith.constant 0 : i32
    return %arg0, %c0_i32 : i32, i32
  }
  func.func @transform_1(%arg0: i32) -> (i32, i32) {
    %c0_i32 = arith.constant 0 : i32
    %c0_i32_0 = arith.constant 0 : i32
    return %arg0, %c0_i32 : i32, i32
  }
  func.func @transform_2(%arg0: i32) -> (i32, i32) {
    %c0_i32 = arith.constant 0 : i32
    %c0_i32_0 = arith.constant 0 : i32
    return %arg0, %c0_i32 : i32, i32
  }
  func.func @transform_3(%arg0: i32) -> (i32, i32) {
    %c0_i32 = arith.constant 0 : i32
    %c0_i32_0 = arith.constant 0 : i32
    %c0_i32_1 = arith.constant 0 : i32
    return %c0_i32, %c0_i32_0 : i32, i32
  }
  func.func @transform_4(%arg0: i32) -> (i32, i32) {
    %c0_i32 = arith.constant 0 : i32
    %c0_i32_0 = arith.constant 0 : i32
    %c0_i32_1 = arith.constant 0 : i32
    return %c0_i32, %c0_i32_0 : i32, i32
  }
  func.func @transform_5(%arg0: i32) -> (i32, i32) {
    %c0_i32 = arith.constant 0 : i32
    %c0_i32_0 = arith.constant 0 : i32
    %c0_i32_1 = arith.constant 0 : i32
    return %c0_i32, %c0_i32_0 : i32, i32
  }
  func.func @transform_6(%arg0: i32) -> (i32, i32) {
    %c0_i32 = arith.constant 0 : i32
    %c0_i32_0 = arith.constant 0 : i32
    return %arg0, %c0_i32 : i32, i32
  }
  func.func @transform_7(%arg0: i32) -> (i32, i32) {
    %c0_i32 = arith.constant 0 : i32
    %c0_i32_0 = arith.constant 0 : i32
    return %arg0, %c0_i32 : i32, i32
  }
  func.func @transform_8(%arg0: i32) -> (i32, i32) {
    %c0_i32 = arith.constant 0 : i32
    %c0_i32_0 = arith.constant 0 : i32
    return %arg0, %c0_i32 : i32, i32
  }
}

module attributes {stable_mosaic.version = 14 : i64} {
  func.func @_pass_a_body(%arg0: i32, %arg1: memref<512x128xf32, #tpu.memory_space<vmem>>, %arg2: memref<2x128xf32, #tpu.memory_space<vmem>>, %arg3: memref<1x128xf32, #tpu.memory_space<vmem>>, %arg4: memref<1x128xf32, #tpu.memory_space<vmem>>, %arg5: memref<512x24xf32, #tpu.memory_space<vmem>>, %arg6: memref<128x128xf32, #tpu.memory_space<vmem>>, %arg7: memref<1x128xf32, #tpu.memory_space<vmem>>, %arg8: memref<8x128xf32, #tpu.memory_space<vmem>>, %arg9: memref<128x64xf32, #tpu.memory_space<vmem>>, %arg10: memref<512x64xf32, #tpu.memory_space<vmem>>) attributes {dimension_semantics = [#tpu.dimension_semantics<arbitrary>], iteration_bounds = array<i64: 320>, scalar_prefetch = 0 : i64, scratch_operands = 0 : i64, tpu.core_type = #tpu.core_type<tc>, window_params = [{transform_indices = @transform_0, window_bounds = array<i64: 512, 128>}, {pipeline_mode = #tpu.pipeline_mode<synchronous>, transform_indices = @transform_1, window_bounds = array<i64: 2, 128>}, {pipeline_mode = #tpu.pipeline_mode<synchronous>, transform_indices = @transform_2, window_bounds = array<i64: 1, 128>}, {pipeline_mode = #tpu.pipeline_mode<synchronous>, transform_indices = @transform_3, window_bounds = array<i64: 1, 128>}, {transform_indices = @transform_4, window_bounds = array<i64: 512, 24>}, {pipeline_mode = #tpu.pipeline_mode<synchronous>, transform_indices = @transform_5, window_bounds = array<i64: 128, 128>}, {pipeline_mode = #tpu.pipeline_mode<synchronous>, transform_indices = @transform_6, window_bounds = array<i64: 1, 128>}, {pipeline_mode = #tpu.pipeline_mode<synchronous>, transform_indices = @transform_7, window_bounds = array<i64: 8, 128>}, {pipeline_mode = #tpu.pipeline_mode<synchronous>, transform_indices = @transform_8, window_bounds = array<i64: 128, 64>}, {transform_indices = @transform_9, window_bounds = array<i64: 512, 64>}]} {
    %get3A = arith.constant 0 : index
    %get3A_0 = arith.constant 0 : index
    %get3A_1 = vector.load %arg1[%get3A, %get3A_0] : memref<512x128xf32, #tpu.memory_space<vmem>>, vector<512x128xf32>
    %get3A_2 = arith.constant 0 : index
    %get3A_3 = arith.constant 0 : index
    %get3A_4 = vector.load %arg2[%get3A_2, %get3A_3] : memref<2x128xf32, #tpu.memory_space<vmem>>, vector<1x128xf32>
    %mul3A = arith.constant 6.250000e-06 : f32
    %mul3A_5 = vector.broadcast %mul3A : f32 to vector<1x128xf32>
    %mul3A_6 = arith.mulf %get3A_4, %mul3A_5 : vector<1x128xf32>
    %get3A_7 = arith.constant 1 : index
    %get3A_8 = arith.constant 0 : index
    %get3A_9 = vector.load %arg2[%get3A_7, %get3A_8] : memref<2x128xf32, #tpu.memory_space<vmem>>, vector<1x128xf32>
    %mul3A_10 = arith.constant 6.250000e-06 : f32
    %mul3A_11 = vector.broadcast %mul3A_10 : f32 to vector<1x128xf32>
    %mul3A_12 = arith.mulf %get3A_9, %mul3A_11 : vector<1x128xf32>
    %mul3A_13 = arith.mulf %mul3A_6, %mul3A_6 : vector<1x128xf32>
    %sub3A = arith.subf %mul3A_12, %mul3A_13 : vector<1x128xf32>
    %add3A = arith.constant 9.99999974E-6 : f32
    %add3A_14 = vector.broadcast %add3A : f32 to vector<1x128xf32>
    %add3A_15 = arith.addf %sub3A, %add3A_14 : vector<1x128xf32>
    %rsqrt3A = math.rsqrt %add3A_15 : vector<1x128xf32>
    %get3A_16 = arith.constant 0 : index
    %get3A_17 = arith.constant 0 : index
    %get3A_18 = vector.load %arg3[%get3A_16, %get3A_17] : memref<1x128xf32, #tpu.memory_space<vmem>>, vector<1x128xf32>
    %mul3A_19 = arith.mulf %rsqrt3A, %get3A_18 : vector<1x128xf32>
    %sub3A_20 = vector.broadcast %mul3A_6 : vector<1x128xf32> to vector<512x128xf32>
    %sub3A_21 = arith.subf %get3A_1, %sub3A_20 : vector<512x128xf32>
    %mul3A_22 = vector.broadcast %mul3A_19 : vector<1x128xf32> to vector<512x128xf32>
    %mul3A_23 = arith.mulf %sub3A_21, %mul3A_22 : vector<512x128xf32>
    %get3A_24 = arith.constant 0 : index
    %get3A_25 = arith.constant 0 : index
    %get3A_26 = vector.load %arg4[%get3A_24, %get3A_25] : memref<1x128xf32, #tpu.memory_space<vmem>>, vector<1x128xf32>
    %add3A_27 = vector.broadcast %get3A_26 : vector<1x128xf32> to vector<512x128xf32>
    %add3A_28 = arith.addf %mul3A_23, %add3A_27 : vector<512x128xf32>
    %get3A_29 = arith.constant 0 : index
    %get3A_30 = arith.constant 0 : index
    %get3A_31 = vector.load %arg6[%get3A_29, %get3A_30] : memref<128x128xf32, #tpu.memory_space<vmem>>, vector<128x128xf32>
    %dot_general3A = arith.constant dense<0.000000e+00> : vector<512x128xf32>
    %dot_general3A_32 = tpu.matmul %add3A_28, %get3A_31, %dot_general3A {dimension_numbers = #tpu.dot_dimension_numbers<[1], [0], [0], [1], [0, 0, 1, 1], [], []>, transpose_lhs_hint = false} : vector<512x128xf32>, vector<128x128xf32>, vector<512x128xf32> -> vector<512x128xf32>
    %get3A_33 = arith.constant 0 : index
    %get3A_34 = arith.constant 0 : index
    %get3A_35 = vector.load %arg7[%get3A_33, %get3A_34] : memref<1x128xf32, #tpu.memory_space<vmem>>, vector<1x128xf32>
    %add3A_36 = vector.broadcast %get3A_35 : vector<1x128xf32> to vector<512x128xf32>
    %add3A_37 = arith.addf %dot_general3A_32, %add3A_36 : vector<512x128xf32>
    %logistic3A = arith.negf %add3A_37 : vector<512x128xf32>
    %logistic3A_38 = math.exp %logistic3A : vector<512x128xf32>
    %logistic3A_39 = arith.constant 1.000000e+00 : f32
    %logistic3A_40 = vector.broadcast %logistic3A_39 : f32 to vector<512x128xf32>
    %logistic3A_41 = arith.addf %logistic3A_40, %logistic3A_38 : vector<512x128xf32>
    %logistic3A_42 = arith.divf %logistic3A_40, %logistic3A_41 : vector<512x128xf32>
    %mul3A_43 = arith.mulf %add3A_37, %logistic3A_42 : vector<512x128xf32>
    %get3A_44 = arith.constant 0 : index
    %get3A_45 = arith.constant 0 : index
    %get3A_46 = vector.load %arg5[%get3A_44, %get3A_45] : memref<512x24xf32, #tpu.memory_space<vmem>>, vector<512x24xf32>
    %slice3A = vector.extract_strided_slice %get3A_46 {offsets = [0, 0], sizes = [512, 8], strides = [1, 1]} : vector<512x24xf32> to vector<512x8xf32>
    %get3A_47 = arith.constant 0 : index
    %get3A_48 = arith.constant 0 : index
    %get3A_49 = vector.load %arg8[%get3A_47, %get3A_48] : memref<8x128xf32, #tpu.memory_space<vmem>>, vector<8x128xf32>
    %dot_general3A_50 = arith.constant dense<0.000000e+00> : vector<512x128xf32>
    %dot_general3A_51 = tpu.matmul %slice3A, %get3A_49, %dot_general3A_50 {dimension_numbers = #tpu.dot_dimension_numbers<[1], [0], [0], [1], [0, 0, 1, 1], [], []>, transpose_lhs_hint = false} : vector<512x8xf32>, vector<8x128xf32>, vector<512x128xf32> -> vector<512x128xf32>
    %mul3A_52 = arith.mulf %mul3A_43, %dot_general3A_51 : vector<512x128xf32>
    %get3A_53 = arith.constant 0 : index
    %get3A_54 = arith.constant 0 : index
    %get3A_55 = vector.load %arg9[%get3A_53, %get3A_54] : memref<128x64xf32, #tpu.memory_space<vmem>>, vector<128x64xf32>
    %dot_general3A_56 = arith.constant dense<0.000000e+00> : vector<512x64xf32>
    %dot_general3A_57 = tpu.matmul %mul3A_52, %get3A_55, %dot_general3A_56 {dimension_numbers = #tpu.dot_dimension_numbers<[1], [0], [0], [1], [0, 0, 1, 1], [], []>, transpose_lhs_hint = false} : vector<512x128xf32>, vector<128x64xf32>, vector<512x64xf32> -> vector<512x64xf32>
    %logistic3A_58 = arith.negf %dot_general3A_57 : vector<512x64xf32>
    %logistic3A_59 = math.exp %logistic3A_58 : vector<512x64xf32>
    %logistic3A_60 = arith.constant 1.000000e+00 : f32
    %logistic3A_61 = vector.broadcast %logistic3A_60 : f32 to vector<512x64xf32>
    %logistic3A_62 = arith.addf %logistic3A_61, %logistic3A_59 : vector<512x64xf32>
    %logistic3A_63 = arith.divf %logistic3A_61, %logistic3A_62 : vector<512x64xf32>
    %mul3A_64 = arith.mulf %dot_general3A_57, %logistic3A_63 : vector<512x64xf32>
    %swap3A = arith.constant 0 : index
    %swap3A_65 = arith.constant 0 : index
    %swap3A_66 = vector.load %arg10[%swap3A, %swap3A_65] : memref<512x64xf32, #tpu.memory_space<vmem>>, vector<512x64xf32>
    tpu.vector_store %arg10[%swap3A, %swap3A_65], %mul3A_64 {strides = array<i32>} : memref<512x64xf32, #tpu.memory_space<vmem>>, vector<512x64xf32>,
    return
  }
  func.func @transform_0(%arg0: i32) -> (i32, i32) {
    %c0_i32 = arith.constant 0 : i32
    %c0_i32_0 = arith.constant 0 : i32
    return %arg0, %c0_i32 : i32, i32
  }
  func.func @transform_1(%arg0: i32) -> (i32, i32) {
    %c0_i32 = arith.constant 0 : i32
    %c0_i32_0 = arith.constant 0 : i32
    %c0_i32_1 = arith.constant 0 : i32
    return %c0_i32, %c0_i32_0 : i32, i32
  }
  func.func @transform_2(%arg0: i32) -> (i32, i32) {
    %c0_i32 = arith.constant 0 : i32
    %c0_i32_0 = arith.constant 0 : i32
    %c0_i32_1 = arith.constant 0 : i32
    return %c0_i32, %c0_i32_0 : i32, i32
  }
  func.func @transform_3(%arg0: i32) -> (i32, i32) {
    %c0_i32 = arith.constant 0 : i32
    %c0_i32_0 = arith.constant 0 : i32
    %c0_i32_1 = arith.constant 0 : i32
    return %c0_i32, %c0_i32_0 : i32, i32
  }
  func.func @transform_4(%arg0: i32) -> (i32, i32) {
    %c0_i32 = arith.constant 0 : i32
    %c0_i32_0 = arith.constant 0 : i32
    return %arg0, %c0_i32 : i32, i32
  }
  func.func @transform_5(%arg0: i32) -> (i32, i32) {
    %c0_i32 = arith.constant 0 : i32
    %c0_i32_0 = arith.constant 0 : i32
    %c0_i32_1 = arith.constant 0 : i32
    return %c0_i32, %c0_i32_0 : i32, i32
  }
  func.func @transform_6(%arg0: i32) -> (i32, i32) {
    %c0_i32 = arith.constant 0 : i32
    %c0_i32_0 = arith.constant 0 : i32
    %c0_i32_1 = arith.constant 0 : i32
    return %c0_i32, %c0_i32_0 : i32, i32
  }
  func.func @transform_7(%arg0: i32) -> (i32, i32) {
    %c0_i32 = arith.constant 0 : i32
    %c0_i32_0 = arith.constant 0 : i32
    %c0_i32_1 = arith.constant 0 : i32
    return %c0_i32, %c0_i32_0 : i32, i32
  }
  func.func @transform_8(%arg0: i32) -> (i32, i32) {
    %c0_i32 = arith.constant 0 : i32
    %c0_i32_0 = arith.constant 0 : i32
    %c0_i32_1 = arith.constant 0 : i32
    return %c0_i32, %c0_i32_0 : i32, i32
  }
  func.func @transform_9(%arg0: i32) -> (i32, i32) {
    %c0_i32 = arith.constant 0 : i32
    %c0_i32_0 = arith.constant 0 : i32
    return %arg0, %c0_i32 : i32, i32
  }
}

module attributes {stable_mosaic.version = 14 : i64} {
  func.func @_pass_b_body(%arg0: i32, %arg1: memref<512x128xf32, #tpu.memory_space<vmem>>, %arg2: memref<2x128xf32, #tpu.memory_space<vmem>>, %arg3: memref<1x128xf32, #tpu.memory_space<vmem>>, %arg4: memref<1x128xf32, #tpu.memory_space<vmem>>, %arg5: memref<512x64xf32, #tpu.memory_space<vmem>>, %arg6: memref<512x24xf32, #tpu.memory_space<vmem>>, %arg7: memref<512x24xf32, #tpu.memory_space<vmem>>, %arg8: memref<512x1xf32, #tpu.memory_space<vmem>>, %arg9: memref<512x1xf32, #tpu.memory_space<vmem>>, %arg10: memref<8x64xf32, #tpu.memory_space<vmem>>, %arg11: memref<8x64xf32, #tpu.memory_space<vmem>>, %arg12: memref<64x128xf32, #tpu.memory_space<vmem>>, %arg13: memref<128x128xf32, #tpu.memory_space<vmem>>, %arg14: memref<1x128xf32, #tpu.memory_space<vmem>>, %arg15: memref<128x128xf32, #tpu.memory_space<vmem>>, %arg16: memref<1x128xf32, #tpu.memory_space<vmem>>, %arg17: memref<128x128xf32, #tpu.memory_space<vmem>>, %arg18: memref<1x128xf32, #tpu.memory_space<vmem>>, %arg19: memref<512x128xf32, #tpu.memory_space<vmem>>, %arg20: memref<2x128xf32, #tpu.memory_space<vmem>>) attributes {dimension_semantics = [#tpu.dimension_semantics<arbitrary>], iteration_bounds = array<i64: 320>, scalar_prefetch = 0 : i64, scratch_operands = 0 : i64, tpu.core_type = #tpu.core_type<tc>, window_params = [{transform_indices = @transform_0, window_bounds = array<i64: 512, 128>}, {pipeline_mode = #tpu.pipeline_mode<synchronous>, transform_indices = @transform_1, window_bounds = array<i64: 2, 128>}, {pipeline_mode = #tpu.pipeline_mode<synchronous>, transform_indices = @transform_2, window_bounds = array<i64: 1, 128>}, {pipeline_mode = #tpu.pipeline_mode<synchronous>, transform_indices = @transform_3, window_bounds = array<i64: 1, 128>}, {transform_indices = @transform_4, window_bounds = array<i64: 512, 64>}, {transform_indices = @transform_5, window_bounds = array<i64: 512, 24>}, {transform_indices = @transform_6, window_bounds = array<i64: 512, 24>}, {transform_indices = @transform_7, window_bounds = array<i64: 512, 1>}, {transform_indices = @transform_8, window_bounds = array<i64: 512, 1>}, {pipeline_mode = #tpu.pipeline_mode<synchronous>, transform_indices = @transform_9, window_bounds = array<i64: 8, 64>}, {pipeline_mode = #tpu.pipeline_mode<synchronous>, transform_indices = @transform_10, window_bounds = array<i64: 8, 64>}, {pipeline_mode = #tpu.pipeline_mode<synchronous>, transform_indices = @transform_11, window_bounds = array<i64: 64, 128>}, {pipeline_mode = #tpu.pipeline_mode<synchronous>, transform_indices = @transform_12, window_bounds = array<i64: 128, 128>}, {pipeline_mode = #tpu.pipeline_mode<synchronous>, transform_indices = @transform_13, window_bounds = array<i64: 1, 128>}, {pipeline_mode = #tpu.pipeline_mode<synchronous>, transform_indices = @transform_14, window_bounds = array<i64: 128, 128>}, {pipeline_mode = #tpu.pipeline_mode<synchronous>, transform_indices = @transform_15, window_bounds = array<i64: 1, 128>}, {pipeline_mode = #tpu.pipeline_mode<synchronous>, transform_indices = @transform_16, window_bounds = array<i64: 128, 128>}, {pipeline_mode = #tpu.pipeline_mode<synchronous>, transform_indices = @transform_17, window_bounds = array<i64: 1, 128>}, {transform_indices = @transform_18, window_bounds = array<i64: 512, 128>}, {pipeline_mode = #tpu.pipeline_mode<synchronous>, transform_indices = @transform_19, window_bounds = array<i64: 2, 128>}]} {
    %get3A = arith.constant 0 : index
    %get3A_0 = arith.constant 0 : index
    %get3A_1 = vector.load %arg1[%get3A, %get3A_0] : memref<512x128xf32, #tpu.memory_space<vmem>>, vector<512x128xf32>
    %get3A_2 = arith.constant 0 : index
    %get3A_3 = arith.constant 0 : index
    %get3A_4 = vector.load %arg2[%get3A_2, %get3A_3] : memref<2x128xf32, #tpu.memory_space<vmem>>, vector<1x128xf32>
    %mul3A = arith.constant 6.250000e-06 : f32
    %mul3A_5 = vector.broadcast %mul3A : f32 to vector<1x128xf32>
    %mul3A_6 = arith.mulf %get3A_4, %mul3A_5 : vector<1x128xf32>
    %get3A_7 = arith.constant 1 : index
    %get3A_8 = arith.constant 0 : index
    %get3A_9 = vector.load %arg2[%get3A_7, %get3A_8] : memref<2x128xf32, #tpu.memory_space<vmem>>, vector<1x128xf32>
    %mul3A_10 = arith.constant 6.250000e-06 : f32
    %mul3A_11 = vector.broadcast %mul3A_10 : f32 to vector<1x128xf32>
    %mul3A_12 = arith.mulf %get3A_9, %mul3A_11 : vector<1x128xf32>
    %mul3A_13 = arith.mulf %mul3A_6, %mul3A_6 : vector<1x128xf32>
    %sub3A = arith.subf %mul3A_12, %mul3A_13 : vector<1x128xf32>
    %add3A = arith.constant 9.99999974E-6 : f32
    %add3A_14 = vector.broadcast %add3A : f32 to vector<1x128xf32>
    %add3A_15 = arith.addf %sub3A, %add3A_14 : vector<1x128xf32>
    %rsqrt3A = math.rsqrt %add3A_15 : vector<1x128xf32>
    %get3A_16 = arith.constant 0 : index
    %get3A_17 = arith.constant 0 : index
    %get3A_18 = vector.load %arg3[%get3A_16, %get3A_17] : memref<1x128xf32, #tpu.memory_space<vmem>>, vector<1x128xf32>
    %mul3A_19 = arith.mulf %rsqrt3A, %get3A_18 : vector<1x128xf32>
    %sub3A_20 = vector.broadcast %mul3A_6 : vector<1x128xf32> to vector<512x128xf32>
    %sub3A_21 = arith.subf %get3A_1, %sub3A_20 : vector<512x128xf32>
    %mul3A_22 = vector.broadcast %mul3A_19 : vector<1x128xf32> to vector<512x128xf32>
    %mul3A_23 = arith.mulf %sub3A_21, %mul3A_22 : vector<512x128xf32>
    %get3A_24 = arith.constant 0 : index
    %get3A_25 = arith.constant 0 : index
    %get3A_26 = vector.load %arg4[%get3A_24, %get3A_25] : memref<1x128xf32, #tpu.memory_space<vmem>>, vector<1x128xf32>
    %add3A_27 = vector.broadcast %get3A_26 : vector<1x128xf32> to vector<512x128xf32>
    %add3A_28 = arith.addf %mul3A_23, %add3A_27 : vector<512x128xf32>
    %get3A_29 = arith.constant 0 : index
    %get3A_30 = arith.constant 0 : index
    %get3A_31 = vector.load %arg6[%get3A_29, %get3A_30] : memref<512x24xf32, #tpu.memory_space<vmem>>, vector<512x24xf32>
    %slice3A = vector.extract_strided_slice %get3A_31 {offsets = [0, 0], sizes = [512, 8], strides = [1, 1]} : vector<512x24xf32> to vector<512x8xf32>
    %get3A_32 = arith.constant 0 : index
    %get3A_33 = arith.constant 0 : index
    %get3A_34 = vector.load %arg10[%get3A_32, %get3A_33] : memref<8x64xf32, #tpu.memory_space<vmem>>, vector<8x64xf32>
    %dot_general3A = arith.constant dense<0.000000e+00> : vector<512x64xf32>
    %dot_general3A_35 = tpu.matmul %slice3A, %get3A_34, %dot_general3A {dimension_numbers = #tpu.dot_dimension_numbers<[1], [0], [0], [1], [0, 0, 1, 1], [], []>, transpose_lhs_hint = false} : vector<512x8xf32>, vector<8x64xf32>, vector<512x64xf32> -> vector<512x64xf32>
    %get3A_36 = arith.constant 0 : index
    %get3A_37 = arith.constant 0 : index
    %get3A_38 = vector.load %arg7[%get3A_36, %get3A_37] : memref<512x24xf32, #tpu.memory_space<vmem>>, vector<512x24xf32>
    %slice3A_39 = vector.extract_strided_slice %get3A_38 {offsets = [0, 0], sizes = [512, 8], strides = [1, 1]} : vector<512x24xf32> to vector<512x8xf32>
    %get3A_40 = arith.constant 0 : index
    %get3A_41 = arith.constant 0 : index
    %get3A_42 = vector.load %arg11[%get3A_40, %get3A_41] : memref<8x64xf32, #tpu.memory_space<vmem>>, vector<8x64xf32>
    %dot_general3A_43 = arith.constant dense<0.000000e+00> : vector<512x64xf32>
    %dot_general3A_44 = tpu.matmul %slice3A_39, %get3A_42, %dot_general3A_43 {dimension_numbers = #tpu.dot_dimension_numbers<[1], [0], [0], [1], [0, 0, 1, 1], [], []>, transpose_lhs_hint = false} : vector<512x8xf32>, vector<8x64xf32>, vector<512x64xf32> -> vector<512x64xf32>
    %get3A_45 = arith.constant 0 : index
    %get3A_46 = arith.constant 0 : index
    %get3A_47 = vector.load %arg5[%get3A_45, %get3A_46] : memref<512x64xf32, #tpu.memory_space<vmem>>, vector<512x64xf32>
    %mul3A_48 = arith.mulf %get3A_47, %dot_general3A_35 : vector<512x64xf32>
    %mul3A_49 = arith.mulf %mul3A_48, %dot_general3A_44 : vector<512x64xf32>
    %get3A_50 = arith.constant 0 : index
    %get3A_51 = arith.constant 0 : index
    %get3A_52 = vector.load %arg8[%get3A_50, %get3A_51] : memref<512x1xf32, #tpu.memory_space<vmem>>, vector<512x1xf32>
    %mul3A_53 = vector.broadcast %get3A_52 : vector<512x1xf32> to vector<512x64xf32>
    %mul3A_54 = arith.mulf %mul3A_49, %mul3A_53 : vector<512x64xf32>
    %get3A_55 = arith.constant 0 : index
    %get3A_56 = arith.constant 0 : index
    %get3A_57 = vector.load %arg12[%get3A_55, %get3A_56] : memref<64x128xf32, #tpu.memory_space<vmem>>, vector<64x128xf32>
    %dot_general3A_58 = arith.constant dense<0.000000e+00> : vector<512x128xf32>
    %dot_general3A_59 = tpu.matmul %mul3A_54, %get3A_57, %dot_general3A_58 {dimension_numbers = #tpu.dot_dimension_numbers<[1], [0], [0], [1], [0, 0, 1, 1], [], []>, transpose_lhs_hint = false} : vector<512x64xf32>, vector<64x128xf32>, vector<512x128xf32> -> vector<512x128xf32>
    %logistic3A = arith.negf %dot_general3A_59 : vector<512x128xf32>
    %logistic3A_60 = math.exp %logistic3A : vector<512x128xf32>
    %logistic3A_61 = arith.constant 1.000000e+00 : f32
    %logistic3A_62 = vector.broadcast %logistic3A_61 : f32 to vector<512x128xf32>
    %logistic3A_63 = arith.addf %logistic3A_62, %logistic3A_60 : vector<512x128xf32>
    %logistic3A_64 = arith.divf %logistic3A_62, %logistic3A_63 : vector<512x128xf32>
    %mul3A_65 = arith.mulf %dot_general3A_59, %logistic3A_64 : vector<512x128xf32>
    %get3A_66 = arith.constant 0 : index
    %get3A_67 = arith.constant 0 : index
    %get3A_68 = vector.load %arg13[%get3A_66, %get3A_67] : memref<128x128xf32, #tpu.memory_space<vmem>>, vector<128x128xf32>
    %dot_general3A_69 = arith.constant dense<0.000000e+00> : vector<512x128xf32>
    %dot_general3A_70 = tpu.matmul %add3A_28, %get3A_68, %dot_general3A_69 {dimension_numbers = #tpu.dot_dimension_numbers<[1], [0], [0], [1], [0, 0, 1, 1], [], []>, transpose_lhs_hint = false} : vector<512x128xf32>, vector<128x128xf32>, vector<512x128xf32> -> vector<512x128xf32>
    %get3A_71 = arith.constant 0 : index
    %get3A_72 = arith.constant 0 : index
    %get3A_73 = vector.load %arg14[%get3A_71, %get3A_72] : memref<1x128xf32, #tpu.memory_space<vmem>>, vector<1x128xf32>
    %add3A_74 = vector.broadcast %get3A_73 : vector<1x128xf32> to vector<512x128xf32>
    %add3A_75 = arith.addf %dot_general3A_70, %add3A_74 : vector<512x128xf32>
    %logistic3A_76 = arith.negf %add3A_75 : vector<512x128xf32>
    %logistic3A_77 = math.exp %logistic3A_76 : vector<512x128xf32>
    %logistic3A_78 = arith.constant 1.000000e+00 : f32
    %logistic3A_79 = vector.broadcast %logistic3A_78 : f32 to vector<512x128xf32>
    %logistic3A_80 = arith.addf %logistic3A_79, %logistic3A_77 : vector<512x128xf32>
    %logistic3A_81 = arith.divf %logistic3A_79, %logistic3A_80 : vector<512x128xf32>
    %mul3A_82 = arith.mulf %add3A_75, %logistic3A_81 : vector<512x128xf32>
    %add3A_83 = arith.addf %mul3A_82, %mul3A_65 : vector<512x128xf32>
    %get3A_84 = arith.constant 0 : index
    %get3A_85 = arith.constant 0 : index
    %get3A_86 = vector.load %arg15[%get3A_84, %get3A_85] : memref<128x128xf32, #tpu.memory_space<vmem>>, vector<128x128xf32>
    %dot_general3A_87 = arith.constant dense<0.000000e+00> : vector<512x128xf32>
    %dot_general3A_88 = tpu.matmul %add3A_83, %get3A_86, %dot_general3A_87 {dimension_numbers = #tpu.dot_dimension_numbers<[1], [0], [0], [1], [0, 0, 1, 1], [], []>, transpose_lhs_hint = false} : vector<512x128xf32>, vector<128x128xf32>, vector<512x128xf32> -> vector<512x128xf32>
    %get3A_89 = arith.constant 0 : index
    %get3A_90 = arith.constant 0 : index
    %get3A_91 = vector.load %arg16[%get3A_89, %get3A_90] : memref<1x128xf32, #tpu.memory_space<vmem>>, vector<1x128xf32>
    %add3A_92 = vector.broadcast %get3A_91 : vector<1x128xf32> to vector<512x128xf32>
    %add3A_93 = arith.addf %dot_general3A_88, %add3A_92 : vector<512x128xf32>
    %logistic3A_94 = arith.negf %add3A_93 : vector<512x128xf32>
    %logistic3A_95 = math.exp %logistic3A_94 : vector<512x128xf32>
    %logistic3A_96 = arith.constant 1.000000e+00 : f32
    %logistic3A_97 = vector.broadcast %logistic3A_96 : f32 to vector<512x128xf32>
    %logistic3A_98 = arith.addf %logistic3A_97, %logistic3A_95 : vector<512x128xf32>
    %logistic3A_99 = arith.divf %logistic3A_97, %logistic3A_98 : vector<512x128xf32>
    %mul3A_100 = arith.mulf %add3A_93, %logistic3A_99 : vector<512x128xf32>
    %add3A_101 = arith.addf %mul3A_100, %add3A_28 : vector<512x128xf32>
    %get3A_102 = arith.constant 0 : index
    %get3A_103 = arith.constant 0 : index
    %get3A_104 = vector.load %arg17[%get3A_102, %get3A_103] : memref<128x128xf32, #tpu.memory_space<vmem>>, vector<128x128xf32>
    %dot_general3A_105 = arith.constant dense<0.000000e+00> : vector<512x128xf32>
    %dot_general3A_106 = tpu.matmul %add3A_101, %get3A_104, %dot_general3A_105 {dimension_numbers = #tpu.dot_dimension_numbers<[1], [0], [0], [1], [0, 0, 1, 1], [], []>, transpose_lhs_hint = false} : vector<512x128xf32>, vector<128x128xf32>, vector<512x128xf32> -> vector<512x128xf32>
    %get3A_107 = arith.constant 0 : index
    %get3A_108 = arith.constant 0 : index
    %get3A_109 = vector.load %arg18[%get3A_107, %get3A_108] : memref<1x128xf32, #tpu.memory_space<vmem>>, vector<1x128xf32>
    %add3A_110 = vector.broadcast %get3A_109 : vector<1x128xf32> to vector<512x128xf32>
    %add3A_111 = arith.addf %dot_general3A_106, %add3A_110 : vector<512x128xf32>
    %logistic3A_112 = arith.negf %add3A_111 : vector<512x128xf32>
    %logistic3A_113 = math.exp %logistic3A_112 : vector<512x128xf32>
    %logistic3A_114 = arith.constant 1.000000e+00 : f32
    %logistic3A_115 = vector.broadcast %logistic3A_114 : f32 to vector<512x128xf32>
    %logistic3A_116 = arith.addf %logistic3A_115, %logistic3A_113 : vector<512x128xf32>
    %logistic3A_117 = arith.divf %logistic3A_115, %logistic3A_116 : vector<512x128xf32>
    %mul3A_118 = arith.mulf %add3A_111, %logistic3A_117 : vector<512x128xf32>
    %swap3A = arith.constant 0 : index
    %swap3A_119 = arith.constant 0 : index
    %swap3A_120 = vector.load %arg19[%swap3A, %swap3A_119] : memref<512x128xf32, #tpu.memory_space<vmem>>, vector<512x128xf32>
    tpu.vector_store %arg19[%swap3A, %swap3A_119], %mul3A_118 {strides = array<i32>} : memref<512x128xf32, #tpu.memory_space<vmem>>, vector<512x128xf32>,
    %get3A_121 = arith.constant 0 : index
    %get3A_122 = arith.constant 0 : index
    %get3A_123 = vector.load %arg9[%get3A_121, %get3A_122] : memref<512x1xf32, #tpu.memory_space<vmem>>, vector<512x1xf32>
    %mul3A_124 = vector.broadcast %get3A_123 : vector<512x1xf32> to vector<512x128xf32>
    %mul3A_125 = arith.mulf %mul3A_118, %mul3A_124 : vector<512x128xf32>
    %reduce_sum3A = arith.constant dense<0.000000e+00> : vector<128xf32>
    %reduce_sum3A_126 = vector.multi_reduction <add>, %mul3A_125, %reduce_sum3A [0] : vector<512x128xf32> to vector<128xf32>
    %broadcast_in_dim3A = vector.shape_cast %reduce_sum3A_126 : vector<128xf32> to vector<1x128xf32>
    %mul3A_127 = arith.mulf %mul3A_125, %mul3A_125 : vector<512x128xf32>
    %reduce_sum3A_128 = arith.constant dense<0.000000e+00> : vector<128xf32>
    %reduce_sum3A_129 = vector.multi_reduction <add>, %mul3A_127, %reduce_sum3A_128 [0] : vector<512x128xf32> to vector<128xf32>
    %broadcast_in_dim3A_130 = vector.shape_cast %reduce_sum3A_129 : vector<128xf32> to vector<1x128xf32>
    %concatenate3A = tpu.concatenate %broadcast_in_dim3A, %broadcast_in_dim3A_130 in 0 : vector<1x128xf32>, vector<1x128xf32> -> vector<2x128xf32>
    %eq3A = arith.constant 0 : i32
    %eq3A_131 = arith.cmpi eq, %arg0, %eq3A : i32
    %convert_element_type3A = arith.extui %eq3A_131 : i1 to i32
    %cond3A = arith.constant 0 : i32
    %cond3A_132 = arith.cmpi ne, %convert_element_type3A, %cond3A : i32
    scf.if %cond3A_132 {
      %swap3A_137 = arith.constant 0 : index
      %swap3A_138 = arith.constant 0 : index
      %swap3A_139 = vector.load %arg20[%swap3A_137, %swap3A_138] : memref<2x128xf32, #tpu.memory_space<vmem>>, vector<2x128xf32>
      tpu.vector_store %arg20[%swap3A_137, %swap3A_138], %concatenate3A {strides = array<i32>} : memref<2x128xf32, #tpu.memory_space<vmem>>, vector<2x128xf32>,
    } else {
    }
    %ne3A = arith.constant 0 : i32
    %ne3A_133 = arith.cmpi ne, %arg0, %ne3A : i32
    %convert_element_type3A_134 = arith.extui %ne3A_133 : i1 to i32
    %cond3A_135 = arith.constant 0 : i32
    %cond3A_136 = arith.cmpi ne, %convert_element_type3A_134, %cond3A_135 : i32
    scf.if %cond3A_136 {
      %get3A_137 = arith.constant 0 : index
      %get3A_138 = arith.constant 0 : index
      %get3A_139 = vector.load %arg20[%get3A_137, %get3A_138] : memref<2x128xf32, #tpu.memory_space<vmem>>, vector<2x128xf32>
      %add3A_140 = arith.addf %get3A_139, %concatenate3A : vector<2x128xf32>
      %swap3A_141 = arith.constant 0 : index
      %swap3A_142 = arith.constant 0 : index
      %swap3A_143 = vector.load %arg20[%swap3A_141, %swap3A_142] : memref<2x128xf32, #tpu.memory_space<vmem>>, vector<2x128xf32>
      tpu.vector_store %arg20[%swap3A_141, %swap3A_142], %add3A_140 {strides = array<i32>} : memref<2x128xf32, #tpu.memory_space<vmem>>, vector<2x128xf32>,
    } else {
    }
    return
  }
  func.func @transform_0(%arg0: i32) -> (i32, i32) {
    %c0_i32 = arith.constant 0 : i32
    %c0_i32_0 = arith.constant 0 : i32
    return %arg0, %c0_i32 : i32, i32
  }
  func.func @transform_1(%arg0: i32) -> (i32, i32) {
    %c0_i32 = arith.constant 0 : i32
    %c0_i32_0 = arith.constant 0 : i32
    %c0_i32_1 = arith.constant 0 : i32
    return %c0_i32, %c0_i32_0 : i32, i32
  }
  func.func @transform_2(%arg0: i32) -> (i32, i32) {
    %c0_i32 = arith.constant 0 : i32
    %c0_i32_0 = arith.constant 0 : i32
    %c0_i32_1 = arith.constant 0 : i32
    return %c0_i32, %c0_i32_0 : i32, i32
  }
  func.func @transform_3(%arg0: i32) -> (i32, i32) {
    %c0_i32 = arith.constant 0 : i32
    %c0_i32_0 = arith.constant 0 : i32
    %c0_i32_1 = arith.constant 0 : i32
    return %c0_i32, %c0_i32_0 : i32, i32
  }
  func.func @transform_4(%arg0: i32) -> (i32, i32) {
    %c0_i32 = arith.constant 0 : i32
    %c0_i32_0 = arith.constant 0 : i32
    return %arg0, %c0_i32 : i32, i32
  }
  func.func @transform_5(%arg0: i32) -> (i32, i32) {
    %c0_i32 = arith.constant 0 : i32
    %c0_i32_0 = arith.constant 0 : i32
    return %arg0, %c0_i32 : i32, i32
  }
  func.func @transform_6(%arg0: i32) -> (i32, i32) {
    %c0_i32 = arith.constant 0 : i32
    %c0_i32_0 = arith.constant 0 : i32
    return %arg0, %c0_i32 : i32, i32
  }
  func.func @transform_7(%arg0: i32) -> (i32, i32) {
    %c0_i32 = arith.constant 0 : i32
    %c0_i32_0 = arith.constant 0 : i32
    return %arg0, %c0_i32 : i32, i32
  }
  func.func @transform_8(%arg0: i32) -> (i32, i32) {
    %c0_i32 = arith.constant 0 : i32
    %c0_i32_0 = arith.constant 0 : i32
    return %arg0, %c0_i32 : i32, i32
  }
  func.func @transform_9(%arg0: i32) -> (i32, i32) {
    %c0_i32 = arith.constant 0 : i32
    %c0_i32_0 = arith.constant 0 : i32
    %c0_i32_1 = arith.constant 0 : i32
    return %c0_i32, %c0_i32_0 : i32, i32
  }
  func.func @transform_10(%arg0: i32) -> (i32, i32) {
    %c0_i32 = arith.constant 0 : i32
    %c0_i32_0 = arith.constant 0 : i32
    %c0_i32_1 = arith.constant 0 : i32
    return %c0_i32, %c0_i32_0 : i32, i32
  }
  func.func @transform_11(%arg0: i32) -> (i32, i32) {
    %c0_i32 = arith.constant 0 : i32
    %c0_i32_0 = arith.constant 0 : i32
    %c0_i32_1 = arith.constant 0 : i32
    return %c0_i32, %c0_i32_0 : i32, i32
  }
  func.func @transform_12(%arg0: i32) -> (i32, i32) {
    %c0_i32 = arith.constant 0 : i32
    %c0_i32_0 = arith.constant 0 : i32
    %c0_i32_1 = arith.constant 0 : i32
    return %c0_i32, %c0_i32_0 : i32, i32
  }
  func.func @transform_13(%arg0: i32) -> (i32, i32) {
    %c0_i32 = arith.constant 0 : i32
    %c0_i32_0 = arith.constant 0 : i32
    %c0_i32_1 = arith.constant 0 : i32
    return %c0_i32, %c0_i32_0 : i32, i32
  }
  func.func @transform_14(%arg0: i32) -> (i32, i32) {
    %c0_i32 = arith.constant 0 : i32
    %c0_i32_0 = arith.constant 0 : i32
    %c0_i32_1 = arith.constant 0 : i32
    return %c0_i32, %c0_i32_0 : i32, i32
  }
  func.func @transform_15(%arg0: i32) -> (i32, i32) {
    %c0_i32 = arith.constant 0 : i32
    %c0_i32_0 = arith.constant 0 : i32
    %c0_i32_1 = arith.constant 0 : i32
    return %c0_i32, %c0_i32_0 : i32, i32
  }
  func.func @transform_16(%arg0: i32) -> (i32, i32) {
    %c0_i32 = arith.constant 0 : i32
    %c0_i32_0 = arith.constant 0 : i32
    %c0_i32_1 = arith.constant 0 : i32
    return %c0_i32, %c0_i32_0 : i32, i32
  }
  func.func @transform_17(%arg0: i32) -> (i32, i32) {
    %c0_i32 = arith.constant 0 : i32
    %c0_i32_0 = arith.constant 0 : i32
    %c0_i32_1 = arith.constant 0 : i32
    return %c0_i32, %c0_i32_0 : i32, i32
  }
  func.func @transform_18(%arg0: i32) -> (i32, i32) {
    %c0_i32 = arith.constant 0 : i32
    %c0_i32_0 = arith.constant 0 : i32
    return %arg0, %c0_i32 : i32, i32
  }
  func.func @transform_19(%arg0: i32) -> (i32, i32) {
    %c0_i32 = arith.constant 0 : i32
    %c0_i32_0 = arith.constant 0 : i32
    %c0_i32_1 = arith.constant 0 : i32
    return %c0_i32, %c0_i32_0 : i32, i32
  }
}

module attributes {stable_mosaic.version = 14 : i64} {
  func.func @_pass_a_body(%arg0: i32, %arg1: memref<512x128xf32, #tpu.memory_space<vmem>>, %arg2: memref<2x128xf32, #tpu.memory_space<vmem>>, %arg3: memref<1x128xf32, #tpu.memory_space<vmem>>, %arg4: memref<1x128xf32, #tpu.memory_space<vmem>>, %arg5: memref<512x24xf32, #tpu.memory_space<vmem>>, %arg6: memref<128x128xf32, #tpu.memory_space<vmem>>, %arg7: memref<1x128xf32, #tpu.memory_space<vmem>>, %arg8: memref<8x128xf32, #tpu.memory_space<vmem>>, %arg9: memref<128x64xf32, #tpu.memory_space<vmem>>, %arg10: memref<512x64xf32, #tpu.memory_space<vmem>>) attributes {dimension_semantics = [#tpu.dimension_semantics<arbitrary>], iteration_bounds = array<i64: 320>, scalar_prefetch = 0 : i64, scratch_operands = 0 : i64, tpu.core_type = #tpu.core_type<tc>, window_params = [{transform_indices = @transform_0, window_bounds = array<i64: 512, 128>}, {pipeline_mode = #tpu.pipeline_mode<synchronous>, transform_indices = @transform_1, window_bounds = array<i64: 2, 128>}, {pipeline_mode = #tpu.pipeline_mode<synchronous>, transform_indices = @transform_2, window_bounds = array<i64: 1, 128>}, {pipeline_mode = #tpu.pipeline_mode<synchronous>, transform_indices = @transform_3, window_bounds = array<i64: 1, 128>}, {transform_indices = @transform_4, window_bounds = array<i64: 512, 24>}, {pipeline_mode = #tpu.pipeline_mode<synchronous>, transform_indices = @transform_5, window_bounds = array<i64: 128, 128>}, {pipeline_mode = #tpu.pipeline_mode<synchronous>, transform_indices = @transform_6, window_bounds = array<i64: 1, 128>}, {pipeline_mode = #tpu.pipeline_mode<synchronous>, transform_indices = @transform_7, window_bounds = array<i64: 8, 128>}, {pipeline_mode = #tpu.pipeline_mode<synchronous>, transform_indices = @transform_8, window_bounds = array<i64: 128, 64>}, {transform_indices = @transform_9, window_bounds = array<i64: 512, 64>}]} {
    %get3A = arith.constant 0 : index
    %get3A_0 = arith.constant 0 : index
    %get3A_1 = vector.load %arg1[%get3A, %get3A_0] : memref<512x128xf32, #tpu.memory_space<vmem>>, vector<512x128xf32>
    %get3A_2 = arith.constant 0 : index
    %get3A_3 = arith.constant 0 : index
    %get3A_4 = vector.load %arg2[%get3A_2, %get3A_3] : memref<2x128xf32, #tpu.memory_space<vmem>>, vector<1x128xf32>
    %mul3A = arith.constant 6.250000e-06 : f32
    %mul3A_5 = vector.broadcast %mul3A : f32 to vector<1x128xf32>
    %mul3A_6 = arith.mulf %get3A_4, %mul3A_5 : vector<1x128xf32>
    %get3A_7 = arith.constant 1 : index
    %get3A_8 = arith.constant 0 : index
    %get3A_9 = vector.load %arg2[%get3A_7, %get3A_8] : memref<2x128xf32, #tpu.memory_space<vmem>>, vector<1x128xf32>
    %mul3A_10 = arith.constant 6.250000e-06 : f32
    %mul3A_11 = vector.broadcast %mul3A_10 : f32 to vector<1x128xf32>
    %mul3A_12 = arith.mulf %get3A_9, %mul3A_11 : vector<1x128xf32>
    %mul3A_13 = arith.mulf %mul3A_6, %mul3A_6 : vector<1x128xf32>
    %sub3A = arith.subf %mul3A_12, %mul3A_13 : vector<1x128xf32>
    %add3A = arith.constant 9.99999974E-6 : f32
    %add3A_14 = vector.broadcast %add3A : f32 to vector<1x128xf32>
    %add3A_15 = arith.addf %sub3A, %add3A_14 : vector<1x128xf32>
    %rsqrt3A = math.rsqrt %add3A_15 : vector<1x128xf32>
    %get3A_16 = arith.constant 0 : index
    %get3A_17 = arith.constant 0 : index
    %get3A_18 = vector.load %arg3[%get3A_16, %get3A_17] : memref<1x128xf32, #tpu.memory_space<vmem>>, vector<1x128xf32>
    %mul3A_19 = arith.mulf %rsqrt3A, %get3A_18 : vector<1x128xf32>
    %sub3A_20 = vector.broadcast %mul3A_6 : vector<1x128xf32> to vector<512x128xf32>
    %sub3A_21 = arith.subf %get3A_1, %sub3A_20 : vector<512x128xf32>
    %mul3A_22 = vector.broadcast %mul3A_19 : vector<1x128xf32> to vector<512x128xf32>
    %mul3A_23 = arith.mulf %sub3A_21, %mul3A_22 : vector<512x128xf32>
    %get3A_24 = arith.constant 0 : index
    %get3A_25 = arith.constant 0 : index
    %get3A_26 = vector.load %arg4[%get3A_24, %get3A_25] : memref<1x128xf32, #tpu.memory_space<vmem>>, vector<1x128xf32>
    %add3A_27 = vector.broadcast %get3A_26 : vector<1x128xf32> to vector<512x128xf32>
    %add3A_28 = arith.addf %mul3A_23, %add3A_27 : vector<512x128xf32>
    %get3A_29 = arith.constant 0 : index
    %get3A_30 = arith.constant 0 : index
    %get3A_31 = vector.load %arg6[%get3A_29, %get3A_30] : memref<128x128xf32, #tpu.memory_space<vmem>>, vector<128x128xf32>
    %dot_general3A = arith.constant dense<0.000000e+00> : vector<512x128xf32>
    %dot_general3A_32 = tpu.matmul %add3A_28, %get3A_31, %dot_general3A {dimension_numbers = #tpu.dot_dimension_numbers<[1], [0], [0], [1], [0, 0, 1, 1], [], []>, transpose_lhs_hint = false} : vector<512x128xf32>, vector<128x128xf32>, vector<512x128xf32> -> vector<512x128xf32>
    %get3A_33 = arith.constant 0 : index
    %get3A_34 = arith.constant 0 : index
    %get3A_35 = vector.load %arg7[%get3A_33, %get3A_34] : memref<1x128xf32, #tpu.memory_space<vmem>>, vector<1x128xf32>
    %add3A_36 = vector.broadcast %get3A_35 : vector<1x128xf32> to vector<512x128xf32>
    %add3A_37 = arith.addf %dot_general3A_32, %add3A_36 : vector<512x128xf32>
    %logistic3A = arith.negf %add3A_37 : vector<512x128xf32>
    %logistic3A_38 = math.exp %logistic3A : vector<512x128xf32>
    %logistic3A_39 = arith.constant 1.000000e+00 : f32
    %logistic3A_40 = vector.broadcast %logistic3A_39 : f32 to vector<512x128xf32>
    %logistic3A_41 = arith.addf %logistic3A_40, %logistic3A_38 : vector<512x128xf32>
    %logistic3A_42 = arith.divf %logistic3A_40, %logistic3A_41 : vector<512x128xf32>
    %mul3A_43 = arith.mulf %add3A_37, %logistic3A_42 : vector<512x128xf32>
    %get3A_44 = arith.constant 0 : index
    %get3A_45 = arith.constant 0 : index
    %get3A_46 = vector.load %arg5[%get3A_44, %get3A_45] : memref<512x24xf32, #tpu.memory_space<vmem>>, vector<512x24xf32>
    %slice3A = vector.extract_strided_slice %get3A_46 {offsets = [0, 8], sizes = [512, 8], strides = [1, 1]} : vector<512x24xf32> to vector<512x8xf32>
    %get3A_47 = arith.constant 0 : index
    %get3A_48 = arith.constant 0 : index
    %get3A_49 = vector.load %arg8[%get3A_47, %get3A_48] : memref<8x128xf32, #tpu.memory_space<vmem>>, vector<8x128xf32>
    %dot_general3A_50 = arith.constant dense<0.000000e+00> : vector<512x128xf32>
    %dot_general3A_51 = tpu.matmul %slice3A, %get3A_49, %dot_general3A_50 {dimension_numbers = #tpu.dot_dimension_numbers<[1], [0], [0], [1], [0, 0, 1, 1], [], []>, transpose_lhs_hint = false} : vector<512x8xf32>, vector<8x128xf32>, vector<512x128xf32> -> vector<512x128xf32>
    %mul3A_52 = arith.mulf %mul3A_43, %dot_general3A_51 : vector<512x128xf32>
    %get3A_53 = arith.constant 0 : index
    %get3A_54 = arith.constant 0 : index
    %get3A_55 = vector.load %arg9[%get3A_53, %get3A_54] : memref<128x64xf32, #tpu.memory_space<vmem>>, vector<128x64xf32>
    %dot_general3A_56 = arith.constant dense<0.000000e+00> : vector<512x64xf32>
    %dot_general3A_57 = tpu.matmul %mul3A_52, %get3A_55, %dot_general3A_56 {dimension_numbers = #tpu.dot_dimension_numbers<[1], [0], [0], [1], [0, 0, 1, 1], [], []>, transpose_lhs_hint = false} : vector<512x128xf32>, vector<128x64xf32>, vector<512x64xf32> -> vector<512x64xf32>
    %logistic3A_58 = arith.negf %dot_general3A_57 : vector<512x64xf32>
    %logistic3A_59 = math.exp %logistic3A_58 : vector<512x64xf32>
    %logistic3A_60 = arith.constant 1.000000e+00 : f32
    %logistic3A_61 = vector.broadcast %logistic3A_60 : f32 to vector<512x64xf32>
    %logistic3A_62 = arith.addf %logistic3A_61, %logistic3A_59 : vector<512x64xf32>
    %logistic3A_63 = arith.divf %logistic3A_61, %logistic3A_62 : vector<512x64xf32>
    %mul3A_64 = arith.mulf %dot_general3A_57, %logistic3A_63 : vector<512x64xf32>
    %swap3A = arith.constant 0 : index
    %swap3A_65 = arith.constant 0 : index
    %swap3A_66 = vector.load %arg10[%swap3A, %swap3A_65] : memref<512x64xf32, #tpu.memory_space<vmem>>, vector<512x64xf32>
    tpu.vector_store %arg10[%swap3A, %swap3A_65], %mul3A_64 {strides = array<i32>} : memref<512x64xf32, #tpu.memory_space<vmem>>, vector<512x64xf32>,
    return
  }
  func.func @transform_0(%arg0: i32) -> (i32, i32) {
    %c0_i32 = arith.constant 0 : i32
    %c0_i32_0 = arith.constant 0 : i32
    return %arg0, %c0_i32 : i32, i32
  }
  func.func @transform_1(%arg0: i32) -> (i32, i32) {
    %c0_i32 = arith.constant 0 : i32
    %c0_i32_0 = arith.constant 0 : i32
    %c0_i32_1 = arith.constant 0 : i32
    return %c0_i32, %c0_i32_0 : i32, i32
  }
  func.func @transform_2(%arg0: i32) -> (i32, i32) {
    %c0_i32 = arith.constant 0 : i32
    %c0_i32_0 = arith.constant 0 : i32
    %c0_i32_1 = arith.constant 0 : i32
    return %c0_i32, %c0_i32_0 : i32, i32
  }
  func.func @transform_3(%arg0: i32) -> (i32, i32) {
    %c0_i32 = arith.constant 0 : i32
    %c0_i32_0 = arith.constant 0 : i32
    %c0_i32_1 = arith.constant 0 : i32
    return %c0_i32, %c0_i32_0 : i32, i32
  }
  func.func @transform_4(%arg0: i32) -> (i32, i32) {
    %c0_i32 = arith.constant 0 : i32
    %c0_i32_0 = arith.constant 0 : i32
    return %arg0, %c0_i32 : i32, i32
  }
  func.func @transform_5(%arg0: i32) -> (i32, i32) {
    %c0_i32 = arith.constant 0 : i32
    %c0_i32_0 = arith.constant 0 : i32
    %c0_i32_1 = arith.constant 0 : i32
    return %c0_i32, %c0_i32_0 : i32, i32
  }
  func.func @transform_6(%arg0: i32) -> (i32, i32) {
    %c0_i32 = arith.constant 0 : i32
    %c0_i32_0 = arith.constant 0 : i32
    %c0_i32_1 = arith.constant 0 : i32
    return %c0_i32, %c0_i32_0 : i32, i32
  }
  func.func @transform_7(%arg0: i32) -> (i32, i32) {
    %c0_i32 = arith.constant 0 : i32
    %c0_i32_0 = arith.constant 0 : i32
    %c0_i32_1 = arith.constant 0 : i32
    return %c0_i32, %c0_i32_0 : i32, i32
  }
  func.func @transform_8(%arg0: i32) -> (i32, i32) {
    %c0_i32 = arith.constant 0 : i32
    %c0_i32_0 = arith.constant 0 : i32
    %c0_i32_1 = arith.constant 0 : i32
    return %c0_i32, %c0_i32_0 : i32, i32
  }
  func.func @transform_9(%arg0: i32) -> (i32, i32) {
    %c0_i32 = arith.constant 0 : i32
    %c0_i32_0 = arith.constant 0 : i32
    return %arg0, %c0_i32 : i32, i32
  }
}

module attributes {stable_mosaic.version = 14 : i64} {
  func.func @_pass_b_body(%arg0: i32, %arg1: memref<512x128xf32, #tpu.memory_space<vmem>>, %arg2: memref<2x128xf32, #tpu.memory_space<vmem>>, %arg3: memref<1x128xf32, #tpu.memory_space<vmem>>, %arg4: memref<1x128xf32, #tpu.memory_space<vmem>>, %arg5: memref<512x64xf32, #tpu.memory_space<vmem>>, %arg6: memref<512x24xf32, #tpu.memory_space<vmem>>, %arg7: memref<512x24xf32, #tpu.memory_space<vmem>>, %arg8: memref<512x1xf32, #tpu.memory_space<vmem>>, %arg9: memref<512x1xf32, #tpu.memory_space<vmem>>, %arg10: memref<8x64xf32, #tpu.memory_space<vmem>>, %arg11: memref<8x64xf32, #tpu.memory_space<vmem>>, %arg12: memref<64x128xf32, #tpu.memory_space<vmem>>, %arg13: memref<128x128xf32, #tpu.memory_space<vmem>>, %arg14: memref<1x128xf32, #tpu.memory_space<vmem>>, %arg15: memref<128x128xf32, #tpu.memory_space<vmem>>, %arg16: memref<1x128xf32, #tpu.memory_space<vmem>>, %arg17: memref<128x128xf32, #tpu.memory_space<vmem>>, %arg18: memref<1x128xf32, #tpu.memory_space<vmem>>, %arg19: memref<512x128xf32, #tpu.memory_space<vmem>>, %arg20: memref<2x128xf32, #tpu.memory_space<vmem>>) attributes {dimension_semantics = [#tpu.dimension_semantics<arbitrary>], iteration_bounds = array<i64: 320>, scalar_prefetch = 0 : i64, scratch_operands = 0 : i64, tpu.core_type = #tpu.core_type<tc>, window_params = [{transform_indices = @transform_0, window_bounds = array<i64: 512, 128>}, {pipeline_mode = #tpu.pipeline_mode<synchronous>, transform_indices = @transform_1, window_bounds = array<i64: 2, 128>}, {pipeline_mode = #tpu.pipeline_mode<synchronous>, transform_indices = @transform_2, window_bounds = array<i64: 1, 128>}, {pipeline_mode = #tpu.pipeline_mode<synchronous>, transform_indices = @transform_3, window_bounds = array<i64: 1, 128>}, {transform_indices = @transform_4, window_bounds = array<i64: 512, 64>}, {transform_indices = @transform_5, window_bounds = array<i64: 512, 24>}, {transform_indices = @transform_6, window_bounds = array<i64: 512, 24>}, {transform_indices = @transform_7, window_bounds = array<i64: 512, 1>}, {transform_indices = @transform_8, window_bounds = array<i64: 512, 1>}, {pipeline_mode = #tpu.pipeline_mode<synchronous>, transform_indices = @transform_9, window_bounds = array<i64: 8, 64>}, {pipeline_mode = #tpu.pipeline_mode<synchronous>, transform_indices = @transform_10, window_bounds = array<i64: 8, 64>}, {pipeline_mode = #tpu.pipeline_mode<synchronous>, transform_indices = @transform_11, window_bounds = array<i64: 64, 128>}, {pipeline_mode = #tpu.pipeline_mode<synchronous>, transform_indices = @transform_12, window_bounds = array<i64: 128, 128>}, {pipeline_mode = #tpu.pipeline_mode<synchronous>, transform_indices = @transform_13, window_bounds = array<i64: 1, 128>}, {pipeline_mode = #tpu.pipeline_mode<synchronous>, transform_indices = @transform_14, window_bounds = array<i64: 128, 128>}, {pipeline_mode = #tpu.pipeline_mode<synchronous>, transform_indices = @transform_15, window_bounds = array<i64: 1, 128>}, {pipeline_mode = #tpu.pipeline_mode<synchronous>, transform_indices = @transform_16, window_bounds = array<i64: 128, 128>}, {pipeline_mode = #tpu.pipeline_mode<synchronous>, transform_indices = @transform_17, window_bounds = array<i64: 1, 128>}, {transform_indices = @transform_18, window_bounds = array<i64: 512, 128>}, {pipeline_mode = #tpu.pipeline_mode<synchronous>, transform_indices = @transform_19, window_bounds = array<i64: 2, 128>}]} {
    %get3A = arith.constant 0 : index
    %get3A_0 = arith.constant 0 : index
    %get3A_1 = vector.load %arg1[%get3A, %get3A_0] : memref<512x128xf32, #tpu.memory_space<vmem>>, vector<512x128xf32>
    %get3A_2 = arith.constant 0 : index
    %get3A_3 = arith.constant 0 : index
    %get3A_4 = vector.load %arg2[%get3A_2, %get3A_3] : memref<2x128xf32, #tpu.memory_space<vmem>>, vector<1x128xf32>
    %mul3A = arith.constant 6.250000e-06 : f32
    %mul3A_5 = vector.broadcast %mul3A : f32 to vector<1x128xf32>
    %mul3A_6 = arith.mulf %get3A_4, %mul3A_5 : vector<1x128xf32>
    %get3A_7 = arith.constant 1 : index
    %get3A_8 = arith.constant 0 : index
    %get3A_9 = vector.load %arg2[%get3A_7, %get3A_8] : memref<2x128xf32, #tpu.memory_space<vmem>>, vector<1x128xf32>
    %mul3A_10 = arith.constant 6.250000e-06 : f32
    %mul3A_11 = vector.broadcast %mul3A_10 : f32 to vector<1x128xf32>
    %mul3A_12 = arith.mulf %get3A_9, %mul3A_11 : vector<1x128xf32>
    %mul3A_13 = arith.mulf %mul3A_6, %mul3A_6 : vector<1x128xf32>
    %sub3A = arith.subf %mul3A_12, %mul3A_13 : vector<1x128xf32>
    %add3A = arith.constant 9.99999974E-6 : f32
    %add3A_14 = vector.broadcast %add3A : f32 to vector<1x128xf32>
    %add3A_15 = arith.addf %sub3A, %add3A_14 : vector<1x128xf32>
    %rsqrt3A = math.rsqrt %add3A_15 : vector<1x128xf32>
    %get3A_16 = arith.constant 0 : index
    %get3A_17 = arith.constant 0 : index
    %get3A_18 = vector.load %arg3[%get3A_16, %get3A_17] : memref<1x128xf32, #tpu.memory_space<vmem>>, vector<1x128xf32>
    %mul3A_19 = arith.mulf %rsqrt3A, %get3A_18 : vector<1x128xf32>
    %sub3A_20 = vector.broadcast %mul3A_6 : vector<1x128xf32> to vector<512x128xf32>
    %sub3A_21 = arith.subf %get3A_1, %sub3A_20 : vector<512x128xf32>
    %mul3A_22 = vector.broadcast %mul3A_19 : vector<1x128xf32> to vector<512x128xf32>
    %mul3A_23 = arith.mulf %sub3A_21, %mul3A_22 : vector<512x128xf32>
    %get3A_24 = arith.constant 0 : index
    %get3A_25 = arith.constant 0 : index
    %get3A_26 = vector.load %arg4[%get3A_24, %get3A_25] : memref<1x128xf32, #tpu.memory_space<vmem>>, vector<1x128xf32>
    %add3A_27 = vector.broadcast %get3A_26 : vector<1x128xf32> to vector<512x128xf32>
    %add3A_28 = arith.addf %mul3A_23, %add3A_27 : vector<512x128xf32>
    %get3A_29 = arith.constant 0 : index
    %get3A_30 = arith.constant 0 : index
    %get3A_31 = vector.load %arg6[%get3A_29, %get3A_30] : memref<512x24xf32, #tpu.memory_space<vmem>>, vector<512x24xf32>
    %slice3A = vector.extract_strided_slice %get3A_31 {offsets = [0, 8], sizes = [512, 8], strides = [1, 1]} : vector<512x24xf32> to vector<512x8xf32>
    %get3A_32 = arith.constant 0 : index
    %get3A_33 = arith.constant 0 : index
    %get3A_34 = vector.load %arg10[%get3A_32, %get3A_33] : memref<8x64xf32, #tpu.memory_space<vmem>>, vector<8x64xf32>
    %dot_general3A = arith.constant dense<0.000000e+00> : vector<512x64xf32>
    %dot_general3A_35 = tpu.matmul %slice3A, %get3A_34, %dot_general3A {dimension_numbers = #tpu.dot_dimension_numbers<[1], [0], [0], [1], [0, 0, 1, 1], [], []>, transpose_lhs_hint = false} : vector<512x8xf32>, vector<8x64xf32>, vector<512x64xf32> -> vector<512x64xf32>
    %get3A_36 = arith.constant 0 : index
    %get3A_37 = arith.constant 0 : index
    %get3A_38 = vector.load %arg7[%get3A_36, %get3A_37] : memref<512x24xf32, #tpu.memory_space<vmem>>, vector<512x24xf32>
    %slice3A_39 = vector.extract_strided_slice %get3A_38 {offsets = [0, 8], sizes = [512, 8], strides = [1, 1]} : vector<512x24xf32> to vector<512x8xf32>
    %get3A_40 = arith.constant 0 : index
    %get3A_41 = arith.constant 0 : index
    %get3A_42 = vector.load %arg11[%get3A_40, %get3A_41] : memref<8x64xf32, #tpu.memory_space<vmem>>, vector<8x64xf32>
    %dot_general3A_43 = arith.constant dense<0.000000e+00> : vector<512x64xf32>
    %dot_general3A_44 = tpu.matmul %slice3A_39, %get3A_42, %dot_general3A_43 {dimension_numbers = #tpu.dot_dimension_numbers<[1], [0], [0], [1], [0, 0, 1, 1], [], []>, transpose_lhs_hint = false} : vector<512x8xf32>, vector<8x64xf32>, vector<512x64xf32> -> vector<512x64xf32>
    %get3A_45 = arith.constant 0 : index
    %get3A_46 = arith.constant 0 : index
    %get3A_47 = vector.load %arg5[%get3A_45, %get3A_46] : memref<512x64xf32, #tpu.memory_space<vmem>>, vector<512x64xf32>
    %mul3A_48 = arith.mulf %get3A_47, %dot_general3A_35 : vector<512x64xf32>
    %mul3A_49 = arith.mulf %mul3A_48, %dot_general3A_44 : vector<512x64xf32>
    %get3A_50 = arith.constant 0 : index
    %get3A_51 = arith.constant 0 : index
    %get3A_52 = vector.load %arg8[%get3A_50, %get3A_51] : memref<512x1xf32, #tpu.memory_space<vmem>>, vector<512x1xf32>
    %mul3A_53 = vector.broadcast %get3A_52 : vector<512x1xf32> to vector<512x64xf32>
    %mul3A_54 = arith.mulf %mul3A_49, %mul3A_53 : vector<512x64xf32>
    %get3A_55 = arith.constant 0 : index
    %get3A_56 = arith.constant 0 : index
    %get3A_57 = vector.load %arg12[%get3A_55, %get3A_56] : memref<64x128xf32, #tpu.memory_space<vmem>>, vector<64x128xf32>
    %dot_general3A_58 = arith.constant dense<0.000000e+00> : vector<512x128xf32>
    %dot_general3A_59 = tpu.matmul %mul3A_54, %get3A_57, %dot_general3A_58 {dimension_numbers = #tpu.dot_dimension_numbers<[1], [0], [0], [1], [0, 0, 1, 1], [], []>, transpose_lhs_hint = false} : vector<512x64xf32>, vector<64x128xf32>, vector<512x128xf32> -> vector<512x128xf32>
    %logistic3A = arith.negf %dot_general3A_59 : vector<512x128xf32>
    %logistic3A_60 = math.exp %logistic3A : vector<512x128xf32>
    %logistic3A_61 = arith.constant 1.000000e+00 : f32
    %logistic3A_62 = vector.broadcast %logistic3A_61 : f32 to vector<512x128xf32>
    %logistic3A_63 = arith.addf %logistic3A_62, %logistic3A_60 : vector<512x128xf32>
    %logistic3A_64 = arith.divf %logistic3A_62, %logistic3A_63 : vector<512x128xf32>
    %mul3A_65 = arith.mulf %dot_general3A_59, %logistic3A_64 : vector<512x128xf32>
    %get3A_66 = arith.constant 0 : index
    %get3A_67 = arith.constant 0 : index
    %get3A_68 = vector.load %arg13[%get3A_66, %get3A_67] : memref<128x128xf32, #tpu.memory_space<vmem>>, vector<128x128xf32>
    %dot_general3A_69 = arith.constant dense<0.000000e+00> : vector<512x128xf32>
    %dot_general3A_70 = tpu.matmul %add3A_28, %get3A_68, %dot_general3A_69 {dimension_numbers = #tpu.dot_dimension_numbers<[1], [0], [0], [1], [0, 0, 1, 1], [], []>, transpose_lhs_hint = false} : vector<512x128xf32>, vector<128x128xf32>, vector<512x128xf32> -> vector<512x128xf32>
    %get3A_71 = arith.constant 0 : index
    %get3A_72 = arith.constant 0 : index
    %get3A_73 = vector.load %arg14[%get3A_71, %get3A_72] : memref<1x128xf32, #tpu.memory_space<vmem>>, vector<1x128xf32>
    %add3A_74 = vector.broadcast %get3A_73 : vector<1x128xf32> to vector<512x128xf32>
    %add3A_75 = arith.addf %dot_general3A_70, %add3A_74 : vector<512x128xf32>
    %logistic3A_76 = arith.negf %add3A_75 : vector<512x128xf32>
    %logistic3A_77 = math.exp %logistic3A_76 : vector<512x128xf32>
    %logistic3A_78 = arith.constant 1.000000e+00 : f32
    %logistic3A_79 = vector.broadcast %logistic3A_78 : f32 to vector<512x128xf32>
    %logistic3A_80 = arith.addf %logistic3A_79, %logistic3A_77 : vector<512x128xf32>
    %logistic3A_81 = arith.divf %logistic3A_79, %logistic3A_80 : vector<512x128xf32>
    %mul3A_82 = arith.mulf %add3A_75, %logistic3A_81 : vector<512x128xf32>
    %add3A_83 = arith.addf %mul3A_82, %mul3A_65 : vector<512x128xf32>
    %get3A_84 = arith.constant 0 : index
    %get3A_85 = arith.constant 0 : index
    %get3A_86 = vector.load %arg15[%get3A_84, %get3A_85] : memref<128x128xf32, #tpu.memory_space<vmem>>, vector<128x128xf32>
    %dot_general3A_87 = arith.constant dense<0.000000e+00> : vector<512x128xf32>
    %dot_general3A_88 = tpu.matmul %add3A_83, %get3A_86, %dot_general3A_87 {dimension_numbers = #tpu.dot_dimension_numbers<[1], [0], [0], [1], [0, 0, 1, 1], [], []>, transpose_lhs_hint = false} : vector<512x128xf32>, vector<128x128xf32>, vector<512x128xf32> -> vector<512x128xf32>
    %get3A_89 = arith.constant 0 : index
    %get3A_90 = arith.constant 0 : index
    %get3A_91 = vector.load %arg16[%get3A_89, %get3A_90] : memref<1x128xf32, #tpu.memory_space<vmem>>, vector<1x128xf32>
    %add3A_92 = vector.broadcast %get3A_91 : vector<1x128xf32> to vector<512x128xf32>
    %add3A_93 = arith.addf %dot_general3A_88, %add3A_92 : vector<512x128xf32>
    %logistic3A_94 = arith.negf %add3A_93 : vector<512x128xf32>
    %logistic3A_95 = math.exp %logistic3A_94 : vector<512x128xf32>
    %logistic3A_96 = arith.constant 1.000000e+00 : f32
    %logistic3A_97 = vector.broadcast %logistic3A_96 : f32 to vector<512x128xf32>
    %logistic3A_98 = arith.addf %logistic3A_97, %logistic3A_95 : vector<512x128xf32>
    %logistic3A_99 = arith.divf %logistic3A_97, %logistic3A_98 : vector<512x128xf32>
    %mul3A_100 = arith.mulf %add3A_93, %logistic3A_99 : vector<512x128xf32>
    %add3A_101 = arith.addf %mul3A_100, %add3A_28 : vector<512x128xf32>
    %get3A_102 = arith.constant 0 : index
    %get3A_103 = arith.constant 0 : index
    %get3A_104 = vector.load %arg17[%get3A_102, %get3A_103] : memref<128x128xf32, #tpu.memory_space<vmem>>, vector<128x128xf32>
    %dot_general3A_105 = arith.constant dense<0.000000e+00> : vector<512x128xf32>
    %dot_general3A_106 = tpu.matmul %add3A_101, %get3A_104, %dot_general3A_105 {dimension_numbers = #tpu.dot_dimension_numbers<[1], [0], [0], [1], [0, 0, 1, 1], [], []>, transpose_lhs_hint = false} : vector<512x128xf32>, vector<128x128xf32>, vector<512x128xf32> -> vector<512x128xf32>
    %get3A_107 = arith.constant 0 : index
    %get3A_108 = arith.constant 0 : index
    %get3A_109 = vector.load %arg18[%get3A_107, %get3A_108] : memref<1x128xf32, #tpu.memory_space<vmem>>, vector<1x128xf32>
    %add3A_110 = vector.broadcast %get3A_109 : vector<1x128xf32> to vector<512x128xf32>
    %add3A_111 = arith.addf %dot_general3A_106, %add3A_110 : vector<512x128xf32>
    %logistic3A_112 = arith.negf %add3A_111 : vector<512x128xf32>
    %logistic3A_113 = math.exp %logistic3A_112 : vector<512x128xf32>
    %logistic3A_114 = arith.constant 1.000000e+00 : f32
    %logistic3A_115 = vector.broadcast %logistic3A_114 : f32 to vector<512x128xf32>
    %logistic3A_116 = arith.addf %logistic3A_115, %logistic3A_113 : vector<512x128xf32>
    %logistic3A_117 = arith.divf %logistic3A_115, %logistic3A_116 : vector<512x128xf32>
    %mul3A_118 = arith.mulf %add3A_111, %logistic3A_117 : vector<512x128xf32>
    %swap3A = arith.constant 0 : index
    %swap3A_119 = arith.constant 0 : index
    %swap3A_120 = vector.load %arg19[%swap3A, %swap3A_119] : memref<512x128xf32, #tpu.memory_space<vmem>>, vector<512x128xf32>
    tpu.vector_store %arg19[%swap3A, %swap3A_119], %mul3A_118 {strides = array<i32>} : memref<512x128xf32, #tpu.memory_space<vmem>>, vector<512x128xf32>,
    %get3A_121 = arith.constant 0 : index
    %get3A_122 = arith.constant 0 : index
    %get3A_123 = vector.load %arg9[%get3A_121, %get3A_122] : memref<512x1xf32, #tpu.memory_space<vmem>>, vector<512x1xf32>
    %mul3A_124 = vector.broadcast %get3A_123 : vector<512x1xf32> to vector<512x128xf32>
    %mul3A_125 = arith.mulf %mul3A_118, %mul3A_124 : vector<512x128xf32>
    %reduce_sum3A = arith.constant dense<0.000000e+00> : vector<128xf32>
    %reduce_sum3A_126 = vector.multi_reduction <add>, %mul3A_125, %reduce_sum3A [0] : vector<512x128xf32> to vector<128xf32>
    %broadcast_in_dim3A = vector.shape_cast %reduce_sum3A_126 : vector<128xf32> to vector<1x128xf32>
    %mul3A_127 = arith.mulf %mul3A_125, %mul3A_125 : vector<512x128xf32>
    %reduce_sum3A_128 = arith.constant dense<0.000000e+00> : vector<128xf32>
    %reduce_sum3A_129 = vector.multi_reduction <add>, %mul3A_127, %reduce_sum3A_128 [0] : vector<512x128xf32> to vector<128xf32>
    %broadcast_in_dim3A_130 = vector.shape_cast %reduce_sum3A_129 : vector<128xf32> to vector<1x128xf32>
    %concatenate3A = tpu.concatenate %broadcast_in_dim3A, %broadcast_in_dim3A_130 in 0 : vector<1x128xf32>, vector<1x128xf32> -> vector<2x128xf32>
    %eq3A = arith.constant 0 : i32
    %eq3A_131 = arith.cmpi eq, %arg0, %eq3A : i32
    %convert_element_type3A = arith.extui %eq3A_131 : i1 to i32
    %cond3A = arith.constant 0 : i32
    %cond3A_132 = arith.cmpi ne, %convert_element_type3A, %cond3A : i32
    scf.if %cond3A_132 {
      %swap3A_137 = arith.constant 0 : index
      %swap3A_138 = arith.constant 0 : index
      %swap3A_139 = vector.load %arg20[%swap3A_137, %swap3A_138] : memref<2x128xf32, #tpu.memory_space<vmem>>, vector<2x128xf32>
      tpu.vector_store %arg20[%swap3A_137, %swap3A_138], %concatenate3A {strides = array<i32>} : memref<2x128xf32, #tpu.memory_space<vmem>>, vector<2x128xf32>,
    } else {
    }
    %ne3A = arith.constant 0 : i32
    %ne3A_133 = arith.cmpi ne, %arg0, %ne3A : i32
    %convert_element_type3A_134 = arith.extui %ne3A_133 : i1 to i32
    %cond3A_135 = arith.constant 0 : i32
    %cond3A_136 = arith.cmpi ne, %convert_element_type3A_134, %cond3A_135 : i32
    scf.if %cond3A_136 {
      %get3A_137 = arith.constant 0 : index
      %get3A_138 = arith.constant 0 : index
      %get3A_139 = vector.load %arg20[%get3A_137, %get3A_138] : memref<2x128xf32, #tpu.memory_space<vmem>>, vector<2x128xf32>
      %add3A_140 = arith.addf %get3A_139, %concatenate3A : vector<2x128xf32>
      %swap3A_141 = arith.constant 0 : index
      %swap3A_142 = arith.constant 0 : index
      %swap3A_143 = vector.load %arg20[%swap3A_141, %swap3A_142] : memref<2x128xf32, #tpu.memory_space<vmem>>, vector<2x128xf32>
      tpu.vector_store %arg20[%swap3A_141, %swap3A_142], %add3A_140 {strides = array<i32>} : memref<2x128xf32, #tpu.memory_space<vmem>>, vector<2x128xf32>,
    } else {
    }
    return
  }
  func.func @transform_0(%arg0: i32) -> (i32, i32) {
    %c0_i32 = arith.constant 0 : i32
    %c0_i32_0 = arith.constant 0 : i32
    return %arg0, %c0_i32 : i32, i32
  }
  func.func @transform_1(%arg0: i32) -> (i32, i32) {
    %c0_i32 = arith.constant 0 : i32
    %c0_i32_0 = arith.constant 0 : i32
    %c0_i32_1 = arith.constant 0 : i32
    return %c0_i32, %c0_i32_0 : i32, i32
  }
  func.func @transform_2(%arg0: i32) -> (i32, i32) {
    %c0_i32 = arith.constant 0 : i32
    %c0_i32_0 = arith.constant 0 : i32
    %c0_i32_1 = arith.constant 0 : i32
    return %c0_i32, %c0_i32_0 : i32, i32
  }
  func.func @transform_3(%arg0: i32) -> (i32, i32) {
    %c0_i32 = arith.constant 0 : i32
    %c0_i32_0 = arith.constant 0 : i32
    %c0_i32_1 = arith.constant 0 : i32
    return %c0_i32, %c0_i32_0 : i32, i32
  }
  func.func @transform_4(%arg0: i32) -> (i32, i32) {
    %c0_i32 = arith.constant 0 : i32
    %c0_i32_0 = arith.constant 0 : i32
    return %arg0, %c0_i32 : i32, i32
  }
  func.func @transform_5(%arg0: i32) -> (i32, i32) {
    %c0_i32 = arith.constant 0 : i32
    %c0_i32_0 = arith.constant 0 : i32
    return %arg0, %c0_i32 : i32, i32
  }
  func.func @transform_6(%arg0: i32) -> (i32, i32) {
    %c0_i32 = arith.constant 0 : i32
    %c0_i32_0 = arith.constant 0 : i32
    return %arg0, %c0_i32 : i32, i32
  }
  func.func @transform_7(%arg0: i32) -> (i32, i32) {
    %c0_i32 = arith.constant 0 : i32
    %c0_i32_0 = arith.constant 0 : i32
    return %arg0, %c0_i32 : i32, i32
  }
  func.func @transform_8(%arg0: i32) -> (i32, i32) {
    %c0_i32 = arith.constant 0 : i32
    %c0_i32_0 = arith.constant 0 : i32
    return %arg0, %c0_i32 : i32, i32
  }
  func.func @transform_9(%arg0: i32) -> (i32, i32) {
    %c0_i32 = arith.constant 0 : i32
    %c0_i32_0 = arith.constant 0 : i32
    %c0_i32_1 = arith.constant 0 : i32
    return %c0_i32, %c0_i32_0 : i32, i32
  }
  func.func @transform_10(%arg0: i32) -> (i32, i32) {
    %c0_i32 = arith.constant 0 : i32
    %c0_i32_0 = arith.constant 0 : i32
    %c0_i32_1 = arith.constant 0 : i32
    return %c0_i32, %c0_i32_0 : i32, i32
  }
  func.func @transform_11(%arg0: i32) -> (i32, i32) {
    %c0_i32 = arith.constant 0 : i32
    %c0_i32_0 = arith.constant 0 : i32
    %c0_i32_1 = arith.constant 0 : i32
    return %c0_i32, %c0_i32_0 : i32, i32
  }
  func.func @transform_12(%arg0: i32) -> (i32, i32) {
    %c0_i32 = arith.constant 0 : i32
    %c0_i32_0 = arith.constant 0 : i32
    %c0_i32_1 = arith.constant 0 : i32
    return %c0_i32, %c0_i32_0 : i32, i32
  }
  func.func @transform_13(%arg0: i32) -> (i32, i32) {
    %c0_i32 = arith.constant 0 : i32
    %c0_i32_0 = arith.constant 0 : i32
    %c0_i32_1 = arith.constant 0 : i32
    return %c0_i32, %c0_i32_0 : i32, i32
  }
  func.func @transform_14(%arg0: i32) -> (i32, i32) {
    %c0_i32 = arith.constant 0 : i32
    %c0_i32_0 = arith.constant 0 : i32
    %c0_i32_1 = arith.constant 0 : i32
    return %c0_i32, %c0_i32_0 : i32, i32
  }
  func.func @transform_15(%arg0: i32) -> (i32, i32) {
    %c0_i32 = arith.constant 0 : i32
    %c0_i32_0 = arith.constant 0 : i32
    %c0_i32_1 = arith.constant 0 : i32
    return %c0_i32, %c0_i32_0 : i32, i32
  }
  func.func @transform_16(%arg0: i32) -> (i32, i32) {
    %c0_i32 = arith.constant 0 : i32
    %c0_i32_0 = arith.constant 0 : i32
    %c0_i32_1 = arith.constant 0 : i32
    return %c0_i32, %c0_i32_0 : i32, i32
  }
  func.func @transform_17(%arg0: i32) -> (i32, i32) {
    %c0_i32 = arith.constant 0 : i32
    %c0_i32_0 = arith.constant 0 : i32
    %c0_i32_1 = arith.constant 0 : i32
    return %c0_i32, %c0_i32_0 : i32, i32
  }
  func.func @transform_18(%arg0: i32) -> (i32, i32) {
    %c0_i32 = arith.constant 0 : i32
    %c0_i32_0 = arith.constant 0 : i32
    return %arg0, %c0_i32 : i32, i32
  }
  func.func @transform_19(%arg0: i32) -> (i32, i32) {
    %c0_i32 = arith.constant 0 : i32
    %c0_i32_0 = arith.constant 0 : i32
    %c0_i32_1 = arith.constant 0 : i32
    return %c0_i32, %c0_i32_0 : i32, i32
  }
}

module attributes {stable_mosaic.version = 14 : i64} {
  func.func @_pass_a_body(%arg0: i32, %arg1: memref<512x128xf32, #tpu.memory_space<vmem>>, %arg2: memref<2x128xf32, #tpu.memory_space<vmem>>, %arg3: memref<1x128xf32, #tpu.memory_space<vmem>>, %arg4: memref<1x128xf32, #tpu.memory_space<vmem>>, %arg5: memref<512x24xf32, #tpu.memory_space<vmem>>, %arg6: memref<128x128xf32, #tpu.memory_space<vmem>>, %arg7: memref<1x128xf32, #tpu.memory_space<vmem>>, %arg8: memref<8x128xf32, #tpu.memory_space<vmem>>, %arg9: memref<128x64xf32, #tpu.memory_space<vmem>>, %arg10: memref<512x64xf32, #tpu.memory_space<vmem>>) attributes {dimension_semantics = [#tpu.dimension_semantics<arbitrary>], iteration_bounds = array<i64: 320>, scalar_prefetch = 0 : i64, scratch_operands = 0 : i64, tpu.core_type = #tpu.core_type<tc>, window_params = [{transform_indices = @transform_0, window_bounds = array<i64: 512, 128>}, {pipeline_mode = #tpu.pipeline_mode<synchronous>, transform_indices = @transform_1, window_bounds = array<i64: 2, 128>}, {pipeline_mode = #tpu.pipeline_mode<synchronous>, transform_indices = @transform_2, window_bounds = array<i64: 1, 128>}, {pipeline_mode = #tpu.pipeline_mode<synchronous>, transform_indices = @transform_3, window_bounds = array<i64: 1, 128>}, {transform_indices = @transform_4, window_bounds = array<i64: 512, 24>}, {pipeline_mode = #tpu.pipeline_mode<synchronous>, transform_indices = @transform_5, window_bounds = array<i64: 128, 128>}, {pipeline_mode = #tpu.pipeline_mode<synchronous>, transform_indices = @transform_6, window_bounds = array<i64: 1, 128>}, {pipeline_mode = #tpu.pipeline_mode<synchronous>, transform_indices = @transform_7, window_bounds = array<i64: 8, 128>}, {pipeline_mode = #tpu.pipeline_mode<synchronous>, transform_indices = @transform_8, window_bounds = array<i64: 128, 64>}, {transform_indices = @transform_9, window_bounds = array<i64: 512, 64>}]} {
    %get3A = arith.constant 0 : index
    %get3A_0 = arith.constant 0 : index
    %get3A_1 = vector.load %arg1[%get3A, %get3A_0] : memref<512x128xf32, #tpu.memory_space<vmem>>, vector<512x128xf32>
    %get3A_2 = arith.constant 0 : index
    %get3A_3 = arith.constant 0 : index
    %get3A_4 = vector.load %arg2[%get3A_2, %get3A_3] : memref<2x128xf32, #tpu.memory_space<vmem>>, vector<1x128xf32>
    %mul3A = arith.constant 6.250000e-06 : f32
    %mul3A_5 = vector.broadcast %mul3A : f32 to vector<1x128xf32>
    %mul3A_6 = arith.mulf %get3A_4, %mul3A_5 : vector<1x128xf32>
    %get3A_7 = arith.constant 1 : index
    %get3A_8 = arith.constant 0 : index
    %get3A_9 = vector.load %arg2[%get3A_7, %get3A_8] : memref<2x128xf32, #tpu.memory_space<vmem>>, vector<1x128xf32>
    %mul3A_10 = arith.constant 6.250000e-06 : f32
    %mul3A_11 = vector.broadcast %mul3A_10 : f32 to vector<1x128xf32>
    %mul3A_12 = arith.mulf %get3A_9, %mul3A_11 : vector<1x128xf32>
    %mul3A_13 = arith.mulf %mul3A_6, %mul3A_6 : vector<1x128xf32>
    %sub3A = arith.subf %mul3A_12, %mul3A_13 : vector<1x128xf32>
    %add3A = arith.constant 9.99999974E-6 : f32
    %add3A_14 = vector.broadcast %add3A : f32 to vector<1x128xf32>
    %add3A_15 = arith.addf %sub3A, %add3A_14 : vector<1x128xf32>
    %rsqrt3A = math.rsqrt %add3A_15 : vector<1x128xf32>
    %get3A_16 = arith.constant 0 : index
    %get3A_17 = arith.constant 0 : index
    %get3A_18 = vector.load %arg3[%get3A_16, %get3A_17] : memref<1x128xf32, #tpu.memory_space<vmem>>, vector<1x128xf32>
    %mul3A_19 = arith.mulf %rsqrt3A, %get3A_18 : vector<1x128xf32>
    %sub3A_20 = vector.broadcast %mul3A_6 : vector<1x128xf32> to vector<512x128xf32>
    %sub3A_21 = arith.subf %get3A_1, %sub3A_20 : vector<512x128xf32>
    %mul3A_22 = vector.broadcast %mul3A_19 : vector<1x128xf32> to vector<512x128xf32>
    %mul3A_23 = arith.mulf %sub3A_21, %mul3A_22 : vector<512x128xf32>
    %get3A_24 = arith.constant 0 : index
    %get3A_25 = arith.constant 0 : index
    %get3A_26 = vector.load %arg4[%get3A_24, %get3A_25] : memref<1x128xf32, #tpu.memory_space<vmem>>, vector<1x128xf32>
    %add3A_27 = vector.broadcast %get3A_26 : vector<1x128xf32> to vector<512x128xf32>
    %add3A_28 = arith.addf %mul3A_23, %add3A_27 : vector<512x128xf32>
    %get3A_29 = arith.constant 0 : index
    %get3A_30 = arith.constant 0 : index
    %get3A_31 = vector.load %arg6[%get3A_29, %get3A_30] : memref<128x128xf32, #tpu.memory_space<vmem>>, vector<128x128xf32>
    %dot_general3A = arith.constant dense<0.000000e+00> : vector<512x128xf32>
    %dot_general3A_32 = tpu.matmul %add3A_28, %get3A_31, %dot_general3A {dimension_numbers = #tpu.dot_dimension_numbers<[1], [0], [0], [1], [0, 0, 1, 1], [], []>, transpose_lhs_hint = false} : vector<512x128xf32>, vector<128x128xf32>, vector<512x128xf32> -> vector<512x128xf32>
    %get3A_33 = arith.constant 0 : index
    %get3A_34 = arith.constant 0 : index
    %get3A_35 = vector.load %arg7[%get3A_33, %get3A_34] : memref<1x128xf32, #tpu.memory_space<vmem>>, vector<1x128xf32>
    %add3A_36 = vector.broadcast %get3A_35 : vector<1x128xf32> to vector<512x128xf32>
    %add3A_37 = arith.addf %dot_general3A_32, %add3A_36 : vector<512x128xf32>
    %logistic3A = arith.negf %add3A_37 : vector<512x128xf32>
    %logistic3A_38 = math.exp %logistic3A : vector<512x128xf32>
    %logistic3A_39 = arith.constant 1.000000e+00 : f32
    %logistic3A_40 = vector.broadcast %logistic3A_39 : f32 to vector<512x128xf32>
    %logistic3A_41 = arith.addf %logistic3A_40, %logistic3A_38 : vector<512x128xf32>
    %logistic3A_42 = arith.divf %logistic3A_40, %logistic3A_41 : vector<512x128xf32>
    %mul3A_43 = arith.mulf %add3A_37, %logistic3A_42 : vector<512x128xf32>
    %get3A_44 = arith.constant 0 : index
    %get3A_45 = arith.constant 0 : index
    %get3A_46 = vector.load %arg5[%get3A_44, %get3A_45] : memref<512x24xf32, #tpu.memory_space<vmem>>, vector<512x24xf32>
    %slice3A = vector.extract_strided_slice %get3A_46 {offsets = [0, 16], sizes = [512, 8], strides = [1, 1]} : vector<512x24xf32> to vector<512x8xf32>
    %get3A_47 = arith.constant 0 : index
    %get3A_48 = arith.constant 0 : index
    %get3A_49 = vector.load %arg8[%get3A_47, %get3A_48] : memref<8x128xf32, #tpu.memory_space<vmem>>, vector<8x128xf32>
    %dot_general3A_50 = arith.constant dense<0.000000e+00> : vector<512x128xf32>
    %dot_general3A_51 = tpu.matmul %slice3A, %get3A_49, %dot_general3A_50 {dimension_numbers = #tpu.dot_dimension_numbers<[1], [0], [0], [1], [0, 0, 1, 1], [], []>, transpose_lhs_hint = false} : vector<512x8xf32>, vector<8x128xf32>, vector<512x128xf32> -> vector<512x128xf32>
    %mul3A_52 = arith.mulf %mul3A_43, %dot_general3A_51 : vector<512x128xf32>
    %get3A_53 = arith.constant 0 : index
    %get3A_54 = arith.constant 0 : index
    %get3A_55 = vector.load %arg9[%get3A_53, %get3A_54] : memref<128x64xf32, #tpu.memory_space<vmem>>, vector<128x64xf32>
    %dot_general3A_56 = arith.constant dense<0.000000e+00> : vector<512x64xf32>
    %dot_general3A_57 = tpu.matmul %mul3A_52, %get3A_55, %dot_general3A_56 {dimension_numbers = #tpu.dot_dimension_numbers<[1], [0], [0], [1], [0, 0, 1, 1], [], []>, transpose_lhs_hint = false} : vector<512x128xf32>, vector<128x64xf32>, vector<512x64xf32> -> vector<512x64xf32>
    %logistic3A_58 = arith.negf %dot_general3A_57 : vector<512x64xf32>
    %logistic3A_59 = math.exp %logistic3A_58 : vector<512x64xf32>
    %logistic3A_60 = arith.constant 1.000000e+00 : f32
    %logistic3A_61 = vector.broadcast %logistic3A_60 : f32 to vector<512x64xf32>
    %logistic3A_62 = arith.addf %logistic3A_61, %logistic3A_59 : vector<512x64xf32>
    %logistic3A_63 = arith.divf %logistic3A_61, %logistic3A_62 : vector<512x64xf32>
    %mul3A_64 = arith.mulf %dot_general3A_57, %logistic3A_63 : vector<512x64xf32>
    %swap3A = arith.constant 0 : index
    %swap3A_65 = arith.constant 0 : index
    %swap3A_66 = vector.load %arg10[%swap3A, %swap3A_65] : memref<512x64xf32, #tpu.memory_space<vmem>>, vector<512x64xf32>
    tpu.vector_store %arg10[%swap3A, %swap3A_65], %mul3A_64 {strides = array<i32>} : memref<512x64xf32, #tpu.memory_space<vmem>>, vector<512x64xf32>,
    return
  }
  func.func @transform_0(%arg0: i32) -> (i32, i32) {
    %c0_i32 = arith.constant 0 : i32
    %c0_i32_0 = arith.constant 0 : i32
    return %arg0, %c0_i32 : i32, i32
  }
  func.func @transform_1(%arg0: i32) -> (i32, i32) {
    %c0_i32 = arith.constant 0 : i32
    %c0_i32_0 = arith.constant 0 : i32
    %c0_i32_1 = arith.constant 0 : i32
    return %c0_i32, %c0_i32_0 : i32, i32
  }
  func.func @transform_2(%arg0: i32) -> (i32, i32) {
    %c0_i32 = arith.constant 0 : i32
    %c0_i32_0 = arith.constant 0 : i32
    %c0_i32_1 = arith.constant 0 : i32
    return %c0_i32, %c0_i32_0 : i32, i32
  }
  func.func @transform_3(%arg0: i32) -> (i32, i32) {
    %c0_i32 = arith.constant 0 : i32
    %c0_i32_0 = arith.constant 0 : i32
    %c0_i32_1 = arith.constant 0 : i32
    return %c0_i32, %c0_i32_0 : i32, i32
  }
  func.func @transform_4(%arg0: i32) -> (i32, i32) {
    %c0_i32 = arith.constant 0 : i32
    %c0_i32_0 = arith.constant 0 : i32
    return %arg0, %c0_i32 : i32, i32
  }
  func.func @transform_5(%arg0: i32) -> (i32, i32) {
    %c0_i32 = arith.constant 0 : i32
    %c0_i32_0 = arith.constant 0 : i32
    %c0_i32_1 = arith.constant 0 : i32
    return %c0_i32, %c0_i32_0 : i32, i32
  }
  func.func @transform_6(%arg0: i32) -> (i32, i32) {
    %c0_i32 = arith.constant 0 : i32
    %c0_i32_0 = arith.constant 0 : i32
    %c0_i32_1 = arith.constant 0 : i32
    return %c0_i32, %c0_i32_0 : i32, i32
  }
  func.func @transform_7(%arg0: i32) -> (i32, i32) {
    %c0_i32 = arith.constant 0 : i32
    %c0_i32_0 = arith.constant 0 : i32
    %c0_i32_1 = arith.constant 0 : i32
    return %c0_i32, %c0_i32_0 : i32, i32
  }
  func.func @transform_8(%arg0: i32) -> (i32, i32) {
    %c0_i32 = arith.constant 0 : i32
    %c0_i32_0 = arith.constant 0 : i32
    %c0_i32_1 = arith.constant 0 : i32
    return %c0_i32, %c0_i32_0 : i32, i32
  }
  func.func @transform_9(%arg0: i32) -> (i32, i32) {
    %c0_i32 = arith.constant 0 : i32
    %c0_i32_0 = arith.constant 0 : i32
    return %arg0, %c0_i32 : i32, i32
  }
}

module attributes {stable_mosaic.version = 14 : i64} {
  func.func @_pass_b_body(%arg0: i32, %arg1: memref<512x128xf32, #tpu.memory_space<vmem>>, %arg2: memref<2x128xf32, #tpu.memory_space<vmem>>, %arg3: memref<1x128xf32, #tpu.memory_space<vmem>>, %arg4: memref<1x128xf32, #tpu.memory_space<vmem>>, %arg5: memref<512x64xf32, #tpu.memory_space<vmem>>, %arg6: memref<512x24xf32, #tpu.memory_space<vmem>>, %arg7: memref<512x24xf32, #tpu.memory_space<vmem>>, %arg8: memref<512x1xf32, #tpu.memory_space<vmem>>, %arg9: memref<512x1xf32, #tpu.memory_space<vmem>>, %arg10: memref<8x64xf32, #tpu.memory_space<vmem>>, %arg11: memref<8x64xf32, #tpu.memory_space<vmem>>, %arg12: memref<64x128xf32, #tpu.memory_space<vmem>>, %arg13: memref<128x128xf32, #tpu.memory_space<vmem>>, %arg14: memref<1x128xf32, #tpu.memory_space<vmem>>, %arg15: memref<128x128xf32, #tpu.memory_space<vmem>>, %arg16: memref<1x128xf32, #tpu.memory_space<vmem>>, %arg17: memref<128x128xf32, #tpu.memory_space<vmem>>, %arg18: memref<1x128xf32, #tpu.memory_space<vmem>>, %arg19: memref<512x128xf32, #tpu.memory_space<vmem>>, %arg20: memref<2x128xf32, #tpu.memory_space<vmem>>) attributes {dimension_semantics = [#tpu.dimension_semantics<arbitrary>], iteration_bounds = array<i64: 320>, scalar_prefetch = 0 : i64, scratch_operands = 0 : i64, tpu.core_type = #tpu.core_type<tc>, window_params = [{transform_indices = @transform_0, window_bounds = array<i64: 512, 128>}, {pipeline_mode = #tpu.pipeline_mode<synchronous>, transform_indices = @transform_1, window_bounds = array<i64: 2, 128>}, {pipeline_mode = #tpu.pipeline_mode<synchronous>, transform_indices = @transform_2, window_bounds = array<i64: 1, 128>}, {pipeline_mode = #tpu.pipeline_mode<synchronous>, transform_indices = @transform_3, window_bounds = array<i64: 1, 128>}, {transform_indices = @transform_4, window_bounds = array<i64: 512, 64>}, {transform_indices = @transform_5, window_bounds = array<i64: 512, 24>}, {transform_indices = @transform_6, window_bounds = array<i64: 512, 24>}, {transform_indices = @transform_7, window_bounds = array<i64: 512, 1>}, {transform_indices = @transform_8, window_bounds = array<i64: 512, 1>}, {pipeline_mode = #tpu.pipeline_mode<synchronous>, transform_indices = @transform_9, window_bounds = array<i64: 8, 64>}, {pipeline_mode = #tpu.pipeline_mode<synchronous>, transform_indices = @transform_10, window_bounds = array<i64: 8, 64>}, {pipeline_mode = #tpu.pipeline_mode<synchronous>, transform_indices = @transform_11, window_bounds = array<i64: 64, 128>}, {pipeline_mode = #tpu.pipeline_mode<synchronous>, transform_indices = @transform_12, window_bounds = array<i64: 128, 128>}, {pipeline_mode = #tpu.pipeline_mode<synchronous>, transform_indices = @transform_13, window_bounds = array<i64: 1, 128>}, {pipeline_mode = #tpu.pipeline_mode<synchronous>, transform_indices = @transform_14, window_bounds = array<i64: 128, 128>}, {pipeline_mode = #tpu.pipeline_mode<synchronous>, transform_indices = @transform_15, window_bounds = array<i64: 1, 128>}, {pipeline_mode = #tpu.pipeline_mode<synchronous>, transform_indices = @transform_16, window_bounds = array<i64: 128, 128>}, {pipeline_mode = #tpu.pipeline_mode<synchronous>, transform_indices = @transform_17, window_bounds = array<i64: 1, 128>}, {transform_indices = @transform_18, window_bounds = array<i64: 512, 128>}, {pipeline_mode = #tpu.pipeline_mode<synchronous>, transform_indices = @transform_19, window_bounds = array<i64: 2, 128>}]} {
    %get3A = arith.constant 0 : index
    %get3A_0 = arith.constant 0 : index
    %get3A_1 = vector.load %arg1[%get3A, %get3A_0] : memref<512x128xf32, #tpu.memory_space<vmem>>, vector<512x128xf32>
    %get3A_2 = arith.constant 0 : index
    %get3A_3 = arith.constant 0 : index
    %get3A_4 = vector.load %arg2[%get3A_2, %get3A_3] : memref<2x128xf32, #tpu.memory_space<vmem>>, vector<1x128xf32>
    %mul3A = arith.constant 6.250000e-06 : f32
    %mul3A_5 = vector.broadcast %mul3A : f32 to vector<1x128xf32>
    %mul3A_6 = arith.mulf %get3A_4, %mul3A_5 : vector<1x128xf32>
    %get3A_7 = arith.constant 1 : index
    %get3A_8 = arith.constant 0 : index
    %get3A_9 = vector.load %arg2[%get3A_7, %get3A_8] : memref<2x128xf32, #tpu.memory_space<vmem>>, vector<1x128xf32>
    %mul3A_10 = arith.constant 6.250000e-06 : f32
    %mul3A_11 = vector.broadcast %mul3A_10 : f32 to vector<1x128xf32>
    %mul3A_12 = arith.mulf %get3A_9, %mul3A_11 : vector<1x128xf32>
    %mul3A_13 = arith.mulf %mul3A_6, %mul3A_6 : vector<1x128xf32>
    %sub3A = arith.subf %mul3A_12, %mul3A_13 : vector<1x128xf32>
    %add3A = arith.constant 9.99999974E-6 : f32
    %add3A_14 = vector.broadcast %add3A : f32 to vector<1x128xf32>
    %add3A_15 = arith.addf %sub3A, %add3A_14 : vector<1x128xf32>
    %rsqrt3A = math.rsqrt %add3A_15 : vector<1x128xf32>
    %get3A_16 = arith.constant 0 : index
    %get3A_17 = arith.constant 0 : index
    %get3A_18 = vector.load %arg3[%get3A_16, %get3A_17] : memref<1x128xf32, #tpu.memory_space<vmem>>, vector<1x128xf32>
    %mul3A_19 = arith.mulf %rsqrt3A, %get3A_18 : vector<1x128xf32>
    %sub3A_20 = vector.broadcast %mul3A_6 : vector<1x128xf32> to vector<512x128xf32>
    %sub3A_21 = arith.subf %get3A_1, %sub3A_20 : vector<512x128xf32>
    %mul3A_22 = vector.broadcast %mul3A_19 : vector<1x128xf32> to vector<512x128xf32>
    %mul3A_23 = arith.mulf %sub3A_21, %mul3A_22 : vector<512x128xf32>
    %get3A_24 = arith.constant 0 : index
    %get3A_25 = arith.constant 0 : index
    %get3A_26 = vector.load %arg4[%get3A_24, %get3A_25] : memref<1x128xf32, #tpu.memory_space<vmem>>, vector<1x128xf32>
    %add3A_27 = vector.broadcast %get3A_26 : vector<1x128xf32> to vector<512x128xf32>
    %add3A_28 = arith.addf %mul3A_23, %add3A_27 : vector<512x128xf32>
    %get3A_29 = arith.constant 0 : index
    %get3A_30 = arith.constant 0 : index
    %get3A_31 = vector.load %arg6[%get3A_29, %get3A_30] : memref<512x24xf32, #tpu.memory_space<vmem>>, vector<512x24xf32>
    %slice3A = vector.extract_strided_slice %get3A_31 {offsets = [0, 16], sizes = [512, 8], strides = [1, 1]} : vector<512x24xf32> to vector<512x8xf32>
    %get3A_32 = arith.constant 0 : index
    %get3A_33 = arith.constant 0 : index
    %get3A_34 = vector.load %arg10[%get3A_32, %get3A_33] : memref<8x64xf32, #tpu.memory_space<vmem>>, vector<8x64xf32>
    %dot_general3A = arith.constant dense<0.000000e+00> : vector<512x64xf32>
    %dot_general3A_35 = tpu.matmul %slice3A, %get3A_34, %dot_general3A {dimension_numbers = #tpu.dot_dimension_numbers<[1], [0], [0], [1], [0, 0, 1, 1], [], []>, transpose_lhs_hint = false} : vector<512x8xf32>, vector<8x64xf32>, vector<512x64xf32> -> vector<512x64xf32>
    %get3A_36 = arith.constant 0 : index
    %get3A_37 = arith.constant 0 : index
    %get3A_38 = vector.load %arg7[%get3A_36, %get3A_37] : memref<512x24xf32, #tpu.memory_space<vmem>>, vector<512x24xf32>
    %slice3A_39 = vector.extract_strided_slice %get3A_38 {offsets = [0, 16], sizes = [512, 8], strides = [1, 1]} : vector<512x24xf32> to vector<512x8xf32>
    %get3A_40 = arith.constant 0 : index
    %get3A_41 = arith.constant 0 : index
    %get3A_42 = vector.load %arg11[%get3A_40, %get3A_41] : memref<8x64xf32, #tpu.memory_space<vmem>>, vector<8x64xf32>
    %dot_general3A_43 = arith.constant dense<0.000000e+00> : vector<512x64xf32>
    %dot_general3A_44 = tpu.matmul %slice3A_39, %get3A_42, %dot_general3A_43 {dimension_numbers = #tpu.dot_dimension_numbers<[1], [0], [0], [1], [0, 0, 1, 1], [], []>, transpose_lhs_hint = false} : vector<512x8xf32>, vector<8x64xf32>, vector<512x64xf32> -> vector<512x64xf32>
    %get3A_45 = arith.constant 0 : index
    %get3A_46 = arith.constant 0 : index
    %get3A_47 = vector.load %arg5[%get3A_45, %get3A_46] : memref<512x64xf32, #tpu.memory_space<vmem>>, vector<512x64xf32>
    %mul3A_48 = arith.mulf %get3A_47, %dot_general3A_35 : vector<512x64xf32>
    %mul3A_49 = arith.mulf %mul3A_48, %dot_general3A_44 : vector<512x64xf32>
    %get3A_50 = arith.constant 0 : index
    %get3A_51 = arith.constant 0 : index
    %get3A_52 = vector.load %arg8[%get3A_50, %get3A_51] : memref<512x1xf32, #tpu.memory_space<vmem>>, vector<512x1xf32>
    %mul3A_53 = vector.broadcast %get3A_52 : vector<512x1xf32> to vector<512x64xf32>
    %mul3A_54 = arith.mulf %mul3A_49, %mul3A_53 : vector<512x64xf32>
    %get3A_55 = arith.constant 0 : index
    %get3A_56 = arith.constant 0 : index
    %get3A_57 = vector.load %arg12[%get3A_55, %get3A_56] : memref<64x128xf32, #tpu.memory_space<vmem>>, vector<64x128xf32>
    %dot_general3A_58 = arith.constant dense<0.000000e+00> : vector<512x128xf32>
    %dot_general3A_59 = tpu.matmul %mul3A_54, %get3A_57, %dot_general3A_58 {dimension_numbers = #tpu.dot_dimension_numbers<[1], [0], [0], [1], [0, 0, 1, 1], [], []>, transpose_lhs_hint = false} : vector<512x64xf32>, vector<64x128xf32>, vector<512x128xf32> -> vector<512x128xf32>
    %logistic3A = arith.negf %dot_general3A_59 : vector<512x128xf32>
    %logistic3A_60 = math.exp %logistic3A : vector<512x128xf32>
    %logistic3A_61 = arith.constant 1.000000e+00 : f32
    %logistic3A_62 = vector.broadcast %logistic3A_61 : f32 to vector<512x128xf32>
    %logistic3A_63 = arith.addf %logistic3A_62, %logistic3A_60 : vector<512x128xf32>
    %logistic3A_64 = arith.divf %logistic3A_62, %logistic3A_63 : vector<512x128xf32>
    %mul3A_65 = arith.mulf %dot_general3A_59, %logistic3A_64 : vector<512x128xf32>
    %get3A_66 = arith.constant 0 : index
    %get3A_67 = arith.constant 0 : index
    %get3A_68 = vector.load %arg13[%get3A_66, %get3A_67] : memref<128x128xf32, #tpu.memory_space<vmem>>, vector<128x128xf32>
    %dot_general3A_69 = arith.constant dense<0.000000e+00> : vector<512x128xf32>
    %dot_general3A_70 = tpu.matmul %add3A_28, %get3A_68, %dot_general3A_69 {dimension_numbers = #tpu.dot_dimension_numbers<[1], [0], [0], [1], [0, 0, 1, 1], [], []>, transpose_lhs_hint = false} : vector<512x128xf32>, vector<128x128xf32>, vector<512x128xf32> -> vector<512x128xf32>
    %get3A_71 = arith.constant 0 : index
    %get3A_72 = arith.constant 0 : index
    %get3A_73 = vector.load %arg14[%get3A_71, %get3A_72] : memref<1x128xf32, #tpu.memory_space<vmem>>, vector<1x128xf32>
    %add3A_74 = vector.broadcast %get3A_73 : vector<1x128xf32> to vector<512x128xf32>
    %add3A_75 = arith.addf %dot_general3A_70, %add3A_74 : vector<512x128xf32>
    %logistic3A_76 = arith.negf %add3A_75 : vector<512x128xf32>
    %logistic3A_77 = math.exp %logistic3A_76 : vector<512x128xf32>
    %logistic3A_78 = arith.constant 1.000000e+00 : f32
    %logistic3A_79 = vector.broadcast %logistic3A_78 : f32 to vector<512x128xf32>
    %logistic3A_80 = arith.addf %logistic3A_79, %logistic3A_77 : vector<512x128xf32>
    %logistic3A_81 = arith.divf %logistic3A_79, %logistic3A_80 : vector<512x128xf32>
    %mul3A_82 = arith.mulf %add3A_75, %logistic3A_81 : vector<512x128xf32>
    %add3A_83 = arith.addf %mul3A_82, %mul3A_65 : vector<512x128xf32>
    %get3A_84 = arith.constant 0 : index
    %get3A_85 = arith.constant 0 : index
    %get3A_86 = vector.load %arg15[%get3A_84, %get3A_85] : memref<128x128xf32, #tpu.memory_space<vmem>>, vector<128x128xf32>
    %dot_general3A_87 = arith.constant dense<0.000000e+00> : vector<512x128xf32>
    %dot_general3A_88 = tpu.matmul %add3A_83, %get3A_86, %dot_general3A_87 {dimension_numbers = #tpu.dot_dimension_numbers<[1], [0], [0], [1], [0, 0, 1, 1], [], []>, transpose_lhs_hint = false} : vector<512x128xf32>, vector<128x128xf32>, vector<512x128xf32> -> vector<512x128xf32>
    %get3A_89 = arith.constant 0 : index
    %get3A_90 = arith.constant 0 : index
    %get3A_91 = vector.load %arg16[%get3A_89, %get3A_90] : memref<1x128xf32, #tpu.memory_space<vmem>>, vector<1x128xf32>
    %add3A_92 = vector.broadcast %get3A_91 : vector<1x128xf32> to vector<512x128xf32>
    %add3A_93 = arith.addf %dot_general3A_88, %add3A_92 : vector<512x128xf32>
    %logistic3A_94 = arith.negf %add3A_93 : vector<512x128xf32>
    %logistic3A_95 = math.exp %logistic3A_94 : vector<512x128xf32>
    %logistic3A_96 = arith.constant 1.000000e+00 : f32
    %logistic3A_97 = vector.broadcast %logistic3A_96 : f32 to vector<512x128xf32>
    %logistic3A_98 = arith.addf %logistic3A_97, %logistic3A_95 : vector<512x128xf32>
    %logistic3A_99 = arith.divf %logistic3A_97, %logistic3A_98 : vector<512x128xf32>
    %mul3A_100 = arith.mulf %add3A_93, %logistic3A_99 : vector<512x128xf32>
    %add3A_101 = arith.addf %mul3A_100, %add3A_28 : vector<512x128xf32>
    %get3A_102 = arith.constant 0 : index
    %get3A_103 = arith.constant 0 : index
    %get3A_104 = vector.load %arg17[%get3A_102, %get3A_103] : memref<128x128xf32, #tpu.memory_space<vmem>>, vector<128x128xf32>
    %dot_general3A_105 = arith.constant dense<0.000000e+00> : vector<512x128xf32>
    %dot_general3A_106 = tpu.matmul %add3A_101, %get3A_104, %dot_general3A_105 {dimension_numbers = #tpu.dot_dimension_numbers<[1], [0], [0], [1], [0, 0, 1, 1], [], []>, transpose_lhs_hint = false} : vector<512x128xf32>, vector<128x128xf32>, vector<512x128xf32> -> vector<512x128xf32>
    %get3A_107 = arith.constant 0 : index
    %get3A_108 = arith.constant 0 : index
    %get3A_109 = vector.load %arg18[%get3A_107, %get3A_108] : memref<1x128xf32, #tpu.memory_space<vmem>>, vector<1x128xf32>
    %add3A_110 = vector.broadcast %get3A_109 : vector<1x128xf32> to vector<512x128xf32>
    %add3A_111 = arith.addf %dot_general3A_106, %add3A_110 : vector<512x128xf32>
    %logistic3A_112 = arith.negf %add3A_111 : vector<512x128xf32>
    %logistic3A_113 = math.exp %logistic3A_112 : vector<512x128xf32>
    %logistic3A_114 = arith.constant 1.000000e+00 : f32
    %logistic3A_115 = vector.broadcast %logistic3A_114 : f32 to vector<512x128xf32>
    %logistic3A_116 = arith.addf %logistic3A_115, %logistic3A_113 : vector<512x128xf32>
    %logistic3A_117 = arith.divf %logistic3A_115, %logistic3A_116 : vector<512x128xf32>
    %mul3A_118 = arith.mulf %add3A_111, %logistic3A_117 : vector<512x128xf32>
    %swap3A = arith.constant 0 : index
    %swap3A_119 = arith.constant 0 : index
    %swap3A_120 = vector.load %arg19[%swap3A, %swap3A_119] : memref<512x128xf32, #tpu.memory_space<vmem>>, vector<512x128xf32>
    tpu.vector_store %arg19[%swap3A, %swap3A_119], %mul3A_118 {strides = array<i32>} : memref<512x128xf32, #tpu.memory_space<vmem>>, vector<512x128xf32>,
    %get3A_121 = arith.constant 0 : index
    %get3A_122 = arith.constant 0 : index
    %get3A_123 = vector.load %arg9[%get3A_121, %get3A_122] : memref<512x1xf32, #tpu.memory_space<vmem>>, vector<512x1xf32>
    %mul3A_124 = vector.broadcast %get3A_123 : vector<512x1xf32> to vector<512x128xf32>
    %mul3A_125 = arith.mulf %mul3A_118, %mul3A_124 : vector<512x128xf32>
    %reduce_sum3A = arith.constant dense<0.000000e+00> : vector<128xf32>
    %reduce_sum3A_126 = vector.multi_reduction <add>, %mul3A_125, %reduce_sum3A [0] : vector<512x128xf32> to vector<128xf32>
    %broadcast_in_dim3A = vector.shape_cast %reduce_sum3A_126 : vector<128xf32> to vector<1x128xf32>
    %mul3A_127 = arith.mulf %mul3A_125, %mul3A_125 : vector<512x128xf32>
    %reduce_sum3A_128 = arith.constant dense<0.000000e+00> : vector<128xf32>
    %reduce_sum3A_129 = vector.multi_reduction <add>, %mul3A_127, %reduce_sum3A_128 [0] : vector<512x128xf32> to vector<128xf32>
    %broadcast_in_dim3A_130 = vector.shape_cast %reduce_sum3A_129 : vector<128xf32> to vector<1x128xf32>
    %concatenate3A = tpu.concatenate %broadcast_in_dim3A, %broadcast_in_dim3A_130 in 0 : vector<1x128xf32>, vector<1x128xf32> -> vector<2x128xf32>
    %eq3A = arith.constant 0 : i32
    %eq3A_131 = arith.cmpi eq, %arg0, %eq3A : i32
    %convert_element_type3A = arith.extui %eq3A_131 : i1 to i32
    %cond3A = arith.constant 0 : i32
    %cond3A_132 = arith.cmpi ne, %convert_element_type3A, %cond3A : i32
    scf.if %cond3A_132 {
      %swap3A_137 = arith.constant 0 : index
      %swap3A_138 = arith.constant 0 : index
      %swap3A_139 = vector.load %arg20[%swap3A_137, %swap3A_138] : memref<2x128xf32, #tpu.memory_space<vmem>>, vector<2x128xf32>
      tpu.vector_store %arg20[%swap3A_137, %swap3A_138], %concatenate3A {strides = array<i32>} : memref<2x128xf32, #tpu.memory_space<vmem>>, vector<2x128xf32>,
    } else {
    }
    %ne3A = arith.constant 0 : i32
    %ne3A_133 = arith.cmpi ne, %arg0, %ne3A : i32
    %convert_element_type3A_134 = arith.extui %ne3A_133 : i1 to i32
    %cond3A_135 = arith.constant 0 : i32
    %cond3A_136 = arith.cmpi ne, %convert_element_type3A_134, %cond3A_135 : i32
    scf.if %cond3A_136 {
      %get3A_137 = arith.constant 0 : index
      %get3A_138 = arith.constant 0 : index
      %get3A_139 = vector.load %arg20[%get3A_137, %get3A_138] : memref<2x128xf32, #tpu.memory_space<vmem>>, vector<2x128xf32>
      %add3A_140 = arith.addf %get3A_139, %concatenate3A : vector<2x128xf32>
      %swap3A_141 = arith.constant 0 : index
      %swap3A_142 = arith.constant 0 : index
      %swap3A_143 = vector.load %arg20[%swap3A_141, %swap3A_142] : memref<2x128xf32, #tpu.memory_space<vmem>>, vector<2x128xf32>
      tpu.vector_store %arg20[%swap3A_141, %swap3A_142], %add3A_140 {strides = array<i32>} : memref<2x128xf32, #tpu.memory_space<vmem>>, vector<2x128xf32>,
    } else {
    }
    return
  }
  func.func @transform_0(%arg0: i32) -> (i32, i32) {
    %c0_i32 = arith.constant 0 : i32
    %c0_i32_0 = arith.constant 0 : i32
    return %arg0, %c0_i32 : i32, i32
  }
  func.func @transform_1(%arg0: i32) -> (i32, i32) {
    %c0_i32 = arith.constant 0 : i32
    %c0_i32_0 = arith.constant 0 : i32
    %c0_i32_1 = arith.constant 0 : i32
    return %c0_i32, %c0_i32_0 : i32, i32
  }
  func.func @transform_2(%arg0: i32) -> (i32, i32) {
    %c0_i32 = arith.constant 0 : i32
    %c0_i32_0 = arith.constant 0 : i32
    %c0_i32_1 = arith.constant 0 : i32
    return %c0_i32, %c0_i32_0 : i32, i32
  }
  func.func @transform_3(%arg0: i32) -> (i32, i32) {
    %c0_i32 = arith.constant 0 : i32
    %c0_i32_0 = arith.constant 0 : i32
    %c0_i32_1 = arith.constant 0 : i32
    return %c0_i32, %c0_i32_0 : i32, i32
  }
  func.func @transform_4(%arg0: i32) -> (i32, i32) {
    %c0_i32 = arith.constant 0 : i32
    %c0_i32_0 = arith.constant 0 : i32
    return %arg0, %c0_i32 : i32, i32
  }
  func.func @transform_5(%arg0: i32) -> (i32, i32) {
    %c0_i32 = arith.constant 0 : i32
    %c0_i32_0 = arith.constant 0 : i32
    return %arg0, %c0_i32 : i32, i32
  }
  func.func @transform_6(%arg0: i32) -> (i32, i32) {
    %c0_i32 = arith.constant 0 : i32
    %c0_i32_0 = arith.constant 0 : i32
    return %arg0, %c0_i32 : i32, i32
  }
  func.func @transform_7(%arg0: i32) -> (i32, i32) {
    %c0_i32 = arith.constant 0 : i32
    %c0_i32_0 = arith.constant 0 : i32
    return %arg0, %c0_i32 : i32, i32
  }
  func.func @transform_8(%arg0: i32) -> (i32, i32) {
    %c0_i32 = arith.constant 0 : i32
    %c0_i32_0 = arith.constant 0 : i32
    return %arg0, %c0_i32 : i32, i32
  }
  func.func @transform_9(%arg0: i32) -> (i32, i32) {
    %c0_i32 = arith.constant 0 : i32
    %c0_i32_0 = arith.constant 0 : i32
    %c0_i32_1 = arith.constant 0 : i32
    return %c0_i32, %c0_i32_0 : i32, i32
  }
  func.func @transform_10(%arg0: i32) -> (i32, i32) {
    %c0_i32 = arith.constant 0 : i32
    %c0_i32_0 = arith.constant 0 : i32
    %c0_i32_1 = arith.constant 0 : i32
    return %c0_i32, %c0_i32_0 : i32, i32
  }
  func.func @transform_11(%arg0: i32) -> (i32, i32) {
    %c0_i32 = arith.constant 0 : i32
    %c0_i32_0 = arith.constant 0 : i32
    %c0_i32_1 = arith.constant 0 : i32
    return %c0_i32, %c0_i32_0 : i32, i32
  }
  func.func @transform_12(%arg0: i32) -> (i32, i32) {
    %c0_i32 = arith.constant 0 : i32
    %c0_i32_0 = arith.constant 0 : i32
    %c0_i32_1 = arith.constant 0 : i32
    return %c0_i32, %c0_i32_0 : i32, i32
  }
  func.func @transform_13(%arg0: i32) -> (i32, i32) {
    %c0_i32 = arith.constant 0 : i32
    %c0_i32_0 = arith.constant 0 : i32
    %c0_i32_1 = arith.constant 0 : i32
    return %c0_i32, %c0_i32_0 : i32, i32
  }
  func.func @transform_14(%arg0: i32) -> (i32, i32) {
    %c0_i32 = arith.constant 0 : i32
    %c0_i32_0 = arith.constant 0 : i32
    %c0_i32_1 = arith.constant 0 : i32
    return %c0_i32, %c0_i32_0 : i32, i32
  }
  func.func @transform_15(%arg0: i32) -> (i32, i32) {
    %c0_i32 = arith.constant 0 : i32
    %c0_i32_0 = arith.constant 0 : i32
    %c0_i32_1 = arith.constant 0 : i32
    return %c0_i32, %c0_i32_0 : i32, i32
  }
  func.func @transform_16(%arg0: i32) -> (i32, i32) {
    %c0_i32 = arith.constant 0 : i32
    %c0_i32_0 = arith.constant 0 : i32
    %c0_i32_1 = arith.constant 0 : i32
    return %c0_i32, %c0_i32_0 : i32, i32
  }
  func.func @transform_17(%arg0: i32) -> (i32, i32) {
    %c0_i32 = arith.constant 0 : i32
    %c0_i32_0 = arith.constant 0 : i32
    %c0_i32_1 = arith.constant 0 : i32
    return %c0_i32, %c0_i32_0 : i32, i32
  }
  func.func @transform_18(%arg0: i32) -> (i32, i32) {
    %c0_i32 = arith.constant 0 : i32
    %c0_i32_0 = arith.constant 0 : i32
    return %arg0, %c0_i32 : i32, i32
  }
  func.func @transform_19(%arg0: i32) -> (i32, i32) {
    %c0_i32 = arith.constant 0 : i32
    %c0_i32_0 = arith.constant 0 : i32
    %c0_i32_1 = arith.constant 0 : i32
    return %c0_i32, %c0_i32_0 : i32, i32
  }
}

module attributes {stable_mosaic.version = 14 : i64} {
  func.func @_final_body(%arg0: i32, %arg1: memref<512x128xf32, #tpu.memory_space<vmem>>, %arg2: memref<2x128xf32, #tpu.memory_space<vmem>>, %arg3: memref<1x128xf32, #tpu.memory_space<vmem>>, %arg4: memref<1x128xf32, #tpu.memory_space<vmem>>, %arg5: memref<512x1xi32, #tpu.memory_space<vmem>>, %arg6: memref<16x128xf32, #tpu.memory_space<vmem>>) attributes {dimension_semantics = [#tpu.dimension_semantics<arbitrary>], iteration_bounds = array<i64: 320>, scalar_prefetch = 0 : i64, scratch_operands = 0 : i64, tpu.core_type = #tpu.core_type<tc>, window_params = [{transform_indices = @transform_0, window_bounds = array<i64: 512, 128>}, {pipeline_mode = #tpu.pipeline_mode<synchronous>, transform_indices = @transform_1, window_bounds = array<i64: 2, 128>}, {pipeline_mode = #tpu.pipeline_mode<synchronous>, transform_indices = @transform_2, window_bounds = array<i64: 1, 128>}, {pipeline_mode = #tpu.pipeline_mode<synchronous>, transform_indices = @transform_3, window_bounds = array<i64: 1, 128>}, {transform_indices = @transform_4, window_bounds = array<i64: 512, 1>}, {pipeline_mode = #tpu.pipeline_mode<synchronous>, transform_indices = @transform_5, window_bounds = array<i64: 16, 128>}]} {
    %get3A = arith.constant 0 : index
    %get3A_0 = arith.constant 0 : index
    %get3A_1 = vector.load %arg1[%get3A, %get3A_0] : memref<512x128xf32, #tpu.memory_space<vmem>>, vector<512x128xf32>
    %get3A_2 = arith.constant 0 : index
    %get3A_3 = arith.constant 0 : index
    %get3A_4 = vector.load %arg2[%get3A_2, %get3A_3] : memref<2x128xf32, #tpu.memory_space<vmem>>, vector<1x128xf32>
    %mul3A = arith.constant 6.250000e-06 : f32
    %mul3A_5 = vector.broadcast %mul3A : f32 to vector<1x128xf32>
    %mul3A_6 = arith.mulf %get3A_4, %mul3A_5 : vector<1x128xf32>
    %get3A_7 = arith.constant 1 : index
    %get3A_8 = arith.constant 0 : index
    %get3A_9 = vector.load %arg2[%get3A_7, %get3A_8] : memref<2x128xf32, #tpu.memory_space<vmem>>, vector<1x128xf32>
    %mul3A_10 = arith.constant 6.250000e-06 : f32
    %mul3A_11 = vector.broadcast %mul3A_10 : f32 to vector<1x128xf32>
    %mul3A_12 = arith.mulf %get3A_9, %mul3A_11 : vector<1x128xf32>
    %mul3A_13 = arith.mulf %mul3A_6, %mul3A_6 : vector<1x128xf32>
    %sub3A = arith.subf %mul3A_12, %mul3A_13 : vector<1x128xf32>
    %add3A = arith.constant 9.99999974E-6 : f32
    %add3A_14 = vector.broadcast %add3A : f32 to vector<1x128xf32>
    %add3A_15 = arith.addf %sub3A, %add3A_14 : vector<1x128xf32>
    %rsqrt3A = math.rsqrt %add3A_15 : vector<1x128xf32>
    %get3A_16 = arith.constant 0 : index
    %get3A_17 = arith.constant 0 : index
    %get3A_18 = vector.load %arg3[%get3A_16, %get3A_17] : memref<1x128xf32, #tpu.memory_space<vmem>>, vector<1x128xf32>
    %mul3A_19 = arith.mulf %rsqrt3A, %get3A_18 : vector<1x128xf32>
    %sub3A_20 = vector.broadcast %mul3A_6 : vector<1x128xf32> to vector<512x128xf32>
    %sub3A_21 = arith.subf %get3A_1, %sub3A_20 : vector<512x128xf32>
    %mul3A_22 = vector.broadcast %mul3A_19 : vector<1x128xf32> to vector<512x128xf32>
    %mul3A_23 = arith.mulf %sub3A_21, %mul3A_22 : vector<512x128xf32>
    %get3A_24 = arith.constant 0 : index
    %get3A_25 = arith.constant 0 : index
    %get3A_26 = vector.load %arg4[%get3A_24, %get3A_25] : memref<1x128xf32, #tpu.memory_space<vmem>>, vector<1x128xf32>
    %add3A_27 = vector.broadcast %get3A_26 : vector<1x128xf32> to vector<512x128xf32>
    %add3A_28 = arith.addf %mul3A_23, %add3A_27 : vector<512x128xf32>
    %get3A_29 = arith.constant 0 : index
    %get3A_30 = arith.constant 0 : index
    %get3A_31 = vector.load %arg5[%get3A_29, %get3A_30] : memref<512x1xi32, #tpu.memory_space<vmem>>, vector<512x1xi32>
    %iota3A = tpu.iota {dimensions = array<i32: 1>} : vector<512x16xi32>
    %eq3A = vector.broadcast %get3A_31 : vector<512x1xi32> to vector<512x16xi32>
    %eq3A_32 = arith.cmpi eq, %eq3A, %iota3A : vector<512x16xi32>
    %convert_element_type3A = arith.extui %eq3A_32 : vector<512x16xi1> to vector<512x16xi32>
    %convert_element_type3A_33 = arith.sitofp %convert_element_type3A : vector<512x16xi32> to vector<512x16xf32>
    %dot_general3A = arith.constant dense<0.000000e+00> : vector<16x128xf32>
    %dot_general3A_34 = tpu.matmul %convert_element_type3A_33, %add3A_28, %dot_general3A {dimension_numbers = #tpu.dot_dimension_numbers<[0], [0], [1], [1], [0, 1, 1, 1], [], []>, transpose_lhs_hint = false} : vector<512x16xf32>, vector<512x128xf32>, vector<16x128xf32> -> vector<16x128xf32>
    %eq3A_35 = arith.constant 0 : i32
    %eq3A_36 = arith.cmpi eq, %arg0, %eq3A_35 : i32
    %convert_element_type3A_37 = arith.extui %eq3A_36 : i1 to i32
    %cond3A = arith.constant 0 : i32
    %cond3A_38 = arith.cmpi ne, %convert_element_type3A_37, %cond3A : i32
    scf.if %cond3A_38 {
      %swap3A = arith.constant 0 : index
      %swap3A_43 = arith.constant 0 : index
      %swap3A_44 = vector.load %arg6[%swap3A, %swap3A_43] : memref<16x128xf32, #tpu.memory_space<vmem>>, vector<16x128xf32>
      tpu.vector_store %arg6[%swap3A, %swap3A_43], %dot_general3A_34 {strides = array<i32>} : memref<16x128xf32, #tpu.memory_space<vmem>>, vector<16x128xf32>,
    } else {
    }
    %ne3A = arith.constant 0 : i32
    %ne3A_39 = arith.cmpi ne, %arg0, %ne3A : i32
    %convert_element_type3A_40 = arith.extui %ne3A_39 : i1 to i32
    %cond3A_41 = arith.constant 0 : i32
    %cond3A_42 = arith.cmpi ne, %convert_element_type3A_40, %cond3A_41 : i32
    scf.if %cond3A_42 {
      %get3A_43 = arith.constant 0 : index
      %get3A_44 = arith.constant 0 : index
      %get3A_45 = vector.load %arg6[%get3A_43, %get3A_44] : memref<16x128xf32, #tpu.memory_space<vmem>>, vector<16x128xf32>
      %add3A_46 = arith.addf %get3A_45, %dot_general3A_34 : vector<16x128xf32>
      %swap3A = arith.constant 0 : index
      %swap3A_47 = arith.constant 0 : index
      %swap3A_48 = vector.load %arg6[%swap3A, %swap3A_47] : memref<16x128xf32, #tpu.memory_space<vmem>>, vector<16x128xf32>
      tpu.vector_store %arg6[%swap3A, %swap3A_47], %add3A_46 {strides = array<i32>} : memref<16x128xf32, #tpu.memory_space<vmem>>, vector<16x128xf32>,
    } else {
    }
    return
  }
  func.func @transform_0(%arg0: i32) -> (i32, i32) {
    %c0_i32 = arith.constant 0 : i32
    %c0_i32_0 = arith.constant 0 : i32
    return %arg0, %c0_i32 : i32, i32
  }
  func.func @transform_1(%arg0: i32) -> (i32, i32) {
    %c0_i32 = arith.constant 0 : i32
    %c0_i32_0 = arith.constant 0 : i32
    %c0_i32_1 = arith.constant 0 : i32
    return %c0_i32, %c0_i32_0 : i32, i32
  }
  func.func @transform_2(%arg0: i32) -> (i32, i32) {
    %c0_i32 = arith.constant 0 : i32
    %c0_i32_0 = arith.constant 0 : i32
    %c0_i32_1 = arith.constant 0 : i32
    return %c0_i32, %c0_i32_0 : i32, i32
  }
  func.func @transform_3(%arg0: i32) -> (i32, i32) {
    %c0_i32 = arith.constant 0 : i32
    %c0_i32_0 = arith.constant 0 : i32
    %c0_i32_1 = arith.constant 0 : i32
    return %c0_i32, %c0_i32_0 : i32, i32
  }
  func.func @transform_4(%arg0: i32) -> (i32, i32) {
    %c0_i32 = arith.constant 0 : i32
    %c0_i32_0 = arith.constant 0 : i32
    return %arg0, %c0_i32 : i32, i32
  }
  func.func @transform_5(%arg0: i32) -> (i32, i32) {
    %c0_i32 = arith.constant 0 : i32
    %c0_i32_0 = arith.constant 0 : i32
    %c0_i32_1 = arith.constant 0 : i32
    return %c0_i32, %c0_i32_0 : i32, i32
  }
}

</mosaic_0001>

<sc_bundles>
// kernel: gather_offload_async_start
scs
__scs_entry_jumppad:
0x0: {  	(pc) =	sbr.rel $0x88, $3  }
0x1: {  	(tag) =	ssettag $0x0;
	lr =	simm.s32 $0x1  }
0x2: {  	[smem:$0x3F64] =	sst lr;
	_ =	strace $0xD0000000  }
0x3: {  	_ = 	snop  }
0x4: {  	_ = 	snop  }
0x5: {  	_ = 	snop  }
0x6: {  	_ = 	snop  }
0x7: {  	_ = 	snop  }
__scs_overlays_trampoline_lowered:
0x8: {  	[smem:$0x3F73] =	sst s0  }
0x9: {  	[smem:$0x3F74] =	sst s1  }
0xa: {  	[smem:$0x3F75] =	sst s2  }
0xb: {  	[smem:$0x3F76] =	sst s3  }
0xc: {  	[smem:$0x3F77] =	sst s4  }
0xd: {  	[smem:$0x3F78] =	sst s5  }
0xe: {  	[smem:$0x3F79] =	sst s6  }
0xf: {  	[smem:$0x3F7A] =	sst s7  }
0x10: {  	[smem:$0x3F7B] =	sst s8  }
0x11: {  	[smem:$0x3F7C] =	sst s9;
	s0 =	simm.s32 @!p0 $0x0  }
0x12: {  	s1 =	sld [smem:$0x3F62];
	s0 =	simm.s32 @p0 $0x1  }
0x13: {  	[smem:$0x3F7D] =	sst s0;
	s0 =	simm.s32 @!p1 $0x0  }
0x14: {  	s2 =	sld [smem:$0x3F61];
	s0 =	simm.s32 @p1 $0x1  }
0x15: {  	[smem:$0x3F7E] =	sst s0;
	s0 =	simm.s32 @!p2 $0x0  }
0x16: {  	s3 =	sld [smem:$0x3FDB];
	s0 =	simm.s32 @p2 $0x1  }
0x17: {  	s4 =	simm.s32 $0x1BF5;
	[smem:$0x3F80] =	sst s0  }
0x18: {  	s0 =	sld [smem:$0x3F63];
	_ =	swait.ge [sflag:s4], $0x0  }
0x19: {  	s7 =	sld [smem:$0x3F64]  }
0x1a: {  	s8 =	sadd.s32 $0xFFFFE003, lr  }
0x1b: {  	s9 =	sadd.s32 $0xFFFFFEF7, lr;
	s5 =	simm.s32 $0xFFFFFFFF;
	p2 =	slt.u32 s8, $0xFFFFF086  }
0x1c: {  	p1 =	slt.u32 s9, $0xF7A;
	s5 =	simm.s32 @!p2 $0x0  }
0x1d: {  	s5 =	simm.s32 @p1 $0x1;
	p0 =	seq.s32 s7, s2  }
0x1e: {  	s7 =	smul.u32 @!p0 $0xF7A, s2;
	p2 =	seq.s32 @!p0 s5, $0x0  }
0x1f: {  	s9 =	smul.u32 $0xF7A, s1;
	s8 =	simm.s32 @!p0 $0x1BF5;
	p2 =	por !p2, p0  }
0x20: {  	[sflag:s8] =	ssyncset.s32 @!p0 $0xFFFFF086;
	s6 =	sadd.s32 @!p0 s3, s7;
	s7 =	simm.s32 @!p0 $0x108  }
0x21: {  	s3 =	sadd.s32 s3, s9;
	s6 =	sadd.s32 @!p0 $0x88, s6;
	s7 =	simm.s32 @p2 $0x1082  }
0x22: {  	[simem:s7], [sflag:s8] =	dma.local @!p0 [hbm:s6], $0xF7A  }
0x23: {  	s9 =	sor.u32 $0xD0000000, s2;
	s6 =	simm.s32 $0x108;
	_ =	swait.ge @!p0 [sflag:s8], $0x0  }
0x24: {  	s3 =	sadd.s32 $0x88, s3;
	s6 =	simm.s32 @!p1 $0x1082;
	[sflag:s4] =	ssyncset.s32 $0xFFFFF086  }
0x25: {  	[simem:s6], [sflag:s4] =	dma.local [hbm:s3], $0xF7A  }
0x26: {  	[smem:$0x3F64] =	sst s1;
	(tag) =	ssettag s2;
	_ =	strace s9  }
0x27: {  	s1 =	sld [smem:$0x3F74]  }
0x28: {  	s2 =	sld [smem:$0x3F75]  }
0x29: {  	s4 =	sld [smem:$0x3F77]  }
0x2a: {  	p0 =	seq.s32 s5, $0x0;
	s5 =	sld [smem:$0x3F78]  }
0x2b: {  	s6 =	sld [smem:$0x3F79]  }
0x2c: {  	s7 =	sld [smem:$0x3F7A]  }
0x2d: {  	s3 =	simm.s32 $0x108;
	s8 =	sld [smem:$0x3F7B]  }
0x2e: {  	s3 =	simm.s32 @!p0 $0x1082;
	s9 =	sld [smem:$0x3F7C]  }
0x2f: {  	lr =	sadd.s32 s0, s3;
	s0 =	sld [smem:$0x3F73]  }
0x30: {  	s3 =	sld [smem:$0x3F76]  }
0x31: {  	[smem:$0x3F7F] =	sst s10  }
0x32: {  	s10 =	sld [smem:$0x3F7D];
	_ =	sdelay $0x3  }
0x33: {  	p0 =	seq.s32 s10, $0x1;
	s10 =	sld [smem:$0x3F7F];
	_ =	sdelay $0x3  }
0x34: {  	[smem:$0x3F7F] =	sst s10  }
0x35: {  	s10 =	sld [smem:$0x3F7E];
	_ =	sdelay $0x3  }
0x36: {  	p1 =	seq.s32 s10, $0x1;
	s10 =	sld [smem:$0x3F7F];
	_ =	sdelay $0x3  }
0x37: {  	[smem:$0x3F7F] =	sst s10  }
0x38: {  	s10 =	sld [smem:$0x3F80]  }
0x39: {  	_ = 	snop;
	(pc) =	sbr.ind lr, $3  }
0x3a: {  	_ = 	snop  }
0x3b: {  	_ = 	snop  }
0x3c: {  	p2 =	seq.s32 s10, $0x1;
	s10 =	sld [smem:$0x3F7F]  }
0x3d: {  	_ =	shalt  }
0x3e: {  	_ =	shalt  }
0x3f: {  	_ =	shalt  }
0x40: {  	_ =	shalt  }
0x41: {  	_ =	shalt  }
0x42: {  	_ =	shalt  }
0x43: {  	_ =	shalt  }
0x44: {  	_ =	shalt  }
0x45: {  	_ =	shalt  }
0x46: {  	_ =	shalt  }
0x47: {  	_ =	shalt  }
0x48: {  	_ =	shalt  }
0x49: {  	_ =	shalt  }
0x4a: {  	_ =	shalt  }
0x4b: {  	_ =	shalt  }
0x4c: {  	_ =	shalt  }
0x4d: {  	_ =	shalt  }
0x4e: {  	_ =	shalt  }
0x4f: {  	_ =	shalt  }
0x50: {  	_ =	shalt  }
0x51: {  	_ =	shalt  }
0x52: {  	_ =	shalt  }
0x53: {  	_ =	shalt  }
0x54: {  	_ =	shalt  }
0x55: {  	_ =	shalt  }
0x56: {  	_ =	shalt  }
0x57: {  	_ =	shalt  }
0x58: {  	_ =	shalt  }
0x59: {  	_ =	shalt  }
0x5a: {  	_ =	shalt  }
0x5b: {  	_ =	shalt  }
0x5c: {  	_ =	shalt  }
0x5d: {  	_ =	shalt  }
0x5e: {  	_ =	shalt  }
0x5f: {  	_ =	shalt  }
0x60: {  	_ =	shalt  }
0x61: {  	_ =	shalt  }
0x62: {  	_ =	shalt  }
0x63: {  	_ =	shalt  }
0x64: {  	_ =	shalt  }
0x65: {  	_ =	shalt  }
0x66: {  	_ =	shalt  }
0x67: {  	_ =	shalt  }
0x68: {  	_ =	shalt  }
0x69: {  	_ =	shalt  }
0x6a: {  	_ =	shalt  }
0x6b: {  	_ =	shalt  }
0x6c: {  	_ =	shalt  }
0x6d: {  	_ =	shalt  }
0x6e: {  	_ =	shalt  }
0x6f: {  	_ =	shalt  }
0x70: {  	_ =	shalt  }
0x71: {  	_ =	shalt  }
0x72: {  	_ =	shalt  }
0x73: {  	_ =	shalt  }
0x74: {  	_ =	shalt  }
0x75: {  	_ =	shalt  }
0x76: {  	_ =	shalt  }
0x77: {  	_ =	shalt  }
0x78: {  	_ =	shalt  }
0x79: {  	_ =	shalt  }
0x7a: {  	_ =	shalt  }
0x7b: {  	_ =	shalt  }
0x7c: {  	_ =	shalt  }
0x7d: {  	_ =	shalt  }
0x7e: {  	_ =	shalt  }
0x7f: {  	_ =	shalt  }
0x80: {  	_ =	shalt  }
0x81: {  	_ =	shalt  }
0x82: {  	_ =	shalt  }
0x83: {  	_ =	shalt  }
0x84: {  	_ =	shalt  }
0x85: {  	_ =	shalt  }
0x86: {  	_ =	shalt  }
0x87: {  	_ =	shalt  }
.Lfunc_end0:
.L_simem_size_0:
called_computation_lowered:
.L_overlay_start_0:
0x88: {  	s2 =	sld [smem:$0x3FD9]  }
0x89: {  	s3 =	sld [smem:$0x3FFE];
	_ =	sdelay $0x1  }
0x8a: {  	s1 =	srdreg.scid  }
0x8b: {  	s0 =	sand.u32 $0x1, s1  }
0x8c: {  	s16 =	sshll.u32 s0, $0xA;
	s2 =	sadd.s32 s3, s2  }
0x8d: {  	s2 =	sadd.s32 s2, s16  }
0x8e: {  	[smem:$0x3F8B] =	sst s2  }
0x8f: {  	_ = 	snop  }
0x90: {  	(tm) =	ssettm $0x1  }
0x91: {  	s17 =	sld [smem:$0x3FFB];
	_ =	sdelay $0x3  }
0x92: {  	_ =	strace s17  }
0x93: {  	s2 =	sld [smem:$0x3FFC];
	_ =	sdelay $0x3  }
0x94: {  	_ =	strace s2  }
0x95: {  	s2 =	sld [smem:$0x3FFD];
	_ =	sdelay $0x3  }
0x96: {  	_ =	strace s2  }
0x97: {  	_ =	strace $0x8FFFFFFF  }
0x98: {  	s18 =	sld [smem:$0x3FDB];
	_ =	sdelay $0x1  }
0x99: {  	s19 =	simm.s32 $_scs_section_size  }
0x9a: {  	s4 =	simm.s32 $_size__tile_overlayer_lowered;
	s5 =	simm.s32 $_tile_overlayer_lowered  }
0x9b: {  	s22 =	simm.s32 $0x1BFF;
	s21 =	sshll.u32 s5, $0x1;
	s2 =	sadd.s32 s19, s18  }
0x9c: {  	s6 =	simm.s32 $0x0;
	s20 =	sshll.u32 s4, $0x1;
	s4 =	sadd.s32 s21, s2  }
0x9d: {  	[timem:s6], [sflag:s22] =	dma.local [hbm:s4], s20  }
0x9e: {  	_ =	swait.ge [sflag:s22], s20  }
0x9f: {  	s3 =	ssub.s32 $0x0, s20;
	[sflag:s22] =	ssyncset.done $0x0  }
0xa0: {  	[sflag:s22] =	ssyncadd.s32 s3;
	_ =	sdelay $0x1  }
0xa1: {  	s23 =	simm.s32 $0x1B8B  }
0xa2: {  	_ =	swait.ge [sflag:s23], $0x1  }
0xa3: {  	[sflag:s23] =	ssyncset.done $0x0  }
0xa4: {  	s25 =	simm.s32 $0x1B8E;
	s24 =	sld [smem:$0x3FFE];
	[sflag:s23] =	ssyncadd.s32 $0xFFFFFFFF  }
0xa5: {  	s26 =	simm.s32 $execute0_lowered;
	[smem:$0x3FD2] =	sst s25  }
0xa6: {  	s4 =	sshll.u32 s26, $0x1;
	_ =	strace $0x80000046;
	[dreg:$0x1] =	wrdreg $0xFFFFFFFF  }
0xa7: {  	s28 =	simm.s32 $_size_execute0_lowered;
	s2 =	sadd.s32 s2, s4;
	[dreg:$0x0] =	wrdreg $0x0  }
0xa8: {  	s4 =	sshll.u32 s28, $0x1;
	[dreg:$0x2] =	wrdreg s2  }
0xa9: {  	[dreg:$0x3] =	wrdreg s4  }
0xaa: {  	[dreg:$0x4] =	wrdreg $0xC0  }
0xab: {  	_ =	task [dreg:s6], $0x5FFFF  }
0xac: {  	[dreg:$0x1] =	wrdreg $0xFFFFFFFF  }
0xad: {  	[dreg:$0x0] =	wrdreg $0x60  }
0xae: {  	[dreg:$0x2] =	wrdreg s24  }
0xaf: {  	[dreg:$0x3] =	wrdreg $0x9  }
0xb0: {  	_ =	task.clear_ibuf [dreg:s6], $0x4FFFF;
	_ =	strace $0x90000046  }
0xb1: {  	s29 =	simm.s32 $0x9;
	_ =	strace $0x80000048  }
0xb2: {  	_ =	swait.ge [sflag:s29], $0x1  }
0xb3: {  	[sflag:s29] =	ssyncadd.s32 $0xFFFFFFFF  }
0xb4: {  	_ =	strace $0x90000048  }
0xb5: {  	_ =	sfence  }
0xb6: {  	s30 =	sld [smem:$0x0];
	_ =	sdelay $0x2  }
0xb7: {  	s31 =	sshll.u32 s1, $0xD;
	s1 =	sshrl.u32 s1, $0x2  }
0xb8: {  	s3 =	sand.u32 $0x4000, s31;
	s1 =	sadd.s32 s1, s30  }
0xb9: {  	s0 =	sor.u32 s3, s0;
	s1 =	sshll.u32 s1, $0x11  }
0xba: {  	s0 =	sor.u32 s1, s0  }
0xbb: {  	s0 =	sadd.s32 $0x8F2B, s0  }
0xbc: {  	[sflag:s0] =	ssyncadd.remote.s32 $0x1  }
0xbd: {  	_ =	sfence.sel $0xFFFF  }
0xbe: {  	[dreg:$0x0] =	wrdreg $0xFFFFFFFF;
	(pc) =	sbr.abs _section_cstart, $3  }
0xbf: {  	[dreg:$0x1] =	wrdreg $0xFFFFFFFF  }
0xc0: {  	_ =	task.clear_ibuf [dreg:s6], $0x2FFFF;
	_ =	strace $0x9FFFFFFF  }
0xc1: {  	(tm) =	ssettm $0x7FFFFFFF  }
tec
execute0_lowered:
.L_overlay_start_1:
0x0: {  	(tag) =	ssettag $0x1  }
0x1: {  	s8 =	rddreg [dreg:$0x0]  }
0x2: {  	s0 =	rddreg [dreg:$0x1];
	_ =	strace $0x80000047;
	s1 =	stileid.u32  }
0x3: {  	s3 =	srdreg.scid;
	s4 =	simm.s32 $0x1;
	s7 =	simm.s32 $0x1  }
0x4: {  	s9 =	simm.s32 $0x1;
	s10 =	simm.s32 $0x3;
	s13 =	simm.s32 $0x0  }
0x5: {  	s12 =	simm.s32 $0x0;
	s5 =	sand.u32 $0x1, s3;
	s6 =	sshll.u32 s1, $0x1  }
0x6: {  	s2 =	sadd.s32 $0xF600, s8;
	s3 =	sadd.s32 $0x14600, s8;
	s5 =	sor.u32 s6, s5  }
.Ltmp0:
0x7: {  	[sflag:s4] =	ssyncpa.u1 $0x0;
	p0 =	slt.u32 s5, $0x9;
	(pc) =	sbr.rel .LBB2_1-.Ltmp0, $4  }
0x8: {  	s6 =	simm.s32 $0x2;
	s7 =	simm.s32 @!p0 $0x0;
	p0 =	sne.s32 s5, $0x8  }
0x9: {  	[sflag:s6] =	ssyncpa.u1 $0x0;
	s5 =	smul.u32 $0xFA0, s5;
	s9 =	simm.s32 @!p0 $0x0  }
0xa: {  	s8 =	sadd.s32 $0x23600, s8;
	[sflag:s10] =	ssyncpa.u1 $0x0;
	s7 =	sadd.s32 s9, s7  }
0xb: {  	vm0 =	vmmov $0xffff;
	s10 =	simm.s32 $0x0;
	s11 =	smov.u32 s5;
	s9 =	sadd.s32 $0x1, s7  }
.LBB2_4:
0xc: {  	v2 =	vnsel vm1, $0x0, v2  }
0xd: {  	vm1 =	vgt.s32 v0, $0x0;
	v2 =	vmin.u32 v2, $0x270FF  }
0xe: {  	v0 =	vnsel vm1, $0x0, v0  }
0xf: {  	v0 =	vmin.u32 v0, $0x270FF  }
0x10: {  	[tilespmem:s18], [sflag:$0x1] =	stream.indirect_vreg.gather [hbm4b:s2+s10], $0x1, v1, vm0, $0x4038;
	[tilespmem:$0x3E80] =	vst v63  }
0x11: {  	(ifvalue) =	ssetifvalue $0x7FFFFFFF  }
0x12: {  	[tilespmem:s15], [sflag:$0x1] =	stream.indirect_vreg.gather [hbm4b:s2+s10], $0x1, v2, vm0, $0x4038;
	[tilespmem:$0x3E80] =	vst v63  }
0x13: {  	s29 =	sadd.s32 $0x10, s15;
	(ifvalue) =	ssetifvalue $0x7FFFFFFF  }
0x14: {  	[tilespmem:s29], [sflag:$0x1] =	stream.indirect_vreg.gather [hbm4b:s2+s10], $0x1, v0, vm0, $0x4038;
	[tilespmem:$0x3E80] =	vst v63  }
0x15: {  	_ =	swait.ge [sflag:s4], $0xFA0  }
0x16: {  	s30 =	sshrl.u32 s13, $0x3;
	[sflag:s4] =	ssyncset.done $0x0  }
0x17: {  	s31 =	sand.u32 $0x7, s13;
	s15 =	sadd.s32 s8, s30;
	[sflag:s4] =	ssyncadd.s32 $0xFFFFF060  }
0x18: {  	[hbm4b:s15+s31] =	stream.linear.scatter [tilespmem:s14], [sflag:$0x3], $0xFA0, $0x38;
	[tilespmem:$0x3E80] =	vst v63  }
.LBB2_5:
0x19: {  	s15 =	sadd.s32 $0x1F400, s11  }
0x1a: {  	p1 =	sgt.s32 s15, $0x270FF  }
0x1b: {  	s15 =	smov.u32 @p1 s5;
	p1 =	sne.s32 s12, s9  }
.Ltmp1:
0x1c: {  	p0 =	slt.u32 s12, $0x2;
	(pc) =	sbr.rel @!p1 .LBB2_6-.Ltmp1, $4  }
0x1d: {  	s14 =	simm.s32 @!p0 $0x3  }
0x1e: {  	_ =	swait.ge @!p0 [sflag:s14], $0xFA0  }
0x1f: {  	s16 =	sadd.s32 $0x1, s12;
	s13 =	smov.u32 s11;
	[sflag:s14] =	ssyncset.done @!p0 $0x0  }
0x20: {  	s12 =	smov.u32 s16;
	s11 =	smov.u32 s15;
	[sflag:s14] =	ssyncadd.s32 @!p0 $0xFFFFF060  }
.LBB2_1:
0x21: {  	p0 =	sge.u32 s12, s7  }
0x22: {  	s14 =	sxor.u32 @!p0 $0x1, s12  }
0x23: {  	s14 =	smul.u32 @!p0 $0x3E80, s14  }
0x24: {  	s31 =	sadd.s32 $0xFFFFFFFF, s12;
	s15 =	sshrl.u32 @!p0 s11, $0x3  }
0x25: {  	s16 =	sand.u32 @!p0 $0x7, s11;
	s15 =	sadd.s32 @!p0 s3, s15;
	s14 =	sshra.s32 @!p0 s14, $0x2  }
0x26: {  	[tilespmem:s14], [sflag:$0x2] =	stream.linear.gather @!p0 [hbm4b:s15+s16], $0xFA0, $0x38;
	[tilespmem:$0x3E80] =	vst v63  }
0x27: {  	p0 =	sge.u32 s31, s7  }
.Ltmp2:
0x28: {  	_ = 	snop;
	(pc) =	sbr.rel @p0 .LBB2_5-.Ltmp2, $1  }
0x29: {  	_ =	sdelay $0x3  }
0x2a: {  	s14 =	sand.u32 $0x1, s12  }
0x2b: {  	_ =	swait.ge [sflag:s6], $0xFA0;
	p0 =	seq.s32 s14, $0x1;
	s14 =	simm.s32 $0xFA0  }
0x2c: {  	[sflag:s6] =	ssyncset.done $0x0;
	s14 =	simm.s32 @!p0 $0x0  }
0x2d: {  	[sflag:s6] =	ssyncadd.s32 $0xFFFFF060;
	(ifvalue) =	ssetifvalue $0x7FFFFFFF;
	v0 =	vld.msk [tilespmem:s14+$0x0 ss:$0x1], $0xffff;
	_ =	sdelay $0x4  }
0x2e: {  	s15 =	sadd.s32 $0x10, s14;
	vm1 =	vgt.s32 v0, $0x0  }
0x2f: {  	v2 =	vld.msk [tilespmem:s15+$0x0 ss:$0x1], $0xffff;
	v1 =	vnsel vm1, $0x0, v0  }
0x30: {  	v1 =	vmin.u32 v1, $0x270FF;
	_ =	sdelay $0x2  }
0x31: {  	s17 =	simm.s32 $0x20;
	s14 =	sadd.s32 $0x1F40, s14;
	s16 =	sadd.s32 $0x10, s15  }
0x32: {  	s15 =	sadd.s32 $0x10, s14;
	s18 =	smov.u32 s14;
	v0 =	vld.msk [tilespmem:s16+$0x0 ss:$0x1], $0xffff;
	vm1 =	vgt.s32 v2, $0x0;
	(ifvalue) =	ssetifvalue $0x7FFFFFFF  }
.LBB2_3:
0x33: {  	[tilespmem:s18], [sflag:$0x1] =	stream.indirect_vreg.gather [hbm4b:s2+s10], $0x1, v1, vm0, $0x4038;
	[tilespmem:$0x3E80] =	vst v63  }
0x34: {  	s17 =	sadd.s32 $0x10, s17  }
0x35: {  	v2 =	vnsel vm1, $0x0, v2;
	p0 =	slt.u32 s17, $0xF90  }
.Ltmp3:
0x36: {  	s18 =	smov.u32 s15;
	v1 =	vmin.u32 v2, $0x270FF;
	(pc) =	sbr.rel @p0 .LBB2_3-.Ltmp3, $3  }
0x37: {  	_ =	sdelay $0x1  }
0x38: {  	s16 =	sadd.s32 $0x10, s16  }
0x39: {  	vm1 =	vgt.s32 v0, $0x0;
	s15 =	sadd.s32 $0x10, s15;
	v2 =	vmov v0;
	(ifvalue) =	ssetifvalue $0x7FFFFFFF;
	v0 =	vld.msk [tilespmem:s16+$0x0 ss:$0x1], $0xffff  }
.Ltmp4:
0x3a: {  	_ = 	snop;
	(pc) =	sbr.rel .LBB2_4-.Ltmp4, $1  }
0x3b: {  	_ =	sdelay $0x3  }
.LBB2_6:
0x3c: {  	_ =	sfence.sel $0x180000  }
0x3d: {  	s2 =	simm.s32 $0x2;
	[bflag:$0x0] =	sbarrier.arrive $0xFFFF  }
0x3e: {  	s30 =	simm.s32 $0x3;
	[sflag:s2] =	ssyncpa.u1 $0x1  }
0x3f: {  	s31 =	simm.s32 $0x1;
	[sflag:s30] =	ssyncpa.u1 $0x1  }
0x40: {  	[sflag:s31] =	ssyncpa.u1 $0x1  }
0x41: {  	p0 =	sne.s32 s1, $0x0;
	_ =	strace $0x90000047  }
0x42: {  	s0 =	sadd.s32 @!p0 $0x100000, s0;
	[bflag:$0x2] =	sbarrier.arrive $0xFFFF  }
0x43: {  	[sflag:s0] =	ssyncadd.tile.s32 @!p0 $0x1;
	_ =	shalt  }
.Lfunc_end2:
_tile_overlayer_lowered:
.L_overlay_start_2:
0x44: {  	(tag) =	ssettag $0x2  }
0x45: {  	s0 =	rddreg [dreg:$0x0];
	s2 =	stileid.u32  }
0x46: {  	s1 =	rddreg [dreg:$0x1];
	p0 =	sne.s32 s2, $0x0  }
0x47: {  	s3 =	rddreg [dreg:$0x2];
	[bflag:$0x3] =	sbarrier.arrive $0xFFFF;
	s2 =	simm.s32 @!p0 $0x1C01  }
0x48: {  	[timem:s3], [sflag:s2] =	dma.local @!p0 [hbm:s0], s1  }
0x49: {  	s0 =	simm.s32 @!p0 $0x1  }
0x4a: {  	_ =	swait.ge @!p0 [sflag:s0], s1  }
0x4b: {  	s1 =	ssub.s32 @!p0 $0x0, s1;
	[sflag:s0] =	ssyncset.done @!p0 $0x0  }
0x4c: {  	[sflag:s0] =	ssyncadd.s32 @!p0 s1  }
0x4d: {  	[bflag:$0x3] =	sbarrier.arrive $0xFFFF  }
0x4e: {  	_ =	shalt  }

// kernel: kernel.16.cloned.1.call-start
scs
__scs_entry_jumppad:
0x0: {  	(pc) =	sbr.rel $0x88, $3  }
0x1: {  	(tag) =	ssettag $0x0;
	lr =	simm.s32 $0x1  }
0x2: {  	[smem:$0x3F64] =	sst lr;
	_ =	strace $0xD0000000  }
0x3: {  	_ = 	snop  }
0x4: {  	_ = 	snop  }
0x5: {  	_ = 	snop  }
0x6: {  	_ = 	snop  }
0x7: {  	_ = 	snop  }
__scs_overlays_trampoline_lowered:
0x8: {  	[smem:$0x3F73] =	sst s0  }
0x9: {  	[smem:$0x3F74] =	sst s1  }
0xa: {  	[smem:$0x3F75] =	sst s2  }
0xb: {  	[smem:$0x3F76] =	sst s3  }
0xc: {  	[smem:$0x3F77] =	sst s4  }
0xd: {  	[smem:$0x3F78] =	sst s5  }
0xe: {  	[smem:$0x3F79] =	sst s6  }
0xf: {  	[smem:$0x3F7A] =	sst s7  }
0x10: {  	[smem:$0x3F7B] =	sst s8  }
0x11: {  	[smem:$0x3F7C] =	sst s9;
	s0 =	simm.s32 @!p0 $0x0  }
0x12: {  	s1 =	sld [smem:$0x3F62];
	s0 =	simm.s32 @p0 $0x1  }
0x13: {  	[smem:$0x3F7D] =	sst s0;
	s0 =	simm.s32 @!p1 $0x0  }
0x14: {  	s2 =	sld [smem:$0x3F61];
	s0 =	simm.s32 @p1 $0x1  }
0x15: {  	[smem:$0x3F7E] =	sst s0;
	s0 =	simm.s32 @!p2 $0x0  }
0x16: {  	s3 =	sld [smem:$0x3FDB];
	s0 =	simm.s32 @p2 $0x1  }
0x17: {  	s4 =	simm.s32 $0x1BF5;
	[smem:$0x3F80] =	sst s0  }
0x18: {  	s0 =	sld [smem:$0x3F63];
	_ =	swait.ge [sflag:s4], $0x0  }
0x19: {  	s7 =	sld [smem:$0x3F64]  }
0x1a: {  	s8 =	sadd.s32 $0xFFFFE003, lr  }
0x1b: {  	s9 =	sadd.s32 $0xFFFFFEF7, lr;
	s5 =	simm.s32 $0xFFFFFFFF;
	p2 =	slt.u32 s8, $0xFFFFF086  }
0x1c: {  	p1 =	slt.u32 s9, $0xF7A;
	s5 =	simm.s32 @!p2 $0x0  }
0x1d: {  	s5 =	simm.s32 @p1 $0x1;
	p0 =	seq.s32 s7, s2  }
0x1e: {  	s7 =	smul.u32 @!p0 $0xF7A, s2;
	p2 =	seq.s32 @!p0 s5, $0x0  }
0x1f: {  	s9 =	smul.u32 $0xF7A, s1;
	s8 =	simm.s32 @!p0 $0x1BF5;
	p2 =	por !p2, p0  }
0x20: {  	[sflag:s8] =	ssyncset.s32 @!p0 $0xFFFFF086;
	s6 =	sadd.s32 @!p0 s3, s7;
	s7 =	simm.s32 @!p0 $0x108  }
0x21: {  	s3 =	sadd.s32 s3, s9;
	s6 =	sadd.s32 @!p0 $0x88, s6;
	s7 =	simm.s32 @p2 $0x1082  }
0x22: {  	[simem:s7], [sflag:s8] =	dma.local @!p0 [hbm:s6], $0xF7A  }
0x23: {  	s9 =	sor.u32 $0xD0000000, s2;
	s6 =	simm.s32 $0x108;
	_ =	swait.ge @!p0 [sflag:s8], $0x0  }
0x24: {  	s3 =	sadd.s32 $0x88, s3;
	s6 =	simm.s32 @!p1 $0x1082;
	[sflag:s4] =	ssyncset.s32 $0xFFFFF086  }
0x25: {  	[simem:s6], [sflag:s4] =	dma.local [hbm:s3], $0xF7A  }
0x26: {  	[smem:$0x3F64] =	sst s1;
	(tag) =	ssettag s2;
	_ =	strace s9  }
0x27: {  	s1 =	sld [smem:$0x3F74]  }
0x28: {  	s2 =	sld [smem:$0x3F75]  }
0x29: {  	s4 =	sld [smem:$0x3F77]  }
0x2a: {  	p0 =	seq.s32 s5, $0x0;
	s5 =	sld [smem:$0x3F78]  }
0x2b: {  	s6 =	sld [smem:$0x3F79]  }
0x2c: {  	s7 =	sld [smem:$0x3F7A]  }
0x2d: {  	s3 =	simm.s32 $0x108;
	s8 =	sld [smem:$0x3F7B]  }
0x2e: {  	s3 =	simm.s32 @!p0 $0x1082;
	s9 =	sld [smem:$0x3F7C]  }
0x2f: {  	lr =	sadd.s32 s0, s3;
	s0 =	sld [smem:$0x3F73]  }
0x30: {  	s3 =	sld [smem:$0x3F76]  }
0x31: {  	[smem:$0x3F7F] =	sst s10  }
0x32: {  	s10 =	sld [smem:$0x3F7D];
	_ =	sdelay $0x3  }
0x33: {  	p0 =	seq.s32 s10, $0x1;
	s10 =	sld [smem:$0x3F7F];
	_ =	sdelay $0x3  }
0x34: {  	[smem:$0x3F7F] =	sst s10  }
0x35: {  	s10 =	sld [smem:$0x3F7E];
	_ =	sdelay $0x3  }
0x36: {  	p1 =	seq.s32 s10, $0x1;
	s10 =	sld [smem:$0x3F7F];
	_ =	sdelay $0x3  }
0x37: {  	[smem:$0x3F7F] =	sst s10  }
0x38: {  	s10 =	sld [smem:$0x3F80]  }
0x39: {  	_ = 	snop;
	(pc) =	sbr.ind lr, $3  }
0x3a: {  	_ = 	snop  }
0x3b: {  	_ = 	snop  }
0x3c: {  	p2 =	seq.s32 s10, $0x1;
	s10 =	sld [smem:$0x3F7F]  }
0x3d: {  	_ =	shalt  }
0x3e: {  	_ =	shalt  }
0x3f: {  	_ =	shalt  }
0x40: {  	_ =	shalt  }
0x41: {  	_ =	shalt  }
0x42: {  	_ =	shalt  }
0x43: {  	_ =	shalt  }
0x44: {  	_ =	shalt  }
0x45: {  	_ =	shalt  }
0x46: {  	_ =	shalt  }
0x47: {  	_ =	shalt  }
0x48: {  	_ =	shalt  }
0x49: {  	_ =	shalt  }
0x4a: {  	_ =	shalt  }
0x4b: {  	_ =	shalt  }
0x4c: {  	_ =	shalt  }
0x4d: {  	_ =	shalt  }
0x4e: {  	_ =	shalt  }
0x4f: {  	_ =	shalt  }
0x50: {  	_ =	shalt  }
0x51: {  	_ =	shalt  }
0x52: {  	_ =	shalt  }
0x53: {  	_ =	shalt  }
0x54: {  	_ =	shalt  }
0x55: {  	_ =	shalt  }
0x56: {  	_ =	shalt  }
0x57: {  	_ =	shalt  }
0x58: {  	_ =	shalt  }
0x59: {  	_ =	shalt  }
0x5a: {  	_ =	shalt  }
0x5b: {  	_ =	shalt  }
0x5c: {  	_ =	shalt  }
0x5d: {  	_ =	shalt  }
0x5e: {  	_ =	shalt  }
0x5f: {  	_ =	shalt  }
0x60: {  	_ =	shalt  }
0x61: {  	_ =	shalt  }
0x62: {  	_ =	shalt  }
0x63: {  	_ =	shalt  }
0x64: {  	_ =	shalt  }
0x65: {  	_ =	shalt  }
0x66: {  	_ =	shalt  }
0x67: {  	_ =	shalt  }
0x68: {  	_ =	shalt  }
0x69: {  	_ =	shalt  }
0x6a: {  	_ =	shalt  }
0x6b: {  	_ =	shalt  }
0x6c: {  	_ =	shalt  }
0x6d: {  	_ =	shalt  }
0x6e: {  	_ =	shalt  }
0x6f: {  	_ =	shalt  }
0x70: {  	_ =	shalt  }
0x71: {  	_ =	shalt  }
0x72: {  	_ =	shalt  }
0x73: {  	_ =	shalt  }
0x74: {  	_ =	shalt  }
0x75: {  	_ =	shalt  }
0x76: {  	_ =	shalt  }
0x77: {  	_ =	shalt  }
0x78: {  	_ =	shalt  }
0x79: {  	_ =	shalt  }
0x7a: {  	_ =	shalt  }
0x7b: {  	_ =	shalt  }
0x7c: {  	_ =	shalt  }
0x7d: {  	_ =	shalt  }
0x7e: {  	_ =	shalt  }
0x7f: {  	_ =	shalt  }
0x80: {  	_ =	shalt  }
0x81: {  	_ =	shalt  }
0x82: {  	_ =	shalt  }
0x83: {  	_ =	shalt  }
0x84: {  	_ =	shalt  }
0x85: {  	_ =	shalt  }
0x86: {  	_ =	shalt  }
0x87: {  	_ =	shalt  }
.Lfunc_end0:
.L_simem_size_0:
called_computation.1_lowered:
.L_overlay_start_0:
0x88: {  	s2 =	sld [smem:$0x3FD9]  }
0x89: {  	s3 =	sld [smem:$0x3FFE];
	_ =	sdelay $0x1  }
0x8a: {  	s1 =	srdreg.scid  }
0x8b: {  	s0 =	sand.u32 $0x1, s1  }
0x8c: {  	s16 =	sshll.u32 s0, $0xA;
	s2 =	sadd.s32 s3, s2  }
0x8d: {  	s2 =	sadd.s32 s2, s16  }
0x8e: {  	[smem:$0x3F8B] =	sst s2  }
0x8f: {  	_ = 	snop  }
0x90: {  	(tm) =	ssettm $0x1  }
0x91: {  	s17 =	sld [smem:$0x3FFB];
	_ =	sdelay $0x3  }
0x92: {  	_ =	strace s17  }
0x93: {  	s2 =	sld [smem:$0x3FFC];
	_ =	sdelay $0x3  }
0x94: {  	_ =	strace s2  }
0x95: {  	s2 =	sld [smem:$0x3FFD];
	_ =	sdelay $0x3  }
0x96: {  	_ =	strace s2  }
0x97: {  	_ =	strace $0x8FFFFFFF  }
0x98: {  	s18 =	sld [smem:$0x3FDB];
	_ =	sdelay $0x1  }
0x99: {  	s19 =	simm.s32 $_scs_section_size  }
0x9a: {  	s4 =	simm.s32 $_size__tile_overlayer_lowered;
	s5 =	simm.s32 $_tile_overlayer_lowered  }
0x9b: {  	s22 =	simm.s32 $0x1BFF;
	s21 =	sshll.u32 s5, $0x1;
	s2 =	sadd.s32 s19, s18  }
0x9c: {  	s6 =	simm.s32 $0x0;
	s20 =	sshll.u32 s4, $0x1;
	s4 =	sadd.s32 s21, s2  }
0x9d: {  	[timem:s6], [sflag:s22] =	dma.local [hbm:s4], s20  }
0x9e: {  	_ =	swait.ge [sflag:s22], s20  }
0x9f: {  	s3 =	ssub.s32 $0x0, s20;
	[sflag:s22] =	ssyncset.done $0x0  }
0xa0: {  	[sflag:s22] =	ssyncadd.s32 s3;
	_ =	sdelay $0x1  }
0xa1: {  	s23 =	simm.s32 $0x1B8B  }
0xa2: {  	_ =	swait.ge [sflag:s23], $0x1  }
0xa3: {  	[sflag:s23] =	ssyncset.done $0x0  }
0xa4: {  	s25 =	simm.s32 $0x1B8E;
	s24 =	sld [smem:$0x3FFE];
	[sflag:s23] =	ssyncadd.s32 $0xFFFFFFFF  }
0xa5: {  	s26 =	simm.s32 $execute0_lowered;
	[smem:$0x3FD2] =	sst s25  }
0xa6: {  	s4 =	sshll.u32 s26, $0x1;
	_ =	strace $0x80000049;
	[dreg:$0x1] =	wrdreg $0xFFFFFFFF  }
0xa7: {  	s28 =	simm.s32 $_size_execute0_lowered;
	s2 =	sadd.s32 s2, s4;
	[dreg:$0x0] =	wrdreg $0x0  }
0xa8: {  	s4 =	sshll.u32 s28, $0x1;
	[dreg:$0x2] =	wrdreg s2  }
0xa9: {  	[dreg:$0x3] =	wrdreg s4  }
0xaa: {  	[dreg:$0x4] =	wrdreg $0xC0  }
0xab: {  	_ =	task [dreg:s6], $0x5FFFF  }
0xac: {  	[dreg:$0x1] =	wrdreg $0xFFFFFFFF  }
0xad: {  	[dreg:$0x0] =	wrdreg $0x60  }
0xae: {  	[dreg:$0x2] =	wrdreg s24  }
0xaf: {  	[dreg:$0x3] =	wrdreg $0x9  }
0xb0: {  	_ =	task.clear_ibuf [dreg:s6], $0x4FFFF;
	_ =	strace $0x90000049  }
0xb1: {  	s29 =	simm.s32 $0x9;
	_ =	strace $0x8000004B  }
0xb2: {  	_ =	swait.ge [sflag:s29], $0x1  }
0xb3: {  	[sflag:s29] =	ssyncadd.s32 $0xFFFFFFFF  }
0xb4: {  	_ =	strace $0x9000004B  }
0xb5: {  	_ =	sfence  }
0xb6: {  	s30 =	sld [smem:$0x0];
	_ =	sdelay $0x2  }
0xb7: {  	s31 =	sshll.u32 s1, $0xD;
	s1 =	sshrl.u32 s1, $0x2  }
0xb8: {  	s3 =	sand.u32 $0x4000, s31;
	s1 =	sadd.s32 s1, s30  }
0xb9: {  	s0 =	sor.u32 s3, s0;
	s1 =	sshll.u32 s1, $0x11  }
0xba: {  	s0 =	sor.u32 s1, s0  }
0xbb: {  	s0 =	sadd.s32 $0x8F2B, s0  }
0xbc: {  	[sflag:s0] =	ssyncadd.remote.s32 $0x1  }
0xbd: {  	_ =	sfence.sel $0xFFFF  }
0xbe: {  	[dreg:$0x0] =	wrdreg $0xFFFFFFFF;
	(pc) =	sbr.abs _section_cstart, $3  }
0xbf: {  	[dreg:$0x1] =	wrdreg $0xFFFFFFFF  }
0xc0: {  	_ =	task.clear_ibuf [dreg:s6], $0x2FFFF;
	_ =	strace $0x9FFFFFFF  }
0xc1: {  	(tm) =	ssettm $0x7FFFFFFF  }
tec
execute0_lowered:
.L_overlay_start_1:
0x0: {  	(tag) =	ssettag $0x1  }
0x1: {  	s1 =	srdreg.scid  }
0x2: {  	s0 =	stileid.u32;
	s5 =	rddreg [dreg:$0x0];
	s2 =	simm.s32 $0x0  }
0x3: {  	s18 =	simm.s32 $0x1;
	s19 =	simm.s32 $0x100;
	s20 =	simm.s32 $0x3  }
0x4: {  	s21 =	simm.s32 $0x2;
	s22 =	simm.s32 $0x900;
	s23 =	simm.s32 $0x4  }
0x5: {  	s24 =	simm.s32 $0x5;
	s25 =	simm.s32 $0x6;
	s26 =	simm.s32 $0x0  }
0x6: {  	s13 =	sand.u32 $0x1, s1;
	s3 =	sshll.u32 s0, $0x1;
	s14 =	smul.u32 $0x7800, s0  }
0x7: {  	[smem:$0x7FF] =	sst s2;
	s4 =	sadd.s32 $0x2D600, s5;
	s16 =	smul.u32 $0xF000, s0  }
0x8: {  	s7 =	sor.u32 s13, s3;
	_ =	strace $0x8000004A;
	s15 =	smul.u32 $0x3C00, s13  }
0x9: {  	s3 =	sadd.s32 $0x1E600, s5;
	s9 =	ssub.s32 $0x2, s13;
	s30 =	smul.u32 $0x7800, s13  }
0xa: {  	s5 =	sadd.s32 $0x3C600, s5;
	s8 =	smul.u32 $0x3C00, s7;
	s10 =	sshrl.u32 s9, $0x1  }
0xb: {  	s11 =	smul.u32 $0x7800, s7;
	s16 =	sadd.s32 s16, s5;
	s9 =	ssub.s32 s9, s10  }
0xc: {  	s14 =	sadd.s32 s15, s14;
	s15 =	sadd.s32 s30, s16;
	s6 =	sshrl.u32 s8, $0x3  }
.Ltmp0:
0xd: {  	s8 =	sadd.s32 $0x3B80, s8;
	s9 =	smax.u32 s9, $0x1;
	(pc) =	sbr.rel .LBB2_1-.Ltmp0, $4  }
0xe: {  	s10 =	sadd.s32 s5, s11;
	s17 =	sor.u32 $0x200, s14;
	s14 =	sor.u32 $0x180, s14  }
0xf: {  	s15 =	sadd.s32 $0x200, s15;
	s6 =	sadd.s32 s4, s6;
	s12 =	sadd.s32 $0x100, s10  }
0x10: {  	s31 =	sshrl.u32 s17, $0x3;
	s17 =	simm.s32 $0x80;
	s7 =	sadd.s32 $0x10, s6  }
0x11: {  	s11 =	sadd.s32 $0x20, s6;
	s13 =	sadd.s32 $0x30, s6;
	s16 =	sadd.s32 s31, s4  }
.LBB2_4:
0x12: {  	s26 =	sadd.s32 $0x1, s26  }
0x13: {  	_ =	swait.ge [sflag:s24], $0x800;
	p0 =	sne.s32 s26, s9  }
.Ltmp1:
0x14: {  	[sflag:s24] =	ssyncset.done $0x0;
	(pc) =	sbr.rel @!p0 .LBB2_5-.Ltmp1, $4  }
0x15: {  	[sflag:s24] =	ssyncadd.s32 $0xFFFFF800  }
0x16: {  	_ =	swait.ge [sflag:s25], $0x800  }
0x17: {  	[sflag:s25] =	ssyncset.done $0x0  }
0x18: {  	[sflag:s25] =	ssyncadd.s32 $0xFFFFF800  }
.LBB2_1:
0x19: {  	[tilespmem:s2], [sflag:$0x1] =	stream.linear.gather [hbm4b:s6+s2], $0x80, $0x38;
	[tilespmem:$0x1100] =	vst v63  }
0x1a: {  	_ = 	snop  }
0x1b: {  	[tilespmem:s17], [sflag:$0x2] =	stream.linear.gather [hbm4b:s7+s2], $0x80, $0x38;
	[tilespmem:$0x1100] =	vst v63  }
0x1c: {  	_ =	swait.ge [sflag:s18], $0x80  }
0x1d: {  	[sflag:s18] =	ssyncset.done $0x0  }
0x1e: {  	[sflag:s18] =	ssyncadd.s32 $0xFFFFFF80  }
0x1f: {  	[tilespmem:s19], [sflag:$0x3] =	stream.indirect.gather [hbm4b:s3+s17], $0x10, s2, s17, $0xb8;
	[tilespmem:$0x1100] =	vst v63  }
0x20: {  	_ =	swait.ge [sflag:s20], $0x800  }
0x21: {  	[sflag:s20] =	ssyncset.done $0x0  }
0x22: {  	[sflag:s20] =	ssyncadd.s32 $0xFFFFF800  }
0x23: {  	[hbm4b:s10+s2] =	stream.linear.scatter [tilespmem:s19], [sflag:$0x5], $0x800, $0x38;
	[tilespmem:$0x1100] =	vst v63  }
0x24: {  	_ = 	snop  }
0x25: {  	[tilespmem:s2], [sflag:$0x1] =	stream.linear.gather [hbm4b:s11+s2], $0x80, $0x38;
	[tilespmem:$0x1100] =	vst v63  }
0x26: {  	_ =	swait.ge [sflag:s21], $0x80  }
0x27: {  	[sflag:s21] =	ssyncset.done $0x0  }
0x28: {  	[sflag:s21] =	ssyncadd.s32 $0xFFFFFF80  }
0x29: {  	[tilespmem:s22], [sflag:$0x4] =	stream.indirect.gather [hbm4b:s3+s17], $0x10, s17, s17, $0xb8;
	[tilespmem:$0x1100] =	vst v63  }
0x2a: {  	_ =	swait.ge [sflag:s23], $0x800  }
0x2b: {  	[sflag:s23] =	ssyncset.done $0x0  }
0x2c: {  	[sflag:s23] =	ssyncadd.s32 $0xFFFFF800  }
0x2d: {  	[hbm4b:s12+s2] =	stream.linear.scatter [tilespmem:s22], [sflag:$0x6], $0x800, $0x38;
	[tilespmem:$0x1100] =	vst v63  }
0x2e: {  	s28 =	simm.s32 $0x0;
	s29 =	smov.u32 s15;
	s30 =	smov.u32 s14  }
0x2f: {  	[tilespmem:s17], [sflag:$0x2] =	stream.linear.gather [hbm4b:s13+s2], $0x80, $0x38;
	[tilespmem:$0x1100] =	vst v63  }
.LBB2_2:
0x30: {  	_ =	swait.ge [sflag:s24], $0x800  }
0x31: {  	[sflag:s24] =	ssyncset.done $0x0  }
0x32: {  	[sflag:s24] =	ssyncadd.s32 $0xFFFFF800  }
0x33: {  	_ =	swait.ge [sflag:s18], $0x80  }
0x34: {  	[sflag:s18] =	ssyncset.done $0x0  }
0x35: {  	[sflag:s18] =	ssyncadd.s32 $0xFFFFFF80  }
0x36: {  	[tilespmem:s19], [sflag:$0x3] =	stream.indirect.gather [hbm4b:s3+s17], $0x10, s2, s17, $0xb8;
	[tilespmem:$0x1100] =	vst v63  }
0x37: {  	_ =	swait.ge [sflag:s20], $0x800  }
0x38: {  	[sflag:s20] =	ssyncset.done $0x0  }
0x39: {  	p0 =	seq.s32 s28, $0x740;
	[sflag:s20] =	ssyncadd.s32 $0xFFFFF800  }
0x3a: {  	[hbm4b:s29+s2] =	stream.linear.scatter [tilespmem:s19], [sflag:$0x5], $0x800, $0x38;
	[tilespmem:$0x1100] =	vst v63  }
0x3b: {  	s31 =	sadd.s32 @!p0 s28, s16;
	s1 =	simm.s32 @!p0 $0x0  }
0x3c: {  	[tilespmem:s1], [sflag:$0x1] =	stream.linear.gather @!p0 [hbm4b:s31+s1], $0x80, $0x38;
	[tilespmem:$0x1100] =	vst v63  }
0x3d: {  	_ =	swait.ge [sflag:s25], $0x800  }
0x3e: {  	[sflag:s25] =	ssyncset.done $0x0  }
0x3f: {  	[sflag:s25] =	ssyncadd.s32 $0xFFFFF800  }
0x40: {  	_ =	swait.ge [sflag:s21], $0x80  }
0x41: {  	[sflag:s21] =	ssyncset.done $0x0  }
0x42: {  	s31 =	smov.u32 s30;
	[sflag:s21] =	ssyncadd.s32 $0xFFFFFF80  }
0x43: {  	[tilespmem:s22], [sflag:$0x4] =	stream.indirect.gather [hbm4b:s3+s17], $0x10, s17, s17, $0xb8;
	[tilespmem:$0x1100] =	vst v63  }
.Ltmp2:
0x44: {  	s31 =	smov.u32 @p0 s8;
	(pc) =	sbr.rel @p0 .LBB2_4-.Ltmp2, $4  }
0x45: {  	s1 =	sshll.u32 s31, $0x1;
	_ =	swait.ge [sflag:s23], $0x800  }
0x46: {  	s1 =	sand.u32 $0x1FFFFF00, s1;
	[sflag:s23] =	ssyncset.done $0x0  }
0x47: {  	s1 =	sadd.s32 s5, s1;
	[sflag:s23] =	ssyncadd.s32 $0xFFFFF800  }
0x48: {  	[hbm4b:s1+s2] =	stream.linear.scatter [tilespmem:s22], [sflag:$0x6], $0x800, $0x38;
	[tilespmem:$0x1100] =	vst v63  }
.Ltmp3:
0x49: {  	(pc) =	sbr.rel .LBB2_2-.Ltmp3, $4  }
0x4a: {  	s1 =	sshrl.u32 s31, $0x3  }
0x4b: {  	s30 =	sadd.s32 $0x100, s30;
	s1 =	sadd.s32 s4, s1  }
0x4c: {  	s29 =	sadd.s32 $0x200, s29;
	s28 =	sadd.s32 $0x20, s28;
	s1 =	sadd.s32 $0x20, s1  }
0x4d: {  	[tilespmem:s17], [sflag:$0x2] =	stream.linear.gather [hbm4b:s1+s2], $0x80, $0x38;
	[tilespmem:$0x1100] =	vst v63  }
.LBB2_5:
0x4e: {  	_ =	sfence.sel $0x180000  }
0x4f: {  	[bflag:$0x0] =	sbarrier.arrive $0xFFFF  }
0x50: {  	_ =	strace $0x9000004A  }
0x51: {  	[bflag:$0x2] =	sbarrier.arrive $0xFFFF  }
0x52: {  	p0 =	sne.s32 s0, $0x0;
	s0 =	rddreg [dreg:$0x1]  }
0x53: {  	s0 =	sadd.s32 @!p0 $0x100000, s0  }
0x54: {  	[sflag:s0] =	ssyncadd.tile.s32 @!p0 $0x1;
	_ =	shalt  }
.Lfunc_end2:
_tile_overlayer_lowered:
.L_overlay_start_2:
0x55: {  	(tag) =	ssettag $0x2  }
0x56: {  	s0 =	rddreg [dreg:$0x0];
	s2 =	stileid.u32  }
0x57: {  	s1 =	rddreg [dreg:$0x1];
	p0 =	sne.s32 s2, $0x0  }
0x58: {  	s3 =	rddreg [dreg:$0x2];
	[bflag:$0x3] =	sbarrier.arrive $0xFFFF;
	s2 =	simm.s32 @!p0 $0x1C07  }
0x59: {  	[timem:s3], [sflag:s2] =	dma.local @!p0 [hbm:s0], s1  }
0x5a: {  	s0 =	simm.s32 @!p0 $0x7  }
0x5b: {  	_ =	swait.ge @!p0 [sflag:s0], s1  }
0x5c: {  	s1 =	ssub.s32 @!p0 $0x0, s1;
	[sflag:s0] =	ssyncset.done @!p0 $0x0  }
0x5d: {  	[sflag:s0] =	ssyncadd.s32 @!p0 s1  }
0x5e: {  	[bflag:$0x3] =	sbarrier.arrive $0xFFFF  }
0x5f: {  	_ =	shalt  }

// kernel: kernel.19.cloned.1.call-start
scs
__scs_entry_jumppad:
0x0: {  	(pc) =	sbr.rel $0x88, $3  }
0x1: {  	(tag) =	ssettag $0x0;
	lr =	simm.s32 $0x1  }
0x2: {  	[smem:$0x3F64] =	sst lr;
	_ =	strace $0xD0000000  }
0x3: {  	_ = 	snop  }
0x4: {  	_ = 	snop  }
0x5: {  	_ = 	snop  }
0x6: {  	_ = 	snop  }
0x7: {  	_ = 	snop  }
__scs_overlays_trampoline_lowered:
0x8: {  	[smem:$0x3F73] =	sst s0  }
0x9: {  	[smem:$0x3F74] =	sst s1  }
0xa: {  	[smem:$0x3F75] =	sst s2  }
0xb: {  	[smem:$0x3F76] =	sst s3  }
0xc: {  	[smem:$0x3F77] =	sst s4  }
0xd: {  	[smem:$0x3F78] =	sst s5  }
0xe: {  	[smem:$0x3F79] =	sst s6  }
0xf: {  	[smem:$0x3F7A] =	sst s7  }
0x10: {  	[smem:$0x3F7B] =	sst s8  }
0x11: {  	[smem:$0x3F7C] =	sst s9;
	s0 =	simm.s32 @!p0 $0x0  }
0x12: {  	s1 =	sld [smem:$0x3F62];
	s0 =	simm.s32 @p0 $0x1  }
0x13: {  	[smem:$0x3F7D] =	sst s0;
	s0 =	simm.s32 @!p1 $0x0  }
0x14: {  	s2 =	sld [smem:$0x3F61];
	s0 =	simm.s32 @p1 $0x1  }
0x15: {  	[smem:$0x3F7E] =	sst s0;
	s0 =	simm.s32 @!p2 $0x0  }
0x16: {  	s3 =	sld [smem:$0x3FDB];
	s0 =	simm.s32 @p2 $0x1  }
0x17: {  	s4 =	simm.s32 $0x1BF5;
	[smem:$0x3F80] =	sst s0  }
0x18: {  	s0 =	sld [smem:$0x3F63];
	_ =	swait.ge [sflag:s4], $0x0  }
0x19: {  	s7 =	sld [smem:$0x3F64]  }
0x1a: {  	s8 =	sadd.s32 $0xFFFFE003, lr  }
0x1b: {  	s9 =	sadd.s32 $0xFFFFFEF7, lr;
	s5 =	simm.s32 $0xFFFFFFFF;
	p2 =	slt.u32 s8, $0xFFFFF086  }
0x1c: {  	p1 =	slt.u32 s9, $0xF7A;
	s5 =	simm.s32 @!p2 $0x0  }
0x1d: {  	s5 =	simm.s32 @p1 $0x1;
	p0 =	seq.s32 s7, s2  }
0x1e: {  	s7 =	smul.u32 @!p0 $0xF7A, s2;
	p2 =	seq.s32 @!p0 s5, $0x0  }
0x1f: {  	s9 =	smul.u32 $0xF7A, s1;
	s8 =	simm.s32 @!p0 $0x1BF5;
	p2 =	por !p2, p0  }
0x20: {  	[sflag:s8] =	ssyncset.s32 @!p0 $0xFFFFF086;
	s6 =	sadd.s32 @!p0 s3, s7;
	s7 =	simm.s32 @!p0 $0x108  }
0x21: {  	s3 =	sadd.s32 s3, s9;
	s6 =	sadd.s32 @!p0 $0x88, s6;
	s7 =	simm.s32 @p2 $0x1082  }
0x22: {  	[simem:s7], [sflag:s8] =	dma.local @!p0 [hbm:s6], $0xF7A  }
0x23: {  	s9 =	sor.u32 $0xD0000000, s2;
	s6 =	simm.s32 $0x108;
	_ =	swait.ge @!p0 [sflag:s8], $0x0  }
0x24: {  	s3 =	sadd.s32 $0x88, s3;
	s6 =	simm.s32 @!p1 $0x1082;
	[sflag:s4] =	ssyncset.s32 $0xFFFFF086  }
0x25: {  	[simem:s6], [sflag:s4] =	dma.local [hbm:s3], $0xF7A  }
0x26: {  	[smem:$0x3F64] =	sst s1;
	(tag) =	ssettag s2;
	_ =	strace s9  }
0x27: {  	s1 =	sld [smem:$0x3F74]  }
0x28: {  	s2 =	sld [smem:$0x3F75]  }
0x29: {  	s4 =	sld [smem:$0x3F77]  }
0x2a: {  	p0 =	seq.s32 s5, $0x0;
	s5 =	sld [smem:$0x3F78]  }
0x2b: {  	s6 =	sld [smem:$0x3F79]  }
0x2c: {  	s7 =	sld [smem:$0x3F7A]  }
0x2d: {  	s3 =	simm.s32 $0x108;
	s8 =	sld [smem:$0x3F7B]  }
0x2e: {  	s3 =	simm.s32 @!p0 $0x1082;
	s9 =	sld [smem:$0x3F7C]  }
0x2f: {  	lr =	sadd.s32 s0, s3;
	s0 =	sld [smem:$0x3F73]  }
0x30: {  	s3 =	sld [smem:$0x3F76]  }
0x31: {  	[smem:$0x3F7F] =	sst s10  }
0x32: {  	s10 =	sld [smem:$0x3F7D];
	_ =	sdelay $0x3  }
0x33: {  	p0 =	seq.s32 s10, $0x1;
	s10 =	sld [smem:$0x3F7F];
	_ =	sdelay $0x3  }
0x34: {  	[smem:$0x3F7F] =	sst s10  }
0x35: {  	s10 =	sld [smem:$0x3F7E];
	_ =	sdelay $0x3  }
0x36: {  	p1 =	seq.s32 s10, $0x1;
	s10 =	sld [smem:$0x3F7F];
	_ =	sdelay $0x3  }
0x37: {  	[smem:$0x3F7F] =	sst s10  }
0x38: {  	s10 =	sld [smem:$0x3F80]  }
0x39: {  	_ = 	snop;
	(pc) =	sbr.ind lr, $3  }
0x3a: {  	_ = 	snop  }
0x3b: {  	_ = 	snop  }
0x3c: {  	p2 =	seq.s32 s10, $0x1;
	s10 =	sld [smem:$0x3F7F]  }
0x3d: {  	_ =	shalt  }
0x3e: {  	_ =	shalt  }
0x3f: {  	_ =	shalt  }
0x40: {  	_ =	shalt  }
0x41: {  	_ =	shalt  }
0x42: {  	_ =	shalt  }
0x43: {  	_ =	shalt  }
0x44: {  	_ =	shalt  }
0x45: {  	_ =	shalt  }
0x46: {  	_ =	shalt  }
0x47: {  	_ =	shalt  }
0x48: {  	_ =	shalt  }
0x49: {  	_ =	shalt  }
0x4a: {  	_ =	shalt  }
0x4b: {  	_ =	shalt  }
0x4c: {  	_ =	shalt  }
0x4d: {  	_ =	shalt  }
0x4e: {  	_ =	shalt  }
0x4f: {  	_ =	shalt  }
0x50: {  	_ =	shalt  }
0x51: {  	_ =	shalt  }
0x52: {  	_ =	shalt  }
0x53: {  	_ =	shalt  }
0x54: {  	_ =	shalt  }
0x55: {  	_ =	shalt  }
0x56: {  	_ =	shalt  }
0x57: {  	_ =	shalt  }
0x58: {  	_ =	shalt  }
0x59: {  	_ =	shalt  }
0x5a: {  	_ =	shalt  }
0x5b: {  	_ =	shalt  }
0x5c: {  	_ =	shalt  }
0x5d: {  	_ =	shalt  }
0x5e: {  	_ =	shalt  }
0x5f: {  	_ =	shalt  }
0x60: {  	_ =	shalt  }
0x61: {  	_ =	shalt  }
0x62: {  	_ =	shalt  }
0x63: {  	_ =	shalt  }
0x64: {  	_ =	shalt  }
0x65: {  	_ =	shalt  }
0x66: {  	_ =	shalt  }
0x67: {  	_ =	shalt  }
0x68: {  	_ =	shalt  }
0x69: {  	_ =	shalt  }
0x6a: {  	_ =	shalt  }
0x6b: {  	_ =	shalt  }
0x6c: {  	_ =	shalt  }
0x6d: {  	_ =	shalt  }
0x6e: {  	_ =	shalt  }
0x6f: {  	_ =	shalt  }
0x70: {  	_ =	shalt  }
0x71: {  	_ =	shalt  }
0x72: {  	_ =	shalt  }
0x73: {  	_ =	shalt  }
0x74: {  	_ =	shalt  }
0x75: {  	_ =	shalt  }
0x76: {  	_ =	shalt  }
0x77: {  	_ =	shalt  }
0x78: {  	_ =	shalt  }
0x79: {  	_ =	shalt  }
0x7a: {  	_ =	shalt  }
0x7b: {  	_ =	shalt  }
0x7c: {  	_ =	shalt  }
0x7d: {  	_ =	shalt  }
0x7e: {  	_ =	shalt  }
0x7f: {  	_ =	shalt  }
0x80: {  	_ =	shalt  }
0x81: {  	_ =	shalt  }
0x82: {  	_ =	shalt  }
0x83: {  	_ =	shalt  }
0x84: {  	_ =	shalt  }
0x85: {  	_ =	shalt  }
0x86: {  	_ =	shalt  }
0x87: {  	_ =	shalt  }
.Lfunc_end0:
.L_simem_size_0:
called_computation.2_lowered:
.L_overlay_start_0:
0x88: {  	s2 =	sld [smem:$0x3FD9]  }
0x89: {  	s3 =	sld [smem:$0x3FFE];
	_ =	sdelay $0x1  }
0x8a: {  	s1 =	srdreg.scid  }
0x8b: {  	s0 =	sand.u32 $0x1, s1  }
0x8c: {  	s17 =	sshll.u32 s0, $0xA;
	s2 =	sadd.s32 s3, s2  }
0x8d: {  	s2 =	sadd.s32 s2, s17  }
0x8e: {  	[smem:$0x3F8B] =	sst s2  }
0x8f: {  	_ = 	snop  }
0x90: {  	(tm) =	ssettm $0x1  }
0x91: {  	s18 =	sld [smem:$0x3FFB];
	_ =	sdelay $0x3  }
0x92: {  	_ =	strace s18  }
0x93: {  	s2 =	sld [smem:$0x3FFC];
	_ =	sdelay $0x3  }
0x94: {  	_ =	strace s2  }
0x95: {  	s2 =	sld [smem:$0x3FFD];
	_ =	sdelay $0x3  }
0x96: {  	_ =	strace s2  }
0x97: {  	_ =	strace $0x8FFFFFFF  }
0x98: {  	s19 =	sld [smem:$0x3FDB];
	_ =	sdelay $0x1  }
0x99: {  	s20 =	simm.s32 $_scs_section_size  }
0x9a: {  	s4 =	simm.s32 $_size__tile_overlayer_lowered;
	s5 =	simm.s32 $_tile_overlayer_lowered  }
0x9b: {  	s6 =	simm.s32 $0x1BFF;
	s21 =	sshll.u32 s5, $0x1;
	s3 =	sadd.s32 s20, s19  }
0x9c: {  	s22 =	simm.s32 $0x0;
	s4 =	sshll.u32 s4, $0x1;
	s5 =	sadd.s32 s21, s3  }
0x9d: {  	[timem:s22], [sflag:s6] =	dma.local [hbm:s5], s4  }
0x9e: {  	_ =	swait.ge [sflag:s6], s4  }
0x9f: {  	s4 =	ssub.s32 $0x0, s4;
	[sflag:s6] =	ssyncset.done $0x0  }
0xa0: {  	[sflag:s6] =	ssyncadd.s32 s4;
	_ =	sdelay $0x1  }
0xa1: {  	s23 =	simm.s32 $0x1B8B  }
0xa2: {  	_ =	swait.ge [sflag:s23], $0x1  }
0xa3: {  	[sflag:s23] =	ssyncset.done $0x0  }
0xa4: {  	[sflag:s23] =	ssyncadd.s32 $0xFFFFFFFF  }
0xa5: {  	s4 =	sld [smem:$0x0]  }
0xa6: {  	s5 =	sand.u32 $0xFFFFFFFE, s1  }
0xa7: {  	p0 =	sne.s32 s1, s5  }
0xa8: {  	s5 =	sshll.u32 @p0 s5, $0xE  }
0xa9: {  	s5 =	sadd.s32 @p0 $0x11B8D, s5;
	s6 =	sshll.u32 @p0 s4, $0x11  }
0xaa: {  	s5 =	sor.u32 @p0 s6, s5  }
0xab: {  	[sflag:s5] =	ssyncadd.remote.s32 @p0 $0x1;
	_ =	sdelay $0x1  }
0xac: {  	s5 =	simm.s32 @p0 $0x1B8D  }
0xad: {  	_ =	swait.eq @p0 [sflag:s5], $0x1  }
0xae: {  	[sflag:s5] =	ssyncadd.s32 @p0 $0xFFFFFFFF  }
0xaf: {  	s6 =	sshll.u32 @!p0 s1, $0xE  }
0xb0: {  	s6 =	sor.u32 @!p0 $0x4000, s6;
	s5 =	simm.s32 @!p0 $0x1B8D  }
0xb1: {  	s4 =	sshll.u32 @!p0 s4, $0x11;
	s6 =	sadd.s32 @!p0 $0x11B8D, s6;
	_ =	swait.eq @!p0 [sflag:s5], $0x1  }
0xb2: {  	s4 =	sor.u32 @!p0 s4, s6;
	[sflag:s5] =	ssyncadd.s32 @!p0 $0xFFFFFFFF  }
0xb3: {  	s25 =	simm.s32 $0x1B8E;
	s24 =	sld [smem:$0x3FFE];
	[sflag:s4] =	ssyncadd.remote.s32 @!p0 $0x1  }
0xb4: {  	s26 =	simm.s32 $execute0_lowered;
	[smem:$0x3FD2] =	sst s25  }
0xb5: {  	s5 =	sshll.u32 s26, $0x1;
	_ =	strace $0x8000004C;
	[dreg:$0x1] =	wrdreg $0xFFFFFFFF  }
0xb6: {  	s28 =	simm.s32 $_size_execute0_lowered;
	s3 =	sadd.s32 s3, s5;
	[dreg:$0x0] =	wrdreg $0x0  }
0xb7: {  	s5 =	sshll.u32 s28, $0x1;
	[dreg:$0x2] =	wrdreg s3  }
0xb8: {  	[dreg:$0x3] =	wrdreg s5  }
0xb9: {  	[dreg:$0x4] =	wrdreg $0xC0  }
0xba: {  	_ =	task [dreg:s22], $0x5FFFF  }
0xbb: {  	[dreg:$0x1] =	wrdreg $0xFFFFFFFF  }
0xbc: {  	[dreg:$0x0] =	wrdreg $0x60  }
0xbd: {  	[dreg:$0x2] =	wrdreg s24  }
0xbe: {  	[dreg:$0x3] =	wrdreg $0xA  }
0xbf: {  	_ =	task.clear_ibuf [dreg:s22], $0x4FFFF;
	_ =	strace $0x9000004C  }
0xc0: {  	s29 =	simm.s32 $0xA;
	_ =	strace $0x8000004E  }
0xc1: {  	_ =	swait.ge [sflag:s29], $0x1  }
0xc2: {  	[sflag:s29] =	ssyncadd.s32 $0xFFFFFFFF  }
0xc3: {  	_ =	strace $0x9000004E  }
0xc4: {  	_ =	sfence  }
0xc5: {  	s30 =	sld [smem:$0x0];
	_ =	sdelay $0x2  }
0xc6: {  	s31 =	sshll.u32 s1, $0xD;
	s1 =	sshrl.u32 s1, $0x2  }
0xc7: {  	s4 =	sand.u32 $0x4000, s31;
	s1 =	sadd.s32 s1, s30  }
0xc8: {  	s0 =	sor.u32 s4, s0;
	s1 =	sshll.u32 s1, $0x11  }
0xc9: {  	s0 =	sor.u32 s1, s0  }
0xca: {  	s0 =	sadd.s32 $0x8F2B, s0  }
0xcb: {  	[sflag:s0] =	ssyncadd.remote.s32 $0x1  }
0xcc: {  	_ =	sfence.sel $0xFFFF  }
0xcd: {  	[dreg:$0x0] =	wrdreg $0xFFFFFFFF;
	(pc) =	sbr.abs _section_cstart, $3  }
0xce: {  	[dreg:$0x1] =	wrdreg $0xFFFFFFFF  }
0xcf: {  	_ =	task.clear_ibuf [dreg:s22], $0x2FFFF;
	_ =	strace $0x9FFFFFFF  }
0xd0: {  	(tm) =	ssettm $0x7FFFFFFF  }
0xd1: {  	_ =	shalt  }
tec
execute0_lowered:
.L_overlay_start_1:
0x0: {  	(tag) =	ssettag $0x1  }
0x1: {  	s5 =	rddreg [dreg:$0x0]  }
0x2: {  	s3 =	srdreg.scid;
	s1 =	stileid.u32;
	s2 =	simm.s32 $0x0  }
0x3: {  	s18 =	simm.s32 $0x1;
	s19 =	simm.s32 $0x100;
	s20 =	simm.s32 $0x3  }
0x4: {  	s21 =	simm.s32 $0x2;
	s22 =	simm.s32 $0x4100;
	s23 =	simm.s32 $0x4  }
0x5: {  	s24 =	simm.s32 $0x5;
	s25 =	simm.s32 $0x6;
	s26 =	simm.s32 $0x0  }
0x6: {  	s13 =	sand.u32 $0x1, s3;
	s29 =	sshll.u32 s1, $0x1;
	s14 =	smul.u32 $0x2800, s1  }
0x7: {  	[smem:$0x7FF] =	sst s2;
	s3 =	sadd.s32 $0x12C600, s5;
	s16 =	smul.u32 $0x28000, s1  }
0x8: {  	s4 =	sadd.s32 $0x28600, s5;
	s5 =	sadd.s32 $0x154600, s5;
	s15 =	smul.u32 $0x1400, s13  }
0x9: {  	s7 =	sor.u32 s13, s29;
	s9 =	ssub.s32 $0x2, s13;
	s30 =	smul.u32 $0x14000, s13  }
0xa: {  	_ =	strace $0x8000004D;
	s8 =	smul.u32 $0x1400, s7;
	s10 =	sshrl.u32 s9, $0x1  }
0xb: {  	s11 =	smul.u32 $0x14000, s7;
	s16 =	sadd.s32 s16, s5;
	s9 =	ssub.s32 s9, s10  }
0xc: {  	s14 =	sadd.s32 s15, s14;
	s15 =	sadd.s32 s30, s16;
	s6 =	sshrl.u32 s8, $0x3  }
.Ltmp0:
0xd: {  	s8 =	sadd.s32 $0x1380, s8;
	s9 =	smax.u32 s9, $0x1;
	(pc) =	sbr.rel .LBB2_1-.Ltmp0, $4  }
0xe: {  	s10 =	sadd.s32 s5, s11;
	s17 =	sor.u32 $0x200, s14;
	s14 =	sor.u32 $0x180, s14  }
0xf: {  	s15 =	sadd.s32 $0x1000, s15;
	s6 =	sadd.s32 s4, s6;
	s12 =	sadd.s32 $0x800, s10  }
0x10: {  	s31 =	sshrl.u32 s17, $0x3;
	s17 =	simm.s32 $0x80;
	s7 =	sadd.s32 $0x10, s6  }
0x11: {  	s11 =	sadd.s32 $0x20, s6;
	s13 =	sadd.s32 $0x30, s6;
	s16 =	sadd.s32 s31, s4  }
.LBB2_4:
0x12: {  	s26 =	sadd.s32 $0x1, s26  }
0x13: {  	_ =	swait.ge [sflag:s24], $0x4000;
	p0 =	sne.s32 s26, s9  }
.Ltmp1:
0x14: {  	[sflag:s24] =	ssyncset.done $0x0;
	(pc) =	sbr.rel @!p0 .LBB2_5-.Ltmp1, $4  }
0x15: {  	[sflag:s24] =	ssyncadd.s32 $0xFFFFC000  }
0x16: {  	_ =	swait.ge [sflag:s25], $0x4000  }
0x17: {  	[sflag:s25] =	ssyncset.done $0x0  }
0x18: {  	[sflag:s25] =	ssyncadd.s32 $0xFFFFC000  }
.LBB2_1:
0x19: {  	[tilespmem:s2], [sflag:$0x1] =	stream.linear.gather [hbm4b:s6+s2], $0x80, $0x38;
	[tilespmem:$0x8100] =	vst v63  }
0x1a: {  	_ = 	snop  }
0x1b: {  	[tilespmem:s17], [sflag:$0x2] =	stream.linear.gather [hbm4b:s7+s2], $0x80, $0x38;
	[tilespmem:$0x8100] =	vst v63  }
0x1c: {  	_ =	swait.ge [sflag:s18], $0x80  }
0x1d: {  	[sflag:s18] =	ssyncset.done $0x0  }
0x1e: {  	[sflag:s18] =	ssyncadd.s32 $0xFFFFFF80  }
0x1f: {  	[tilespmem:s19], [sflag:$0x3] =	stream.indirect.gather [hbm4b:s3+s17], $0x80, s2, s17, $0xb8;
	[tilespmem:$0x8100] =	vst v63  }
0x20: {  	_ =	swait.ge [sflag:s20], $0x4000  }
0x21: {  	[sflag:s20] =	ssyncset.done $0x0  }
0x22: {  	[sflag:s20] =	ssyncadd.s32 $0xFFFFC000  }
0x23: {  	[hbm4b:s10+s2] =	stream.linear.scatter [tilespmem:s19], [sflag:$0x5], $0x4000, $0x38;
	[tilespmem:$0x8100] =	vst v63  }
0x24: {  	_ = 	snop  }
0x25: {  	[tilespmem:s2], [sflag:$0x1] =	stream.linear.gather [hbm4b:s11+s2], $0x80, $0x38;
	[tilespmem:$0x8100] =	vst v63  }
0x26: {  	_ =	swait.ge [sflag:s21], $0x80  }
0x27: {  	[sflag:s21] =	ssyncset.done $0x0  }
0x28: {  	[sflag:s21] =	ssyncadd.s32 $0xFFFFFF80  }
0x29: {  	[tilespmem:s22], [sflag:$0x4] =	stream.indirect.gather [hbm4b:s3+s17], $0x80, s17, s17, $0xb8;
	[tilespmem:$0x8100] =	vst v63  }
0x2a: {  	_ =	swait.ge [sflag:s23], $0x4000  }
0x2b: {  	[sflag:s23] =	ssyncset.done $0x0  }
0x2c: {  	[sflag:s23] =	ssyncadd.s32 $0xFFFFC000  }
0x2d: {  	[hbm4b:s12+s2] =	stream.linear.scatter [tilespmem:s22], [sflag:$0x6], $0x4000, $0x38;
	[tilespmem:$0x8100] =	vst v63  }
0x2e: {  	s28 =	simm.s32 $0x0;
	s29 =	smov.u32 s15;
	s30 =	smov.u32 s14  }
0x2f: {  	[tilespmem:s17], [sflag:$0x2] =	stream.linear.gather [hbm4b:s13+s2], $0x80, $0x38;
	[tilespmem:$0x8100] =	vst v63  }
.LBB2_2:
0x30: {  	_ =	swait.ge [sflag:s24], $0x4000  }
0x31: {  	[sflag:s24] =	ssyncset.done $0x0  }
0x32: {  	[sflag:s24] =	ssyncadd.s32 $0xFFFFC000  }
0x33: {  	_ =	swait.ge [sflag:s18], $0x80  }
0x34: {  	[sflag:s18] =	ssyncset.done $0x0  }
0x35: {  	[sflag:s18] =	ssyncadd.s32 $0xFFFFFF80  }
0x36: {  	[tilespmem:s19], [sflag:$0x3] =	stream.indirect.gather [hbm4b:s3+s17], $0x80, s2, s17, $0xb8;
	[tilespmem:$0x8100] =	vst v63  }
0x37: {  	_ =	swait.ge [sflag:s20], $0x4000  }
0x38: {  	[sflag:s20] =	ssyncset.done $0x0  }
0x39: {  	p0 =	seq.s32 s28, $0x240;
	[sflag:s20] =	ssyncadd.s32 $0xFFFFC000  }
0x3a: {  	[hbm4b:s29+s2] =	stream.linear.scatter [tilespmem:s19], [sflag:$0x5], $0x4000, $0x38;
	[tilespmem:$0x8100] =	vst v63  }
0x3b: {  	s31 =	sadd.s32 @!p0 s28, s16;
	s0 =	simm.s32 @!p0 $0x0  }
0x3c: {  	[tilespmem:s0], [sflag:$0x1] =	stream.linear.gather @!p0 [hbm4b:s31+s0], $0x80, $0x38;
	[tilespmem:$0x8100] =	vst v63  }
0x3d: {  	_ =	swait.ge [sflag:s25], $0x4000  }
0x3e: {  	[sflag:s25] =	ssyncset.done $0x0  }
0x3f: {  	[sflag:s25] =	ssyncadd.s32 $0xFFFFC000  }
0x40: {  	_ =	swait.ge [sflag:s21], $0x80  }
0x41: {  	[sflag:s21] =	ssyncset.done $0x0  }
0x42: {  	s31 =	smov.u32 s30;
	[sflag:s21] =	ssyncadd.s32 $0xFFFFFF80  }
0x43: {  	[tilespmem:s22], [sflag:$0x4] =	stream.indirect.gather [hbm4b:s3+s17], $0x80, s17, s17, $0xb8;
	[tilespmem:$0x8100] =	vst v63  }
.Ltmp2:
0x44: {  	s31 =	smov.u32 @p0 s8;
	(pc) =	sbr.rel @p0 .LBB2_4-.Ltmp2, $4  }
0x45: {  	s0 =	sshll.u32 s31, $0x4;
	_ =	swait.ge [sflag:s23], $0x4000  }
0x46: {  	s0 =	sand.u32 $0x1FFFF800, s0;
	[sflag:s23] =	ssyncset.done $0x0  }
0x47: {  	s0 =	sadd.s32 s5, s0;
	[sflag:s23] =	ssyncadd.s32 $0xFFFFC000  }
0x48: {  	[hbm4b:s0+s2] =	stream.linear.scatter [tilespmem:s22], [sflag:$0x6], $0x4000, $0x38;
	[tilespmem:$0x8100] =	vst v63  }
.Ltmp3:
0x49: {  	(pc) =	sbr.rel .LBB2_2-.Ltmp3, $4  }
0x4a: {  	s0 =	sshrl.u32 s31, $0x3  }
0x4b: {  	s30 =	sadd.s32 $0x100, s30;
	s0 =	sadd.s32 s4, s0  }
0x4c: {  	s29 =	sadd.s32 $0x1000, s29;
	s28 =	sadd.s32 $0x20, s28;
	s0 =	sadd.s32 $0x20, s0  }
0x4d: {  	[tilespmem:s17], [sflag:$0x2] =	stream.linear.gather [hbm4b:s0+s2], $0x80, $0x38;
	[tilespmem:$0x8100] =	vst v63  }
.LBB2_5:
0x4e: {  	_ =	sfence.sel $0x180000  }
0x4f: {  	[bflag:$0x0] =	sbarrier.arrive $0xFFFF  }
0x50: {  	_ =	strace $0x9000004D  }
0x51: {  	[bflag:$0x2] =	sbarrier.arrive $0xFFFF  }
0x52: {  	p0 =	sne.s32 s1, $0x0;
	s0 =	rddreg [dreg:$0x1]  }
0x53: {  	s0 =	sadd.s32 @!p0 $0x100000, s0  }
0x54: {  	[sflag:s0] =	ssyncadd.tile.s32 @!p0 $0x1;
	_ =	shalt  }
.Lfunc_end2:
_tile_overlayer_lowered:
.L_overlay_start_2:
0x55: {  	(tag) =	ssettag $0x2  }
0x56: {  	s0 =	rddreg [dreg:$0x0];
	s2 =	stileid.u32  }
0x57: {  	s1 =	rddreg [dreg:$0x1];
	p0 =	sne.s32 s2, $0x0  }
0x58: {  	s3 =	rddreg [dreg:$0x2];
	[bflag:$0x3] =	sbarrier.arrive $0xFFFF;
	s2 =	simm.s32 @!p0 $0x1C07  }
0x59: {  	[timem:s3], [sflag:s2] =	dma.local @!p0 [hbm:s0], s1  }
0x5a: {  	s0 =	simm.s32 @!p0 $0x7  }
0x5b: {  	_ =	swait.ge @!p0 [sflag:s0], s1  }
0x5c: {  	s1 =	ssub.s32 @!p0 $0x0, s1;
	[sflag:s0] =	ssyncset.done @!p0 $0x0  }
0x5d: {  	[sflag:s0] =	ssyncadd.s32 @!p0 s1  }
0x5e: {  	[bflag:$0x3] =	sbarrier.arrive $0xFFFF  }
0x5f: {  	_ =	shalt  }

// kernel: kernel.22.cloned.1.call-start
scs
__scs_entry_jumppad:
0x0: {  	(pc) =	sbr.rel $0x88, $3  }
0x1: {  	(tag) =	ssettag $0x0;
	lr =	simm.s32 $0x1  }
0x2: {  	[smem:$0x3F64] =	sst lr;
	_ =	strace $0xD0000000  }
0x3: {  	_ = 	snop  }
0x4: {  	_ = 	snop  }
0x5: {  	_ = 	snop  }
0x6: {  	_ = 	snop  }
0x7: {  	_ = 	snop  }
__scs_overlays_trampoline_lowered:
0x8: {  	[smem:$0x3F73] =	sst s0  }
0x9: {  	[smem:$0x3F74] =	sst s1  }
0xa: {  	[smem:$0x3F75] =	sst s2  }
0xb: {  	[smem:$0x3F76] =	sst s3  }
0xc: {  	[smem:$0x3F77] =	sst s4  }
0xd: {  	[smem:$0x3F78] =	sst s5  }
0xe: {  	[smem:$0x3F79] =	sst s6  }
0xf: {  	[smem:$0x3F7A] =	sst s7  }
0x10: {  	[smem:$0x3F7B] =	sst s8  }
0x11: {  	[smem:$0x3F7C] =	sst s9;
	s0 =	simm.s32 @!p0 $0x0  }
0x12: {  	s1 =	sld [smem:$0x3F62];
	s0 =	simm.s32 @p0 $0x1  }
0x13: {  	[smem:$0x3F7D] =	sst s0;
	s0 =	simm.s32 @!p1 $0x0  }
0x14: {  	s2 =	sld [smem:$0x3F61];
	s0 =	simm.s32 @p1 $0x1  }
0x15: {  	[smem:$0x3F7E] =	sst s0;
	s0 =	simm.s32 @!p2 $0x0  }
0x16: {  	s3 =	sld [smem:$0x3FDB];
	s0 =	simm.s32 @p2 $0x1  }
0x17: {  	s4 =	simm.s32 $0x1BF5;
	[smem:$0x3F80] =	sst s0  }
0x18: {  	s0 =	sld [smem:$0x3F63];
	_ =	swait.ge [sflag:s4], $0x0  }
0x19: {  	s7 =	sld [smem:$0x3F64]  }
0x1a: {  	s8 =	sadd.s32 $0xFFFFE003, lr  }
0x1b: {  	s9 =	sadd.s32 $0xFFFFFEF7, lr;
	s5 =	simm.s32 $0xFFFFFFFF;
	p2 =	slt.u32 s8, $0xFFFFF086  }
0x1c: {  	p1 =	slt.u32 s9, $0xF7A;
	s5 =	simm.s32 @!p2 $0x0  }
0x1d: {  	s5 =	simm.s32 @p1 $0x1;
	p0 =	seq.s32 s7, s2  }
0x1e: {  	s7 =	smul.u32 @!p0 $0xF7A, s2;
	p2 =	seq.s32 @!p0 s5, $0x0  }
0x1f: {  	s9 =	smul.u32 $0xF7A, s1;
	s8 =	simm.s32 @!p0 $0x1BF5;
	p2 =	por !p2, p0  }
0x20: {  	[sflag:s8] =	ssyncset.s32 @!p0 $0xFFFFF086;
	s6 =	sadd.s32 @!p0 s3, s7;
	s7 =	simm.s32 @!p0 $0x108  }
0x21: {  	s3 =	sadd.s32 s3, s9;
	s6 =	sadd.s32 @!p0 $0x88, s6;
	s7 =	simm.s32 @p2 $0x1082  }
0x22: {  	[simem:s7], [sflag:s8] =	dma.local @!p0 [hbm:s6], $0xF7A  }
0x23: {  	s9 =	sor.u32 $0xD0000000, s2;
	s6 =	simm.s32 $0x108;
	_ =	swait.ge @!p0 [sflag:s8], $0x0  }
0x24: {  	s3 =	sadd.s32 $0x88, s3;
	s6 =	simm.s32 @!p1 $0x1082;
	[sflag:s4] =	ssyncset.s32 $0xFFFFF086  }
0x25: {  	[simem:s6], [sflag:s4] =	dma.local [hbm:s3], $0xF7A  }
0x26: {  	[smem:$0x3F64] =	sst s1;
	(tag) =	ssettag s2;
	_ =	strace s9  }
0x27: {  	s1 =	sld [smem:$0x3F74]  }
0x28: {  	s2 =	sld [smem:$0x3F75]  }
0x29: {  	s4 =	sld [smem:$0x3F77]  }
0x2a: {  	p0 =	seq.s32 s5, $0x0;
	s5 =	sld [smem:$0x3F78]  }
0x2b: {  	s6 =	sld [smem:$0x3F79]  }
0x2c: {  	s7 =	sld [smem:$0x3F7A]  }
0x2d: {  	s3 =	simm.s32 $0x108;
	s8 =	sld [smem:$0x3F7B]  }
0x2e: {  	s3 =	simm.s32 @!p0 $0x1082;
	s9 =	sld [smem:$0x3F7C]  }
0x2f: {  	lr =	sadd.s32 s0, s3;
	s0 =	sld [smem:$0x3F73]  }
0x30: {  	s3 =	sld [smem:$0x3F76]  }
0x31: {  	[smem:$0x3F7F] =	sst s10  }
0x32: {  	s10 =	sld [smem:$0x3F7D];
	_ =	sdelay $0x3  }
0x33: {  	p0 =	seq.s32 s10, $0x1;
	s10 =	sld [smem:$0x3F7F];
	_ =	sdelay $0x3  }
0x34: {  	[smem:$0x3F7F] =	sst s10  }
0x35: {  	s10 =	sld [smem:$0x3F7E];
	_ =	sdelay $0x3  }
0x36: {  	p1 =	seq.s32 s10, $0x1;
	s10 =	sld [smem:$0x3F7F];
	_ =	sdelay $0x3  }
0x37: {  	[smem:$0x3F7F] =	sst s10  }
0x38: {  	s10 =	sld [smem:$0x3F80]  }
0x39: {  	_ = 	snop;
	(pc) =	sbr.ind lr, $3  }
0x3a: {  	_ = 	snop  }
0x3b: {  	_ = 	snop  }
0x3c: {  	p2 =	seq.s32 s10, $0x1;
	s10 =	sld [smem:$0x3F7F]  }
0x3d: {  	_ =	shalt  }
0x3e: {  	_ =	shalt  }
0x3f: {  	_ =	shalt  }
0x40: {  	_ =	shalt  }
0x41: {  	_ =	shalt  }
0x42: {  	_ =	shalt  }
0x43: {  	_ =	shalt  }
0x44: {  	_ =	shalt  }
0x45: {  	_ =	shalt  }
0x46: {  	_ =	shalt  }
0x47: {  	_ =	shalt  }
0x48: {  	_ =	shalt  }
0x49: {  	_ =	shalt  }
0x4a: {  	_ =	shalt  }
0x4b: {  	_ =	shalt  }
0x4c: {  	_ =	shalt  }
0x4d: {  	_ =	shalt  }
0x4e: {  	_ =	shalt  }
0x4f: {  	_ =	shalt  }
0x50: {  	_ =	shalt  }
0x51: {  	_ =	shalt  }
0x52: {  	_ =	shalt  }
0x53: {  	_ =	shalt  }
0x54: {  	_ =	shalt  }
0x55: {  	_ =	shalt  }
0x56: {  	_ =	shalt  }
0x57: {  	_ =	shalt  }
0x58: {  	_ =	shalt  }
0x59: {  	_ =	shalt  }
0x5a: {  	_ =	shalt  }
0x5b: {  	_ =	shalt  }
0x5c: {  	_ =	shalt  }
0x5d: {  	_ =	shalt  }
0x5e: {  	_ =	shalt  }
0x5f: {  	_ =	shalt  }
0x60: {  	_ =	shalt  }
0x61: {  	_ =	shalt  }
0x62: {  	_ =	shalt  }
0x63: {  	_ =	shalt  }
0x64: {  	_ =	shalt  }
0x65: {  	_ =	shalt  }
0x66: {  	_ =	shalt  }
0x67: {  	_ =	shalt  }
0x68: {  	_ =	shalt  }
0x69: {  	_ =	shalt  }
0x6a: {  	_ =	shalt  }
0x6b: {  	_ =	shalt  }
0x6c: {  	_ =	shalt  }
0x6d: {  	_ =	shalt  }
0x6e: {  	_ =	shalt  }
0x6f: {  	_ =	shalt  }
0x70: {  	_ =	shalt  }
0x71: {  	_ =	shalt  }
0x72: {  	_ =	shalt  }
0x73: {  	_ =	shalt  }
0x74: {  	_ =	shalt  }
0x75: {  	_ =	shalt  }
0x76: {  	_ =	shalt  }
0x77: {  	_ =	shalt  }
0x78: {  	_ =	shalt  }
0x79: {  	_ =	shalt  }
0x7a: {  	_ =	shalt  }
0x7b: {  	_ =	shalt  }
0x7c: {  	_ =	shalt  }
0x7d: {  	_ =	shalt  }
0x7e: {  	_ =	shalt  }
0x7f: {  	_ =	shalt  }
0x80: {  	_ =	shalt  }
0x81: {  	_ =	shalt  }
0x82: {  	_ =	shalt  }
0x83: {  	_ =	shalt  }
0x84: {  	_ =	shalt  }
0x85: {  	_ =	shalt  }
0x86: {  	_ =	shalt  }
0x87: {  	_ =	shalt  }
.Lfunc_end0:
.L_simem_size_0:
called_computation.3_lowered:
.L_overlay_start_0:
0x88: {  	s2 =	sld [smem:$0x3FD9]  }
0x89: {  	s3 =	sld [smem:$0x3FFE];
	_ =	sdelay $0x1  }
0x8a: {  	s1 =	srdreg.scid  }
0x8b: {  	s0 =	sand.u32 $0x1, s1  }
0x8c: {  	s16 =	sshll.u32 s0, $0xA;
	s2 =	sadd.s32 s3, s2  }
0x8d: {  	s2 =	sadd.s32 s2, s16  }
0x8e: {  	[smem:$0x3F8B] =	sst s2  }
0x8f: {  	_ = 	snop  }
0x90: {  	(tm) =	ssettm $0x1  }
0x91: {  	s17 =	sld [smem:$0x3FFB];
	_ =	sdelay $0x3  }
0x92: {  	_ =	strace s17  }
0x93: {  	s2 =	sld [smem:$0x3FFC];
	_ =	sdelay $0x3  }
0x94: {  	_ =	strace s2  }
0x95: {  	s2 =	sld [smem:$0x3FFD];
	_ =	sdelay $0x3  }
0x96: {  	_ =	strace s2  }
0x97: {  	_ =	strace $0x8FFFFFFF  }
0x98: {  	s18 =	sld [smem:$0x3FDB];
	_ =	sdelay $0x1  }
0x99: {  	s19 =	simm.s32 $_scs_section_size  }
0x9a: {  	s4 =	simm.s32 $_size__tile_overlayer_lowered;
	s5 =	simm.s32 $_tile_overlayer_lowered  }
0x9b: {  	s22 =	simm.s32 $0x1BFF;
	s21 =	sshll.u32 s5, $0x1;
	s2 =	sadd.s32 s19, s18  }
0x9c: {  	s6 =	simm.s32 $0x0;
	s20 =	sshll.u32 s4, $0x1;
	s4 =	sadd.s32 s21, s2  }
0x9d: {  	[timem:s6], [sflag:s22] =	dma.local [hbm:s4], s20  }
0x9e: {  	_ =	swait.ge [sflag:s22], s20  }
0x9f: {  	s3 =	ssub.s32 $0x0, s20;
	[sflag:s22] =	ssyncset.done $0x0  }
0xa0: {  	[sflag:s22] =	ssyncadd.s32 s3;
	_ =	sdelay $0x1  }
0xa1: {  	s23 =	simm.s32 $0x1B8B  }
0xa2: {  	_ =	swait.ge [sflag:s23], $0x1  }
0xa3: {  	[sflag:s23] =	ssyncset.done $0x0  }
0xa4: {  	s25 =	simm.s32 $0x1B8E;
	s24 =	sld [smem:$0x3FFE];
	[sflag:s23] =	ssyncadd.s32 $0xFFFFFFFF  }
0xa5: {  	s26 =	simm.s32 $execute0_lowered;
	[smem:$0x3FD2] =	sst s25  }
0xa6: {  	s4 =	sshll.u32 s26, $0x1;
	_ =	strace $0x8000004F;
	[dreg:$0x1] =	wrdreg $0xFFFFFFFF  }
0xa7: {  	s28 =	simm.s32 $_size_execute0_lowered;
	s2 =	sadd.s32 s2, s4;
	[dreg:$0x0] =	wrdreg $0x0  }
0xa8: {  	s4 =	sshll.u32 s28, $0x1;
	[dreg:$0x2] =	wrdreg s2  }
0xa9: {  	[dreg:$0x3] =	wrdreg s4  }
0xaa: {  	[dreg:$0x4] =	wrdreg $0xC0  }
0xab: {  	_ =	task [dreg:s6], $0x5FFFF  }
0xac: {  	[dreg:$0x1] =	wrdreg $0xFFFFFFFF  }
0xad: {  	[dreg:$0x0] =	wrdreg $0x60  }
0xae: {  	[dreg:$0x2] =	wrdreg s24  }
0xaf: {  	[dreg:$0x3] =	wrdreg $0x9  }
0xb0: {  	_ =	task.clear_ibuf [dreg:s6], $0x4FFFF;
	_ =	strace $0x9000004F  }
0xb1: {  	s29 =	simm.s32 $0x9;
	_ =	strace $0x80000051  }
0xb2: {  	_ =	swait.ge [sflag:s29], $0x1  }
0xb3: {  	[sflag:s29] =	ssyncadd.s32 $0xFFFFFFFF  }
0xb4: {  	_ =	strace $0x90000051  }
0xb5: {  	_ =	sfence  }
0xb6: {  	s30 =	sld [smem:$0x0];
	_ =	sdelay $0x2  }
0xb7: {  	s31 =	sshll.u32 s1, $0xD;
	s1 =	sshrl.u32 s1, $0x2  }
0xb8: {  	s3 =	sand.u32 $0x4000, s31;
	s1 =	sadd.s32 s1, s30  }
0xb9: {  	s0 =	sor.u32 s3, s0;
	s1 =	sshll.u32 s1, $0x11  }
0xba: {  	s0 =	sor.u32 s1, s0  }
0xbb: {  	s0 =	sadd.s32 $0x8F2B, s0  }
0xbc: {  	[sflag:s0] =	ssyncadd.remote.s32 $0x1  }
0xbd: {  	_ =	sfence.sel $0xFFFF  }
0xbe: {  	[dreg:$0x0] =	wrdreg $0xFFFFFFFF;
	(pc) =	sbr.abs _section_cstart, $3  }
0xbf: {  	[dreg:$0x1] =	wrdreg $0xFFFFFFFF  }
0xc0: {  	_ =	task.clear_ibuf [dreg:s6], $0x2FFFF;
	_ =	strace $0x9FFFFFFF  }
0xc1: {  	(tm) =	ssettm $0x7FFFFFFF  }
tec
execute0_lowered:
.L_overlay_start_1:
0x0: {  	(tag) =	ssettag $0x1  }
0x1: {  	s5 =	rddreg [dreg:$0x0]  }
0x2: {  	s3 =	srdreg.scid;
	s1 =	stileid.u32;
	s2 =	simm.s32 $0x0  }
0x3: {  	s18 =	simm.s32 $0x1;
	s19 =	simm.s32 $0x100;
	s20 =	simm.s32 $0x3  }
0x4: {  	s21 =	simm.s32 $0x2;
	s22 =	simm.s32 $0x2100;
	s23 =	simm.s32 $0x4  }
0x5: {  	s24 =	simm.s32 $0x5;
	s25 =	simm.s32 $0x6;
	s26 =	simm.s32 $0x0  }
0x6: {  	s13 =	sand.u32 $0x1, s3;
	s29 =	sshll.u32 s1, $0x1;
	s14 =	smul.u32 $0x2800, s1  }
0x7: {  	[smem:$0x7FF] =	sst s2;
	s3 =	sadd.s32 $0xDD4600, s5;
	s16 =	smul.u32 $0x14000, s1  }
0x8: {  	s4 =	sadd.s32 $0xA600, s5;
	s5 =	sadd.s32 $0xB54600, s5;
	s15 =	smul.u32 $0x1400, s13  }
0x9: {  	s7 =	sor.u32 s13, s29;
	s9 =	ssub.s32 $0x2, s13;
	s30 =	smul.u32 $0xA000, s13  }
0xa: {  	_ =	strace $0x80000050;
	s8 =	smul.u32 $0x1400, s7;
	s10 =	sshrl.u32 s9, $0x1  }
0xb: {  	s11 =	smul.u32 $0xA000, s7;
	s16 =	sadd.s32 s16, s5;
	s9 =	ssub.s32 s9, s10  }
0xc: {  	s14 =	sadd.s32 s15, s14;
	s15 =	sadd.s32 s30, s16;
	s6 =	sshrl.u32 s8, $0x3  }
.Ltmp0:
0xd: {  	s8 =	sadd.s32 $0x1380, s8;
	s9 =	smax.u32 s9, $0x1;
	(pc) =	sbr.rel .LBB2_1-.Ltmp0, $4  }
0xe: {  	s10 =	sadd.s32 s5, s11;
	s17 =	sor.u32 $0x200, s14;
	s14 =	sor.u32 $0x180, s14  }
0xf: {  	s15 =	sadd.s32 $0x800, s15;
	s6 =	sadd.s32 s4, s6;
	s12 =	sadd.s32 $0x400, s10  }
0x10: {  	s31 =	sshrl.u32 s17, $0x3;
	s17 =	simm.s32 $0x80;
	s7 =	sadd.s32 $0x10, s6  }
0x11: {  	s11 =	sadd.s32 $0x20, s6;
	s13 =	sadd.s32 $0x30, s6;
	s16 =	sadd.s32 s31, s4  }
.LBB2_4:
0x12: {  	s26 =	sadd.s32 $0x1, s26  }
0x13: {  	_ =	swait.ge [sflag:s24], $0x2000;
	p0 =	sne.s32 s26, s9  }
.Ltmp1:
0x14: {  	[sflag:s24] =	ssyncset.done $0x0;
	(pc) =	sbr.rel @!p0 .LBB2_5-.Ltmp1, $4  }
0x15: {  	[sflag:s24] =	ssyncadd.s32 $0xFFFFE000  }
0x16: {  	_ =	swait.ge [sflag:s25], $0x2000  }
0x17: {  	[sflag:s25] =	ssyncset.done $0x0  }
0x18: {  	[sflag:s25] =	ssyncadd.s32 $0xFFFFE000  }
.LBB2_1:
0x19: {  	[tilespmem:s2], [sflag:$0x1] =	stream.linear.gather [hbm4b:s6+s2], $0x80, $0x38;
	[tilespmem:$0x4100] =	vst v63  }
0x1a: {  	_ = 	snop  }
0x1b: {  	[tilespmem:s17], [sflag:$0x2] =	stream.linear.gather [hbm4b:s7+s2], $0x80, $0x38;
	[tilespmem:$0x4100] =	vst v63  }
0x1c: {  	_ =	swait.ge [sflag:s18], $0x80  }
0x1d: {  	[sflag:s18] =	ssyncset.done $0x0  }
0x1e: {  	[sflag:s18] =	ssyncadd.s32 $0xFFFFFF80  }
0x1f: {  	[tilespmem:s19], [sflag:$0x3] =	stream.indirect.gather [hbm4b:s3+s17], $0x40, s2, s17, $0xb8;
	[tilespmem:$0x4100] =	vst v63  }
0x20: {  	_ =	swait.ge [sflag:s20], $0x2000  }
0x21: {  	[sflag:s20] =	ssyncset.done $0x0  }
0x22: {  	[sflag:s20] =	ssyncadd.s32 $0xFFFFE000  }
0x23: {  	[hbm4b:s10+s2] =	stream.linear.scatter [tilespmem:s19], [sflag:$0x5], $0x2000, $0x38;
	[tilespmem:$0x4100] =	vst v63  }
0x24: {  	_ = 	snop  }
0x25: {  	[tilespmem:s2], [sflag:$0x1] =	stream.linear.gather [hbm4b:s11+s2], $0x80, $0x38;
	[tilespmem:$0x4100] =	vst v63  }
0x26: {  	_ =	swait.ge [sflag:s21], $0x80  }
0x27: {  	[sflag:s21] =	ssyncset.done $0x0  }
0x28: {  	[sflag:s21] =	ssyncadd.s32 $0xFFFFFF80  }
0x29: {  	[tilespmem:s22], [sflag:$0x4] =	stream.indirect.gather [hbm4b:s3+s17], $0x40, s17, s17, $0xb8;
	[tilespmem:$0x4100] =	vst v63  }
0x2a: {  	_ =	swait.ge [sflag:s23], $0x2000  }
0x2b: {  	[sflag:s23] =	ssyncset.done $0x0  }
0x2c: {  	[sflag:s23] =	ssyncadd.s32 $0xFFFFE000  }
0x2d: {  	[hbm4b:s12+s2] =	stream.linear.scatter [tilespmem:s22], [sflag:$0x6], $0x2000, $0x38;
	[tilespmem:$0x4100] =	vst v63  }
0x2e: {  	s28 =	simm.s32 $0x0;
	s29 =	smov.u32 s15;
	s30 =	smov.u32 s14  }
0x2f: {  	[tilespmem:s17], [sflag:$0x2] =	stream.linear.gather [hbm4b:s13+s2], $0x80, $0x38;
	[tilespmem:$0x4100] =	vst v63  }
.LBB2_2:
0x30: {  	_ =	swait.ge [sflag:s24], $0x2000  }
0x31: {  	[sflag:s24] =	ssyncset.done $0x0  }
0x32: {  	[sflag:s24] =	ssyncadd.s32 $0xFFFFE000  }
0x33: {  	_ =	swait.ge [sflag:s18], $0x80  }
0x34: {  	[sflag:s18] =	ssyncset.done $0x0  }
0x35: {  	[sflag:s18] =	ssyncadd.s32 $0xFFFFFF80  }
0x36: {  	[tilespmem:s19], [sflag:$0x3] =	stream.indirect.gather [hbm4b:s3+s17], $0x40, s2, s17, $0xb8;
	[tilespmem:$0x4100] =	vst v63  }
0x37: {  	_ =	swait.ge [sflag:s20], $0x2000  }
0x38: {  	[sflag:s20] =	ssyncset.done $0x0  }
0x39: {  	p0 =	seq.s32 s28, $0x240;
	[sflag:s20] =	ssyncadd.s32 $0xFFFFE000  }
0x3a: {  	[hbm4b:s29+s2] =	stream.linear.scatter [tilespmem:s19], [sflag:$0x5], $0x2000, $0x38;
	[tilespmem:$0x4100] =	vst v63  }
0x3b: {  	s31 =	sadd.s32 @!p0 s28, s16;
	s0 =	simm.s32 @!p0 $0x0  }
0x3c: {  	[tilespmem:s0], [sflag:$0x1] =	stream.linear.gather @!p0 [hbm4b:s31+s0], $0x80, $0x38;
	[tilespmem:$0x4100] =	vst v63  }
0x3d: {  	_ =	swait.ge [sflag:s25], $0x2000  }
0x3e: {  	[sflag:s25] =	ssyncset.done $0x0  }
0x3f: {  	[sflag:s25] =	ssyncadd.s32 $0xFFFFE000  }
0x40: {  	_ =	swait.ge [sflag:s21], $0x80  }
0x41: {  	[sflag:s21] =	ssyncset.done $0x0  }
0x42: {  	s31 =	smov.u32 s30;
	[sflag:s21] =	ssyncadd.s32 $0xFFFFFF80  }
0x43: {  	[tilespmem:s22], [sflag:$0x4] =	stream.indirect.gather [hbm4b:s3+s17], $0x40, s17, s17, $0xb8;
	[tilespmem:$0x4100] =	vst v63  }
.Ltmp2:
0x44: {  	s31 =	smov.u32 @p0 s8;
	(pc) =	sbr.rel @p0 .LBB2_4-.Ltmp2, $4  }
0x45: {  	s0 =	sshll.u32 s31, $0x3;
	_ =	swait.ge [sflag:s23], $0x2000  }
0x46: {  	s0 =	sand.u32 $0x1FFFFC00, s0;
	[sflag:s23] =	ssyncset.done $0x0  }
0x47: {  	s0 =	sadd.s32 s5, s0;
	[sflag:s23] =	ssyncadd.s32 $0xFFFFE000  }
0x48: {  	[hbm4b:s0+s2] =	stream.linear.scatter [tilespmem:s22], [sflag:$0x6], $0x2000, $0x38;
	[tilespmem:$0x4100] =	vst v63  }
.Ltmp3:
0x49: {  	(pc) =	sbr.rel .LBB2_2-.Ltmp3, $4  }
0x4a: {  	s0 =	sshrl.u32 s31, $0x3  }
0x4b: {  	s30 =	sadd.s32 $0x100, s30;
	s0 =	sadd.s32 s4, s0  }
0x4c: {  	s29 =	sadd.s32 $0x800, s29;
	s28 =	sadd.s32 $0x20, s28;
	s0 =	sadd.s32 $0x20, s0  }
0x4d: {  	[tilespmem:s17], [sflag:$0x2] =	stream.linear.gather [hbm4b:s0+s2], $0x80, $0x38;
	[tilespmem:$0x4100] =	vst v63  }
.LBB2_5:
0x4e: {  	_ =	sfence.sel $0x180000  }
0x4f: {  	[bflag:$0x0] =	sbarrier.arrive $0xFFFF  }
0x50: {  	_ =	strace $0x90000050  }
0x51: {  	[bflag:$0x2] =	sbarrier.arrive $0xFFFF  }
0x52: {  	p0 =	sne.s32 s1, $0x0;
	s0 =	rddreg [dreg:$0x1]  }
0x53: {  	s0 =	sadd.s32 @!p0 $0x100000, s0  }
0x54: {  	[sflag:s0] =	ssyncadd.tile.s32 @!p0 $0x1;
	_ =	shalt  }
.Lfunc_end2:
_tile_overlayer_lowered:
.L_overlay_start_2:
0x55: {  	(tag) =	ssettag $0x2  }
0x56: {  	s0 =	rddreg [dreg:$0x0];
	s2 =	stileid.u32  }
0x57: {  	s1 =	rddreg [dreg:$0x1];
	p0 =	sne.s32 s2, $0x0  }
0x58: {  	s3 =	rddreg [dreg:$0x2];
	[bflag:$0x3] =	sbarrier.arrive $0xFFFF;
	s2 =	simm.s32 @!p0 $0x1C07  }
0x59: {  	[timem:s3], [sflag:s2] =	dma.local @!p0 [hbm:s0], s1  }
0x5a: {  	s0 =	simm.s32 @!p0 $0x7  }
0x5b: {  	_ =	swait.ge @!p0 [sflag:s0], s1  }
0x5c: {  	s1 =	ssub.s32 @!p0 $0x0, s1;
	[sflag:s0] =	ssyncset.done @!p0 $0x0  }
0x5d: {  	[sflag:s0] =	ssyncadd.s32 @!p0 s1  }
0x5e: {  	[bflag:$0x3] =	sbarrier.arrive $0xFFFF  }
0x5f: {  	_ =	shalt  }

// kernel: kernel.25.cloned.1.call-start
scs
__scs_entry_jumppad:
0x0: {  	(pc) =	sbr.rel $0x88, $3  }
0x1: {  	(tag) =	ssettag $0x0;
	lr =	simm.s32 $0x1  }
0x2: {  	[smem:$0x3F64] =	sst lr;
	_ =	strace $0xD0000000  }
0x3: {  	_ = 	snop  }
0x4: {  	_ = 	snop  }
0x5: {  	_ = 	snop  }
0x6: {  	_ = 	snop  }
0x7: {  	_ = 	snop  }
__scs_overlays_trampoline_lowered:
0x8: {  	[smem:$0x3F73] =	sst s0  }
0x9: {  	[smem:$0x3F74] =	sst s1  }
0xa: {  	[smem:$0x3F75] =	sst s2  }
0xb: {  	[smem:$0x3F76] =	sst s3  }
0xc: {  	[smem:$0x3F77] =	sst s4  }
0xd: {  	[smem:$0x3F78] =	sst s5  }
0xe: {  	[smem:$0x3F79] =	sst s6  }
0xf: {  	[smem:$0x3F7A] =	sst s7  }
0x10: {  	[smem:$0x3F7B] =	sst s8  }
0x11: {  	[smem:$0x3F7C] =	sst s9;
	s0 =	simm.s32 @!p0 $0x0  }
0x12: {  	s1 =	sld [smem:$0x3F62];
	s0 =	simm.s32 @p0 $0x1  }
0x13: {  	[smem:$0x3F7D] =	sst s0;
	s0 =	simm.s32 @!p1 $0x0  }
0x14: {  	s2 =	sld [smem:$0x3F61];
	s0 =	simm.s32 @p1 $0x1  }
0x15: {  	[smem:$0x3F7E] =	sst s0;
	s0 =	simm.s32 @!p2 $0x0  }
0x16: {  	s3 =	sld [smem:$0x3FDB];
	s0 =	simm.s32 @p2 $0x1  }
0x17: {  	s4 =	simm.s32 $0x1BF5;
	[smem:$0x3F80] =	sst s0  }
0x18: {  	s0 =	sld [smem:$0x3F63];
	_ =	swait.ge [sflag:s4], $0x0  }
0x19: {  	s7 =	sld [smem:$0x3F64]  }
0x1a: {  	s8 =	sadd.s32 $0xFFFFE003, lr  }
0x1b: {  	s9 =	sadd.s32 $0xFFFFFEF7, lr;
	s5 =	simm.s32 $0xFFFFFFFF;
	p2 =	slt.u32 s8, $0xFFFFF086  }
0x1c: {  	p1 =	slt.u32 s9, $0xF7A;
	s5 =	simm.s32 @!p2 $0x0  }
0x1d: {  	s5 =	simm.s32 @p1 $0x1;
	p0 =	seq.s32 s7, s2  }
0x1e: {  	s7 =	smul.u32 @!p0 $0xF7A, s2;
	p2 =	seq.s32 @!p0 s5, $0x0  }
0x1f: {  	s9 =	smul.u32 $0xF7A, s1;
	s8 =	simm.s32 @!p0 $0x1BF5;
	p2 =	por !p2, p0  }
0x20: {  	[sflag:s8] =	ssyncset.s32 @!p0 $0xFFFFF086;
	s6 =	sadd.s32 @!p0 s3, s7;
	s7 =	simm.s32 @!p0 $0x108  }
0x21: {  	s3 =	sadd.s32 s3, s9;
	s6 =	sadd.s32 @!p0 $0x88, s6;
	s7 =	simm.s32 @p2 $0x1082  }
0x22: {  	[simem:s7], [sflag:s8] =	dma.local @!p0 [hbm:s6], $0xF7A  }
0x23: {  	s9 =	sor.u32 $0xD0000000, s2;
	s6 =	simm.s32 $0x108;
	_ =	swait.ge @!p0 [sflag:s8], $0x0  }
0x24: {  	s3 =	sadd.s32 $0x88, s3;
	s6 =	simm.s32 @!p1 $0x1082;
	[sflag:s4] =	ssyncset.s32 $0xFFFFF086  }
0x25: {  	[simem:s6], [sflag:s4] =	dma.local [hbm:s3], $0xF7A  }
0x26: {  	[smem:$0x3F64] =	sst s1;
	(tag) =	ssettag s2;
	_ =	strace s9  }
0x27: {  	s1 =	sld [smem:$0x3F74]  }
0x28: {  	s2 =	sld [smem:$0x3F75]  }
0x29: {  	s4 =	sld [smem:$0x3F77]  }
0x2a: {  	p0 =	seq.s32 s5, $0x0;
	s5 =	sld [smem:$0x3F78]  }
0x2b: {  	s6 =	sld [smem:$0x3F79]  }
0x2c: {  	s7 =	sld [smem:$0x3F7A]  }
0x2d: {  	s3 =	simm.s32 $0x108;
	s8 =	sld [smem:$0x3F7B]  }
0x2e: {  	s3 =	simm.s32 @!p0 $0x1082;
	s9 =	sld [smem:$0x3F7C]  }
0x2f: {  	lr =	sadd.s32 s0, s3;
	s0 =	sld [smem:$0x3F73]  }
0x30: {  	s3 =	sld [smem:$0x3F76]  }
0x31: {  	[smem:$0x3F7F] =	sst s10  }
0x32: {  	s10 =	sld [smem:$0x3F7D];
	_ =	sdelay $0x3  }
0x33: {  	p0 =	seq.s32 s10, $0x1;
	s10 =	sld [smem:$0x3F7F];
	_ =	sdelay $0x3  }
0x34: {  	[smem:$0x3F7F] =	sst s10  }
0x35: {  	s10 =	sld [smem:$0x3F7E];
	_ =	sdelay $0x3  }
0x36: {  	p1 =	seq.s32 s10, $0x1;
	s10 =	sld [smem:$0x3F7F];
	_ =	sdelay $0x3  }
0x37: {  	[smem:$0x3F7F] =	sst s10  }
0x38: {  	s10 =	sld [smem:$0x3F80]  }
0x39: {  	_ = 	snop;
	(pc) =	sbr.ind lr, $3  }
0x3a: {  	_ = 	snop  }
0x3b: {  	_ = 	snop  }
0x3c: {  	p2 =	seq.s32 s10, $0x1;
	s10 =	sld [smem:$0x3F7F]  }
0x3d: {  	_ =	shalt  }
0x3e: {  	_ =	shalt  }
0x3f: {  	_ =	shalt  }
0x40: {  	_ =	shalt  }
0x41: {  	_ =	shalt  }
0x42: {  	_ =	shalt  }
0x43: {  	_ =	shalt  }
0x44: {  	_ =	shalt  }
0x45: {  	_ =	shalt  }
0x46: {  	_ =	shalt  }
0x47: {  	_ =	shalt  }
0x48: {  	_ =	shalt  }
0x49: {  	_ =	shalt  }
0x4a: {  	_ =	shalt  }
0x4b: {  	_ =	shalt  }
0x4c: {  	_ =	shalt  }
0x4d: {  	_ =	shalt  }
0x4e: {  	_ =	shalt  }
0x4f: {  	_ =	shalt  }
0x50: {  	_ =	shalt  }
0x51: {  	_ =	shalt  }
0x52: {  	_ =	shalt  }
0x53: {  	_ =	shalt  }
0x54: {  	_ =	shalt  }
0x55: {  	_ =	shalt  }
0x56: {  	_ =	shalt  }
0x57: {  	_ =	shalt  }
0x58: {  	_ =	shalt  }
0x59: {  	_ =	shalt  }
0x5a: {  	_ =	shalt  }
0x5b: {  	_ =	shalt  }
0x5c: {  	_ =	shalt  }
0x5d: {  	_ =	shalt  }
0x5e: {  	_ =	shalt  }
0x5f: {  	_ =	shalt  }
0x60: {  	_ =	shalt  }
0x61: {  	_ =	shalt  }
0x62: {  	_ =	shalt  }
0x63: {  	_ =	shalt  }
0x64: {  	_ =	shalt  }
0x65: {  	_ =	shalt  }
0x66: {  	_ =	shalt  }
0x67: {  	_ =	shalt  }
0x68: {  	_ =	shalt  }
0x69: {  	_ =	shalt  }
0x6a: {  	_ =	shalt  }
0x6b: {  	_ =	shalt  }
0x6c: {  	_ =	shalt  }
0x6d: {  	_ =	shalt  }
0x6e: {  	_ =	shalt  }
0x6f: {  	_ =	shalt  }
0x70: {  	_ =	shalt  }
0x71: {  	_ =	shalt  }
0x72: {  	_ =	shalt  }
0x73: {  	_ =	shalt  }
0x74: {  	_ =	shalt  }
0x75: {  	_ =	shalt  }
0x76: {  	_ =	shalt  }
0x77: {  	_ =	shalt  }
0x78: {  	_ =	shalt  }
0x79: {  	_ =	shalt  }
0x7a: {  	_ =	shalt  }
0x7b: {  	_ =	shalt  }
0x7c: {  	_ =	shalt  }
0x7d: {  	_ =	shalt  }
0x7e: {  	_ =	shalt  }
0x7f: {  	_ =	shalt  }
0x80: {  	_ =	shalt  }
0x81: {  	_ =	shalt  }
0x82: {  	_ =	shalt  }
0x83: {  	_ =	shalt  }
0x84: {  	_ =	shalt  }
0x85: {  	_ =	shalt  }
0x86: {  	_ =	shalt  }
0x87: {  	_ =	shalt  }
.Lfunc_end0:
.L_simem_size_0:
called_computation.4_lowered:
.L_overlay_start_0:
0x88: {  	s2 =	sld [smem:$0x3FD9]  }
0x89: {  	s3 =	sld [smem:$0x3FFE];
	_ =	sdelay $0x1  }
0x8a: {  	s1 =	srdreg.scid  }
0x8b: {  	s0 =	sand.u32 $0x1, s1  }
0x8c: {  	s16 =	sshll.u32 s0, $0xA;
	s2 =	sadd.s32 s3, s2  }
0x8d: {  	s2 =	sadd.s32 s2, s16  }
0x8e: {  	[smem:$0x3F8B] =	sst s2  }
0x8f: {  	_ = 	snop  }
0x90: {  	(tm) =	ssettm $0x1  }
0x91: {  	s17 =	sld [smem:$0x3FFB];
	_ =	sdelay $0x3  }
0x92: {  	_ =	strace s17  }
0x93: {  	s2 =	sld [smem:$0x3FFC];
	_ =	sdelay $0x3  }
0x94: {  	_ =	strace s2  }
0x95: {  	s2 =	sld [smem:$0x3FFD];
	_ =	sdelay $0x3  }
0x96: {  	_ =	strace s2  }
0x97: {  	_ =	strace $0x8FFFFFFF  }
0x98: {  	s18 =	sld [smem:$0x3FDB];
	_ =	sdelay $0x1  }
0x99: {  	s19 =	simm.s32 $_scs_section_size  }
0x9a: {  	s4 =	simm.s32 $_size__tile_overlayer_lowered;
	s5 =	simm.s32 $_tile_overlayer_lowered  }
0x9b: {  	s22 =	simm.s32 $0x1BFF;
	s21 =	sshll.u32 s5, $0x1;
	s2 =	sadd.s32 s19, s18  }
0x9c: {  	s6 =	simm.s32 $0x0;
	s20 =	sshll.u32 s4, $0x1;
	s4 =	sadd.s32 s21, s2  }
0x9d: {  	[timem:s6], [sflag:s22] =	dma.local [hbm:s4], s20  }
0x9e: {  	_ =	swait.ge [sflag:s22], s20  }
0x9f: {  	s3 =	ssub.s32 $0x0, s20;
	[sflag:s22] =	ssyncset.done $0x0  }
0xa0: {  	[sflag:s22] =	ssyncadd.s32 s3;
	_ =	sdelay $0x1  }
0xa1: {  	s23 =	simm.s32 $0x1B8B  }
0xa2: {  	_ =	swait.ge [sflag:s23], $0x1  }
0xa3: {  	[sflag:s23] =	ssyncset.done $0x0  }
0xa4: {  	s25 =	simm.s32 $0x1B8E;
	s24 =	sld [smem:$0x3FFE];
	[sflag:s23] =	ssyncadd.s32 $0xFFFFFFFF  }
0xa5: {  	s26 =	simm.s32 $execute0_lowered;
	[smem:$0x3FD2] =	sst s25  }
0xa6: {  	s4 =	sshll.u32 s26, $0x1;
	_ =	strace $0x80000052;
	[dreg:$0x1] =	wrdreg $0xFFFFFFFF  }
0xa7: {  	s28 =	simm.s32 $_size_execute0_lowered;
	s2 =	sadd.s32 s2, s4;
	[dreg:$0x0] =	wrdreg $0x0  }
0xa8: {  	s4 =	sshll.u32 s28, $0x1;
	[dreg:$0x2] =	wrdreg s2  }
0xa9: {  	[dreg:$0x3] =	wrdreg s4  }
0xaa: {  	[dreg:$0x4] =	wrdreg $0xC0  }
0xab: {  	_ =	task [dreg:s6], $0x5FFFF  }
0xac: {  	[dreg:$0x1] =	wrdreg $0xFFFFFFFF  }
0xad: {  	[dreg:$0x0] =	wrdreg $0x60  }
0xae: {  	[dreg:$0x2] =	wrdreg s24  }
0xaf: {  	[dreg:$0x3] =	wrdreg $0x9  }
0xb0: {  	_ =	task.clear_ibuf [dreg:s6], $0x4FFFF;
	_ =	strace $0x90000052  }
0xb1: {  	s29 =	simm.s32 $0x9;
	_ =	strace $0x80000054  }
0xb2: {  	_ =	swait.ge [sflag:s29], $0x1  }
0xb3: {  	[sflag:s29] =	ssyncadd.s32 $0xFFFFFFFF  }
0xb4: {  	_ =	strace $0x90000054  }
0xb5: {  	_ =	sfence  }
0xb6: {  	s30 =	sld [smem:$0x0];
	_ =	sdelay $0x2  }
0xb7: {  	s31 =	sshll.u32 s1, $0xD;
	s1 =	sshrl.u32 s1, $0x2  }
0xb8: {  	s3 =	sand.u32 $0x4000, s31;
	s1 =	sadd.s32 s1, s30  }
0xb9: {  	s0 =	sor.u32 s3, s0;
	s1 =	sshll.u32 s1, $0x11  }
0xba: {  	s0 =	sor.u32 s1, s0  }
0xbb: {  	s0 =	sadd.s32 $0x8F2B, s0  }
0xbc: {  	[sflag:s0] =	ssyncadd.remote.s32 $0x1  }
0xbd: {  	_ =	sfence.sel $0xFFFF  }
0xbe: {  	[dreg:$0x0] =	wrdreg $0xFFFFFFFF;
	(pc) =	sbr.abs _section_cstart, $3  }
0xbf: {  	[dreg:$0x1] =	wrdreg $0xFFFFFFFF  }
0xc0: {  	_ =	task.clear_ibuf [dreg:s6], $0x2FFFF;
	_ =	strace $0x9FFFFFFF  }
0xc1: {  	(tm) =	ssettm $0x7FFFFFFF  }
tec
execute0_lowered:
.L_overlay_start_1:
0x0: {  	(tag) =	ssettag $0x1  }
0x1: {  	s5 =	rddreg [dreg:$0x0]  }
0x2: {  	s3 =	srdreg.scid;
	s1 =	stileid.u32;
	s2 =	simm.s32 $0x0  }
0x3: {  	s18 =	simm.s32 $0x1;
	s19 =	simm.s32 $0x100;
	s20 =	simm.s32 $0x3  }
0x4: {  	s21 =	simm.s32 $0x2;
	s22 =	simm.s32 $0x2100;
	s23 =	simm.s32 $0x4  }
0x5: {  	s24 =	simm.s32 $0x5;
	s25 =	simm.s32 $0x6;
	s26 =	simm.s32 $0x0  }
0x6: {  	s13 =	sand.u32 $0x1, s3;
	s29 =	sshll.u32 s1, $0x1;
	s14 =	smul.u32 $0x2800, s1  }
0x7: {  	[smem:$0x7FF] =	sst s2;
	s3 =	sadd.s32 $0xDD4600, s5;
	s16 =	smul.u32 $0x14000, s1  }
0x8: {  	s4 =	sadd.s32 $0xA600, s5;
	s5 =	sadd.s32 $0xB54600, s5;
	s15 =	smul.u32 $0x1400, s13  }
0x9: {  	s7 =	sor.u32 s13, s29;
	s9 =	ssub.s32 $0x2, s13;
	s30 =	smul.u32 $0xA000, s13  }
0xa: {  	_ =	strace $0x80000053;
	s8 =	smul.u32 $0x1400, s7;
	s10 =	sshrl.u32 s9, $0x1  }
0xb: {  	s11 =	smul.u32 $0xA000, s7;
	s16 =	sadd.s32 s16, s5;
	s9 =	ssub.s32 s9, s10  }
0xc: {  	s14 =	sadd.s32 s15, s14;
	s15 =	sadd.s32 s30, s16;
	s6 =	sshrl.u32 s8, $0x3  }
.Ltmp0:
0xd: {  	s8 =	sadd.s32 $0x1380, s8;
	s9 =	smax.u32 s9, $0x1;
	(pc) =	sbr.rel .LBB2_1-.Ltmp0, $4  }
0xe: {  	s10 =	sadd.s32 s5, s11;
	s17 =	sor.u32 $0x200, s14;
	s14 =	sor.u32 $0x180, s14  }
0xf: {  	s15 =	sadd.s32 $0x800, s15;
	s6 =	sadd.s32 s4, s6;
	s12 =	sadd.s32 $0x400, s10  }
0x10: {  	s31 =	sshrl.u32 s17, $0x3;
	s17 =	simm.s32 $0x80;
	s7 =	sadd.s32 $0x10, s6  }
0x11: {  	s11 =	sadd.s32 $0x20, s6;
	s13 =	sadd.s32 $0x30, s6;
	s16 =	sadd.s32 s31, s4  }
.LBB2_4:
0x12: {  	s26 =	sadd.s32 $0x1, s26  }
0x13: {  	_ =	swait.ge [sflag:s24], $0x2000;
	p0 =	sne.s32 s26, s9  }
.Ltmp1:
0x14: {  	[sflag:s24] =	ssyncset.done $0x0;
	(pc) =	sbr.rel @!p0 .LBB2_5-.Ltmp1, $4  }
0x15: {  	[sflag:s24] =	ssyncadd.s32 $0xFFFFE000  }
0x16: {  	_ =	swait.ge [sflag:s25], $0x2000  }
0x17: {  	[sflag:s25] =	ssyncset.done $0x0  }
0x18: {  	[sflag:s25] =	ssyncadd.s32 $0xFFFFE000  }
.LBB2_1:
0x19: {  	[tilespmem:s2], [sflag:$0x1] =	stream.linear.gather [hbm4b:s6+s2], $0x80, $0x38;
	[tilespmem:$0x4100] =	vst v63  }
0x1a: {  	_ = 	snop  }
0x1b: {  	[tilespmem:s17], [sflag:$0x2] =	stream.linear.gather [hbm4b:s7+s2], $0x80, $0x38;
	[tilespmem:$0x4100] =	vst v63  }
0x1c: {  	_ =	swait.ge [sflag:s18], $0x80  }
0x1d: {  	[sflag:s18] =	ssyncset.done $0x0  }
0x1e: {  	[sflag:s18] =	ssyncadd.s32 $0xFFFFFF80  }
0x1f: {  	[tilespmem:s19], [sflag:$0x3] =	stream.indirect.gather [hbm4b:s3+s17], $0x40, s2, s17, $0xb8;
	[tilespmem:$0x4100] =	vst v63  }
0x20: {  	_ =	swait.ge [sflag:s20], $0x2000  }
0x21: {  	[sflag:s20] =	ssyncset.done $0x0  }
0x22: {  	[sflag:s20] =	ssyncadd.s32 $0xFFFFE000  }
0x23: {  	[hbm4b:s10+s2] =	stream.linear.scatter [tilespmem:s19], [sflag:$0x5], $0x2000, $0x38;
	[tilespmem:$0x4100] =	vst v63  }
0x24: {  	_ = 	snop  }
0x25: {  	[tilespmem:s2], [sflag:$0x1] =	stream.linear.gather [hbm4b:s11+s2], $0x80, $0x38;
	[tilespmem:$0x4100] =	vst v63  }
0x26: {  	_ =	swait.ge [sflag:s21], $0x80  }
0x27: {  	[sflag:s21] =	ssyncset.done $0x0  }
0x28: {  	[sflag:s21] =	ssyncadd.s32 $0xFFFFFF80  }
0x29: {  	[tilespmem:s22], [sflag:$0x4] =	stream.indirect.gather [hbm4b:s3+s17], $0x40, s17, s17, $0xb8;
	[tilespmem:$0x4100] =	vst v63  }
0x2a: {  	_ =	swait.ge [sflag:s23], $0x2000  }
0x2b: {  	[sflag:s23] =	ssyncset.done $0x0  }
0x2c: {  	[sflag:s23] =	ssyncadd.s32 $0xFFFFE000  }
0x2d: {  	[hbm4b:s12+s2] =	stream.linear.scatter [tilespmem:s22], [sflag:$0x6], $0x2000, $0x38;
	[tilespmem:$0x4100] =	vst v63  }
0x2e: {  	s28 =	simm.s32 $0x0;
	s29 =	smov.u32 s15;
	s30 =	smov.u32 s14  }
0x2f: {  	[tilespmem:s17], [sflag:$0x2] =	stream.linear.gather [hbm4b:s13+s2], $0x80, $0x38;
	[tilespmem:$0x4100] =	vst v63  }
.LBB2_2:
0x30: {  	_ =	swait.ge [sflag:s24], $0x2000  }
0x31: {  	[sflag:s24] =	ssyncset.done $0x0  }
0x32: {  	[sflag:s24] =	ssyncadd.s32 $0xFFFFE000  }
0x33: {  	_ =	swait.ge [sflag:s18], $0x80  }
0x34: {  	[sflag:s18] =	ssyncset.done $0x0  }
0x35: {  	[sflag:s18] =	ssyncadd.s32 $0xFFFFFF80  }
0x36: {  	[tilespmem:s19], [sflag:$0x3] =	stream.indirect.gather [hbm4b:s3+s17], $0x40, s2, s17, $0xb8;
	[tilespmem:$0x4100] =	vst v63  }
0x37: {  	_ =	swait.ge [sflag:s20], $0x2000  }
0x38: {  	[sflag:s20] =	ssyncset.done $0x0  }
0x39: {  	p0 =	seq.s32 s28, $0x240;
	[sflag:s20] =	ssyncadd.s32 $0xFFFFE000  }
0x3a: {  	[hbm4b:s29+s2] =	stream.linear.scatter [tilespmem:s19], [sflag:$0x5], $0x2000, $0x38;
	[tilespmem:$0x4100] =	vst v63  }
0x3b: {  	s31 =	sadd.s32 @!p0 s28, s16;
	s0 =	simm.s32 @!p0 $0x0  }
0x3c: {  	[tilespmem:s0], [sflag:$0x1] =	stream.linear.gather @!p0 [hbm4b:s31+s0], $0x80, $0x38;
	[tilespmem:$0x4100] =	vst v63  }
0x3d: {  	_ =	swait.ge [sflag:s25], $0x2000  }
0x3e: {  	[sflag:s25] =	ssyncset.done $0x0  }
0x3f: {  	[sflag:s25] =	ssyncadd.s32 $0xFFFFE000  }
0x40: {  	_ =	swait.ge [sflag:s21], $0x80  }
0x41: {  	[sflag:s21] =	ssyncset.done $0x0  }
0x42: {  	s31 =	smov.u32 s30;
	[sflag:s21] =	ssyncadd.s32 $0xFFFFFF80  }
0x43: {  	[tilespmem:s22], [sflag:$0x4] =	stream.indirect.gather [hbm4b:s3+s17], $0x40, s17, s17, $0xb8;
	[tilespmem:$0x4100] =	vst v63  }
.Ltmp2:
0x44: {  	s31 =	smov.u32 @p0 s8;
	(pc) =	sbr.rel @p0 .LBB2_4-.Ltmp2, $4  }
0x45: {  	s0 =	sshll.u32 s31, $0x3;
	_ =	swait.ge [sflag:s23], $0x2000  }
0x46: {  	s0 =	sand.u32 $0x1FFFFC00, s0;
	[sflag:s23] =	ssyncset.done $0x0  }
0x47: {  	s0 =	sadd.s32 s5, s0;
	[sflag:s23] =	ssyncadd.s32 $0xFFFFE000  }
0x48: {  	[hbm4b:s0+s2] =	stream.linear.scatter [tilespmem:s22], [sflag:$0x6], $0x2000, $0x38;
	[tilespmem:$0x4100] =	vst v63  }
.Ltmp3:
0x49: {  	(pc) =	sbr.rel .LBB2_2-.Ltmp3, $4  }
0x4a: {  	s0 =	sshrl.u32 s31, $0x3  }
0x4b: {  	s30 =	sadd.s32 $0x100, s30;
	s0 =	sadd.s32 s4, s0  }
0x4c: {  	s29 =	sadd.s32 $0x800, s29;
	s28 =	sadd.s32 $0x20, s28;
	s0 =	sadd.s32 $0x20, s0  }
0x4d: {  	[tilespmem:s17], [sflag:$0x2] =	stream.linear.gather [hbm4b:s0+s2], $0x80, $0x38;
	[tilespmem:$0x4100] =	vst v63  }
.LBB2_5:
0x4e: {  	_ =	sfence.sel $0x180000  }
0x4f: {  	[bflag:$0x0] =	sbarrier.arrive $0xFFFF  }
0x50: {  	_ =	strace $0x90000053  }
0x51: {  	[bflag:$0x2] =	sbarrier.arrive $0xFFFF  }
0x52: {  	p0 =	sne.s32 s1, $0x0;
	s0 =	rddreg [dreg:$0x1]  }
0x53: {  	s0 =	sadd.s32 @!p0 $0x100000, s0  }
0x54: {  	[sflag:s0] =	ssyncadd.tile.s32 @!p0 $0x1;
	_ =	shalt  }
.Lfunc_end2:
_tile_overlayer_lowered:
.L_overlay_start_2:
0x55: {  	(tag) =	ssettag $0x2  }
0x56: {  	s0 =	rddreg [dreg:$0x0];
	s2 =	stileid.u32  }
0x57: {  	s1 =	rddreg [dreg:$0x1];
	p0 =	sne.s32 s2, $0x0  }
0x58: {  	s3 =	rddreg [dreg:$0x2];
	[bflag:$0x3] =	sbarrier.arrive $0xFFFF;
	s2 =	simm.s32 @!p0 $0x1C07  }
0x59: {  	[timem:s3], [sflag:s2] =	dma.local @!p0 [hbm:s0], s1  }
0x5a: {  	s0 =	simm.s32 @!p0 $0x7  }
0x5b: {  	_ =	swait.ge @!p0 [sflag:s0], s1  }
0x5c: {  	s1 =	ssub.s32 @!p0 $0x0, s1;
	[sflag:s0] =	ssyncset.done @!p0 $0x0  }
0x5d: {  	[sflag:s0] =	ssyncadd.s32 @!p0 s1  }
0x5e: {  	[bflag:$0x3] =	sbarrier.arrive $0xFFFF  }
0x5f: {  	_ =	shalt  }

// kernel: kernel.28.cloned.1.call-start
scs
__scs_entry_jumppad:
0x0: {  	(pc) =	sbr.rel $0x88, $3  }
0x1: {  	(tag) =	ssettag $0x0;
	lr =	simm.s32 $0x1  }
0x2: {  	[smem:$0x3F64] =	sst lr;
	_ =	strace $0xD0000000  }
0x3: {  	_ = 	snop  }
0x4: {  	_ = 	snop  }
0x5: {  	_ = 	snop  }
0x6: {  	_ = 	snop  }
0x7: {  	_ = 	snop  }
__scs_overlays_trampoline_lowered:
0x8: {  	[smem:$0x3F73] =	sst s0  }
0x9: {  	[smem:$0x3F74] =	sst s1  }
0xa: {  	[smem:$0x3F75] =	sst s2  }
0xb: {  	[smem:$0x3F76] =	sst s3  }
0xc: {  	[smem:$0x3F77] =	sst s4  }
0xd: {  	[smem:$0x3F78] =	sst s5  }
0xe: {  	[smem:$0x3F79] =	sst s6  }
0xf: {  	[smem:$0x3F7A] =	sst s7  }
0x10: {  	[smem:$0x3F7B] =	sst s8  }
0x11: {  	[smem:$0x3F7C] =	sst s9;
	s0 =	simm.s32 @!p0 $0x0  }
0x12: {  	s1 =	sld [smem:$0x3F62];
	s0 =	simm.s32 @p0 $0x1  }
0x13: {  	[smem:$0x3F7D] =	sst s0;
	s0 =	simm.s32 @!p1 $0x0  }
0x14: {  	s2 =	sld [smem:$0x3F61];
	s0 =	simm.s32 @p1 $0x1  }
0x15: {  	[smem:$0x3F7E] =	sst s0;
	s0 =	simm.s32 @!p2 $0x0  }
0x16: {  	s3 =	sld [smem:$0x3FDB];
	s0 =	simm.s32 @p2 $0x1  }
0x17: {  	s4 =	simm.s32 $0x1BF5;
	[smem:$0x3F80] =	sst s0  }
0x18: {  	s0 =	sld [smem:$0x3F63];
	_ =	swait.ge [sflag:s4], $0x0  }
0x19: {  	s7 =	sld [smem:$0x3F64]  }
0x1a: {  	s8 =	sadd.s32 $0xFFFFE003, lr  }
0x1b: {  	s9 =	sadd.s32 $0xFFFFFEF7, lr;
	s5 =	simm.s32 $0xFFFFFFFF;
	p2 =	slt.u32 s8, $0xFFFFF086  }
0x1c: {  	p1 =	slt.u32 s9, $0xF7A;
	s5 =	simm.s32 @!p2 $0x0  }
0x1d: {  	s5 =	simm.s32 @p1 $0x1;
	p0 =	seq.s32 s7, s2  }
0x1e: {  	s7 =	smul.u32 @!p0 $0xF7A, s2;
	p2 =	seq.s32 @!p0 s5, $0x0  }
0x1f: {  	s9 =	smul.u32 $0xF7A, s1;
	s8 =	simm.s32 @!p0 $0x1BF5;
	p2 =	por !p2, p0  }
0x20: {  	[sflag:s8] =	ssyncset.s32 @!p0 $0xFFFFF086;
	s6 =	sadd.s32 @!p0 s3, s7;
	s7 =	simm.s32 @!p0 $0x108  }
0x21: {  	s3 =	sadd.s32 s3, s9;
	s6 =	sadd.s32 @!p0 $0x88, s6;
	s7 =	simm.s32 @p2 $0x1082  }
0x22: {  	[simem:s7], [sflag:s8] =	dma.local @!p0 [hbm:s6], $0xF7A  }
0x23: {  	s9 =	sor.u32 $0xD0000000, s2;
	s6 =	simm.s32 $0x108;
	_ =	swait.ge @!p0 [sflag:s8], $0x0  }
0x24: {  	s3 =	sadd.s32 $0x88, s3;
	s6 =	simm.s32 @!p1 $0x1082;
	[sflag:s4] =	ssyncset.s32 $0xFFFFF086  }
0x25: {  	[simem:s6], [sflag:s4] =	dma.local [hbm:s3], $0xF7A  }
0x26: {  	[smem:$0x3F64] =	sst s1;
	(tag) =	ssettag s2;
	_ =	strace s9  }
0x27: {  	s1 =	sld [smem:$0x3F74]  }
0x28: {  	s2 =	sld [smem:$0x3F75]  }
0x29: {  	s4 =	sld [smem:$0x3F77]  }
0x2a: {  	p0 =	seq.s32 s5, $0x0;
	s5 =	sld [smem:$0x3F78]  }
0x2b: {  	s6 =	sld [smem:$0x3F79]  }
0x2c: {  	s7 =	sld [smem:$0x3F7A]  }
0x2d: {  	s3 =	simm.s32 $0x108;
	s8 =	sld [smem:$0x3F7B]  }
0x2e: {  	s3 =	simm.s32 @!p0 $0x1082;
	s9 =	sld [smem:$0x3F7C]  }
0x2f: {  	lr =	sadd.s32 s0, s3;
	s0 =	sld [smem:$0x3F73]  }
0x30: {  	s3 =	sld [smem:$0x3F76]  }
0x31: {  	[smem:$0x3F7F] =	sst s10  }
0x32: {  	s10 =	sld [smem:$0x3F7D];
	_ =	sdelay $0x3  }
0x33: {  	p0 =	seq.s32 s10, $0x1;
	s10 =	sld [smem:$0x3F7F];
	_ =	sdelay $0x3  }
0x34: {  	[smem:$0x3F7F] =	sst s10  }
0x35: {  	s10 =	sld [smem:$0x3F7E];
	_ =	sdelay $0x3  }
0x36: {  	p1 =	seq.s32 s10, $0x1;
	s10 =	sld [smem:$0x3F7F];
	_ =	sdelay $0x3  }
0x37: {  	[smem:$0x3F7F] =	sst s10  }
0x38: {  	s10 =	sld [smem:$0x3F80]  }
0x39: {  	_ = 	snop;
	(pc) =	sbr.ind lr, $3  }
0x3a: {  	_ = 	snop  }
0x3b: {  	_ = 	snop  }
0x3c: {  	p2 =	seq.s32 s10, $0x1;
	s10 =	sld [smem:$0x3F7F]  }
0x3d: {  	_ =	shalt  }
0x3e: {  	_ =	shalt  }
0x3f: {  	_ =	shalt  }
0x40: {  	_ =	shalt  }
0x41: {  	_ =	shalt  }
0x42: {  	_ =	shalt  }
0x43: {  	_ =	shalt  }
0x44: {  	_ =	shalt  }
0x45: {  	_ =	shalt  }
0x46: {  	_ =	shalt  }
0x47: {  	_ =	shalt  }
0x48: {  	_ =	shalt  }
0x49: {  	_ =	shalt  }
0x4a: {  	_ =	shalt  }
0x4b: {  	_ =	shalt  }
0x4c: {  	_ =	shalt  }
0x4d: {  	_ =	shalt  }
0x4e: {  	_ =	shalt  }
0x4f: {  	_ =	shalt  }
0x50: {  	_ =	shalt  }
0x51: {  	_ =	shalt  }
0x52: {  	_ =	shalt  }
0x53: {  	_ =	shalt  }
0x54: {  	_ =	shalt  }
0x55: {  	_ =	shalt  }
0x56: {  	_ =	shalt  }
0x57: {  	_ =	shalt  }
0x58: {  	_ =	shalt  }
0x59: {  	_ =	shalt  }
0x5a: {  	_ =	shalt  }
0x5b: {  	_ =	shalt  }
0x5c: {  	_ =	shalt  }
0x5d: {  	_ =	shalt  }
0x5e: {  	_ =	shalt  }
0x5f: {  	_ =	shalt  }
0x60: {  	_ =	shalt  }
0x61: {  	_ =	shalt  }
0x62: {  	_ =	shalt  }
0x63: {  	_ =	shalt  }
0x64: {  	_ =	shalt  }
0x65: {  	_ =	shalt  }
0x66: {  	_ =	shalt  }
0x67: {  	_ =	shalt  }
0x68: {  	_ =	shalt  }
0x69: {  	_ =	shalt  }
0x6a: {  	_ =	shalt  }
0x6b: {  	_ =	shalt  }
0x6c: {  	_ =	shalt  }
0x6d: {  	_ =	shalt  }
0x6e: {  	_ =	shalt  }
0x6f: {  	_ =	shalt  }
0x70: {  	_ =	shalt  }
0x71: {  	_ =	shalt  }
0x72: {  	_ =	shalt  }
0x73: {  	_ =	shalt  }
0x74: {  	_ =	shalt  }
0x75: {  	_ =	shalt  }
0x76: {  	_ =	shalt  }
0x77: {  	_ =	shalt  }
0x78: {  	_ =	shalt  }
0x79: {  	_ =	shalt  }
0x7a: {  	_ =	shalt  }
0x7b: {  	_ =	shalt  }
0x7c: {  	_ =	shalt  }
0x7d: {  	_ =	shalt  }
0x7e: {  	_ =	shalt  }
0x7f: {  	_ =	shalt  }
0x80: {  	_ =	shalt  }
0x81: {  	_ =	shalt  }
0x82: {  	_ =	shalt  }
0x83: {  	_ =	shalt  }
0x84: {  	_ =	shalt  }
0x85: {  	_ =	shalt  }
0x86: {  	_ =	shalt  }
0x87: {  	_ =	shalt  }
.Lfunc_end0:
.L_simem_size_0:
called_computation.5_lowered:
.L_overlay_start_0:
0x88: {  	s2 =	sld [smem:$0x3FD9]  }
0x89: {  	s3 =	sld [smem:$0x3FFE];
	_ =	sdelay $0x1  }
0x8a: {  	s1 =	srdreg.scid  }
0x8b: {  	s0 =	sand.u32 $0x1, s1  }
0x8c: {  	s16 =	sshll.u32 s0, $0xA;
	s2 =	sadd.s32 s3, s2  }
0x8d: {  	s2 =	sadd.s32 s2, s16  }
0x8e: {  	[smem:$0x3F8B] =	sst s2  }
0x8f: {  	_ = 	snop  }
0x90: {  	(tm) =	ssettm $0x1  }
0x91: {  	s17 =	sld [smem:$0x3FFB];
	_ =	sdelay $0x3  }
0x92: {  	_ =	strace s17  }
0x93: {  	s2 =	sld [smem:$0x3FFC];
	_ =	sdelay $0x3  }
0x94: {  	_ =	strace s2  }
0x95: {  	s2 =	sld [smem:$0x3FFD];
	_ =	sdelay $0x3  }
0x96: {  	_ =	strace s2  }
0x97: {  	_ =	strace $0x8FFFFFFF  }
0x98: {  	s18 =	sld [smem:$0x3FDB];
	_ =	sdelay $0x1  }
0x99: {  	s19 =	simm.s32 $_scs_section_size  }
0x9a: {  	s4 =	simm.s32 $_size__tile_overlayer_lowered;
	s5 =	simm.s32 $_tile_overlayer_lowered  }
0x9b: {  	s22 =	simm.s32 $0x1BFF;
	s21 =	sshll.u32 s5, $0x1;
	s2 =	sadd.s32 s19, s18  }
0x9c: {  	s6 =	simm.s32 $0x0;
	s20 =	sshll.u32 s4, $0x1;
	s4 =	sadd.s32 s21, s2  }
0x9d: {  	[timem:s6], [sflag:s22] =	dma.local [hbm:s4], s20  }
0x9e: {  	_ =	swait.ge [sflag:s22], s20  }
0x9f: {  	s3 =	ssub.s32 $0x0, s20;
	[sflag:s22] =	ssyncset.done $0x0  }
0xa0: {  	[sflag:s22] =	ssyncadd.s32 s3;
	_ =	sdelay $0x1  }
0xa1: {  	s23 =	simm.s32 $0x1B8B  }
0xa2: {  	_ =	swait.ge [sflag:s23], $0x1  }
0xa3: {  	[sflag:s23] =	ssyncset.done $0x0  }
0xa4: {  	s25 =	simm.s32 $0x1B8E;
	s24 =	sld [smem:$0x3FFE];
	[sflag:s23] =	ssyncadd.s32 $0xFFFFFFFF  }
0xa5: {  	s26 =	simm.s32 $execute0_lowered;
	[smem:$0x3FD2] =	sst s25  }
0xa6: {  	s4 =	sshll.u32 s26, $0x1;
	_ =	strace $0x80000055;
	[dreg:$0x1] =	wrdreg $0xFFFFFFFF  }
0xa7: {  	s28 =	simm.s32 $_size_execute0_lowered;
	s2 =	sadd.s32 s2, s4;
	[dreg:$0x0] =	wrdreg $0x0  }
0xa8: {  	s4 =	sshll.u32 s28, $0x1;
	[dreg:$0x2] =	wrdreg s2  }
0xa9: {  	[dreg:$0x3] =	wrdreg s4  }
0xaa: {  	[dreg:$0x4] =	wrdreg $0xC0  }
0xab: {  	_ =	task [dreg:s6], $0x5FFFF  }
0xac: {  	[dreg:$0x1] =	wrdreg $0xFFFFFFFF  }
0xad: {  	[dreg:$0x0] =	wrdreg $0x60  }
0xae: {  	[dreg:$0x2] =	wrdreg s24  }
0xaf: {  	[dreg:$0x3] =	wrdreg $0x9  }
0xb0: {  	_ =	task.clear_ibuf [dreg:s6], $0x4FFFF;
	_ =	strace $0x90000055  }
0xb1: {  	s29 =	simm.s32 $0x9;
	_ =	strace $0x80000057  }
0xb2: {  	_ =	swait.ge [sflag:s29], $0x1  }
0xb3: {  	[sflag:s29] =	ssyncadd.s32 $0xFFFFFFFF  }
0xb4: {  	_ =	strace $0x90000057  }
0xb5: {  	_ =	sfence  }
0xb6: {  	s30 =	sld [smem:$0x0];
	_ =	sdelay $0x2  }
0xb7: {  	s31 =	sshll.u32 s1, $0xD;
	s1 =	sshrl.u32 s1, $0x2  }
0xb8: {  	s3 =	sand.u32 $0x4000, s31;
	s1 =	sadd.s32 s1, s30  }
0xb9: {  	s0 =	sor.u32 s3, s0;
	s1 =	sshll.u32 s1, $0x11  }
0xba: {  	s0 =	sor.u32 s1, s0  }
0xbb: {  	s0 =	sadd.s32 $0x8F2B, s0  }
0xbc: {  	[sflag:s0] =	ssyncadd.remote.s32 $0x1  }
0xbd: {  	_ =	sfence.sel $0xFFFF  }
0xbe: {  	[dreg:$0x0] =	wrdreg $0xFFFFFFFF;
	(pc) =	sbr.abs _section_cstart, $3  }
0xbf: {  	[dreg:$0x1] =	wrdreg $0xFFFFFFFF  }
0xc0: {  	_ =	task.clear_ibuf [dreg:s6], $0x2FFFF;
	_ =	strace $0x9FFFFFFF  }
0xc1: {  	(tm) =	ssettm $0x7FFFFFFF  }
tec
execute0_lowered:
.L_overlay_start_1:
0x0: {  	(tag) =	ssettag $0x1  }
0x1: {  	s5 =	rddreg [dreg:$0x0]  }
0x2: {  	s3 =	srdreg.scid;
	s1 =	stileid.u32;
	s2 =	simm.s32 $0x0  }
0x3: {  	s18 =	simm.s32 $0x1;
	s19 =	simm.s32 $0x100;
	s20 =	simm.s32 $0x3  }
0x4: {  	s21 =	simm.s32 $0x2;
	s22 =	simm.s32 $0x2100;
	s23 =	simm.s32 $0x4  }
0x5: {  	s24 =	simm.s32 $0x5;
	s25 =	simm.s32 $0x6;
	s26 =	simm.s32 $0x0  }
0x6: {  	s13 =	sand.u32 $0x1, s3;
	s29 =	sshll.u32 s1, $0x1;
	s14 =	smul.u32 $0x2800, s1  }
0x7: {  	[smem:$0x7FF] =	sst s2;
	s3 =	sadd.s32 $0xB54600, s5;
	s16 =	smul.u32 $0x14000, s1  }
0x8: {  	s4 =	sadd.s32 $0xA600, s5;
	s5 =	sadd.s32 $0xC94600, s5;
	s15 =	smul.u32 $0x1400, s13  }
0x9: {  	s7 =	sor.u32 s13, s29;
	s9 =	ssub.s32 $0x2, s13;
	s30 =	smul.u32 $0xA000, s13  }
0xa: {  	_ =	strace $0x80000056;
	s8 =	smul.u32 $0x1400, s7;
	s10 =	sshrl.u32 s9, $0x1  }
0xb: {  	s11 =	smul.u32 $0xA000, s7;
	s16 =	sadd.s32 s16, s5;
	s9 =	ssub.s32 s9, s10  }
0xc: {  	s14 =	sadd.s32 s15, s14;
	s15 =	sadd.s32 s30, s16;
	s6 =	sshrl.u32 s8, $0x3  }
.Ltmp0:
0xd: {  	s8 =	sadd.s32 $0x1380, s8;
	s9 =	smax.u32 s9, $0x1;
	(pc) =	sbr.rel .LBB2_1-.Ltmp0, $4  }
0xe: {  	s10 =	sadd.s32 s5, s11;
	s17 =	sor.u32 $0x200, s14;
	s14 =	sor.u32 $0x180, s14  }
0xf: {  	s15 =	sadd.s32 $0x800, s15;
	s6 =	sadd.s32 s4, s6;
	s12 =	sadd.s32 $0x400, s10  }
0x10: {  	s31 =	sshrl.u32 s17, $0x3;
	s17 =	simm.s32 $0x80;
	s7 =	sadd.s32 $0x10, s6  }
0x11: {  	s11 =	sadd.s32 $0x20, s6;
	s13 =	sadd.s32 $0x30, s6;
	s16 =	sadd.s32 s31, s4  }
.LBB2_4:
0x12: {  	s26 =	sadd.s32 $0x1, s26  }
0x13: {  	_ =	swait.ge [sflag:s24], $0x2000;
	p0 =	sne.s32 s26, s9  }
.Ltmp1:
0x14: {  	[sflag:s24] =	ssyncset.done $0x0;
	(pc) =	sbr.rel @!p0 .LBB2_5-.Ltmp1, $4  }
0x15: {  	[sflag:s24] =	ssyncadd.s32 $0xFFFFE000  }
0x16: {  	_ =	swait.ge [sflag:s25], $0x2000  }
0x17: {  	[sflag:s25] =	ssyncset.done $0x0  }
0x18: {  	[sflag:s25] =	ssyncadd.s32 $0xFFFFE000  }
.LBB2_1:
0x19: {  	[tilespmem:s2], [sflag:$0x1] =	stream.linear.gather [hbm4b:s6+s2], $0x80, $0x38;
	[tilespmem:$0x4100] =	vst v63  }
0x1a: {  	_ = 	snop  }
0x1b: {  	[tilespmem:s17], [sflag:$0x2] =	stream.linear.gather [hbm4b:s7+s2], $0x80, $0x38;
	[tilespmem:$0x4100] =	vst v63  }
0x1c: {  	_ =	swait.ge [sflag:s18], $0x80  }
0x1d: {  	[sflag:s18] =	ssyncset.done $0x0  }
0x1e: {  	[sflag:s18] =	ssyncadd.s32 $0xFFFFFF80  }
0x1f: {  	[tilespmem:s19], [sflag:$0x3] =	stream.indirect.gather [hbm4b:s3+s17], $0x40, s2, s17, $0xb8;
	[tilespmem:$0x4100] =	vst v63  }
0x20: {  	_ =	swait.ge [sflag:s20], $0x2000  }
0x21: {  	[sflag:s20] =	ssyncset.done $0x0  }
0x22: {  	[sflag:s20] =	ssyncadd.s32 $0xFFFFE000  }
0x23: {  	[hbm4b:s10+s2] =	stream.linear.scatter [tilespmem:s19], [sflag:$0x5], $0x2000, $0x38;
	[tilespmem:$0x4100] =	vst v63  }
0x24: {  	_ = 	snop  }
0x25: {  	[tilespmem:s2], [sflag:$0x1] =	stream.linear.gather [hbm4b:s11+s2], $0x80, $0x38;
	[tilespmem:$0x4100] =	vst v63  }
0x26: {  	_ =	swait.ge [sflag:s21], $0x80  }
0x27: {  	[sflag:s21] =	ssyncset.done $0x0  }
0x28: {  	[sflag:s21] =	ssyncadd.s32 $0xFFFFFF80  }
0x29: {  	[tilespmem:s22], [sflag:$0x4] =	stream.indirect.gather [hbm4b:s3+s17], $0x40, s17, s17, $0xb8;
	[tilespmem:$0x4100] =	vst v63  }
0x2a: {  	_ =	swait.ge [sflag:s23], $0x2000  }
0x2b: {  	[sflag:s23] =	ssyncset.done $0x0  }
0x2c: {  	[sflag:s23] =	ssyncadd.s32 $0xFFFFE000  }
0x2d: {  	[hbm4b:s12+s2] =	stream.linear.scatter [tilespmem:s22], [sflag:$0x6], $0x2000, $0x38;
	[tilespmem:$0x4100] =	vst v63  }
0x2e: {  	s28 =	simm.s32 $0x0;
	s29 =	smov.u32 s15;
	s30 =	smov.u32 s14  }
0x2f: {  	[tilespmem:s17], [sflag:$0x2] =	stream.linear.gather [hbm4b:s13+s2], $0x80, $0x38;
	[tilespmem:$0x4100] =	vst v63  }
.LBB2_2:
0x30: {  	_ =	swait.ge [sflag:s24], $0x2000  }
0x31: {  	[sflag:s24] =	ssyncset.done $0x0  }
0x32: {  	[sflag:s24] =	ssyncadd.s32 $0xFFFFE000  }
0x33: {  	_ =	swait.ge [sflag:s18], $0x80  }
0x34: {  	[sflag:s18] =	ssyncset.done $0x0  }
0x35: {  	[sflag:s18] =	ssyncadd.s32 $0xFFFFFF80  }
0x36: {  	[tilespmem:s19], [sflag:$0x3] =	stream.indirect.gather [hbm4b:s3+s17], $0x40, s2, s17, $0xb8;
	[tilespmem:$0x4100] =	vst v63  }
0x37: {  	_ =	swait.ge [sflag:s20], $0x2000  }
0x38: {  	[sflag:s20] =	ssyncset.done $0x0  }
0x39: {  	p0 =	seq.s32 s28, $0x240;
	[sflag:s20] =	ssyncadd.s32 $0xFFFFE000  }
0x3a: {  	[hbm4b:s29+s2] =	stream.linear.scatter [tilespmem:s19], [sflag:$0x5], $0x2000, $0x38;
	[tilespmem:$0x4100] =	vst v63  }
0x3b: {  	s31 =	sadd.s32 @!p0 s28, s16;
	s0 =	simm.s32 @!p0 $0x0  }
0x3c: {  	[tilespmem:s0], [sflag:$0x1] =	stream.linear.gather @!p0 [hbm4b:s31+s0], $0x80, $0x38;
	[tilespmem:$0x4100] =	vst v63  }
0x3d: {  	_ =	swait.ge [sflag:s25], $0x2000  }
0x3e: {  	[sflag:s25] =	ssyncset.done $0x0  }
0x3f: {  	[sflag:s25] =	ssyncadd.s32 $0xFFFFE000  }
0x40: {  	_ =	swait.ge [sflag:s21], $0x80  }
0x41: {  	[sflag:s21] =	ssyncset.done $0x0  }
0x42: {  	s31 =	smov.u32 s30;
	[sflag:s21] =	ssyncadd.s32 $0xFFFFFF80  }
0x43: {  	[tilespmem:s22], [sflag:$0x4] =	stream.indirect.gather [hbm4b:s3+s17], $0x40, s17, s17, $0xb8;
	[tilespmem:$0x4100] =	vst v63  }
.Ltmp2:
0x44: {  	s31 =	smov.u32 @p0 s8;
	(pc) =	sbr.rel @p0 .LBB2_4-.Ltmp2, $4  }
0x45: {  	s0 =	sshll.u32 s31, $0x3;
	_ =	swait.ge [sflag:s23], $0x2000  }
0x46: {  	s0 =	sand.u32 $0x1FFFFC00, s0;
	[sflag:s23] =	ssyncset.done $0x0  }
0x47: {  	s0 =	sadd.s32 s5, s0;
	[sflag:s23] =	ssyncadd.s32 $0xFFFFE000  }
0x48: {  	[hbm4b:s0+s2] =	stream.linear.scatter [tilespmem:s22], [sflag:$0x6], $0x2000, $0x38;
	[tilespmem:$0x4100] =	vst v63  }
.Ltmp3:
0x49: {  	(pc) =	sbr.rel .LBB2_2-.Ltmp3, $4  }
0x4a: {  	s0 =	sshrl.u32 s31, $0x3  }
0x4b: {  	s30 =	sadd.s32 $0x100, s30;
	s0 =	sadd.s32 s4, s0  }
0x4c: {  	s29 =	sadd.s32 $0x800, s29;
	s28 =	sadd.s32 $0x20, s28;
	s0 =	sadd.s32 $0x20, s0  }
0x4d: {  	[tilespmem:s17], [sflag:$0x2] =	stream.linear.gather [hbm4b:s0+s2], $0x80, $0x38;
	[tilespmem:$0x4100] =	vst v63  }
.LBB2_5:
0x4e: {  	_ =	sfence.sel $0x180000  }
0x4f: {  	[bflag:$0x0] =	sbarrier.arrive $0xFFFF  }
0x50: {  	_ =	strace $0x90000056  }
0x51: {  	[bflag:$0x2] =	sbarrier.arrive $0xFFFF  }
0x52: {  	p0 =	sne.s32 s1, $0x0;
	s0 =	rddreg [dreg:$0x1]  }
0x53: {  	s0 =	sadd.s32 @!p0 $0x100000, s0  }
0x54: {  	[sflag:s0] =	ssyncadd.tile.s32 @!p0 $0x1;
	_ =	shalt  }
.Lfunc_end2:
_tile_overlayer_lowered:
.L_overlay_start_2:
0x55: {  	(tag) =	ssettag $0x2  }
0x56: {  	s0 =	rddreg [dreg:$0x0];
	s2 =	stileid.u32  }
0x57: {  	s1 =	rddreg [dreg:$0x1];
	p0 =	sne.s32 s2, $0x0  }
0x58: {  	s3 =	rddreg [dreg:$0x2];
	[bflag:$0x3] =	sbarrier.arrive $0xFFFF;
	s2 =	simm.s32 @!p0 $0x1C07  }
0x59: {  	[timem:s3], [sflag:s2] =	dma.local @!p0 [hbm:s0], s1  }
0x5a: {  	s0 =	simm.s32 @!p0 $0x7  }
0x5b: {  	_ =	swait.ge @!p0 [sflag:s0], s1  }
0x5c: {  	s1 =	ssub.s32 @!p0 $0x0, s1;
	[sflag:s0] =	ssyncset.done @!p0 $0x0  }
0x5d: {  	[sflag:s0] =	ssyncadd.s32 @!p0 s1  }
0x5e: {  	[bflag:$0x3] =	sbarrier.arrive $0xFFFF  }
0x5f: {  	_ =	shalt  }

</sc_bundles>
